<compile_context>
chip_gen: v7x
topology: tpu7x:2x2x1
jax: 0.10.2.dev20260603
libtpu: 0.0.44.dev20260713+nightly
codegen_flags: <defaults>
</compile_context>

<pallas_src>
import functools

import jax
import jax.numpy as jnp
from jax import lax
from jax.experimental import pallas as pl
from jax.experimental.pallas import tpu as pltpu
from jax.experimental.pallas import tpu_sc as plsc

N_MAIN = 100000
N_AUX = 10000
DIM = 64
NC = 2
NS = 16
NW = NC * NS


@functools.lru_cache(maxsize=None)
def _make_kernel(batch, hist):
    b_per_w = batch // NW
    i_per_w = b_per_w * hist
    n_bhi = b_per_w // 128
    half = b_per_w // 2
    n_units = 2 * hist
    assert batch % (NW * 256) == 0
    mesh = plsc.VectorSubcoreMesh(core_axis_name="c", subcore_axis_name="s")

    @functools.partial(
        pl.kernel,
        mesh=mesh,
        out_type=jax.ShapeDtypeStruct((hist, DIM // 8, batch // 128, 8, 128),
                                      jnp.float32),
        scratch_types=[
            pltpu.VMEM((hist, b_per_w), jnp.int32),
            pltpu.VMEM((2, half, DIM), jnp.float32),
            pltpu.VMEM((2, 2, DIM, 129), jnp.float32),
            pltpu.SemaphoreType.DMA,
            pltpu.SemaphoreType.DMA,
            pltpu.SemaphoreType.DMA,
            pltpu.SemaphoreType.DMA,
        ],
        compiler_params=pltpu.CompilerParams(use_tc_tiling_on_sc=False,
                                             needs_layout_passes=False),
    )
    def gather_kernel(xt_hbm, table_hbm, out_hbm,
                      idx_t, rows_v, tbuf, gsem0, gsem1, ssem0, ssem1):
        cid = lax.axis_index("c")
        sid = lax.axis_index("s")
        wid = sid * NC + cid
        bhi0 = wid * n_bhi

        pltpu.sync_copy(xt_hbm.at[:, pl.ds(wid * b_per_w, b_per_w)], idx_t)
        iota = lax.iota(jnp.int32, 16)

        gsems = (gsem0, gsem1)
        ssems = (ssem0, ssem1)

        def gstart(u, slot):
            pltpu.async_copy(
                table_hbm.at[idx_t.at[u % hist].at[pl.ds((u // hist) * half,
                                                         half)]],
                rows_v.at[slot],
                gsems[slot],
            )

        def gwait(slot):
            pltpu.make_async_copy(
                table_hbm.at[idx_t.at[0].at[pl.ds(0, half)]],
                rows_v.at[slot],
                gsems[slot],
            ).wait()

        dvecs = [dblk * 16 + iota for dblk in range(DIM // 16)]
        zeros16 = iota * 0

        def transpose(slot):
            for bhi in range(half // 128):
                base = bhi * 128
                bhi_v = zeros16 + bhi

                @plsc.parallel_loop(0, 128, unroll=8)
                def _(blo):
                    blo_v = zeros16 + blo
                    for dblk in range(DIM // 16):
                        v = rows_v[slot, base + blo, pl.ds(dblk * 16, 16)]
                        plsc.store_scatter(
                            tbuf.at[slot],
                            [bhi_v, dvecs[dblk], blo_v],
                            v,
                        )

        def sstart(u, slot):
            h = u % hist
            hb = (u // hist) * 2
            for d_hi in range(DIM // 8):
                pltpu.async_copy(
                    tbuf.at[slot].at[:, pl.ds(d_hi * 8, 8), pl.ds(0, 128)],
                    out_hbm.at[h, d_hi].at[pl.ds(bhi0 + hb, 2)],
                    ssems[slot],
                )

        def sdrain(slot):
            for d_hi in range(DIM // 8):
                pltpu.make_async_copy(
                    tbuf.at[slot].at[:, pl.ds(d_hi * 8, 8), pl.ds(0, 128)],
                    out_hbm.at[0, d_hi].at[pl.ds(bhi0, 2)],
                    ssems[slot],
                ).wait()

        gstart(0, 0)

        def body2(i, carry):
            u0 = 2 * i
            u1 = u0 + 1
            gstart(u1, 1)
            gwait(0)

            @pl.when(i > 0)
            def _():
                sdrain(0)

            transpose(0)
            sstart(u0, 0)
            @pl.when(u1 + 1 < n_units)
            def _():
                gstart(u1 + 1, 0)

            gwait(1)

            @pl.when(i > 0)
            def _():
                sdrain(1)

            transpose(1)
            sstart(u1, 1)
            return carry

        lax.fori_loop(0, n_units // 2, body2, 0)
        sdrain(0)
        sdrain(1)

    return gather_kernel


def kernel(x, W_main, W_aux):
    batch, hist = x.shape
    table = jnp.concatenate([W_main, W_aux], axis=0)
    out5 = _make_kernel(batch, hist)(x.T, table)
    return out5.transpose(2, 4, 0, 1, 3).reshape(batch, hist, DIM)

# --- scband reference (transcript-rebuilt; emitter-appended) ---
"""Pipeline reference for scband-split-embedding-47940424958013 (READ-ONLY COPY).

The authoritative reference and input builder live on the scoring server;
editing this copy changes nothing except your own understanding.
"""

import jax, jax.numpy as jnp
import numpy as np

NUM_MAIN = 100000
NUM_AUX = 10000
DIM = 64
BATCH = 16384
HIST = 50


def setup_inputs(seed: int = 0) -> dict:
    key = jax.random.key(seed)
    k1, k2, k3 = jax.random.split(key, 3)
    x = jax.random.randint(k1, (BATCH, HIST), 0, NUM_MAIN + NUM_AUX, dtype=jnp.int32)
    W_main = jax.random.normal(k2, (NUM_MAIN, DIM), dtype=jnp.float32)
    W_aux = jax.random.normal(k3, (NUM_AUX, DIM), dtype=jnp.float32)
    return {"x": x, "W_main": W_main, "W_aux": W_aux}


def reference(x, W_main, W_aux):
    # magnitude_targets is None, so normalize_aux() returns aux weight unchanged.
    # weight property: concat([main, aux]); forward: W[x]
    W = jnp.concatenate([W_main, W_aux], axis=0)
    return jnp.take(W, x, axis=0)

if __name__ == "__main__":
    import jax
    _d = setup_inputs()
    print(jax.jit(kernel)(*tuple(_d.values())))

</pallas_src>

<mosaic_0001>
#map = affine_map<(d0, d1) -> (0, 0)>
#map1 = affine_map<(d0, d1) -> (0, 0, 0, 0, 0)>
module attributes {stable_mosaic.version = 14 : i64} {
  func.func @gather_kernel(%arg0: i32, %arg1: i32, %arg2: memref<50x16384xi32, #tpu.memory_space<hbm>>, %arg3: memref<110000x64xf32, #tpu.memory_space<hbm>>, %arg4: memref<50x8x128x8x128xf32, #tpu.memory_space<hbm>>, %arg5: memref<50x512xi32, #tpu.memory_space<vmem>>, %arg6: memref<2x256x64xf32, #tpu.memory_space<vmem>>, %arg7: memref<2x2x64x129xf32, #tpu.memory_space<vmem>>, %arg8: memref<!tpu.dma_semaphore, #tpu.memory_space<semaphore_mem>>, %arg9: memref<!tpu.dma_semaphore, #tpu.memory_space<semaphore_mem>>, %arg10: memref<!tpu.dma_semaphore, #tpu.memory_space<semaphore_mem>>, %arg11: memref<!tpu.dma_semaphore, #tpu.memory_space<semaphore_mem>>) attributes {dimension_semantics = [#tpu.dimension_semantics<core_parallel>, #tpu.dimension_semantics<subcore_parallel>], iteration_bounds = array<i64: 2, 16>, scalar_prefetch = 0 : i64, scratch_operands = 7 : i64, tpu.core_type = #tpu.core_type<sc_vector_subcore>, window_params = [{transform_indices = #map}, {transform_indices = #map}, {transform_indices = #map1}]} {
    %mul3A = arith.constant 2 : i32
    %mul3A_0 = arith.muli %arg1, %mul3A : i32
    %add3A = arith.addi %mul3A_0, %arg0 : i32
    %mul3A_1 = arith.constant 4 : i32
    %mul3A_2 = arith.muli %add3A, %mul3A_1 : i32
    %mul3A_3 = arith.constant 512 : i32
    %mul3A_4 = arith.muli %add3A, %mul3A_3 : i32
    "tpu.region"() ({
      %run_scoped3A = tpu.sem_alloc : memref<!tpu.dma_semaphore, #tpu.memory_space<semaphore_mem>>
      %dma_start3A_629 = arith.constant 0 : i32
      %dma_start3A_630 = tpu.memref_slice %arg2[%dma_start3A_629, %mul3A_4] : memref<50x16384xi32, #tpu.memory_space<hbm>> -> memref<50x512xi32, #tpu.memory_space<hbm>>
      %dma_start3A_631 = arith.constant 0 : i32
      %dma_start3A_632 = tpu.memref_slice %arg2[%dma_start3A_631, %mul3A_4] : memref<50x16384xi32, #tpu.memory_space<hbm>> -> memref<50x512xi32, #tpu.memory_space<hbm>>
      tpu.enqueue_dma source(%dma_start3A_632 : memref<50x512xi32, #tpu.memory_space<hbm>>) target(%arg5 : memref<50x512xi32, #tpu.memory_space<vmem>>) target_semaphore(%run_scoped3A : memref<!tpu.dma_semaphore, #tpu.memory_space<semaphore_mem>>)
      %dma_wait3A_633 = arith.constant 0 : i32
      %dma_wait3A_634 = tpu.memref_slice %arg2[%dma_wait3A_633, %mul3A_4] : memref<50x16384xi32, #tpu.memory_space<hbm>> -> memref<50x512xi32, #tpu.memory_space<hbm>>
      %dma_wait3A_635 = arith.constant 0 : i32
      %dma_wait3A_636 = tpu.memref_slice %arg2[%dma_wait3A_635, %mul3A_4] : memref<50x16384xi32, #tpu.memory_space<hbm>> -> memref<50x512xi32, #tpu.memory_space<hbm>>
      tpu.wait_dma2 semaphore(%run_scoped3A : memref<!tpu.dma_semaphore, #tpu.memory_space<semaphore_mem>>) src(%dma_wait3A_636 : memref<50x512xi32, #tpu.memory_space<hbm>>) dst(%arg5 : memref<50x512xi32, #tpu.memory_space<vmem>>)
      tpu.yield
    }) : () -> ()
    %iota3A = tpu.iota {dimensions = array<i32: 0>} : vector<16xi32>
    %add3A_5 = arith.constant 0 : i32
    %add3A_6 = vector.broadcast %add3A_5 : i32 to vector<16xi32>
    %add3A_7 = arith.addi %add3A_6, %iota3A : vector<16xi32>
    %add3A_8 = arith.constant 16 : i32
    %add3A_9 = vector.broadcast %add3A_8 : i32 to vector<16xi32>
    %add3A_10 = arith.addi %add3A_9, %iota3A : vector<16xi32>
    %add3A_11 = arith.constant 32 : i32
    %add3A_12 = vector.broadcast %add3A_11 : i32 to vector<16xi32>
    %add3A_13 = arith.addi %add3A_12, %iota3A : vector<16xi32>
    %add3A_14 = arith.constant 48 : i32
    %add3A_15 = vector.broadcast %add3A_14 : i32 to vector<16xi32>
    %add3A_16 = arith.addi %add3A_15, %iota3A : vector<16xi32>
    %mul3A_17 = arith.constant 0 : i32
    %mul3A_18 = vector.broadcast %mul3A_17 : i32 to vector<16xi32>
    %mul3A_19 = arith.muli %iota3A, %mul3A_18 : vector<16xi32>
    %dma_start3A = arith.constant 0 : i32
    %dma_start3A_20 = arith.constant 0 : i32
    %dma_start3A_21 = arith.constant 0 : i32
    %dma_start3A_22 = arith.constant 0 : i32
    %dma_start3A_23 = tpu.memref_slice %arg6[%dma_start3A_20, %dma_start3A_21, %dma_start3A_22] : memref<2x256x64xf32, #tpu.memory_space<vmem>> -> memref<1x256x64xf32, #tpu.memory_space<vmem>>
    %dma_start3A_24 = tpu.memref_squeeze %dma_start3A_23 : memref<1x256x64xf32, #tpu.memory_space<vmem>> -> memref<256x64xf32, #tpu.memory_space<vmem>>
    %dma_start3A_25 = arith.constant 0 : i32
    %dma_start3A_26 = tpu.memref_slice %arg5[%dma_start3A, %dma_start3A_25] : memref<50x512xi32, #tpu.memory_space<vmem>> -> memref<1x512xi32, #tpu.memory_space<vmem>>
    %dma_start3A_27 = tpu.memref_squeeze %dma_start3A_26 : memref<1x512xi32, #tpu.memory_space<vmem>> -> memref<512xi32, #tpu.memory_space<vmem>>
    %dma_start3A_28 = arith.constant 0 : i32
    %dma_start3A_29 = tpu.memref_slice %dma_start3A_27[%dma_start3A_28] : memref<512xi32, #tpu.memory_space<vmem>> -> memref<256xi32, #tpu.memory_space<vmem>>
    %dma_start3A_30 = arith.constant 0 : i32
    %dma_start3A_31 = arith.constant 0 : i32
    %dma_start3A_32 = tpu.memref_slice %arg3[%dma_start3A_30, %dma_start3A_31] : memref<110000x64xf32, #tpu.memory_space<hbm>> -> memref<110000x64xf32, #tpu.memory_space<hbm>>
    tpu.enqueue_indirect_dma source(%dma_start3A_32 : memref<110000x64xf32, #tpu.memory_space<hbm>>) target(%dma_start3A_24 : memref<256x64xf32, #tpu.memory_space<vmem>>) offsets(%dma_start3A_29 : memref<256xi32, #tpu.memory_space<vmem>>) semaphore(%arg8 : memref<!tpu.dma_semaphore, #tpu.memory_space<semaphore_mem>>)
    %scan3A = arith.constant 0 : i32
    %scan3A_33 = arith.constant 0 : i32
    %scan3A_34 = arith.constant 50 : i32
    %scan3A_35 = arith.addi %scan3A_33, %scan3A_34 : i32
    %scan3A_36 = arith.constant 1 : i32
    scf.for %scan3A_629 = %scan3A_33 to %scan3A_35 step %scan3A_36  : i32 {
      %mul3A_630 = arith.constant 2 : i32
      %mul3A_631 = arith.muli %mul3A_630, %scan3A_629 : i32
      %add3A_632 = arith.constant 1 : i32
      %add3A_633 = arith.addi %mul3A_631, %add3A_632 : i32
      %jit3A = arith.constant 50 : i32
      %eq3A = arith.constant 0 : i32
      %eq3A_634 = arith.cmpi eq, %jit3A, %eq3A : i32
      %jit3A_635 = arith.constant 1 : i32
      %select_n3A = arith.select %eq3A_634, %jit3A_635, %jit3A : i32
      %rem3A = arith.remsi %add3A_633, %select_n3A : i32
      %ne3A = arith.constant 0 : i32
      %ne3A_636 = arith.cmpi ne, %rem3A, %ne3A : i32
      %lt3A = arith.constant 0 : i32
      %lt3A_637 = arith.cmpi slt, %rem3A, %lt3A : i32
      %lt3A_638 = arith.constant 0 : i32
      %lt3A_639 = arith.cmpi slt, %select_n3A, %lt3A_638 : i32
      %ne3A_640 = arith.xori %lt3A_637, %lt3A_639 : i1
      %and3A = arith.andi %ne3A_640, %ne3A_636 : i1
      %add3A_641 = arith.addi %rem3A, %select_n3A : i32
      %select_n3A_642 = arith.select %and3A, %add3A_641, %rem3A : i32
      %jit3A_643 = arith.constant 50 : i32
      %div3A = arith.divsi %add3A_633, %jit3A_643 : i32
      %sign3A = arith.constant 0 : i32
      %sign3A_644 = arith.cmpi sgt, %add3A_633, %sign3A : i32
      %sign3A_645 = arith.extui %sign3A_644 : i1 to i32
      %sign3A_646 = arith.constant 0 : i32
      %sign3A_647 = arith.cmpi slt, %add3A_633, %sign3A_646 : i32
      %sign3A_648 = arith.extui %sign3A_647 : i1 to i32
      %sign3A_649 = arith.subi %sign3A_645, %sign3A_648 : i32
      %sign3A_650 = arith.constant 0 : i32
      %sign3A_651 = arith.cmpi sgt, %jit3A_643, %sign3A_650 : i32
      %sign3A_652 = arith.extui %sign3A_651 : i1 to i32
      %sign3A_653 = arith.constant 0 : i32
      %sign3A_654 = arith.cmpi slt, %jit3A_643, %sign3A_653 : i32
      %sign3A_655 = arith.extui %sign3A_654 : i1 to i32
      %sign3A_656 = arith.subi %sign3A_652, %sign3A_655 : i32
      %ne3A_657 = arith.cmpi ne, %sign3A_649, %sign3A_656 : i32
      %rem3A_658 = arith.remsi %add3A_633, %jit3A_643 : i32
      %ne3A_659 = arith.constant 0 : i32
      %ne3A_660 = arith.cmpi ne, %rem3A_658, %ne3A_659 : i32
      %and3A_661 = arith.andi %ne3A_657, %ne3A_660 : i1
      %sub3A = arith.constant 1 : i32
      %sub3A_662 = arith.subi %div3A, %sub3A : i32
      %select_n3A_663 = arith.select %and3A_661, %sub3A_662, %div3A : i32
      %mul3A_664 = arith.constant 256 : i32
      %mul3A_665 = arith.muli %select_n3A_663, %mul3A_664 : i32
      %dma_start3A_666 = arith.constant 1 : i32
      %dma_start3A_667 = arith.constant 0 : i32
      %dma_start3A_668 = arith.constant 0 : i32
      %dma_start3A_669 = tpu.memref_slice %arg6[%dma_start3A_666, %dma_start3A_667, %dma_start3A_668] : memref<2x256x64xf32, #tpu.memory_space<vmem>> -> memref<1x256x64xf32, #tpu.memory_space<vmem>>
      %dma_start3A_670 = tpu.memref_squeeze %dma_start3A_669 : memref<1x256x64xf32, #tpu.memory_space<vmem>> -> memref<256x64xf32, #tpu.memory_space<vmem>>
      %dma_start3A_671 = arith.constant 0 : i32
      %dma_start3A_672 = tpu.memref_slice %arg5[%select_n3A_642, %dma_start3A_671] : memref<50x512xi32, #tpu.memory_space<vmem>> -> memref<1x512xi32, #tpu.memory_space<vmem>>
      %dma_start3A_673 = tpu.memref_squeeze %dma_start3A_672 : memref<1x512xi32, #tpu.memory_space<vmem>> -> memref<512xi32, #tpu.memory_space<vmem>>
      %dma_start3A_674 = tpu.memref_slice %dma_start3A_673[%mul3A_665] : memref<512xi32, #tpu.memory_space<vmem>> -> memref<256xi32, #tpu.memory_space<vmem>>
      %dma_start3A_675 = arith.constant 0 : i32
      %dma_start3A_676 = arith.constant 0 : i32
      %dma_start3A_677 = tpu.memref_slice %arg3[%dma_start3A_675, %dma_start3A_676] : memref<110000x64xf32, #tpu.memory_space<hbm>> -> memref<110000x64xf32, #tpu.memory_space<hbm>>
      tpu.enqueue_indirect_dma source(%dma_start3A_677 : memref<110000x64xf32, #tpu.memory_space<hbm>>) target(%dma_start3A_670 : memref<256x64xf32, #tpu.memory_space<vmem>>) offsets(%dma_start3A_674 : memref<256xi32, #tpu.memory_space<vmem>>) semaphore(%arg9 : memref<!tpu.dma_semaphore, #tpu.memory_space<semaphore_mem>>)
      %dma_wait3A_678 = arith.constant 0 : i32
      %dma_wait3A_679 = arith.constant 0 : i32
      %dma_wait3A_680 = arith.constant 0 : i32
      %dma_wait3A_681 = arith.constant 0 : i32
      %dma_wait3A_682 = tpu.memref_slice %arg6[%dma_wait3A_679, %dma_wait3A_680, %dma_wait3A_681] : memref<2x256x64xf32, #tpu.memory_space<vmem>> -> memref<1x256x64xf32, #tpu.memory_space<vmem>>
      %dma_wait3A_683 = tpu.memref_squeeze %dma_wait3A_682 : memref<1x256x64xf32, #tpu.memory_space<vmem>> -> memref<256x64xf32, #tpu.memory_space<vmem>>
      %dma_wait3A_684 = arith.constant 0 : i32
      %dma_wait3A_685 = tpu.memref_slice %arg5[%dma_wait3A_678, %dma_wait3A_684] : memref<50x512xi32, #tpu.memory_space<vmem>> -> memref<1x512xi32, #tpu.memory_space<vmem>>
      %dma_wait3A_686 = tpu.memref_squeeze %dma_wait3A_685 : memref<1x512xi32, #tpu.memory_space<vmem>> -> memref<512xi32, #tpu.memory_space<vmem>>
      %dma_wait3A_687 = arith.constant 0 : i32
      %dma_wait3A_688 = tpu.memref_slice %dma_wait3A_686[%dma_wait3A_687] : memref<512xi32, #tpu.memory_space<vmem>> -> memref<256xi32, #tpu.memory_space<vmem>>
      %dma_wait3A_689 = arith.constant 0 : i32
      %dma_wait3A_690 = arith.constant 0 : i32
      %dma_wait3A_691 = tpu.memref_slice %arg3[%dma_wait3A_689, %dma_wait3A_690] : memref<110000x64xf32, #tpu.memory_space<hbm>> -> memref<110000x64xf32, #tpu.memory_space<hbm>>
      tpu.wait_indirect_dma semaphore(%arg8 : memref<!tpu.dma_semaphore, #tpu.memory_space<semaphore_mem>>) src(%dma_wait3A_691 : memref<110000x64xf32, #tpu.memory_space<hbm>>) dst(%dma_wait3A_683 : memref<256x64xf32, #tpu.memory_space<vmem>>)
      %gt3A = arith.constant 0 : i32
      %gt3A_692 = arith.cmpi sgt, %scan3A_629, %gt3A : i32
      %convert_element_type3A = arith.extui %gt3A_692 : i1 to i32
      %cond3A = arith.constant 0 : i32
      %cond3A_693 = arith.cmpi ne, %convert_element_type3A, %cond3A : i32
      scf.if %cond3A_693 {
        %dma_wait3A_1419 = arith.constant 0 : i32
        %dma_wait3A_1420 = arith.constant 0 : i32
        %dma_wait3A_1421 = arith.constant 0 : i32
        %dma_wait3A_1422 = arith.constant 0 : i32
        %dma_wait3A_1423 = arith.constant 0 : i32
        %dma_wait3A_1424 = arith.constant 0 : i32
        %dma_wait3A_1425 = tpu.memref_slice %arg7[%dma_wait3A_1419, %dma_wait3A_1422, %dma_wait3A_1423, %dma_wait3A_1424] : memref<2x2x64x129xf32, #tpu.memory_space<vmem>> -> memref<1x2x64x129xf32, #tpu.memory_space<vmem>>
        %dma_wait3A_1426 = tpu.memref_squeeze %dma_wait3A_1425 : memref<1x2x64x129xf32, #tpu.memory_space<vmem>> -> memref<2x64x129xf32, #tpu.memory_space<vmem>>
        %dma_wait3A_1427 = arith.constant 0 : i32
        %dma_wait3A_1428 = arith.constant 0 : i32
        %dma_wait3A_1429 = arith.constant 0 : i32
        %dma_wait3A_1430 = tpu.memref_slice %dma_wait3A_1426[%dma_wait3A_1427, %dma_wait3A_1428, %dma_wait3A_1429] : memref<2x64x129xf32, #tpu.memory_space<vmem>> -> memref<2x8x128xf32, #tpu.memory_space<vmem>>
        %dma_wait3A_1431 = arith.constant 0 : i32
        %dma_wait3A_1432 = arith.constant 0 : i32
        %dma_wait3A_1433 = arith.constant 0 : i32
        %dma_wait3A_1434 = tpu.memref_slice %arg4[%dma_wait3A_1420, %dma_wait3A_1421, %dma_wait3A_1431, %dma_wait3A_1432, %dma_wait3A_1433] : memref<50x8x128x8x128xf32, #tpu.memory_space<hbm>> -> memref<1x1x128x8x128xf32, #tpu.memory_space<hbm>>
        %dma_wait3A_1435 = tpu.memref_squeeze %dma_wait3A_1434 : memref<1x1x128x8x128xf32, #tpu.memory_space<hbm>> -> memref<128x8x128xf32, #tpu.memory_space<hbm>>
        %dma_wait3A_1436 = arith.constant 0 : i32
        %dma_wait3A_1437 = arith.constant 0 : i32
        %dma_wait3A_1438 = tpu.memref_slice %dma_wait3A_1435[%mul3A_2, %dma_wait3A_1436, %dma_wait3A_1437] : memref<128x8x128xf32, #tpu.memory_space<hbm>> -> memref<2x8x128xf32, #tpu.memory_space<hbm>>
        %dma_wait3A_1439 = arith.constant 0 : i32
        %dma_wait3A_1440 = arith.constant 0 : i32
        %dma_wait3A_1441 = arith.constant 0 : i32
        %dma_wait3A_1442 = tpu.memref_slice %arg4[%dma_wait3A_1420, %dma_wait3A_1421, %dma_wait3A_1439, %dma_wait3A_1440, %dma_wait3A_1441] : memref<50x8x128x8x128xf32, #tpu.memory_space<hbm>> -> memref<1x1x128x8x128xf32, #tpu.memory_space<hbm>>
        %dma_wait3A_1443 = tpu.memref_squeeze %dma_wait3A_1442 : memref<1x1x128x8x128xf32, #tpu.memory_space<hbm>> -> memref<128x8x128xf32, #tpu.memory_space<hbm>>
        %dma_wait3A_1444 = arith.constant 0 : i32
        %dma_wait3A_1445 = arith.constant 0 : i32
        %dma_wait3A_1446 = tpu.memref_slice %dma_wait3A_1443[%mul3A_2, %dma_wait3A_1444, %dma_wait3A_1445] : memref<128x8x128xf32, #tpu.memory_space<hbm>> -> memref<2x8x128xf32, #tpu.memory_space<hbm>>
        %dma_wait3A_1447 = arith.constant 0 : i32
        %dma_wait3A_1448 = arith.constant 0 : i32
        %dma_wait3A_1449 = arith.constant 0 : i32
        %dma_wait3A_1450 = tpu.memref_slice %arg7[%dma_wait3A_1419, %dma_wait3A_1447, %dma_wait3A_1448, %dma_wait3A_1449] : memref<2x2x64x129xf32, #tpu.memory_space<vmem>> -> memref<1x2x64x129xf32, #tpu.memory_space<vmem>>
        %dma_wait3A_1451 = tpu.memref_squeeze %dma_wait3A_1450 : memref<1x2x64x129xf32, #tpu.memory_space<vmem>> -> memref<2x64x129xf32, #tpu.memory_space<vmem>>
        %dma_wait3A_1452 = arith.constant 0 : i32
        %dma_wait3A_1453 = arith.constant 0 : i32
        %dma_wait3A_1454 = arith.constant 0 : i32
        %dma_wait3A_1455 = tpu.memref_slice %dma_wait3A_1451[%dma_wait3A_1452, %dma_wait3A_1453, %dma_wait3A_1454] : memref<2x64x129xf32, #tpu.memory_space<vmem>> -> memref<2x8x128xf32, #tpu.memory_space<vmem>>
        tpu.wait_dma2 semaphore(%arg10 : memref<!tpu.dma_semaphore, #tpu.memory_space<semaphore_mem>>) src(%dma_wait3A_1455 : memref<2x8x128xf32, #tpu.memory_space<vmem>>) dst(%dma_wait3A_1446 : memref<2x8x128xf32, #tpu.memory_space<hbm>>)
        %dma_wait3A_1456 = arith.constant 0 : i32
        %dma_wait3A_1457 = arith.constant 0 : i32
        %dma_wait3A_1458 = arith.constant 1 : i32
        %dma_wait3A_1459 = arith.constant 0 : i32
        %dma_wait3A_1460 = arith.constant 0 : i32
        %dma_wait3A_1461 = arith.constant 0 : i32
        %dma_wait3A_1462 = tpu.memref_slice %arg7[%dma_wait3A_1456, %dma_wait3A_1459, %dma_wait3A_1460, %dma_wait3A_1461] : memref<2x2x64x129xf32, #tpu.memory_space<vmem>> -> memref<1x2x64x129xf32, #tpu.memory_space<vmem>>
        %dma_wait3A_1463 = tpu.memref_squeeze %dma_wait3A_1462 : memref<1x2x64x129xf32, #tpu.memory_space<vmem>> -> memref<2x64x129xf32, #tpu.memory_space<vmem>>
        %dma_wait3A_1464 = arith.constant 0 : i32
        %dma_wait3A_1465 = arith.constant 8 : i32
        %dma_wait3A_1466 = arith.constant 0 : i32
        %dma_wait3A_1467 = tpu.memref_slice %dma_wait3A_1463[%dma_wait3A_1464, %dma_wait3A_1465, %dma_wait3A_1466] : memref<2x64x129xf32, #tpu.memory_space<vmem>> -> memref<2x8x128xf32, #tpu.memory_space<vmem>>
        %dma_wait3A_1468 = arith.constant 0 : i32
        %dma_wait3A_1469 = arith.constant 0 : i32
        %dma_wait3A_1470 = arith.constant 0 : i32
        %dma_wait3A_1471 = tpu.memref_slice %arg4[%dma_wait3A_1457, %dma_wait3A_1458, %dma_wait3A_1468, %dma_wait3A_1469, %dma_wait3A_1470] : memref<50x8x128x8x128xf32, #tpu.memory_space<hbm>> -> memref<1x1x128x8x128xf32, #tpu.memory_space<hbm>>
        %dma_wait3A_1472 = tpu.memref_squeeze %dma_wait3A_1471 : memref<1x1x128x8x128xf32, #tpu.memory_space<hbm>> -> memref<128x8x128xf32, #tpu.memory_space<hbm>>
        %dma_wait3A_1473 = arith.constant 0 : i32
        %dma_wait3A_1474 = arith.constant 0 : i32
        %dma_wait3A_1475 = tpu.memref_slice %dma_wait3A_1472[%mul3A_2, %dma_wait3A_1473, %dma_wait3A_1474] : memref<128x8x128xf32, #tpu.memory_space<hbm>> -> memref<2x8x128xf32, #tpu.memory_space<hbm>>
        %dma_wait3A_1476 = arith.constant 0 : i32
        %dma_wait3A_1477 = arith.constant 0 : i32
        %dma_wait3A_1478 = arith.constant 0 : i32
        %dma_wait3A_1479 = tpu.memref_slice %arg4[%dma_wait3A_1457, %dma_wait3A_1458, %dma_wait3A_1476, %dma_wait3A_1477, %dma_wait3A_1478] : memref<50x8x128x8x128xf32, #tpu.memory_space<hbm>> -> memref<1x1x128x8x128xf32, #tpu.memory_space<hbm>>
        %dma_wait3A_1480 = tpu.memref_squeeze %dma_wait3A_1479 : memref<1x1x128x8x128xf32, #tpu.memory_space<hbm>> -> memref<128x8x128xf32, #tpu.memory_space<hbm>>
        %dma_wait3A_1481 = arith.constant 0 : i32
        %dma_wait3A_1482 = arith.constant 0 : i32
        %dma_wait3A_1483 = tpu.memref_slice %dma_wait3A_1480[%mul3A_2, %dma_wait3A_1481, %dma_wait3A_1482] : memref<128x8x128xf32, #tpu.memory_space<hbm>> -> memref<2x8x128xf32, #tpu.memory_space<hbm>>
        %dma_wait3A_1484 = arith.constant 0 : i32
        %dma_wait3A_1485 = arith.constant 0 : i32
        %dma_wait3A_1486 = arith.constant 0 : i32
        %dma_wait3A_1487 = tpu.memref_slice %arg7[%dma_wait3A_1456, %dma_wait3A_1484, %dma_wait3A_1485, %dma_wait3A_1486] : memref<2x2x64x129xf32, #tpu.memory_space<vmem>> -> memref<1x2x64x129xf32, #tpu.memory_space<vmem>>
        %dma_wait3A_1488 = tpu.memref_squeeze %dma_wait3A_1487 : memref<1x2x64x129xf32, #tpu.memory_space<vmem>> -> memref<2x64x129xf32, #tpu.memory_space<vmem>>
        %dma_wait3A_1489 = arith.constant 0 : i32
        %dma_wait3A_1490 = arith.constant 8 : i32
        %dma_wait3A_1491 = arith.constant 0 : i32
        %dma_wait3A_1492 = tpu.memref_slice %dma_wait3A_1488[%dma_wait3A_1489, %dma_wait3A_1490, %dma_wait3A_1491] : memref<2x64x129xf32, #tpu.memory_space<vmem>> -> memref<2x8x128xf32, #tpu.memory_space<vmem>>
        tpu.wait_dma2 semaphore(%arg10 : memref<!tpu.dma_semaphore, #tpu.memory_space<semaphore_mem>>) src(%dma_wait3A_1492 : memref<2x8x128xf32, #tpu.memory_space<vmem>>) dst(%dma_wait3A_1483 : memref<2x8x128xf32, #tpu.memory_space<hbm>>)
        %dma_wait3A_1493 = arith.constant 0 : i32
        %dma_wait3A_1494 = arith.constant 0 : i32
        %dma_wait3A_1495 = arith.constant 2 : i32
        %dma_wait3A_1496 = arith.constant 0 : i32
        %dma_wait3A_1497 = arith.constant 0 : i32
        %dma_wait3A_1498 = arith.constant 0 : i32
        %dma_wait3A_1499 = tpu.memref_slice %arg7[%dma_wait3A_1493, %dma_wait3A_1496, %dma_wait3A_1497, %dma_wait3A_1498] : memref<2x2x64x129xf32, #tpu.memory_space<vmem>> -> memref<1x2x64x129xf32, #tpu.memory_space<vmem>>
        %dma_wait3A_1500 = tpu.memref_squeeze %dma_wait3A_1499 : memref<1x2x64x129xf32, #tpu.memory_space<vmem>> -> memref<2x64x129xf32, #tpu.memory_space<vmem>>
        %dma_wait3A_1501 = arith.constant 0 : i32
        %dma_wait3A_1502 = arith.constant 16 : i32
        %dma_wait3A_1503 = arith.constant 0 : i32
        %dma_wait3A_1504 = tpu.memref_slice %dma_wait3A_1500[%dma_wait3A_1501, %dma_wait3A_1502, %dma_wait3A_1503] : memref<2x64x129xf32, #tpu.memory_space<vmem>> -> memref<2x8x128xf32, #tpu.memory_space<vmem>>
        %dma_wait3A_1505 = arith.constant 0 : i32
        %dma_wait3A_1506 = arith.constant 0 : i32
        %dma_wait3A_1507 = arith.constant 0 : i32
        %dma_wait3A_1508 = tpu.memref_slice %arg4[%dma_wait3A_1494, %dma_wait3A_1495, %dma_wait3A_1505, %dma_wait3A_1506, %dma_wait3A_1507] : memref<50x8x128x8x128xf32, #tpu.memory_space<hbm>> -> memref<1x1x128x8x128xf32, #tpu.memory_space<hbm>>
        %dma_wait3A_1509 = tpu.memref_squeeze %dma_wait3A_1508 : memref<1x1x128x8x128xf32, #tpu.memory_space<hbm>> -> memref<128x8x128xf32, #tpu.memory_space<hbm>>
        %dma_wait3A_1510 = arith.constant 0 : i32
        %dma_wait3A_1511 = arith.constant 0 : i32
        %dma_wait3A_1512 = tpu.memref_slice %dma_wait3A_1509[%mul3A_2, %dma_wait3A_1510, %dma_wait3A_1511] : memref<128x8x128xf32, #tpu.memory_space<hbm>> -> memref<2x8x128xf32, #tpu.memory_space<hbm>>
        %dma_wait3A_1513 = arith.constant 0 : i32
        %dma_wait3A_1514 = arith.constant 0 : i32
        %dma_wait3A_1515 = arith.constant 0 : i32
        %dma_wait3A_1516 = tpu.memref_slice %arg4[%dma_wait3A_1494, %dma_wait3A_1495, %dma_wait3A_1513, %dma_wait3A_1514, %dma_wait3A_1515] : memref<50x8x128x8x128xf32, #tpu.memory_space<hbm>> -> memref<1x1x128x8x128xf32, #tpu.memory_space<hbm>>
        %dma_wait3A_1517 = tpu.memref_squeeze %dma_wait3A_1516 : memref<1x1x128x8x128xf32, #tpu.memory_space<hbm>> -> memref<128x8x128xf32, #tpu.memory_space<hbm>>
        %dma_wait3A_1518 = arith.constant 0 : i32
        %dma_wait3A_1519 = arith.constant 0 : i32
        %dma_wait3A_1520 = tpu.memref_slice %dma_wait3A_1517[%mul3A_2, %dma_wait3A_1518, %dma_wait3A_1519] : memref<128x8x128xf32, #tpu.memory_space<hbm>> -> memref<2x8x128xf32, #tpu.memory_space<hbm>>
        %dma_wait3A_1521 = arith.constant 0 : i32
        %dma_wait3A_1522 = arith.constant 0 : i32
        %dma_wait3A_1523 = arith.constant 0 : i32
        %dma_wait3A_1524 = tpu.memref_slice %arg7[%dma_wait3A_1493, %dma_wait3A_1521, %dma_wait3A_1522, %dma_wait3A_1523] : memref<2x2x64x129xf32, #tpu.memory_space<vmem>> -> memref<1x2x64x129xf32, #tpu.memory_space<vmem>>
        %dma_wait3A_1525 = tpu.memref_squeeze %dma_wait3A_1524 : memref<1x2x64x129xf32, #tpu.memory_space<vmem>> -> memref<2x64x129xf32, #tpu.memory_space<vmem>>
        %dma_wait3A_1526 = arith.constant 0 : i32
        %dma_wait3A_1527 = arith.constant 16 : i32
        %dma_wait3A_1528 = arith.constant 0 : i32
        %dma_wait3A_1529 = tpu.memref_slice %dma_wait3A_1525[%dma_wait3A_1526, %dma_wait3A_1527, %dma_wait3A_1528] : memref<2x64x129xf32, #tpu.memory_space<vmem>> -> memref<2x8x128xf32, #tpu.memory_space<vmem>>
        tpu.wait_dma2 semaphore(%arg10 : memref<!tpu.dma_semaphore, #tpu.memory_space<semaphore_mem>>) src(%dma_wait3A_1529 : memref<2x8x128xf32, #tpu.memory_space<vmem>>) dst(%dma_wait3A_1520 : memref<2x8x128xf32, #tpu.memory_space<hbm>>)
        %dma_wait3A_1530 = arith.constant 0 : i32
        %dma_wait3A_1531 = arith.constant 0 : i32
        %dma_wait3A_1532 = arith.constant 3 : i32
        %dma_wait3A_1533 = arith.constant 0 : i32
        %dma_wait3A_1534 = arith.constant 0 : i32
        %dma_wait3A_1535 = arith.constant 0 : i32
        %dma_wait3A_1536 = tpu.memref_slice %arg7[%dma_wait3A_1530, %dma_wait3A_1533, %dma_wait3A_1534, %dma_wait3A_1535] : memref<2x2x64x129xf32, #tpu.memory_space<vmem>> -> memref<1x2x64x129xf32, #tpu.memory_space<vmem>>
        %dma_wait3A_1537 = tpu.memref_squeeze %dma_wait3A_1536 : memref<1x2x64x129xf32, #tpu.memory_space<vmem>> -> memref<2x64x129xf32, #tpu.memory_space<vmem>>
        %dma_wait3A_1538 = arith.constant 0 : i32
        %dma_wait3A_1539 = arith.constant 24 : i32
        %dma_wait3A_1540 = arith.constant 0 : i32
        %dma_wait3A_1541 = tpu.memref_slice %dma_wait3A_1537[%dma_wait3A_1538, %dma_wait3A_1539, %dma_wait3A_1540] : memref<2x64x129xf32, #tpu.memory_space<vmem>> -> memref<2x8x128xf32, #tpu.memory_space<vmem>>
        %dma_wait3A_1542 = arith.constant 0 : i32
        %dma_wait3A_1543 = arith.constant 0 : i32
        %dma_wait3A_1544 = arith.constant 0 : i32
        %dma_wait3A_1545 = tpu.memref_slice %arg4[%dma_wait3A_1531, %dma_wait3A_1532, %dma_wait3A_1542, %dma_wait3A_1543, %dma_wait3A_1544] : memref<50x8x128x8x128xf32, #tpu.memory_space<hbm>> -> memref<1x1x128x8x128xf32, #tpu.memory_space<hbm>>
        %dma_wait3A_1546 = tpu.memref_squeeze %dma_wait3A_1545 : memref<1x1x128x8x128xf32, #tpu.memory_space<hbm>> -> memref<128x8x128xf32, #tpu.memory_space<hbm>>
        %dma_wait3A_1547 = arith.constant 0 : i32
        %dma_wait3A_1548 = arith.constant 0 : i32
        %dma_wait3A_1549 = tpu.memref_slice %dma_wait3A_1546[%mul3A_2, %dma_wait3A_1547, %dma_wait3A_1548] : memref<128x8x128xf32, #tpu.memory_space<hbm>> -> memref<2x8x128xf32, #tpu.memory_space<hbm>>
        %dma_wait3A_1550 = arith.constant 0 : i32
        %dma_wait3A_1551 = arith.constant 0 : i32
        %dma_wait3A_1552 = arith.constant 0 : i32
        %dma_wait3A_1553 = tpu.memref_slice %arg4[%dma_wait3A_1531, %dma_wait3A_1532, %dma_wait3A_1550, %dma_wait3A_1551, %dma_wait3A_1552] : memref<50x8x128x8x128xf32, #tpu.memory_space<hbm>> -> memref<1x1x128x8x128xf32, #tpu.memory_space<hbm>>
        %dma_wait3A_1554 = tpu.memref_squeeze %dma_wait3A_1553 : memref<1x1x128x8x128xf32, #tpu.memory_space<hbm>> -> memref<128x8x128xf32, #tpu.memory_space<hbm>>
        %dma_wait3A_1555 = arith.constant 0 : i32
        %dma_wait3A_1556 = arith.constant 0 : i32
        %dma_wait3A_1557 = tpu.memref_slice %dma_wait3A_1554[%mul3A_2, %dma_wait3A_1555, %dma_wait3A_1556] : memref<128x8x128xf32, #tpu.memory_space<hbm>> -> memref<2x8x128xf32, #tpu.memory_space<hbm>>
        %dma_wait3A_1558 = arith.constant 0 : i32
        %dma_wait3A_1559 = arith.constant 0 : i32
        %dma_wait3A_1560 = arith.constant 0 : i32
        %dma_wait3A_1561 = tpu.memref_slice %arg7[%dma_wait3A_1530, %dma_wait3A_1558, %dma_wait3A_1559, %dma_wait3A_1560] : memref<2x2x64x129xf32, #tpu.memory_space<vmem>> -> memref<1x2x64x129xf32, #tpu.memory_space<vmem>>
        %dma_wait3A_1562 = tpu.memref_squeeze %dma_wait3A_1561 : memref<1x2x64x129xf32, #tpu.memory_space<vmem>> -> memref<2x64x129xf32, #tpu.memory_space<vmem>>
        %dma_wait3A_1563 = arith.constant 0 : i32
        %dma_wait3A_1564 = arith.constant 24 : i32
        %dma_wait3A_1565 = arith.constant 0 : i32
        %dma_wait3A_1566 = tpu.memref_slice %dma_wait3A_1562[%dma_wait3A_1563, %dma_wait3A_1564, %dma_wait3A_1565] : memref<2x64x129xf32, #tpu.memory_space<vmem>> -> memref<2x8x128xf32, #tpu.memory_space<vmem>>
        tpu.wait_dma2 semaphore(%arg10 : memref<!tpu.dma_semaphore, #tpu.memory_space<semaphore_mem>>) src(%dma_wait3A_1566 : memref<2x8x128xf32, #tpu.memory_space<vmem>>) dst(%dma_wait3A_1557 : memref<2x8x128xf32, #tpu.memory_space<hbm>>)
        %dma_wait3A_1567 = arith.constant 0 : i32
        %dma_wait3A_1568 = arith.constant 0 : i32
        %dma_wait3A_1569 = arith.constant 4 : i32
        %dma_wait3A_1570 = arith.constant 0 : i32
        %dma_wait3A_1571 = arith.constant 0 : i32
        %dma_wait3A_1572 = arith.constant 0 : i32
        %dma_wait3A_1573 = tpu.memref_slice %arg7[%dma_wait3A_1567, %dma_wait3A_1570, %dma_wait3A_1571, %dma_wait3A_1572] : memref<2x2x64x129xf32, #tpu.memory_space<vmem>> -> memref<1x2x64x129xf32, #tpu.memory_space<vmem>>
        %dma_wait3A_1574 = tpu.memref_squeeze %dma_wait3A_1573 : memref<1x2x64x129xf32, #tpu.memory_space<vmem>> -> memref<2x64x129xf32, #tpu.memory_space<vmem>>
        %dma_wait3A_1575 = arith.constant 0 : i32
        %dma_wait3A_1576 = arith.constant 32 : i32
        %dma_wait3A_1577 = arith.constant 0 : i32
        %dma_wait3A_1578 = tpu.memref_slice %dma_wait3A_1574[%dma_wait3A_1575, %dma_wait3A_1576, %dma_wait3A_1577] : memref<2x64x129xf32, #tpu.memory_space<vmem>> -> memref<2x8x128xf32, #tpu.memory_space<vmem>>
        %dma_wait3A_1579 = arith.constant 0 : i32
        %dma_wait3A_1580 = arith.constant 0 : i32
        %dma_wait3A_1581 = arith.constant 0 : i32
        %dma_wait3A_1582 = tpu.memref_slice %arg4[%dma_wait3A_1568, %dma_wait3A_1569, %dma_wait3A_1579, %dma_wait3A_1580, %dma_wait3A_1581] : memref<50x8x128x8x128xf32, #tpu.memory_space<hbm>> -> memref<1x1x128x8x128xf32, #tpu.memory_space<hbm>>
        %dma_wait3A_1583 = tpu.memref_squeeze %dma_wait3A_1582 : memref<1x1x128x8x128xf32, #tpu.memory_space<hbm>> -> memref<128x8x128xf32, #tpu.memory_space<hbm>>
        %dma_wait3A_1584 = arith.constant 0 : i32
        %dma_wait3A_1585 = arith.constant 0 : i32
        %dma_wait3A_1586 = tpu.memref_slice %dma_wait3A_1583[%mul3A_2, %dma_wait3A_1584, %dma_wait3A_1585] : memref<128x8x128xf32, #tpu.memory_space<hbm>> -> memref<2x8x128xf32, #tpu.memory_space<hbm>>
        %dma_wait3A_1587 = arith.constant 0 : i32
        %dma_wait3A_1588 = arith.constant 0 : i32
        %dma_wait3A_1589 = arith.constant 0 : i32
        %dma_wait3A_1590 = tpu.memref_slice %arg4[%dma_wait3A_1568, %dma_wait3A_1569, %dma_wait3A_1587, %dma_wait3A_1588, %dma_wait3A_1589] : memref<50x8x128x8x128xf32, #tpu.memory_space<hbm>> -> memref<1x1x128x8x128xf32, #tpu.memory_space<hbm>>
        %dma_wait3A_1591 = tpu.memref_squeeze %dma_wait3A_1590 : memref<1x1x128x8x128xf32, #tpu.memory_space<hbm>> -> memref<128x8x128xf32, #tpu.memory_space<hbm>>
        %dma_wait3A_1592 = arith.constant 0 : i32
        %dma_wait3A_1593 = arith.constant 0 : i32
        %dma_wait3A_1594 = tpu.memref_slice %dma_wait3A_1591[%mul3A_2, %dma_wait3A_1592, %dma_wait3A_1593] : memref<128x8x128xf32, #tpu.memory_space<hbm>> -> memref<2x8x128xf32, #tpu.memory_space<hbm>>
        %dma_wait3A_1595 = arith.constant 0 : i32
        %dma_wait3A_1596 = arith.constant 0 : i32
        %dma_wait3A_1597 = arith.constant 0 : i32
        %dma_wait3A_1598 = tpu.memref_slice %arg7[%dma_wait3A_1567, %dma_wait3A_1595, %dma_wait3A_1596, %dma_wait3A_1597] : memref<2x2x64x129xf32, #tpu.memory_space<vmem>> -> memref<1x2x64x129xf32, #tpu.memory_space<vmem>>
        %dma_wait3A_1599 = tpu.memref_squeeze %dma_wait3A_1598 : memref<1x2x64x129xf32, #tpu.memory_space<vmem>> -> memref<2x64x129xf32, #tpu.memory_space<vmem>>
        %dma_wait3A_1600 = arith.constant 0 : i32
        %dma_wait3A_1601 = arith.constant 32 : i32
        %dma_wait3A_1602 = arith.constant 0 : i32
        %dma_wait3A_1603 = tpu.memref_slice %dma_wait3A_1599[%dma_wait3A_1600, %dma_wait3A_1601, %dma_wait3A_1602] : memref<2x64x129xf32, #tpu.memory_space<vmem>> -> memref<2x8x128xf32, #tpu.memory_space<vmem>>
        tpu.wait_dma2 semaphore(%arg10 : memref<!tpu.dma_semaphore, #tpu.memory_space<semaphore_mem>>) src(%dma_wait3A_1603 : memref<2x8x128xf32, #tpu.memory_space<vmem>>) dst(%dma_wait3A_1594 : memref<2x8x128xf32, #tpu.memory_space<hbm>>)
        %dma_wait3A_1604 = arith.constant 0 : i32
        %dma_wait3A_1605 = arith.constant 0 : i32
        %dma_wait3A_1606 = arith.constant 5 : i32
        %dma_wait3A_1607 = arith.constant 0 : i32
        %dma_wait3A_1608 = arith.constant 0 : i32
        %dma_wait3A_1609 = arith.constant 0 : i32
        %dma_wait3A_1610 = tpu.memref_slice %arg7[%dma_wait3A_1604, %dma_wait3A_1607, %dma_wait3A_1608, %dma_wait3A_1609] : memref<2x2x64x129xf32, #tpu.memory_space<vmem>> -> memref<1x2x64x129xf32, #tpu.memory_space<vmem>>
        %dma_wait3A_1611 = tpu.memref_squeeze %dma_wait3A_1610 : memref<1x2x64x129xf32, #tpu.memory_space<vmem>> -> memref<2x64x129xf32, #tpu.memory_space<vmem>>
        %dma_wait3A_1612 = arith.constant 0 : i32
        %dma_wait3A_1613 = arith.constant 40 : i32
        %dma_wait3A_1614 = arith.constant 0 : i32
        %dma_wait3A_1615 = tpu.memref_slice %dma_wait3A_1611[%dma_wait3A_1612, %dma_wait3A_1613, %dma_wait3A_1614] : memref<2x64x129xf32, #tpu.memory_space<vmem>> -> memref<2x8x128xf32, #tpu.memory_space<vmem>>
        %dma_wait3A_1616 = arith.constant 0 : i32
        %dma_wait3A_1617 = arith.constant 0 : i32
        %dma_wait3A_1618 = arith.constant 0 : i32
        %dma_wait3A_1619 = tpu.memref_slice %arg4[%dma_wait3A_1605, %dma_wait3A_1606, %dma_wait3A_1616, %dma_wait3A_1617, %dma_wait3A_1618] : memref<50x8x128x8x128xf32, #tpu.memory_space<hbm>> -> memref<1x1x128x8x128xf32, #tpu.memory_space<hbm>>
        %dma_wait3A_1620 = tpu.memref_squeeze %dma_wait3A_1619 : memref<1x1x128x8x128xf32, #tpu.memory_space<hbm>> -> memref<128x8x128xf32, #tpu.memory_space<hbm>>
        %dma_wait3A_1621 = arith.constant 0 : i32
        %dma_wait3A_1622 = arith.constant 0 : i32
        %dma_wait3A_1623 = tpu.memref_slice %dma_wait3A_1620[%mul3A_2, %dma_wait3A_1621, %dma_wait3A_1622] : memref<128x8x128xf32, #tpu.memory_space<hbm>> -> memref<2x8x128xf32, #tpu.memory_space<hbm>>
        %dma_wait3A_1624 = arith.constant 0 : i32
        %dma_wait3A_1625 = arith.constant 0 : i32
        %dma_wait3A_1626 = arith.constant 0 : i32
        %dma_wait3A_1627 = tpu.memref_slice %arg4[%dma_wait3A_1605, %dma_wait3A_1606, %dma_wait3A_1624, %dma_wait3A_1625, %dma_wait3A_1626] : memref<50x8x128x8x128xf32, #tpu.memory_space<hbm>> -> memref<1x1x128x8x128xf32, #tpu.memory_space<hbm>>
        %dma_wait3A_1628 = tpu.memref_squeeze %dma_wait3A_1627 : memref<1x1x128x8x128xf32, #tpu.memory_space<hbm>> -> memref<128x8x128xf32, #tpu.memory_space<hbm>>
        %dma_wait3A_1629 = arith.constant 0 : i32
        %dma_wait3A_1630 = arith.constant 0 : i32
        %dma_wait3A_1631 = tpu.memref_slice %dma_wait3A_1628[%mul3A_2, %dma_wait3A_1629, %dma_wait3A_1630] : memref<128x8x128xf32, #tpu.memory_space<hbm>> -> memref<2x8x128xf32, #tpu.memory_space<hbm>>
        %dma_wait3A_1632 = arith.constant 0 : i32
        %dma_wait3A_1633 = arith.constant 0 : i32
        %dma_wait3A_1634 = arith.constant 0 : i32
        %dma_wait3A_1635 = tpu.memref_slice %arg7[%dma_wait3A_1604, %dma_wait3A_1632, %dma_wait3A_1633, %dma_wait3A_1634] : memref<2x2x64x129xf32, #tpu.memory_space<vmem>> -> memref<1x2x64x129xf32, #tpu.memory_space<vmem>>
        %dma_wait3A_1636 = tpu.memref_squeeze %dma_wait3A_1635 : memref<1x2x64x129xf32, #tpu.memory_space<vmem>> -> memref<2x64x129xf32, #tpu.memory_space<vmem>>
        %dma_wait3A_1637 = arith.constant 0 : i32
        %dma_wait3A_1638 = arith.constant 40 : i32
        %dma_wait3A_1639 = arith.constant 0 : i32
        %dma_wait3A_1640 = tpu.memref_slice %dma_wait3A_1636[%dma_wait3A_1637, %dma_wait3A_1638, %dma_wait3A_1639] : memref<2x64x129xf32, #tpu.memory_space<vmem>> -> memref<2x8x128xf32, #tpu.memory_space<vmem>>
        tpu.wait_dma2 semaphore(%arg10 : memref<!tpu.dma_semaphore, #tpu.memory_space<semaphore_mem>>) src(%dma_wait3A_1640 : memref<2x8x128xf32, #tpu.memory_space<vmem>>) dst(%dma_wait3A_1631 : memref<2x8x128xf32, #tpu.memory_space<hbm>>)
        %dma_wait3A_1641 = arith.constant 0 : i32
        %dma_wait3A_1642 = arith.constant 0 : i32
        %dma_wait3A_1643 = arith.constant 6 : i32
        %dma_wait3A_1644 = arith.constant 0 : i32
        %dma_wait3A_1645 = arith.constant 0 : i32
        %dma_wait3A_1646 = arith.constant 0 : i32
        %dma_wait3A_1647 = tpu.memref_slice %arg7[%dma_wait3A_1641, %dma_wait3A_1644, %dma_wait3A_1645, %dma_wait3A_1646] : memref<2x2x64x129xf32, #tpu.memory_space<vmem>> -> memref<1x2x64x129xf32, #tpu.memory_space<vmem>>
        %dma_wait3A_1648 = tpu.memref_squeeze %dma_wait3A_1647 : memref<1x2x64x129xf32, #tpu.memory_space<vmem>> -> memref<2x64x129xf32, #tpu.memory_space<vmem>>
        %dma_wait3A_1649 = arith.constant 0 : i32
        %dma_wait3A_1650 = arith.constant 48 : i32
        %dma_wait3A_1651 = arith.constant 0 : i32
        %dma_wait3A_1652 = tpu.memref_slice %dma_wait3A_1648[%dma_wait3A_1649, %dma_wait3A_1650, %dma_wait3A_1651] : memref<2x64x129xf32, #tpu.memory_space<vmem>> -> memref<2x8x128xf32, #tpu.memory_space<vmem>>
        %dma_wait3A_1653 = arith.constant 0 : i32
        %dma_wait3A_1654 = arith.constant 0 : i32
        %dma_wait3A_1655 = arith.constant 0 : i32
        %dma_wait3A_1656 = tpu.memref_slice %arg4[%dma_wait3A_1642, %dma_wait3A_1643, %dma_wait3A_1653, %dma_wait3A_1654, %dma_wait3A_1655] : memref<50x8x128x8x128xf32, #tpu.memory_space<hbm>> -> memref<1x1x128x8x128xf32, #tpu.memory_space<hbm>>
        %dma_wait3A_1657 = tpu.memref_squeeze %dma_wait3A_1656 : memref<1x1x128x8x128xf32, #tpu.memory_space<hbm>> -> memref<128x8x128xf32, #tpu.memory_space<hbm>>
        %dma_wait3A_1658 = arith.constant 0 : i32
        %dma_wait3A_1659 = arith.constant 0 : i32
        %dma_wait3A_1660 = tpu.memref_slice %dma_wait3A_1657[%mul3A_2, %dma_wait3A_1658, %dma_wait3A_1659] : memref<128x8x128xf32, #tpu.memory_space<hbm>> -> memref<2x8x128xf32, #tpu.memory_space<hbm>>
        %dma_wait3A_1661 = arith.constant 0 : i32
        %dma_wait3A_1662 = arith.constant 0 : i32
        %dma_wait3A_1663 = arith.constant 0 : i32
        %dma_wait3A_1664 = tpu.memref_slice %arg4[%dma_wait3A_1642, %dma_wait3A_1643, %dma_wait3A_1661, %dma_wait3A_1662, %dma_wait3A_1663] : memref<50x8x128x8x128xf32, #tpu.memory_space<hbm>> -> memref<1x1x128x8x128xf32, #tpu.memory_space<hbm>>
        %dma_wait3A_1665 = tpu.memref_squeeze %dma_wait3A_1664 : memref<1x1x128x8x128xf32, #tpu.memory_space<hbm>> -> memref<128x8x128xf32, #tpu.memory_space<hbm>>
        %dma_wait3A_1666 = arith.constant 0 : i32
        %dma_wait3A_1667 = arith.constant 0 : i32
        %dma_wait3A_1668 = tpu.memref_slice %dma_wait3A_1665[%mul3A_2, %dma_wait3A_1666, %dma_wait3A_1667] : memref<128x8x128xf32, #tpu.memory_space<hbm>> -> memref<2x8x128xf32, #tpu.memory_space<hbm>>
        %dma_wait3A_1669 = arith.constant 0 : i32
        %dma_wait3A_1670 = arith.constant 0 : i32
        %dma_wait3A_1671 = arith.constant 0 : i32
        %dma_wait3A_1672 = tpu.memref_slice %arg7[%dma_wait3A_1641, %dma_wait3A_1669, %dma_wait3A_1670, %dma_wait3A_1671] : memref<2x2x64x129xf32, #tpu.memory_space<vmem>> -> memref<1x2x64x129xf32, #tpu.memory_space<vmem>>
        %dma_wait3A_1673 = tpu.memref_squeeze %dma_wait3A_1672 : memref<1x2x64x129xf32, #tpu.memory_space<vmem>> -> memref<2x64x129xf32, #tpu.memory_space<vmem>>
        %dma_wait3A_1674 = arith.constant 0 : i32
        %dma_wait3A_1675 = arith.constant 48 : i32
        %dma_wait3A_1676 = arith.constant 0 : i32
        %dma_wait3A_1677 = tpu.memref_slice %dma_wait3A_1673[%dma_wait3A_1674, %dma_wait3A_1675, %dma_wait3A_1676] : memref<2x64x129xf32, #tpu.memory_space<vmem>> -> memref<2x8x128xf32, #tpu.memory_space<vmem>>
        tpu.wait_dma2 semaphore(%arg10 : memref<!tpu.dma_semaphore, #tpu.memory_space<semaphore_mem>>) src(%dma_wait3A_1677 : memref<2x8x128xf32, #tpu.memory_space<vmem>>) dst(%dma_wait3A_1668 : memref<2x8x128xf32, #tpu.memory_space<hbm>>)
        %dma_wait3A_1678 = arith.constant 0 : i32
        %dma_wait3A_1679 = arith.constant 0 : i32
        %dma_wait3A_1680 = arith.constant 7 : i32
        %dma_wait3A_1681 = arith.constant 0 : i32
        %dma_wait3A_1682 = arith.constant 0 : i32
        %dma_wait3A_1683 = arith.constant 0 : i32
        %dma_wait3A_1684 = tpu.memref_slice %arg7[%dma_wait3A_1678, %dma_wait3A_1681, %dma_wait3A_1682, %dma_wait3A_1683] : memref<2x2x64x129xf32, #tpu.memory_space<vmem>> -> memref<1x2x64x129xf32, #tpu.memory_space<vmem>>
        %dma_wait3A_1685 = tpu.memref_squeeze %dma_wait3A_1684 : memref<1x2x64x129xf32, #tpu.memory_space<vmem>> -> memref<2x64x129xf32, #tpu.memory_space<vmem>>
        %dma_wait3A_1686 = arith.constant 0 : i32
        %dma_wait3A_1687 = arith.constant 56 : i32
        %dma_wait3A_1688 = arith.constant 0 : i32
        %dma_wait3A_1689 = tpu.memref_slice %dma_wait3A_1685[%dma_wait3A_1686, %dma_wait3A_1687, %dma_wait3A_1688] : memref<2x64x129xf32, #tpu.memory_space<vmem>> -> memref<2x8x128xf32, #tpu.memory_space<vmem>>
        %dma_wait3A_1690 = arith.constant 0 : i32
        %dma_wait3A_1691 = arith.constant 0 : i32
        %dma_wait3A_1692 = arith.constant 0 : i32
        %dma_wait3A_1693 = tpu.memref_slice %arg4[%dma_wait3A_1679, %dma_wait3A_1680, %dma_wait3A_1690, %dma_wait3A_1691, %dma_wait3A_1692] : memref<50x8x128x8x128xf32, #tpu.memory_space<hbm>> -> memref<1x1x128x8x128xf32, #tpu.memory_space<hbm>>
        %dma_wait3A_1694 = tpu.memref_squeeze %dma_wait3A_1693 : memref<1x1x128x8x128xf32, #tpu.memory_space<hbm>> -> memref<128x8x128xf32, #tpu.memory_space<hbm>>
        %dma_wait3A_1695 = arith.constant 0 : i32
        %dma_wait3A_1696 = arith.constant 0 : i32
        %dma_wait3A_1697 = tpu.memref_slice %dma_wait3A_1694[%mul3A_2, %dma_wait3A_1695, %dma_wait3A_1696] : memref<128x8x128xf32, #tpu.memory_space<hbm>> -> memref<2x8x128xf32, #tpu.memory_space<hbm>>
        %dma_wait3A_1698 = arith.constant 0 : i32
        %dma_wait3A_1699 = arith.constant 0 : i32
        %dma_wait3A_1700 = arith.constant 0 : i32
        %dma_wait3A_1701 = tpu.memref_slice %arg4[%dma_wait3A_1679, %dma_wait3A_1680, %dma_wait3A_1698, %dma_wait3A_1699, %dma_wait3A_1700] : memref<50x8x128x8x128xf32, #tpu.memory_space<hbm>> -> memref<1x1x128x8x128xf32, #tpu.memory_space<hbm>>
        %dma_wait3A_1702 = tpu.memref_squeeze %dma_wait3A_1701 : memref<1x1x128x8x128xf32, #tpu.memory_space<hbm>> -> memref<128x8x128xf32, #tpu.memory_space<hbm>>
        %dma_wait3A_1703 = arith.constant 0 : i32
        %dma_wait3A_1704 = arith.constant 0 : i32
        %dma_wait3A_1705 = tpu.memref_slice %dma_wait3A_1702[%mul3A_2, %dma_wait3A_1703, %dma_wait3A_1704] : memref<128x8x128xf32, #tpu.memory_space<hbm>> -> memref<2x8x128xf32, #tpu.memory_space<hbm>>
        %dma_wait3A_1706 = arith.constant 0 : i32
        %dma_wait3A_1707 = arith.constant 0 : i32
        %dma_wait3A_1708 = arith.constant 0 : i32
        %dma_wait3A_1709 = tpu.memref_slice %arg7[%dma_wait3A_1678, %dma_wait3A_1706, %dma_wait3A_1707, %dma_wait3A_1708] : memref<2x2x64x129xf32, #tpu.memory_space<vmem>> -> memref<1x2x64x129xf32, #tpu.memory_space<vmem>>
        %dma_wait3A_1710 = tpu.memref_squeeze %dma_wait3A_1709 : memref<1x2x64x129xf32, #tpu.memory_space<vmem>> -> memref<2x64x129xf32, #tpu.memory_space<vmem>>
        %dma_wait3A_1711 = arith.constant 0 : i32
        %dma_wait3A_1712 = arith.constant 56 : i32
        %dma_wait3A_1713 = arith.constant 0 : i32
        %dma_wait3A_1714 = tpu.memref_slice %dma_wait3A_1710[%dma_wait3A_1711, %dma_wait3A_1712, %dma_wait3A_1713] : memref<2x64x129xf32, #tpu.memory_space<vmem>> -> memref<2x8x128xf32, #tpu.memory_space<vmem>>
        tpu.wait_dma2 semaphore(%arg10 : memref<!tpu.dma_semaphore, #tpu.memory_space<semaphore_mem>>) src(%dma_wait3A_1714 : memref<2x8x128xf32, #tpu.memory_space<vmem>>) dst(%dma_wait3A_1705 : memref<2x8x128xf32, #tpu.memory_space<hbm>>)
      } else {
      }
      %add3A_694 = arith.constant 0 : i32
      %add3A_695 = vector.broadcast %add3A_694 : i32 to vector<16xi32>
      %add3A_696 = arith.addi %mul3A_19, %add3A_695 : vector<16xi32>
      %parallel_loop3A = arith.constant 0 : i32
      %parallel_loop3A_697 = arith.constant 128 : i32
      %parallel_loop3A_698 = arith.constant 1 : i32
      scf.for %parallel_loop3A_1419 = %parallel_loop3A to %parallel_loop3A_697 step %parallel_loop3A_698  : i32 {
        %parallel_loop3A_1420 = vector.broadcast %parallel_loop3A_1419 : i32 to vector<16xi32>
        %parallel_loop3A_1421 = arith.addi %mul3A_19, %parallel_loop3A_1420 : vector<16xi32>
        %parallel_loop3A_1422 = arith.constant 0 : i32
        %parallel_loop3A_1423 = arith.addi %parallel_loop3A_1422, %parallel_loop3A_1419 : i32
        %parallel_loop3A_1424 = arith.constant 0 : i32
        %parallel_loop3A_1425 = arith.index_cast %parallel_loop3A_1424 : i32 to index
        %parallel_loop3A_1426 = arith.index_cast %parallel_loop3A_1423 : i32 to index
        %parallel_loop3A_1427 = arith.constant 0 : index
        %parallel_loop3A_1428 = tpu.vector_load %arg6[%parallel_loop3A_1425, %parallel_loop3A_1426, %parallel_loop3A_1427] {strides = array<i32>} : memref<2x256x64xf32, #tpu.memory_space<vmem>>, vector<16xf32>,
        %parallel_loop3A_1429 = arith.constant 0 : i32
        %parallel_loop3A_1430 = arith.constant 0 : i32
        %parallel_loop3A_1431 = arith.constant 0 : i32
        %parallel_loop3A_1432 = arith.constant 0 : i32
        %parallel_loop3A_1433 = tpu.memref_slice %arg7[%parallel_loop3A_1429, %parallel_loop3A_1430, %parallel_loop3A_1431, %parallel_loop3A_1432] : memref<2x2x64x129xf32, #tpu.memory_space<vmem>> -> memref<1x2x64x129xf32, #tpu.memory_space<vmem>>
        %parallel_loop3A_1434 = tpu.memref_squeeze %parallel_loop3A_1433 : memref<1x2x64x129xf32, #tpu.memory_space<vmem>> -> memref<2x64x129xf32, #tpu.memory_space<vmem>>
        tpu.vector_store_idx %parallel_loop3A_1434[%add3A_696, %add3A_7, %parallel_loop3A_1421], %parallel_loop3A_1428 : memref<2x64x129xf32, #tpu.memory_space<vmem>>[vector<16xi32>, vector<16xi32>, vector<16xi32>], vector<16xf32>,
        %parallel_loop3A_1435 = arith.constant 0 : i32
        %parallel_loop3A_1436 = arith.addi %parallel_loop3A_1435, %parallel_loop3A_1419 : i32
        %parallel_loop3A_1437 = arith.constant 0 : i32
        %parallel_loop3A_1438 = arith.index_cast %parallel_loop3A_1437 : i32 to index
        %parallel_loop3A_1439 = arith.index_cast %parallel_loop3A_1436 : i32 to index
        %parallel_loop3A_1440 = arith.constant 16 : index
        %parallel_loop3A_1441 = tpu.vector_load %arg6[%parallel_loop3A_1438, %parallel_loop3A_1439, %parallel_loop3A_1440] {strides = array<i32>} : memref<2x256x64xf32, #tpu.memory_space<vmem>>, vector<16xf32>,
        %parallel_loop3A_1442 = arith.constant 0 : i32
        %parallel_loop3A_1443 = arith.constant 0 : i32
        %parallel_loop3A_1444 = arith.constant 0 : i32
        %parallel_loop3A_1445 = arith.constant 0 : i32
        %parallel_loop3A_1446 = tpu.memref_slice %arg7[%parallel_loop3A_1442, %parallel_loop3A_1443, %parallel_loop3A_1444, %parallel_loop3A_1445] : memref<2x2x64x129xf32, #tpu.memory_space<vmem>> -> memref<1x2x64x129xf32, #tpu.memory_space<vmem>>
        %parallel_loop3A_1447 = tpu.memref_squeeze %parallel_loop3A_1446 : memref<1x2x64x129xf32, #tpu.memory_space<vmem>> -> memref<2x64x129xf32, #tpu.memory_space<vmem>>
        tpu.vector_store_idx %parallel_loop3A_1447[%add3A_696, %add3A_10, %parallel_loop3A_1421], %parallel_loop3A_1441 : memref<2x64x129xf32, #tpu.memory_space<vmem>>[vector<16xi32>, vector<16xi32>, vector<16xi32>], vector<16xf32>,
        %parallel_loop3A_1448 = arith.constant 0 : i32
        %parallel_loop3A_1449 = arith.addi %parallel_loop3A_1448, %parallel_loop3A_1419 : i32
        %parallel_loop3A_1450 = arith.constant 0 : i32
        %parallel_loop3A_1451 = arith.index_cast %parallel_loop3A_1450 : i32 to index
        %parallel_loop3A_1452 = arith.index_cast %parallel_loop3A_1449 : i32 to index
        %parallel_loop3A_1453 = arith.constant 32 : index
        %parallel_loop3A_1454 = tpu.vector_load %arg6[%parallel_loop3A_1451, %parallel_loop3A_1452, %parallel_loop3A_1453] {strides = array<i32>} : memref<2x256x64xf32, #tpu.memory_space<vmem>>, vector<16xf32>,
        %parallel_loop3A_1455 = arith.constant 0 : i32
        %parallel_loop3A_1456 = arith.constant 0 : i32
        %parallel_loop3A_1457 = arith.constant 0 : i32
        %parallel_loop3A_1458 = arith.constant 0 : i32
        %parallel_loop3A_1459 = tpu.memref_slice %arg7[%parallel_loop3A_1455, %parallel_loop3A_1456, %parallel_loop3A_1457, %parallel_loop3A_1458] : memref<2x2x64x129xf32, #tpu.memory_space<vmem>> -> memref<1x2x64x129xf32, #tpu.memory_space<vmem>>
        %parallel_loop3A_1460 = tpu.memref_squeeze %parallel_loop3A_1459 : memref<1x2x64x129xf32, #tpu.memory_space<vmem>> -> memref<2x64x129xf32, #tpu.memory_space<vmem>>
        tpu.vector_store_idx %parallel_loop3A_1460[%add3A_696, %add3A_13, %parallel_loop3A_1421], %parallel_loop3A_1454 : memref<2x64x129xf32, #tpu.memory_space<vmem>>[vector<16xi32>, vector<16xi32>, vector<16xi32>], vector<16xf32>,
        %parallel_loop3A_1461 = arith.constant 0 : i32
        %parallel_loop3A_1462 = arith.addi %parallel_loop3A_1461, %parallel_loop3A_1419 : i32
        %parallel_loop3A_1463 = arith.constant 0 : i32
        %parallel_loop3A_1464 = arith.index_cast %parallel_loop3A_1463 : i32 to index
        %parallel_loop3A_1465 = arith.index_cast %parallel_loop3A_1462 : i32 to index
        %parallel_loop3A_1466 = arith.constant 48 : index
        %parallel_loop3A_1467 = tpu.vector_load %arg6[%parallel_loop3A_1464, %parallel_loop3A_1465, %parallel_loop3A_1466] {strides = array<i32>} : memref<2x256x64xf32, #tpu.memory_space<vmem>>, vector<16xf32>,
        %parallel_loop3A_1468 = arith.constant 0 : i32
        %parallel_loop3A_1469 = arith.constant 0 : i32
        %parallel_loop3A_1470 = arith.constant 0 : i32
        %parallel_loop3A_1471 = arith.constant 0 : i32
        %parallel_loop3A_1472 = tpu.memref_slice %arg7[%parallel_loop3A_1468, %parallel_loop3A_1469, %parallel_loop3A_1470, %parallel_loop3A_1471] : memref<2x2x64x129xf32, #tpu.memory_space<vmem>> -> memref<1x2x64x129xf32, #tpu.memory_space<vmem>>
        %parallel_loop3A_1473 = tpu.memref_squeeze %parallel_loop3A_1472 : memref<1x2x64x129xf32, #tpu.memory_space<vmem>> -> memref<2x64x129xf32, #tpu.memory_space<vmem>>
        tpu.vector_store_idx %parallel_loop3A_1473[%add3A_696, %add3A_16, %parallel_loop3A_1421], %parallel_loop3A_1467 : memref<2x64x129xf32, #tpu.memory_space<vmem>>[vector<16xi32>, vector<16xi32>, vector<16xi32>], vector<16xf32>,
      } {sc.loop_unroll_factor = 8 : i64, sc.parallel_access}
      %add3A_699 = arith.constant 1 : i32
      %add3A_700 = vector.broadcast %add3A_699 : i32 to vector<16xi32>
      %add3A_701 = arith.addi %mul3A_19, %add3A_700 : vector<16xi32>
      %parallel_loop3A_702 = arith.constant 0 : i32
      %parallel_loop3A_703 = arith.constant 128 : i32
      %parallel_loop3A_704 = arith.constant 1 : i32
      scf.for %parallel_loop3A_1419 = %parallel_loop3A_702 to %parallel_loop3A_703 step %parallel_loop3A_704  : i32 {
        %parallel_loop3A_1420 = vector.broadcast %parallel_loop3A_1419 : i32 to vector<16xi32>
        %parallel_loop3A_1421 = arith.addi %mul3A_19, %parallel_loop3A_1420 : vector<16xi32>
        %parallel_loop3A_1422 = arith.constant 128 : i32
        %parallel_loop3A_1423 = arith.addi %parallel_loop3A_1422, %parallel_loop3A_1419 : i32
        %parallel_loop3A_1424 = arith.constant 0 : i32
        %parallel_loop3A_1425 = arith.index_cast %parallel_loop3A_1424 : i32 to index
        %parallel_loop3A_1426 = arith.index_cast %parallel_loop3A_1423 : i32 to index
        %parallel_loop3A_1427 = arith.constant 0 : index
        %parallel_loop3A_1428 = tpu.vector_load %arg6[%parallel_loop3A_1425, %parallel_loop3A_1426, %parallel_loop3A_1427] {strides = array<i32>} : memref<2x256x64xf32, #tpu.memory_space<vmem>>, vector<16xf32>,
        %parallel_loop3A_1429 = arith.constant 0 : i32
        %parallel_loop3A_1430 = arith.constant 0 : i32
        %parallel_loop3A_1431 = arith.constant 0 : i32
        %parallel_loop3A_1432 = arith.constant 0 : i32
        %parallel_loop3A_1433 = tpu.memref_slice %arg7[%parallel_loop3A_1429, %parallel_loop3A_1430, %parallel_loop3A_1431, %parallel_loop3A_1432] : memref<2x2x64x129xf32, #tpu.memory_space<vmem>> -> memref<1x2x64x129xf32, #tpu.memory_space<vmem>>
        %parallel_loop3A_1434 = tpu.memref_squeeze %parallel_loop3A_1433 : memref<1x2x64x129xf32, #tpu.memory_space<vmem>> -> memref<2x64x129xf32, #tpu.memory_space<vmem>>
        tpu.vector_store_idx %parallel_loop3A_1434[%add3A_701, %add3A_7, %parallel_loop3A_1421], %parallel_loop3A_1428 : memref<2x64x129xf32, #tpu.memory_space<vmem>>[vector<16xi32>, vector<16xi32>, vector<16xi32>], vector<16xf32>,
        %parallel_loop3A_1435 = arith.constant 128 : i32
        %parallel_loop3A_1436 = arith.addi %parallel_loop3A_1435, %parallel_loop3A_1419 : i32
        %parallel_loop3A_1437 = arith.constant 0 : i32
        %parallel_loop3A_1438 = arith.index_cast %parallel_loop3A_1437 : i32 to index
        %parallel_loop3A_1439 = arith.index_cast %parallel_loop3A_1436 : i32 to index
        %parallel_loop3A_1440 = arith.constant 16 : index
        %parallel_loop3A_1441 = tpu.vector_load %arg6[%parallel_loop3A_1438, %parallel_loop3A_1439, %parallel_loop3A_1440] {strides = array<i32>} : memref<2x256x64xf32, #tpu.memory_space<vmem>>, vector<16xf32>,
        %parallel_loop3A_1442 = arith.constant 0 : i32
        %parallel_loop3A_1443 = arith.constant 0 : i32
        %parallel_loop3A_1444 = arith.constant 0 : i32
        %parallel_loop3A_1445 = arith.constant 0 : i32
        %parallel_loop3A_1446 = tpu.memref_slice %arg7[%parallel_loop3A_1442, %parallel_loop3A_1443, %parallel_loop3A_1444, %parallel_loop3A_1445] : memref<2x2x64x129xf32, #tpu.memory_space<vmem>> -> memref<1x2x64x129xf32, #tpu.memory_space<vmem>>
        %parallel_loop3A_1447 = tpu.memref_squeeze %parallel_loop3A_1446 : memref<1x2x64x129xf32, #tpu.memory_space<vmem>> -> memref<2x64x129xf32, #tpu.memory_space<vmem>>
        tpu.vector_store_idx %parallel_loop3A_1447[%add3A_701, %add3A_10, %parallel_loop3A_1421], %parallel_loop3A_1441 : memref<2x64x129xf32, #tpu.memory_space<vmem>>[vector<16xi32>, vector<16xi32>, vector<16xi32>], vector<16xf32>,
        %parallel_loop3A_1448 = arith.constant 128 : i32
        %parallel_loop3A_1449 = arith.addi %parallel_loop3A_1448, %parallel_loop3A_1419 : i32
        %parallel_loop3A_1450 = arith.constant 0 : i32
        %parallel_loop3A_1451 = arith.index_cast %parallel_loop3A_1450 : i32 to index
        %parallel_loop3A_1452 = arith.index_cast %parallel_loop3A_1449 : i32 to index
        %parallel_loop3A_1453 = arith.constant 32 : index
        %parallel_loop3A_1454 = tpu.vector_load %arg6[%parallel_loop3A_1451, %parallel_loop3A_1452, %parallel_loop3A_1453] {strides = array<i32>} : memref<2x256x64xf32, #tpu.memory_space<vmem>>, vector<16xf32>,
        %parallel_loop3A_1455 = arith.constant 0 : i32
        %parallel_loop3A_1456 = arith.constant 0 : i32
        %parallel_loop3A_1457 = arith.constant 0 : i32
        %parallel_loop3A_1458 = arith.constant 0 : i32
        %parallel_loop3A_1459 = tpu.memref_slice %arg7[%parallel_loop3A_1455, %parallel_loop3A_1456, %parallel_loop3A_1457, %parallel_loop3A_1458] : memref<2x2x64x129xf32, #tpu.memory_space<vmem>> -> memref<1x2x64x129xf32, #tpu.memory_space<vmem>>
        %parallel_loop3A_1460 = tpu.memref_squeeze %parallel_loop3A_1459 : memref<1x2x64x129xf32, #tpu.memory_space<vmem>> -> memref<2x64x129xf32, #tpu.memory_space<vmem>>
        tpu.vector_store_idx %parallel_loop3A_1460[%add3A_701, %add3A_13, %parallel_loop3A_1421], %parallel_loop3A_1454 : memref<2x64x129xf32, #tpu.memory_space<vmem>>[vector<16xi32>, vector<16xi32>, vector<16xi32>], vector<16xf32>,
        %parallel_loop3A_1461 = arith.constant 128 : i32
        %parallel_loop3A_1462 = arith.addi %parallel_loop3A_1461, %parallel_loop3A_1419 : i32
        %parallel_loop3A_1463 = arith.constant 0 : i32
        %parallel_loop3A_1464 = arith.index_cast %parallel_loop3A_1463 : i32 to index
        %parallel_loop3A_1465 = arith.index_cast %parallel_loop3A_1462 : i32 to index
        %parallel_loop3A_1466 = arith.constant 48 : index
        %parallel_loop3A_1467 = tpu.vector_load %arg6[%parallel_loop3A_1464, %parallel_loop3A_1465, %parallel_loop3A_1466] {strides = array<i32>} : memref<2x256x64xf32, #tpu.memory_space<vmem>>, vector<16xf32>,
        %parallel_loop3A_1468 = arith.constant 0 : i32
        %parallel_loop3A_1469 = arith.constant 0 : i32
        %parallel_loop3A_1470 = arith.constant 0 : i32
        %parallel_loop3A_1471 = arith.constant 0 : i32
        %parallel_loop3A_1472 = tpu.memref_slice %arg7[%parallel_loop3A_1468, %parallel_loop3A_1469, %parallel_loop3A_1470, %parallel_loop3A_1471] : memref<2x2x64x129xf32, #tpu.memory_space<vmem>> -> memref<1x2x64x129xf32, #tpu.memory_space<vmem>>
        %parallel_loop3A_1473 = tpu.memref_squeeze %parallel_loop3A_1472 : memref<1x2x64x129xf32, #tpu.memory_space<vmem>> -> memref<2x64x129xf32, #tpu.memory_space<vmem>>
        tpu.vector_store_idx %parallel_loop3A_1473[%add3A_701, %add3A_16, %parallel_loop3A_1421], %parallel_loop3A_1467 : memref<2x64x129xf32, #tpu.memory_space<vmem>>[vector<16xi32>, vector<16xi32>, vector<16xi32>], vector<16xf32>,
      } {sc.loop_unroll_factor = 8 : i64, sc.parallel_access}
      %jit3A_705 = arith.constant 50 : i32
      %eq3A_706 = arith.constant 0 : i32
      %eq3A_707 = arith.cmpi eq, %jit3A_705, %eq3A_706 : i32
      %jit3A_708 = arith.constant 1 : i32
      %select_n3A_709 = arith.select %eq3A_707, %jit3A_708, %jit3A_705 : i32
      %rem3A_710 = arith.remsi %mul3A_631, %select_n3A_709 : i32
      %ne3A_711 = arith.constant 0 : i32
      %ne3A_712 = arith.cmpi ne, %rem3A_710, %ne3A_711 : i32
      %lt3A_713 = arith.constant 0 : i32
      %lt3A_714 = arith.cmpi slt, %rem3A_710, %lt3A_713 : i32
      %lt3A_715 = arith.constant 0 : i32
      %lt3A_716 = arith.cmpi slt, %select_n3A_709, %lt3A_715 : i32
      %ne3A_717 = arith.xori %lt3A_714, %lt3A_716 : i1
      %and3A_718 = arith.andi %ne3A_717, %ne3A_712 : i1
      %add3A_719 = arith.addi %rem3A_710, %select_n3A_709 : i32
      %select_n3A_720 = arith.select %and3A_718, %add3A_719, %rem3A_710 : i32
      %jit3A_721 = arith.constant 50 : i32
      %div3A_722 = arith.divsi %mul3A_631, %jit3A_721 : i32
      %sign3A_723 = arith.constant 0 : i32
      %sign3A_724 = arith.cmpi sgt, %mul3A_631, %sign3A_723 : i32
      %sign3A_725 = arith.extui %sign3A_724 : i1 to i32
      %sign3A_726 = arith.constant 0 : i32
      %sign3A_727 = arith.cmpi slt, %mul3A_631, %sign3A_726 : i32
      %sign3A_728 = arith.extui %sign3A_727 : i1 to i32
      %sign3A_729 = arith.subi %sign3A_725, %sign3A_728 : i32
      %sign3A_730 = arith.constant 0 : i32
      %sign3A_731 = arith.cmpi sgt, %jit3A_721, %sign3A_730 : i32
      %sign3A_732 = arith.extui %sign3A_731 : i1 to i32
      %sign3A_733 = arith.constant 0 : i32
      %sign3A_734 = arith.cmpi slt, %jit3A_721, %sign3A_733 : i32
      %sign3A_735 = arith.extui %sign3A_734 : i1 to i32
      %sign3A_736 = arith.subi %sign3A_732, %sign3A_735 : i32
      %ne3A_737 = arith.cmpi ne, %sign3A_729, %sign3A_736 : i32
      %rem3A_738 = arith.remsi %mul3A_631, %jit3A_721 : i32
      %ne3A_739 = arith.constant 0 : i32
      %ne3A_740 = arith.cmpi ne, %rem3A_738, %ne3A_739 : i32
      %and3A_741 = arith.andi %ne3A_737, %ne3A_740 : i1
      %sub3A_742 = arith.constant 1 : i32
      %sub3A_743 = arith.subi %div3A_722, %sub3A_742 : i32
      %select_n3A_744 = arith.select %and3A_741, %sub3A_743, %div3A_722 : i32
      %mul3A_745 = arith.constant 2 : i32
      %mul3A_746 = arith.muli %select_n3A_744, %mul3A_745 : i32
      %add3A_747 = arith.addi %mul3A_2, %mul3A_746 : i32
      %dma_start3A_748 = arith.constant 0 : i32
      %dma_start3A_749 = arith.constant 0 : i32
      %dma_start3A_750 = arith.constant 0 : i32
      %dma_start3A_751 = arith.constant 0 : i32
      %dma_start3A_752 = arith.constant 0 : i32
      %dma_start3A_753 = tpu.memref_slice %arg7[%dma_start3A_748, %dma_start3A_750, %dma_start3A_751, %dma_start3A_752] : memref<2x2x64x129xf32, #tpu.memory_space<vmem>> -> memref<1x2x64x129xf32, #tpu.memory_space<vmem>>
      %dma_start3A_754 = tpu.memref_squeeze %dma_start3A_753 : memref<1x2x64x129xf32, #tpu.memory_space<vmem>> -> memref<2x64x129xf32, #tpu.memory_space<vmem>>
      %dma_start3A_755 = arith.constant 0 : i32
      %dma_start3A_756 = arith.constant 0 : i32
      %dma_start3A_757 = arith.constant 0 : i32
      %dma_start3A_758 = tpu.memref_slice %dma_start3A_754[%dma_start3A_755, %dma_start3A_756, %dma_start3A_757] : memref<2x64x129xf32, #tpu.memory_space<vmem>> -> memref<2x8x128xf32, #tpu.memory_space<vmem>>
      %dma_start3A_759 = arith.constant 0 : i32
      %dma_start3A_760 = arith.constant 0 : i32
      %dma_start3A_761 = arith.constant 0 : i32
      %dma_start3A_762 = tpu.memref_slice %arg4[%select_n3A_720, %dma_start3A_749, %dma_start3A_759, %dma_start3A_760, %dma_start3A_761] : memref<50x8x128x8x128xf32, #tpu.memory_space<hbm>> -> memref<1x1x128x8x128xf32, #tpu.memory_space<hbm>>
      %dma_start3A_763 = tpu.memref_squeeze %dma_start3A_762 : memref<1x1x128x8x128xf32, #tpu.memory_space<hbm>> -> memref<128x8x128xf32, #tpu.memory_space<hbm>>
      %dma_start3A_764 = arith.constant 0 : i32
      %dma_start3A_765 = arith.constant 0 : i32
      %dma_start3A_766 = tpu.memref_slice %dma_start3A_763[%add3A_747, %dma_start3A_764, %dma_start3A_765] : memref<128x8x128xf32, #tpu.memory_space<hbm>> -> memref<2x8x128xf32, #tpu.memory_space<hbm>>
      %dma_start3A_767 = arith.constant 0 : i32
      %dma_start3A_768 = arith.constant 0 : i32
      %dma_start3A_769 = arith.constant 0 : i32
      %dma_start3A_770 = tpu.memref_slice %arg4[%select_n3A_720, %dma_start3A_749, %dma_start3A_767, %dma_start3A_768, %dma_start3A_769] : memref<50x8x128x8x128xf32, #tpu.memory_space<hbm>> -> memref<1x1x128x8x128xf32, #tpu.memory_space<hbm>>
      %dma_start3A_771 = tpu.memref_squeeze %dma_start3A_770 : memref<1x1x128x8x128xf32, #tpu.memory_space<hbm>> -> memref<128x8x128xf32, #tpu.memory_space<hbm>>
      %dma_start3A_772 = arith.constant 0 : i32
      %dma_start3A_773 = arith.constant 0 : i32
      %dma_start3A_774 = tpu.memref_slice %dma_start3A_771[%add3A_747, %dma_start3A_772, %dma_start3A_773] : memref<128x8x128xf32, #tpu.memory_space<hbm>> -> memref<2x8x128xf32, #tpu.memory_space<hbm>>
      %dma_start3A_775 = arith.constant 0 : i32
      %dma_start3A_776 = arith.constant 0 : i32
      %dma_start3A_777 = arith.constant 0 : i32
      %dma_start3A_778 = tpu.memref_slice %arg7[%dma_start3A_748, %dma_start3A_775, %dma_start3A_776, %dma_start3A_777] : memref<2x2x64x129xf32, #tpu.memory_space<vmem>> -> memref<1x2x64x129xf32, #tpu.memory_space<vmem>>
      %dma_start3A_779 = tpu.memref_squeeze %dma_start3A_778 : memref<1x2x64x129xf32, #tpu.memory_space<vmem>> -> memref<2x64x129xf32, #tpu.memory_space<vmem>>
      %dma_start3A_780 = arith.constant 0 : i32
      %dma_start3A_781 = arith.constant 0 : i32
      %dma_start3A_782 = arith.constant 0 : i32
      %dma_start3A_783 = tpu.memref_slice %dma_start3A_779[%dma_start3A_780, %dma_start3A_781, %dma_start3A_782] : memref<2x64x129xf32, #tpu.memory_space<vmem>> -> memref<2x8x128xf32, #tpu.memory_space<vmem>>
      tpu.enqueue_dma source(%dma_start3A_783 : memref<2x8x128xf32, #tpu.memory_space<vmem>>) target(%dma_start3A_774 : memref<2x8x128xf32, #tpu.memory_space<hbm>>) target_semaphore(%arg10 : memref<!tpu.dma_semaphore, #tpu.memory_space<semaphore_mem>>)
      %add3A_784 = arith.addi %mul3A_2, %mul3A_746 : i32
      %dma_start3A_785 = arith.constant 0 : i32
      %dma_start3A_786 = arith.constant 1 : i32
      %dma_start3A_787 = arith.constant 0 : i32
      %dma_start3A_788 = arith.constant 0 : i32
      %dma_start3A_789 = arith.constant 0 : i32
      %dma_start3A_790 = tpu.memref_slice %arg7[%dma_start3A_785, %dma_start3A_787, %dma_start3A_788, %dma_start3A_789] : memref<2x2x64x129xf32, #tpu.memory_space<vmem>> -> memref<1x2x64x129xf32, #tpu.memory_space<vmem>>
      %dma_start3A_791 = tpu.memref_squeeze %dma_start3A_790 : memref<1x2x64x129xf32, #tpu.memory_space<vmem>> -> memref<2x64x129xf32, #tpu.memory_space<vmem>>
      %dma_start3A_792 = arith.constant 0 : i32
      %dma_start3A_793 = arith.constant 8 : i32
      %dma_start3A_794 = arith.constant 0 : i32
      %dma_start3A_795 = tpu.memref_slice %dma_start3A_791[%dma_start3A_792, %dma_start3A_793, %dma_start3A_794] : memref<2x64x129xf32, #tpu.memory_space<vmem>> -> memref<2x8x128xf32, #tpu.memory_space<vmem>>
      %dma_start3A_796 = arith.constant 0 : i32
      %dma_start3A_797 = arith.constant 0 : i32
      %dma_start3A_798 = arith.constant 0 : i32
      %dma_start3A_799 = tpu.memref_slice %arg4[%select_n3A_720, %dma_start3A_786, %dma_start3A_796, %dma_start3A_797, %dma_start3A_798] : memref<50x8x128x8x128xf32, #tpu.memory_space<hbm>> -> memref<1x1x128x8x128xf32, #tpu.memory_space<hbm>>
      %dma_start3A_800 = tpu.memref_squeeze %dma_start3A_799 : memref<1x1x128x8x128xf32, #tpu.memory_space<hbm>> -> memref<128x8x128xf32, #tpu.memory_space<hbm>>
      %dma_start3A_801 = arith.constant 0 : i32
      %dma_start3A_802 = arith.constant 0 : i32
      %dma_start3A_803 = tpu.memref_slice %dma_start3A_800[%add3A_784, %dma_start3A_801, %dma_start3A_802] : memref<128x8x128xf32, #tpu.memory_space<hbm>> -> memref<2x8x128xf32, #tpu.memory_space<hbm>>
      %dma_start3A_804 = arith.constant 0 : i32
      %dma_start3A_805 = arith.constant 0 : i32
      %dma_start3A_806 = arith.constant 0 : i32
      %dma_start3A_807 = tpu.memref_slice %arg4[%select_n3A_720, %dma_start3A_786, %dma_start3A_804, %dma_start3A_805, %dma_start3A_806] : memref<50x8x128x8x128xf32, #tpu.memory_space<hbm>> -> memref<1x1x128x8x128xf32, #tpu.memory_space<hbm>>
      %dma_start3A_808 = tpu.memref_squeeze %dma_start3A_807 : memref<1x1x128x8x128xf32, #tpu.memory_space<hbm>> -> memref<128x8x128xf32, #tpu.memory_space<hbm>>
      %dma_start3A_809 = arith.constant 0 : i32
      %dma_start3A_810 = arith.constant 0 : i32
      %dma_start3A_811 = tpu.memref_slice %dma_start3A_808[%add3A_784, %dma_start3A_809, %dma_start3A_810] : memref<128x8x128xf32, #tpu.memory_space<hbm>> -> memref<2x8x128xf32, #tpu.memory_space<hbm>>
      %dma_start3A_812 = arith.constant 0 : i32
      %dma_start3A_813 = arith.constant 0 : i32
      %dma_start3A_814 = arith.constant 0 : i32
      %dma_start3A_815 = tpu.memref_slice %arg7[%dma_start3A_785, %dma_start3A_812, %dma_start3A_813, %dma_start3A_814] : memref<2x2x64x129xf32, #tpu.memory_space<vmem>> -> memref<1x2x64x129xf32, #tpu.memory_space<vmem>>
      %dma_start3A_816 = tpu.memref_squeeze %dma_start3A_815 : memref<1x2x64x129xf32, #tpu.memory_space<vmem>> -> memref<2x64x129xf32, #tpu.memory_space<vmem>>
      %dma_start3A_817 = arith.constant 0 : i32
      %dma_start3A_818 = arith.constant 8 : i32
      %dma_start3A_819 = arith.constant 0 : i32
      %dma_start3A_820 = tpu.memref_slice %dma_start3A_816[%dma_start3A_817, %dma_start3A_818, %dma_start3A_819] : memref<2x64x129xf32, #tpu.memory_space<vmem>> -> memref<2x8x128xf32, #tpu.memory_space<vmem>>
      tpu.enqueue_dma source(%dma_start3A_820 : memref<2x8x128xf32, #tpu.memory_space<vmem>>) target(%dma_start3A_811 : memref<2x8x128xf32, #tpu.memory_space<hbm>>) target_semaphore(%arg10 : memref<!tpu.dma_semaphore, #tpu.memory_space<semaphore_mem>>)
      %add3A_821 = arith.addi %mul3A_2, %mul3A_746 : i32
      %dma_start3A_822 = arith.constant 0 : i32
      %dma_start3A_823 = arith.constant 2 : i32
      %dma_start3A_824 = arith.constant 0 : i32
      %dma_start3A_825 = arith.constant 0 : i32
      %dma_start3A_826 = arith.constant 0 : i32
      %dma_start3A_827 = tpu.memref_slice %arg7[%dma_start3A_822, %dma_start3A_824, %dma_start3A_825, %dma_start3A_826] : memref<2x2x64x129xf32, #tpu.memory_space<vmem>> -> memref<1x2x64x129xf32, #tpu.memory_space<vmem>>
      %dma_start3A_828 = tpu.memref_squeeze %dma_start3A_827 : memref<1x2x64x129xf32, #tpu.memory_space<vmem>> -> memref<2x64x129xf32, #tpu.memory_space<vmem>>
      %dma_start3A_829 = arith.constant 0 : i32
      %dma_start3A_830 = arith.constant 16 : i32
      %dma_start3A_831 = arith.constant 0 : i32
      %dma_start3A_832 = tpu.memref_slice %dma_start3A_828[%dma_start3A_829, %dma_start3A_830, %dma_start3A_831] : memref<2x64x129xf32, #tpu.memory_space<vmem>> -> memref<2x8x128xf32, #tpu.memory_space<vmem>>
      %dma_start3A_833 = arith.constant 0 : i32
      %dma_start3A_834 = arith.constant 0 : i32
      %dma_start3A_835 = arith.constant 0 : i32
      %dma_start3A_836 = tpu.memref_slice %arg4[%select_n3A_720, %dma_start3A_823, %dma_start3A_833, %dma_start3A_834, %dma_start3A_835] : memref<50x8x128x8x128xf32, #tpu.memory_space<hbm>> -> memref<1x1x128x8x128xf32, #tpu.memory_space<hbm>>
      %dma_start3A_837 = tpu.memref_squeeze %dma_start3A_836 : memref<1x1x128x8x128xf32, #tpu.memory_space<hbm>> -> memref<128x8x128xf32, #tpu.memory_space<hbm>>
      %dma_start3A_838 = arith.constant 0 : i32
      %dma_start3A_839 = arith.constant 0 : i32
      %dma_start3A_840 = tpu.memref_slice %dma_start3A_837[%add3A_821, %dma_start3A_838, %dma_start3A_839] : memref<128x8x128xf32, #tpu.memory_space<hbm>> -> memref<2x8x128xf32, #tpu.memory_space<hbm>>
      %dma_start3A_841 = arith.constant 0 : i32
      %dma_start3A_842 = arith.constant 0 : i32
      %dma_start3A_843 = arith.constant 0 : i32
      %dma_start3A_844 = tpu.memref_slice %arg4[%select_n3A_720, %dma_start3A_823, %dma_start3A_841, %dma_start3A_842, %dma_start3A_843] : memref<50x8x128x8x128xf32, #tpu.memory_space<hbm>> -> memref<1x1x128x8x128xf32, #tpu.memory_space<hbm>>
      %dma_start3A_845 = tpu.memref_squeeze %dma_start3A_844 : memref<1x1x128x8x128xf32, #tpu.memory_space<hbm>> -> memref<128x8x128xf32, #tpu.memory_space<hbm>>
      %dma_start3A_846 = arith.constant 0 : i32
      %dma_start3A_847 = arith.constant 0 : i32
      %dma_start3A_848 = tpu.memref_slice %dma_start3A_845[%add3A_821, %dma_start3A_846, %dma_start3A_847] : memref<128x8x128xf32, #tpu.memory_space<hbm>> -> memref<2x8x128xf32, #tpu.memory_space<hbm>>
      %dma_start3A_849 = arith.constant 0 : i32
      %dma_start3A_850 = arith.constant 0 : i32
      %dma_start3A_851 = arith.constant 0 : i32
      %dma_start3A_852 = tpu.memref_slice %arg7[%dma_start3A_822, %dma_start3A_849, %dma_start3A_850, %dma_start3A_851] : memref<2x2x64x129xf32, #tpu.memory_space<vmem>> -> memref<1x2x64x129xf32, #tpu.memory_space<vmem>>
      %dma_start3A_853 = tpu.memref_squeeze %dma_start3A_852 : memref<1x2x64x129xf32, #tpu.memory_space<vmem>> -> memref<2x64x129xf32, #tpu.memory_space<vmem>>
      %dma_start3A_854 = arith.constant 0 : i32
      %dma_start3A_855 = arith.constant 16 : i32
      %dma_start3A_856 = arith.constant 0 : i32
      %dma_start3A_857 = tpu.memref_slice %dma_start3A_853[%dma_start3A_854, %dma_start3A_855, %dma_start3A_856] : memref<2x64x129xf32, #tpu.memory_space<vmem>> -> memref<2x8x128xf32, #tpu.memory_space<vmem>>
      tpu.enqueue_dma source(%dma_start3A_857 : memref<2x8x128xf32, #tpu.memory_space<vmem>>) target(%dma_start3A_848 : memref<2x8x128xf32, #tpu.memory_space<hbm>>) target_semaphore(%arg10 : memref<!tpu.dma_semaphore, #tpu.memory_space<semaphore_mem>>)
      %add3A_858 = arith.addi %mul3A_2, %mul3A_746 : i32
      %dma_start3A_859 = arith.constant 0 : i32
      %dma_start3A_860 = arith.constant 3 : i32
      %dma_start3A_861 = arith.constant 0 : i32
      %dma_start3A_862 = arith.constant 0 : i32
      %dma_start3A_863 = arith.constant 0 : i32
      %dma_start3A_864 = tpu.memref_slice %arg7[%dma_start3A_859, %dma_start3A_861, %dma_start3A_862, %dma_start3A_863] : memref<2x2x64x129xf32, #tpu.memory_space<vmem>> -> memref<1x2x64x129xf32, #tpu.memory_space<vmem>>
      %dma_start3A_865 = tpu.memref_squeeze %dma_start3A_864 : memref<1x2x64x129xf32, #tpu.memory_space<vmem>> -> memref<2x64x129xf32, #tpu.memory_space<vmem>>
      %dma_start3A_866 = arith.constant 0 : i32
      %dma_start3A_867 = arith.constant 24 : i32
      %dma_start3A_868 = arith.constant 0 : i32
      %dma_start3A_869 = tpu.memref_slice %dma_start3A_865[%dma_start3A_866, %dma_start3A_867, %dma_start3A_868] : memref<2x64x129xf32, #tpu.memory_space<vmem>> -> memref<2x8x128xf32, #tpu.memory_space<vmem>>
      %dma_start3A_870 = arith.constant 0 : i32
      %dma_start3A_871 = arith.constant 0 : i32
      %dma_start3A_872 = arith.constant 0 : i32
      %dma_start3A_873 = tpu.memref_slice %arg4[%select_n3A_720, %dma_start3A_860, %dma_start3A_870, %dma_start3A_871, %dma_start3A_872] : memref<50x8x128x8x128xf32, #tpu.memory_space<hbm>> -> memref<1x1x128x8x128xf32, #tpu.memory_space<hbm>>
      %dma_start3A_874 = tpu.memref_squeeze %dma_start3A_873 : memref<1x1x128x8x128xf32, #tpu.memory_space<hbm>> -> memref<128x8x128xf32, #tpu.memory_space<hbm>>
      %dma_start3A_875 = arith.constant 0 : i32
      %dma_start3A_876 = arith.constant 0 : i32
      %dma_start3A_877 = tpu.memref_slice %dma_start3A_874[%add3A_858, %dma_start3A_875, %dma_start3A_876] : memref<128x8x128xf32, #tpu.memory_space<hbm>> -> memref<2x8x128xf32, #tpu.memory_space<hbm>>
      %dma_start3A_878 = arith.constant 0 : i32
      %dma_start3A_879 = arith.constant 0 : i32
      %dma_start3A_880 = arith.constant 0 : i32
      %dma_start3A_881 = tpu.memref_slice %arg4[%select_n3A_720, %dma_start3A_860, %dma_start3A_878, %dma_start3A_879, %dma_start3A_880] : memref<50x8x128x8x128xf32, #tpu.memory_space<hbm>> -> memref<1x1x128x8x128xf32, #tpu.memory_space<hbm>>
      %dma_start3A_882 = tpu.memref_squeeze %dma_start3A_881 : memref<1x1x128x8x128xf32, #tpu.memory_space<hbm>> -> memref<128x8x128xf32, #tpu.memory_space<hbm>>
      %dma_start3A_883 = arith.constant 0 : i32
      %dma_start3A_884 = arith.constant 0 : i32
      %dma_start3A_885 = tpu.memref_slice %dma_start3A_882[%add3A_858, %dma_start3A_883, %dma_start3A_884] : memref<128x8x128xf32, #tpu.memory_space<hbm>> -> memref<2x8x128xf32, #tpu.memory_space<hbm>>
      %dma_start3A_886 = arith.constant 0 : i32
      %dma_start3A_887 = arith.constant 0 : i32
      %dma_start3A_888 = arith.constant 0 : i32
      %dma_start3A_889 = tpu.memref_slice %arg7[%dma_start3A_859, %dma_start3A_886, %dma_start3A_887, %dma_start3A_888] : memref<2x2x64x129xf32, #tpu.memory_space<vmem>> -> memref<1x2x64x129xf32, #tpu.memory_space<vmem>>
      %dma_start3A_890 = tpu.memref_squeeze %dma_start3A_889 : memref<1x2x64x129xf32, #tpu.memory_space<vmem>> -> memref<2x64x129xf32, #tpu.memory_space<vmem>>
      %dma_start3A_891 = arith.constant 0 : i32
      %dma_start3A_892 = arith.constant 24 : i32
      %dma_start3A_893 = arith.constant 0 : i32
      %dma_start3A_894 = tpu.memref_slice %dma_start3A_890[%dma_start3A_891, %dma_start3A_892, %dma_start3A_893] : memref<2x64x129xf32, #tpu.memory_space<vmem>> -> memref<2x8x128xf32, #tpu.memory_space<vmem>>
      tpu.enqueue_dma source(%dma_start3A_894 : memref<2x8x128xf32, #tpu.memory_space<vmem>>) target(%dma_start3A_885 : memref<2x8x128xf32, #tpu.memory_space<hbm>>) target_semaphore(%arg10 : memref<!tpu.dma_semaphore, #tpu.memory_space<semaphore_mem>>)
      %add3A_895 = arith.addi %mul3A_2, %mul3A_746 : i32
      %dma_start3A_896 = arith.constant 0 : i32
      %dma_start3A_897 = arith.constant 4 : i32
      %dma_start3A_898 = arith.constant 0 : i32
      %dma_start3A_899 = arith.constant 0 : i32
      %dma_start3A_900 = arith.constant 0 : i32
      %dma_start3A_901 = tpu.memref_slice %arg7[%dma_start3A_896, %dma_start3A_898, %dma_start3A_899, %dma_start3A_900] : memref<2x2x64x129xf32, #tpu.memory_space<vmem>> -> memref<1x2x64x129xf32, #tpu.memory_space<vmem>>
      %dma_start3A_902 = tpu.memref_squeeze %dma_start3A_901 : memref<1x2x64x129xf32, #tpu.memory_space<vmem>> -> memref<2x64x129xf32, #tpu.memory_space<vmem>>
      %dma_start3A_903 = arith.constant 0 : i32
      %dma_start3A_904 = arith.constant 32 : i32
      %dma_start3A_905 = arith.constant 0 : i32
      %dma_start3A_906 = tpu.memref_slice %dma_start3A_902[%dma_start3A_903, %dma_start3A_904, %dma_start3A_905] : memref<2x64x129xf32, #tpu.memory_space<vmem>> -> memref<2x8x128xf32, #tpu.memory_space<vmem>>
      %dma_start3A_907 = arith.constant 0 : i32
      %dma_start3A_908 = arith.constant 0 : i32
      %dma_start3A_909 = arith.constant 0 : i32
      %dma_start3A_910 = tpu.memref_slice %arg4[%select_n3A_720, %dma_start3A_897, %dma_start3A_907, %dma_start3A_908, %dma_start3A_909] : memref<50x8x128x8x128xf32, #tpu.memory_space<hbm>> -> memref<1x1x128x8x128xf32, #tpu.memory_space<hbm>>
      %dma_start3A_911 = tpu.memref_squeeze %dma_start3A_910 : memref<1x1x128x8x128xf32, #tpu.memory_space<hbm>> -> memref<128x8x128xf32, #tpu.memory_space<hbm>>
      %dma_start3A_912 = arith.constant 0 : i32
      %dma_start3A_913 = arith.constant 0 : i32
      %dma_start3A_914 = tpu.memref_slice %dma_start3A_911[%add3A_895, %dma_start3A_912, %dma_start3A_913] : memref<128x8x128xf32, #tpu.memory_space<hbm>> -> memref<2x8x128xf32, #tpu.memory_space<hbm>>
      %dma_start3A_915 = arith.constant 0 : i32
      %dma_start3A_916 = arith.constant 0 : i32
      %dma_start3A_917 = arith.constant 0 : i32
      %dma_start3A_918 = tpu.memref_slice %arg4[%select_n3A_720, %dma_start3A_897, %dma_start3A_915, %dma_start3A_916, %dma_start3A_917] : memref<50x8x128x8x128xf32, #tpu.memory_space<hbm>> -> memref<1x1x128x8x128xf32, #tpu.memory_space<hbm>>
      %dma_start3A_919 = tpu.memref_squeeze %dma_start3A_918 : memref<1x1x128x8x128xf32, #tpu.memory_space<hbm>> -> memref<128x8x128xf32, #tpu.memory_space<hbm>>
      %dma_start3A_920 = arith.constant 0 : i32
      %dma_start3A_921 = arith.constant 0 : i32
      %dma_start3A_922 = tpu.memref_slice %dma_start3A_919[%add3A_895, %dma_start3A_920, %dma_start3A_921] : memref<128x8x128xf32, #tpu.memory_space<hbm>> -> memref<2x8x128xf32, #tpu.memory_space<hbm>>
      %dma_start3A_923 = arith.constant 0 : i32
      %dma_start3A_924 = arith.constant 0 : i32
      %dma_start3A_925 = arith.constant 0 : i32
      %dma_start3A_926 = tpu.memref_slice %arg7[%dma_start3A_896, %dma_start3A_923, %dma_start3A_924, %dma_start3A_925] : memref<2x2x64x129xf32, #tpu.memory_space<vmem>> -> memref<1x2x64x129xf32, #tpu.memory_space<vmem>>
      %dma_start3A_927 = tpu.memref_squeeze %dma_start3A_926 : memref<1x2x64x129xf32, #tpu.memory_space<vmem>> -> memref<2x64x129xf32, #tpu.memory_space<vmem>>
      %dma_start3A_928 = arith.constant 0 : i32
      %dma_start3A_929 = arith.constant 32 : i32
      %dma_start3A_930 = arith.constant 0 : i32
      %dma_start3A_931 = tpu.memref_slice %dma_start3A_927[%dma_start3A_928, %dma_start3A_929, %dma_start3A_930] : memref<2x64x129xf32, #tpu.memory_space<vmem>> -> memref<2x8x128xf32, #tpu.memory_space<vmem>>
      tpu.enqueue_dma source(%dma_start3A_931 : memref<2x8x128xf32, #tpu.memory_space<vmem>>) target(%dma_start3A_922 : memref<2x8x128xf32, #tpu.memory_space<hbm>>) target_semaphore(%arg10 : memref<!tpu.dma_semaphore, #tpu.memory_space<semaphore_mem>>)
      %add3A_932 = arith.addi %mul3A_2, %mul3A_746 : i32
      %dma_start3A_933 = arith.constant 0 : i32
      %dma_start3A_934 = arith.constant 5 : i32
      %dma_start3A_935 = arith.constant 0 : i32
      %dma_start3A_936 = arith.constant 0 : i32
      %dma_start3A_937 = arith.constant 0 : i32
      %dma_start3A_938 = tpu.memref_slice %arg7[%dma_start3A_933, %dma_start3A_935, %dma_start3A_936, %dma_start3A_937] : memref<2x2x64x129xf32, #tpu.memory_space<vmem>> -> memref<1x2x64x129xf32, #tpu.memory_space<vmem>>
      %dma_start3A_939 = tpu.memref_squeeze %dma_start3A_938 : memref<1x2x64x129xf32, #tpu.memory_space<vmem>> -> memref<2x64x129xf32, #tpu.memory_space<vmem>>
      %dma_start3A_940 = arith.constant 0 : i32
      %dma_start3A_941 = arith.constant 40 : i32
      %dma_start3A_942 = arith.constant 0 : i32
      %dma_start3A_943 = tpu.memref_slice %dma_start3A_939[%dma_start3A_940, %dma_start3A_941, %dma_start3A_942] : memref<2x64x129xf32, #tpu.memory_space<vmem>> -> memref<2x8x128xf32, #tpu.memory_space<vmem>>
      %dma_start3A_944 = arith.constant 0 : i32
      %dma_start3A_945 = arith.constant 0 : i32
      %dma_start3A_946 = arith.constant 0 : i32
      %dma_start3A_947 = tpu.memref_slice %arg4[%select_n3A_720, %dma_start3A_934, %dma_start3A_944, %dma_start3A_945, %dma_start3A_946] : memref<50x8x128x8x128xf32, #tpu.memory_space<hbm>> -> memref<1x1x128x8x128xf32, #tpu.memory_space<hbm>>
      %dma_start3A_948 = tpu.memref_squeeze %dma_start3A_947 : memref<1x1x128x8x128xf32, #tpu.memory_space<hbm>> -> memref<128x8x128xf32, #tpu.memory_space<hbm>>
      %dma_start3A_949 = arith.constant 0 : i32
      %dma_start3A_950 = arith.constant 0 : i32
      %dma_start3A_951 = tpu.memref_slice %dma_start3A_948[%add3A_932, %dma_start3A_949, %dma_start3A_950] : memref<128x8x128xf32, #tpu.memory_space<hbm>> -> memref<2x8x128xf32, #tpu.memory_space<hbm>>
      %dma_start3A_952 = arith.constant 0 : i32
      %dma_start3A_953 = arith.constant 0 : i32
      %dma_start3A_954 = arith.constant 0 : i32
      %dma_start3A_955 = tpu.memref_slice %arg4[%select_n3A_720, %dma_start3A_934, %dma_start3A_952, %dma_start3A_953, %dma_start3A_954] : memref<50x8x128x8x128xf32, #tpu.memory_space<hbm>> -> memref<1x1x128x8x128xf32, #tpu.memory_space<hbm>>
      %dma_start3A_956 = tpu.memref_squeeze %dma_start3A_955 : memref<1x1x128x8x128xf32, #tpu.memory_space<hbm>> -> memref<128x8x128xf32, #tpu.memory_space<hbm>>
      %dma_start3A_957 = arith.constant 0 : i32
      %dma_start3A_958 = arith.constant 0 : i32
      %dma_start3A_959 = tpu.memref_slice %dma_start3A_956[%add3A_932, %dma_start3A_957, %dma_start3A_958] : memref<128x8x128xf32, #tpu.memory_space<hbm>> -> memref<2x8x128xf32, #tpu.memory_space<hbm>>
      %dma_start3A_960 = arith.constant 0 : i32
      %dma_start3A_961 = arith.constant 0 : i32
      %dma_start3A_962 = arith.constant 0 : i32
      %dma_start3A_963 = tpu.memref_slice %arg7[%dma_start3A_933, %dma_start3A_960, %dma_start3A_961, %dma_start3A_962] : memref<2x2x64x129xf32, #tpu.memory_space<vmem>> -> memref<1x2x64x129xf32, #tpu.memory_space<vmem>>
      %dma_start3A_964 = tpu.memref_squeeze %dma_start3A_963 : memref<1x2x64x129xf32, #tpu.memory_space<vmem>> -> memref<2x64x129xf32, #tpu.memory_space<vmem>>
      %dma_start3A_965 = arith.constant 0 : i32
      %dma_start3A_966 = arith.constant 40 : i32
      %dma_start3A_967 = arith.constant 0 : i32
      %dma_start3A_968 = tpu.memref_slice %dma_start3A_964[%dma_start3A_965, %dma_start3A_966, %dma_start3A_967] : memref<2x64x129xf32, #tpu.memory_space<vmem>> -> memref<2x8x128xf32, #tpu.memory_space<vmem>>
      tpu.enqueue_dma source(%dma_start3A_968 : memref<2x8x128xf32, #tpu.memory_space<vmem>>) target(%dma_start3A_959 : memref<2x8x128xf32, #tpu.memory_space<hbm>>) target_semaphore(%arg10 : memref<!tpu.dma_semaphore, #tpu.memory_space<semaphore_mem>>)
      %add3A_969 = arith.addi %mul3A_2, %mul3A_746 : i32
      %dma_start3A_970 = arith.constant 0 : i32
      %dma_start3A_971 = arith.constant 6 : i32
      %dma_start3A_972 = arith.constant 0 : i32
      %dma_start3A_973 = arith.constant 0 : i32
      %dma_start3A_974 = arith.constant 0 : i32
      %dma_start3A_975 = tpu.memref_slice %arg7[%dma_start3A_970, %dma_start3A_972, %dma_start3A_973, %dma_start3A_974] : memref<2x2x64x129xf32, #tpu.memory_space<vmem>> -> memref<1x2x64x129xf32, #tpu.memory_space<vmem>>
      %dma_start3A_976 = tpu.memref_squeeze %dma_start3A_975 : memref<1x2x64x129xf32, #tpu.memory_space<vmem>> -> memref<2x64x129xf32, #tpu.memory_space<vmem>>
      %dma_start3A_977 = arith.constant 0 : i32
      %dma_start3A_978 = arith.constant 48 : i32
      %dma_start3A_979 = arith.constant 0 : i32
      %dma_start3A_980 = tpu.memref_slice %dma_start3A_976[%dma_start3A_977, %dma_start3A_978, %dma_start3A_979] : memref<2x64x129xf32, #tpu.memory_space<vmem>> -> memref<2x8x128xf32, #tpu.memory_space<vmem>>
      %dma_start3A_981 = arith.constant 0 : i32
      %dma_start3A_982 = arith.constant 0 : i32
      %dma_start3A_983 = arith.constant 0 : i32
      %dma_start3A_984 = tpu.memref_slice %arg4[%select_n3A_720, %dma_start3A_971, %dma_start3A_981, %dma_start3A_982, %dma_start3A_983] : memref<50x8x128x8x128xf32, #tpu.memory_space<hbm>> -> memref<1x1x128x8x128xf32, #tpu.memory_space<hbm>>
      %dma_start3A_985 = tpu.memref_squeeze %dma_start3A_984 : memref<1x1x128x8x128xf32, #tpu.memory_space<hbm>> -> memref<128x8x128xf32, #tpu.memory_space<hbm>>
      %dma_start3A_986 = arith.constant 0 : i32
      %dma_start3A_987 = arith.constant 0 : i32
      %dma_start3A_988 = tpu.memref_slice %dma_start3A_985[%add3A_969, %dma_start3A_986, %dma_start3A_987] : memref<128x8x128xf32, #tpu.memory_space<hbm>> -> memref<2x8x128xf32, #tpu.memory_space<hbm>>
      %dma_start3A_989 = arith.constant 0 : i32
      %dma_start3A_990 = arith.constant 0 : i32
      %dma_start3A_991 = arith.constant 0 : i32
      %dma_start3A_992 = tpu.memref_slice %arg4[%select_n3A_720, %dma_start3A_971, %dma_start3A_989, %dma_start3A_990, %dma_start3A_991] : memref<50x8x128x8x128xf32, #tpu.memory_space<hbm>> -> memref<1x1x128x8x128xf32, #tpu.memory_space<hbm>>
      %dma_start3A_993 = tpu.memref_squeeze %dma_start3A_992 : memref<1x1x128x8x128xf32, #tpu.memory_space<hbm>> -> memref<128x8x128xf32, #tpu.memory_space<hbm>>
      %dma_start3A_994 = arith.constant 0 : i32
      %dma_start3A_995 = arith.constant 0 : i32
      %dma_start3A_996 = tpu.memref_slice %dma_start3A_993[%add3A_969, %dma_start3A_994, %dma_start3A_995] : memref<128x8x128xf32, #tpu.memory_space<hbm>> -> memref<2x8x128xf32, #tpu.memory_space<hbm>>
      %dma_start3A_997 = arith.constant 0 : i32
      %dma_start3A_998 = arith.constant 0 : i32
      %dma_start3A_999 = arith.constant 0 : i32
      %dma_start3A_1000 = tpu.memref_slice %arg7[%dma_start3A_970, %dma_start3A_997, %dma_start3A_998, %dma_start3A_999] : memref<2x2x64x129xf32, #tpu.memory_space<vmem>> -> memref<1x2x64x129xf32, #tpu.memory_space<vmem>>
      %dma_start3A_1001 = tpu.memref_squeeze %dma_start3A_1000 : memref<1x2x64x129xf32, #tpu.memory_space<vmem>> -> memref<2x64x129xf32, #tpu.memory_space<vmem>>
      %dma_start3A_1002 = arith.constant 0 : i32
      %dma_start3A_1003 = arith.constant 48 : i32
      %dma_start3A_1004 = arith.constant 0 : i32
      %dma_start3A_1005 = tpu.memref_slice %dma_start3A_1001[%dma_start3A_1002, %dma_start3A_1003, %dma_start3A_1004] : memref<2x64x129xf32, #tpu.memory_space<vmem>> -> memref<2x8x128xf32, #tpu.memory_space<vmem>>
      tpu.enqueue_dma source(%dma_start3A_1005 : memref<2x8x128xf32, #tpu.memory_space<vmem>>) target(%dma_start3A_996 : memref<2x8x128xf32, #tpu.memory_space<hbm>>) target_semaphore(%arg10 : memref<!tpu.dma_semaphore, #tpu.memory_space<semaphore_mem>>)
      %add3A_1006 = arith.addi %mul3A_2, %mul3A_746 : i32
      %dma_start3A_1007 = arith.constant 0 : i32
      %dma_start3A_1008 = arith.constant 7 : i32
      %dma_start3A_1009 = arith.constant 0 : i32
      %dma_start3A_1010 = arith.constant 0 : i32
      %dma_start3A_1011 = arith.constant 0 : i32
      %dma_start3A_1012 = tpu.memref_slice %arg7[%dma_start3A_1007, %dma_start3A_1009, %dma_start3A_1010, %dma_start3A_1011] : memref<2x2x64x129xf32, #tpu.memory_space<vmem>> -> memref<1x2x64x129xf32, #tpu.memory_space<vmem>>
      %dma_start3A_1013 = tpu.memref_squeeze %dma_start3A_1012 : memref<1x2x64x129xf32, #tpu.memory_space<vmem>> -> memref<2x64x129xf32, #tpu.memory_space<vmem>>
      %dma_start3A_1014 = arith.constant 0 : i32
      %dma_start3A_1015 = arith.constant 56 : i32
      %dma_start3A_1016 = arith.constant 0 : i32
      %dma_start3A_1017 = tpu.memref_slice %dma_start3A_1013[%dma_start3A_1014, %dma_start3A_1015, %dma_start3A_1016] : memref<2x64x129xf32, #tpu.memory_space<vmem>> -> memref<2x8x128xf32, #tpu.memory_space<vmem>>
      %dma_start3A_1018 = arith.constant 0 : i32
      %dma_start3A_1019 = arith.constant 0 : i32
      %dma_start3A_1020 = arith.constant 0 : i32
      %dma_start3A_1021 = tpu.memref_slice %arg4[%select_n3A_720, %dma_start3A_1008, %dma_start3A_1018, %dma_start3A_1019, %dma_start3A_1020] : memref<50x8x128x8x128xf32, #tpu.memory_space<hbm>> -> memref<1x1x128x8x128xf32, #tpu.memory_space<hbm>>
      %dma_start3A_1022 = tpu.memref_squeeze %dma_start3A_1021 : memref<1x1x128x8x128xf32, #tpu.memory_space<hbm>> -> memref<128x8x128xf32, #tpu.memory_space<hbm>>
      %dma_start3A_1023 = arith.constant 0 : i32
      %dma_start3A_1024 = arith.constant 0 : i32
      %dma_start3A_1025 = tpu.memref_slice %dma_start3A_1022[%add3A_1006, %dma_start3A_1023, %dma_start3A_1024] : memref<128x8x128xf32, #tpu.memory_space<hbm>> -> memref<2x8x128xf32, #tpu.memory_space<hbm>>
      %dma_start3A_1026 = arith.constant 0 : i32
      %dma_start3A_1027 = arith.constant 0 : i32
      %dma_start3A_1028 = arith.constant 0 : i32
      %dma_start3A_1029 = tpu.memref_slice %arg4[%select_n3A_720, %dma_start3A_1008, %dma_start3A_1026, %dma_start3A_1027, %dma_start3A_1028] : memref<50x8x128x8x128xf32, #tpu.memory_space<hbm>> -> memref<1x1x128x8x128xf32, #tpu.memory_space<hbm>>
      %dma_start3A_1030 = tpu.memref_squeeze %dma_start3A_1029 : memref<1x1x128x8x128xf32, #tpu.memory_space<hbm>> -> memref<128x8x128xf32, #tpu.memory_space<hbm>>
      %dma_start3A_1031 = arith.constant 0 : i32
      %dma_start3A_1032 = arith.constant 0 : i32
      %dma_start3A_1033 = tpu.memref_slice %dma_start3A_1030[%add3A_1006, %dma_start3A_1031, %dma_start3A_1032] : memref<128x8x128xf32, #tpu.memory_space<hbm>> -> memref<2x8x128xf32, #tpu.memory_space<hbm>>
      %dma_start3A_1034 = arith.constant 0 : i32
      %dma_start3A_1035 = arith.constant 0 : i32
      %dma_start3A_1036 = arith.constant 0 : i32
      %dma_start3A_1037 = tpu.memref_slice %arg7[%dma_start3A_1007, %dma_start3A_1034, %dma_start3A_1035, %dma_start3A_1036] : memref<2x2x64x129xf32, #tpu.memory_space<vmem>> -> memref<1x2x64x129xf32, #tpu.memory_space<vmem>>
      %dma_start3A_1038 = tpu.memref_squeeze %dma_start3A_1037 : memref<1x2x64x129xf32, #tpu.memory_space<vmem>> -> memref<2x64x129xf32, #tpu.memory_space<vmem>>
      %dma_start3A_1039 = arith.constant 0 : i32
      %dma_start3A_1040 = arith.constant 56 : i32
      %dma_start3A_1041 = arith.constant 0 : i32
      %dma_start3A_1042 = tpu.memref_slice %dma_start3A_1038[%dma_start3A_1039, %dma_start3A_1040, %dma_start3A_1041] : memref<2x64x129xf32, #tpu.memory_space<vmem>> -> memref<2x8x128xf32, #tpu.memory_space<vmem>>
      tpu.enqueue_dma source(%dma_start3A_1042 : memref<2x8x128xf32, #tpu.memory_space<vmem>>) target(%dma_start3A_1033 : memref<2x8x128xf32, #tpu.memory_space<hbm>>) target_semaphore(%arg10 : memref<!tpu.dma_semaphore, #tpu.memory_space<semaphore_mem>>)
      %add3A_1043 = arith.constant 1 : i32
      %add3A_1044 = arith.addi %add3A_633, %add3A_1043 : i32
      %lt3A_1045 = arith.constant 100 : i32
      %lt3A_1046 = arith.cmpi slt, %add3A_1044, %lt3A_1045 : i32
      %convert_element_type3A_1047 = arith.extui %lt3A_1046 : i1 to i32
      %cond3A_1048 = arith.constant 0 : i32
      %cond3A_1049 = arith.cmpi ne, %convert_element_type3A_1047, %cond3A_1048 : i32
      scf.if %cond3A_1049 {
        %add3A_1419 = arith.constant 1 : i32
        %add3A_1420 = arith.addi %add3A_633, %add3A_1419 : i32
        %jit3A_1421 = arith.constant 50 : i32
        %eq3A_1422 = arith.constant 0 : i32
        %eq3A_1423 = arith.cmpi eq, %jit3A_1421, %eq3A_1422 : i32
        %jit3A_1424 = arith.constant 1 : i32
        %select_n3A_1425 = arith.select %eq3A_1423, %jit3A_1424, %jit3A_1421 : i32
        %rem3A_1426 = arith.remsi %add3A_1420, %select_n3A_1425 : i32
        %ne3A_1427 = arith.constant 0 : i32
        %ne3A_1428 = arith.cmpi ne, %rem3A_1426, %ne3A_1427 : i32
        %lt3A_1429 = arith.constant 0 : i32
        %lt3A_1430 = arith.cmpi slt, %rem3A_1426, %lt3A_1429 : i32
        %lt3A_1431 = arith.constant 0 : i32
        %lt3A_1432 = arith.cmpi slt, %select_n3A_1425, %lt3A_1431 : i32
        %ne3A_1433 = arith.xori %lt3A_1430, %lt3A_1432 : i1
        %and3A_1434 = arith.andi %ne3A_1433, %ne3A_1428 : i1
        %add3A_1435 = arith.addi %rem3A_1426, %select_n3A_1425 : i32
        %select_n3A_1436 = arith.select %and3A_1434, %add3A_1435, %rem3A_1426 : i32
        %jit3A_1437 = arith.constant 50 : i32
        %div3A_1438 = arith.divsi %add3A_1420, %jit3A_1437 : i32
        %sign3A_1439 = arith.constant 0 : i32
        %sign3A_1440 = arith.cmpi sgt, %add3A_1420, %sign3A_1439 : i32
        %sign3A_1441 = arith.extui %sign3A_1440 : i1 to i32
        %sign3A_1442 = arith.constant 0 : i32
        %sign3A_1443 = arith.cmpi slt, %add3A_1420, %sign3A_1442 : i32
        %sign3A_1444 = arith.extui %sign3A_1443 : i1 to i32
        %sign3A_1445 = arith.subi %sign3A_1441, %sign3A_1444 : i32
        %sign3A_1446 = arith.constant 0 : i32
        %sign3A_1447 = arith.cmpi sgt, %jit3A_1437, %sign3A_1446 : i32
        %sign3A_1448 = arith.extui %sign3A_1447 : i1 to i32
        %sign3A_1449 = arith.constant 0 : i32
        %sign3A_1450 = arith.cmpi slt, %jit3A_1437, %sign3A_1449 : i32
        %sign3A_1451 = arith.extui %sign3A_1450 : i1 to i32
        %sign3A_1452 = arith.subi %sign3A_1448, %sign3A_1451 : i32
        %ne3A_1453 = arith.cmpi ne, %sign3A_1445, %sign3A_1452 : i32
        %rem3A_1454 = arith.remsi %add3A_1420, %jit3A_1437 : i32
        %ne3A_1455 = arith.constant 0 : i32
        %ne3A_1456 = arith.cmpi ne, %rem3A_1454, %ne3A_1455 : i32
        %and3A_1457 = arith.andi %ne3A_1453, %ne3A_1456 : i1
        %sub3A_1458 = arith.constant 1 : i32
        %sub3A_1459 = arith.subi %div3A_1438, %sub3A_1458 : i32
        %select_n3A_1460 = arith.select %and3A_1457, %sub3A_1459, %div3A_1438 : i32
        %mul3A_1461 = arith.constant 256 : i32
        %mul3A_1462 = arith.muli %select_n3A_1460, %mul3A_1461 : i32
        %dma_start3A_1463 = arith.constant 0 : i32
        %dma_start3A_1464 = arith.constant 0 : i32
        %dma_start3A_1465 = arith.constant 0 : i32
        %dma_start3A_1466 = tpu.memref_slice %arg6[%dma_start3A_1463, %dma_start3A_1464, %dma_start3A_1465] : memref<2x256x64xf32, #tpu.memory_space<vmem>> -> memref<1x256x64xf32, #tpu.memory_space<vmem>>
        %dma_start3A_1467 = tpu.memref_squeeze %dma_start3A_1466 : memref<1x256x64xf32, #tpu.memory_space<vmem>> -> memref<256x64xf32, #tpu.memory_space<vmem>>
        %dma_start3A_1468 = arith.constant 0 : i32
        %dma_start3A_1469 = tpu.memref_slice %arg5[%select_n3A_1436, %dma_start3A_1468] : memref<50x512xi32, #tpu.memory_space<vmem>> -> memref<1x512xi32, #tpu.memory_space<vmem>>
        %dma_start3A_1470 = tpu.memref_squeeze %dma_start3A_1469 : memref<1x512xi32, #tpu.memory_space<vmem>> -> memref<512xi32, #tpu.memory_space<vmem>>
        %dma_start3A_1471 = tpu.memref_slice %dma_start3A_1470[%mul3A_1462] : memref<512xi32, #tpu.memory_space<vmem>> -> memref<256xi32, #tpu.memory_space<vmem>>
        %dma_start3A_1472 = arith.constant 0 : i32
        %dma_start3A_1473 = arith.constant 0 : i32
        %dma_start3A_1474 = tpu.memref_slice %arg3[%dma_start3A_1472, %dma_start3A_1473] : memref<110000x64xf32, #tpu.memory_space<hbm>> -> memref<110000x64xf32, #tpu.memory_space<hbm>>
        tpu.enqueue_indirect_dma source(%dma_start3A_1474 : memref<110000x64xf32, #tpu.memory_space<hbm>>) target(%dma_start3A_1467 : memref<256x64xf32, #tpu.memory_space<vmem>>) offsets(%dma_start3A_1471 : memref<256xi32, #tpu.memory_space<vmem>>) semaphore(%arg8 : memref<!tpu.dma_semaphore, #tpu.memory_space<semaphore_mem>>)
      } else {
      }
      %dma_wait3A_1050 = arith.constant 0 : i32
      %dma_wait3A_1051 = arith.constant 1 : i32
      %dma_wait3A_1052 = arith.constant 0 : i32
      %dma_wait3A_1053 = arith.constant 0 : i32
      %dma_wait3A_1054 = tpu.memref_slice %arg6[%dma_wait3A_1051, %dma_wait3A_1052, %dma_wait3A_1053] : memref<2x256x64xf32, #tpu.memory_space<vmem>> -> memref<1x256x64xf32, #tpu.memory_space<vmem>>
      %dma_wait3A_1055 = tpu.memref_squeeze %dma_wait3A_1054 : memref<1x256x64xf32, #tpu.memory_space<vmem>> -> memref<256x64xf32, #tpu.memory_space<vmem>>
      %dma_wait3A_1056 = arith.constant 0 : i32
      %dma_wait3A_1057 = tpu.memref_slice %arg5[%dma_wait3A_1050, %dma_wait3A_1056] : memref<50x512xi32, #tpu.memory_space<vmem>> -> memref<1x512xi32, #tpu.memory_space<vmem>>
      %dma_wait3A_1058 = tpu.memref_squeeze %dma_wait3A_1057 : memref<1x512xi32, #tpu.memory_space<vmem>> -> memref<512xi32, #tpu.memory_space<vmem>>
      %dma_wait3A_1059 = arith.constant 0 : i32
      %dma_wait3A_1060 = tpu.memref_slice %dma_wait3A_1058[%dma_wait3A_1059] : memref<512xi32, #tpu.memory_space<vmem>> -> memref<256xi32, #tpu.memory_space<vmem>>
      %dma_wait3A_1061 = arith.constant 0 : i32
      %dma_wait3A_1062 = arith.constant 0 : i32
      %dma_wait3A_1063 = tpu.memref_slice %arg3[%dma_wait3A_1061, %dma_wait3A_1062] : memref<110000x64xf32, #tpu.memory_space<hbm>> -> memref<110000x64xf32, #tpu.memory_space<hbm>>
      tpu.wait_indirect_dma semaphore(%arg9 : memref<!tpu.dma_semaphore, #tpu.memory_space<semaphore_mem>>) src(%dma_wait3A_1063 : memref<110000x64xf32, #tpu.memory_space<hbm>>) dst(%dma_wait3A_1055 : memref<256x64xf32, #tpu.memory_space<vmem>>)
      %gt3A_1064 = arith.constant 0 : i32
      %gt3A_1065 = arith.cmpi sgt, %scan3A_629, %gt3A_1064 : i32
      %convert_element_type3A_1066 = arith.extui %gt3A_1065 : i1 to i32
      %cond3A_1067 = arith.constant 0 : i32
      %cond3A_1068 = arith.cmpi ne, %convert_element_type3A_1066, %cond3A_1067 : i32
      scf.if %cond3A_1068 {
        %dma_wait3A_1419 = arith.constant 1 : i32
        %dma_wait3A_1420 = arith.constant 0 : i32
        %dma_wait3A_1421 = arith.constant 0 : i32
        %dma_wait3A_1422 = arith.constant 0 : i32
        %dma_wait3A_1423 = arith.constant 0 : i32
        %dma_wait3A_1424 = arith.constant 0 : i32
        %dma_wait3A_1425 = tpu.memref_slice %arg7[%dma_wait3A_1419, %dma_wait3A_1422, %dma_wait3A_1423, %dma_wait3A_1424] : memref<2x2x64x129xf32, #tpu.memory_space<vmem>> -> memref<1x2x64x129xf32, #tpu.memory_space<vmem>>
        %dma_wait3A_1426 = tpu.memref_squeeze %dma_wait3A_1425 : memref<1x2x64x129xf32, #tpu.memory_space<vmem>> -> memref<2x64x129xf32, #tpu.memory_space<vmem>>
        %dma_wait3A_1427 = arith.constant 0 : i32
        %dma_wait3A_1428 = arith.constant 0 : i32
        %dma_wait3A_1429 = arith.constant 0 : i32
        %dma_wait3A_1430 = tpu.memref_slice %dma_wait3A_1426[%dma_wait3A_1427, %dma_wait3A_1428, %dma_wait3A_1429] : memref<2x64x129xf32, #tpu.memory_space<vmem>> -> memref<2x8x128xf32, #tpu.memory_space<vmem>>
        %dma_wait3A_1431 = arith.constant 0 : i32
        %dma_wait3A_1432 = arith.constant 0 : i32
        %dma_wait3A_1433 = arith.constant 0 : i32
        %dma_wait3A_1434 = tpu.memref_slice %arg4[%dma_wait3A_1420, %dma_wait3A_1421, %dma_wait3A_1431, %dma_wait3A_1432, %dma_wait3A_1433] : memref<50x8x128x8x128xf32, #tpu.memory_space<hbm>> -> memref<1x1x128x8x128xf32, #tpu.memory_space<hbm>>
        %dma_wait3A_1435 = tpu.memref_squeeze %dma_wait3A_1434 : memref<1x1x128x8x128xf32, #tpu.memory_space<hbm>> -> memref<128x8x128xf32, #tpu.memory_space<hbm>>
        %dma_wait3A_1436 = arith.constant 0 : i32
        %dma_wait3A_1437 = arith.constant 0 : i32
        %dma_wait3A_1438 = tpu.memref_slice %dma_wait3A_1435[%mul3A_2, %dma_wait3A_1436, %dma_wait3A_1437] : memref<128x8x128xf32, #tpu.memory_space<hbm>> -> memref<2x8x128xf32, #tpu.memory_space<hbm>>
        %dma_wait3A_1439 = arith.constant 0 : i32
        %dma_wait3A_1440 = arith.constant 0 : i32
        %dma_wait3A_1441 = arith.constant 0 : i32
        %dma_wait3A_1442 = tpu.memref_slice %arg4[%dma_wait3A_1420, %dma_wait3A_1421, %dma_wait3A_1439, %dma_wait3A_1440, %dma_wait3A_1441] : memref<50x8x128x8x128xf32, #tpu.memory_space<hbm>> -> memref<1x1x128x8x128xf32, #tpu.memory_space<hbm>>
        %dma_wait3A_1443 = tpu.memref_squeeze %dma_wait3A_1442 : memref<1x1x128x8x128xf32, #tpu.memory_space<hbm>> -> memref<128x8x128xf32, #tpu.memory_space<hbm>>
        %dma_wait3A_1444 = arith.constant 0 : i32
        %dma_wait3A_1445 = arith.constant 0 : i32
        %dma_wait3A_1446 = tpu.memref_slice %dma_wait3A_1443[%mul3A_2, %dma_wait3A_1444, %dma_wait3A_1445] : memref<128x8x128xf32, #tpu.memory_space<hbm>> -> memref<2x8x128xf32, #tpu.memory_space<hbm>>
        %dma_wait3A_1447 = arith.constant 0 : i32
        %dma_wait3A_1448 = arith.constant 0 : i32
        %dma_wait3A_1449 = arith.constant 0 : i32
        %dma_wait3A_1450 = tpu.memref_slice %arg7[%dma_wait3A_1419, %dma_wait3A_1447, %dma_wait3A_1448, %dma_wait3A_1449] : memref<2x2x64x129xf32, #tpu.memory_space<vmem>> -> memref<1x2x64x129xf32, #tpu.memory_space<vmem>>
        %dma_wait3A_1451 = tpu.memref_squeeze %dma_wait3A_1450 : memref<1x2x64x129xf32, #tpu.memory_space<vmem>> -> memref<2x64x129xf32, #tpu.memory_space<vmem>>
        %dma_wait3A_1452 = arith.constant 0 : i32
        %dma_wait3A_1453 = arith.constant 0 : i32
        %dma_wait3A_1454 = arith.constant 0 : i32
        %dma_wait3A_1455 = tpu.memref_slice %dma_wait3A_1451[%dma_wait3A_1452, %dma_wait3A_1453, %dma_wait3A_1454] : memref<2x64x129xf32, #tpu.memory_space<vmem>> -> memref<2x8x128xf32, #tpu.memory_space<vmem>>
        tpu.wait_dma2 semaphore(%arg11 : memref<!tpu.dma_semaphore, #tpu.memory_space<semaphore_mem>>) src(%dma_wait3A_1455 : memref<2x8x128xf32, #tpu.memory_space<vmem>>) dst(%dma_wait3A_1446 : memref<2x8x128xf32, #tpu.memory_space<hbm>>)
        %dma_wait3A_1456 = arith.constant 1 : i32
        %dma_wait3A_1457 = arith.constant 0 : i32
        %dma_wait3A_1458 = arith.constant 1 : i32
        %dma_wait3A_1459 = arith.constant 0 : i32
        %dma_wait3A_1460 = arith.constant 0 : i32
        %dma_wait3A_1461 = arith.constant 0 : i32
        %dma_wait3A_1462 = tpu.memref_slice %arg7[%dma_wait3A_1456, %dma_wait3A_1459, %dma_wait3A_1460, %dma_wait3A_1461] : memref<2x2x64x129xf32, #tpu.memory_space<vmem>> -> memref<1x2x64x129xf32, #tpu.memory_space<vmem>>
        %dma_wait3A_1463 = tpu.memref_squeeze %dma_wait3A_1462 : memref<1x2x64x129xf32, #tpu.memory_space<vmem>> -> memref<2x64x129xf32, #tpu.memory_space<vmem>>
        %dma_wait3A_1464 = arith.constant 0 : i32
        %dma_wait3A_1465 = arith.constant 8 : i32
        %dma_wait3A_1466 = arith.constant 0 : i32
        %dma_wait3A_1467 = tpu.memref_slice %dma_wait3A_1463[%dma_wait3A_1464, %dma_wait3A_1465, %dma_wait3A_1466] : memref<2x64x129xf32, #tpu.memory_space<vmem>> -> memref<2x8x128xf32, #tpu.memory_space<vmem>>
        %dma_wait3A_1468 = arith.constant 0 : i32
        %dma_wait3A_1469 = arith.constant 0 : i32
        %dma_wait3A_1470 = arith.constant 0 : i32
        %dma_wait3A_1471 = tpu.memref_slice %arg4[%dma_wait3A_1457, %dma_wait3A_1458, %dma_wait3A_1468, %dma_wait3A_1469, %dma_wait3A_1470] : memref<50x8x128x8x128xf32, #tpu.memory_space<hbm>> -> memref<1x1x128x8x128xf32, #tpu.memory_space<hbm>>
        %dma_wait3A_1472 = tpu.memref_squeeze %dma_wait3A_1471 : memref<1x1x128x8x128xf32, #tpu.memory_space<hbm>> -> memref<128x8x128xf32, #tpu.memory_space<hbm>>
        %dma_wait3A_1473 = arith.constant 0 : i32
        %dma_wait3A_1474 = arith.constant 0 : i32
        %dma_wait3A_1475 = tpu.memref_slice %dma_wait3A_1472[%mul3A_2, %dma_wait3A_1473, %dma_wait3A_1474] : memref<128x8x128xf32, #tpu.memory_space<hbm>> -> memref<2x8x128xf32, #tpu.memory_space<hbm>>
        %dma_wait3A_1476 = arith.constant 0 : i32
        %dma_wait3A_1477 = arith.constant 0 : i32
        %dma_wait3A_1478 = arith.constant 0 : i32
        %dma_wait3A_1479 = tpu.memref_slice %arg4[%dma_wait3A_1457, %dma_wait3A_1458, %dma_wait3A_1476, %dma_wait3A_1477, %dma_wait3A_1478] : memref<50x8x128x8x128xf32, #tpu.memory_space<hbm>> -> memref<1x1x128x8x128xf32, #tpu.memory_space<hbm>>
        %dma_wait3A_1480 = tpu.memref_squeeze %dma_wait3A_1479 : memref<1x1x128x8x128xf32, #tpu.memory_space<hbm>> -> memref<128x8x128xf32, #tpu.memory_space<hbm>>
        %dma_wait3A_1481 = arith.constant 0 : i32
        %dma_wait3A_1482 = arith.constant 0 : i32
        %dma_wait3A_1483 = tpu.memref_slice %dma_wait3A_1480[%mul3A_2, %dma_wait3A_1481, %dma_wait3A_1482] : memref<128x8x128xf32, #tpu.memory_space<hbm>> -> memref<2x8x128xf32, #tpu.memory_space<hbm>>
        %dma_wait3A_1484 = arith.constant 0 : i32
        %dma_wait3A_1485 = arith.constant 0 : i32
        %dma_wait3A_1486 = arith.constant 0 : i32
        %dma_wait3A_1487 = tpu.memref_slice %arg7[%dma_wait3A_1456, %dma_wait3A_1484, %dma_wait3A_1485, %dma_wait3A_1486] : memref<2x2x64x129xf32, #tpu.memory_space<vmem>> -> memref<1x2x64x129xf32, #tpu.memory_space<vmem>>
        %dma_wait3A_1488 = tpu.memref_squeeze %dma_wait3A_1487 : memref<1x2x64x129xf32, #tpu.memory_space<vmem>> -> memref<2x64x129xf32, #tpu.memory_space<vmem>>
        %dma_wait3A_1489 = arith.constant 0 : i32
        %dma_wait3A_1490 = arith.constant 8 : i32
        %dma_wait3A_1491 = arith.constant 0 : i32
        %dma_wait3A_1492 = tpu.memref_slice %dma_wait3A_1488[%dma_wait3A_1489, %dma_wait3A_1490, %dma_wait3A_1491] : memref<2x64x129xf32, #tpu.memory_space<vmem>> -> memref<2x8x128xf32, #tpu.memory_space<vmem>>
        tpu.wait_dma2 semaphore(%arg11 : memref<!tpu.dma_semaphore, #tpu.memory_space<semaphore_mem>>) src(%dma_wait3A_1492 : memref<2x8x128xf32, #tpu.memory_space<vmem>>) dst(%dma_wait3A_1483 : memref<2x8x128xf32, #tpu.memory_space<hbm>>)
        %dma_wait3A_1493 = arith.constant 1 : i32
        %dma_wait3A_1494 = arith.constant 0 : i32
        %dma_wait3A_1495 = arith.constant 2 : i32
        %dma_wait3A_1496 = arith.constant 0 : i32
        %dma_wait3A_1497 = arith.constant 0 : i32
        %dma_wait3A_1498 = arith.constant 0 : i32
        %dma_wait3A_1499 = tpu.memref_slice %arg7[%dma_wait3A_1493, %dma_wait3A_1496, %dma_wait3A_1497, %dma_wait3A_1498] : memref<2x2x64x129xf32, #tpu.memory_space<vmem>> -> memref<1x2x64x129xf32, #tpu.memory_space<vmem>>
        %dma_wait3A_1500 = tpu.memref_squeeze %dma_wait3A_1499 : memref<1x2x64x129xf32, #tpu.memory_space<vmem>> -> memref<2x64x129xf32, #tpu.memory_space<vmem>>
        %dma_wait3A_1501 = arith.constant 0 : i32
        %dma_wait3A_1502 = arith.constant 16 : i32
        %dma_wait3A_1503 = arith.constant 0 : i32
        %dma_wait3A_1504 = tpu.memref_slice %dma_wait3A_1500[%dma_wait3A_1501, %dma_wait3A_1502, %dma_wait3A_1503] : memref<2x64x129xf32, #tpu.memory_space<vmem>> -> memref<2x8x128xf32, #tpu.memory_space<vmem>>
        %dma_wait3A_1505 = arith.constant 0 : i32
        %dma_wait3A_1506 = arith.constant 0 : i32
        %dma_wait3A_1507 = arith.constant 0 : i32
        %dma_wait3A_1508 = tpu.memref_slice %arg4[%dma_wait3A_1494, %dma_wait3A_1495, %dma_wait3A_1505, %dma_wait3A_1506, %dma_wait3A_1507] : memref<50x8x128x8x128xf32, #tpu.memory_space<hbm>> -> memref<1x1x128x8x128xf32, #tpu.memory_space<hbm>>
        %dma_wait3A_1509 = tpu.memref_squeeze %dma_wait3A_1508 : memref<1x1x128x8x128xf32, #tpu.memory_space<hbm>> -> memref<128x8x128xf32, #tpu.memory_space<hbm>>
        %dma_wait3A_1510 = arith.constant 0 : i32
        %dma_wait3A_1511 = arith.constant 0 : i32
        %dma_wait3A_1512 = tpu.memref_slice %dma_wait3A_1509[%mul3A_2, %dma_wait3A_1510, %dma_wait3A_1511] : memref<128x8x128xf32, #tpu.memory_space<hbm>> -> memref<2x8x128xf32, #tpu.memory_space<hbm>>
        %dma_wait3A_1513 = arith.constant 0 : i32
        %dma_wait3A_1514 = arith.constant 0 : i32
        %dma_wait3A_1515 = arith.constant 0 : i32
        %dma_wait3A_1516 = tpu.memref_slice %arg4[%dma_wait3A_1494, %dma_wait3A_1495, %dma_wait3A_1513, %dma_wait3A_1514, %dma_wait3A_1515] : memref<50x8x128x8x128xf32, #tpu.memory_space<hbm>> -> memref<1x1x128x8x128xf32, #tpu.memory_space<hbm>>
        %dma_wait3A_1517 = tpu.memref_squeeze %dma_wait3A_1516 : memref<1x1x128x8x128xf32, #tpu.memory_space<hbm>> -> memref<128x8x128xf32, #tpu.memory_space<hbm>>
        %dma_wait3A_1518 = arith.constant 0 : i32
        %dma_wait3A_1519 = arith.constant 0 : i32
        %dma_wait3A_1520 = tpu.memref_slice %dma_wait3A_1517[%mul3A_2, %dma_wait3A_1518, %dma_wait3A_1519] : memref<128x8x128xf32, #tpu.memory_space<hbm>> -> memref<2x8x128xf32, #tpu.memory_space<hbm>>
        %dma_wait3A_1521 = arith.constant 0 : i32
        %dma_wait3A_1522 = arith.constant 0 : i32
        %dma_wait3A_1523 = arith.constant 0 : i32
        %dma_wait3A_1524 = tpu.memref_slice %arg7[%dma_wait3A_1493, %dma_wait3A_1521, %dma_wait3A_1522, %dma_wait3A_1523] : memref<2x2x64x129xf32, #tpu.memory_space<vmem>> -> memref<1x2x64x129xf32, #tpu.memory_space<vmem>>
        %dma_wait3A_1525 = tpu.memref_squeeze %dma_wait3A_1524 : memref<1x2x64x129xf32, #tpu.memory_space<vmem>> -> memref<2x64x129xf32, #tpu.memory_space<vmem>>
        %dma_wait3A_1526 = arith.constant 0 : i32
        %dma_wait3A_1527 = arith.constant 16 : i32
        %dma_wait3A_1528 = arith.constant 0 : i32
        %dma_wait3A_1529 = tpu.memref_slice %dma_wait3A_1525[%dma_wait3A_1526, %dma_wait3A_1527, %dma_wait3A_1528] : memref<2x64x129xf32, #tpu.memory_space<vmem>> -> memref<2x8x128xf32, #tpu.memory_space<vmem>>
        tpu.wait_dma2 semaphore(%arg11 : memref<!tpu.dma_semaphore, #tpu.memory_space<semaphore_mem>>) src(%dma_wait3A_1529 : memref<2x8x128xf32, #tpu.memory_space<vmem>>) dst(%dma_wait3A_1520 : memref<2x8x128xf32, #tpu.memory_space<hbm>>)
        %dma_wait3A_1530 = arith.constant 1 : i32
        %dma_wait3A_1531 = arith.constant 0 : i32
        %dma_wait3A_1532 = arith.constant 3 : i32
        %dma_wait3A_1533 = arith.constant 0 : i32
        %dma_wait3A_1534 = arith.constant 0 : i32
        %dma_wait3A_1535 = arith.constant 0 : i32
        %dma_wait3A_1536 = tpu.memref_slice %arg7[%dma_wait3A_1530, %dma_wait3A_1533, %dma_wait3A_1534, %dma_wait3A_1535] : memref<2x2x64x129xf32, #tpu.memory_space<vmem>> -> memref<1x2x64x129xf32, #tpu.memory_space<vmem>>
        %dma_wait3A_1537 = tpu.memref_squeeze %dma_wait3A_1536 : memref<1x2x64x129xf32, #tpu.memory_space<vmem>> -> memref<2x64x129xf32, #tpu.memory_space<vmem>>
        %dma_wait3A_1538 = arith.constant 0 : i32
        %dma_wait3A_1539 = arith.constant 24 : i32
        %dma_wait3A_1540 = arith.constant 0 : i32
        %dma_wait3A_1541 = tpu.memref_slice %dma_wait3A_1537[%dma_wait3A_1538, %dma_wait3A_1539, %dma_wait3A_1540] : memref<2x64x129xf32, #tpu.memory_space<vmem>> -> memref<2x8x128xf32, #tpu.memory_space<vmem>>
        %dma_wait3A_1542 = arith.constant 0 : i32
        %dma_wait3A_1543 = arith.constant 0 : i32
        %dma_wait3A_1544 = arith.constant 0 : i32
        %dma_wait3A_1545 = tpu.memref_slice %arg4[%dma_wait3A_1531, %dma_wait3A_1532, %dma_wait3A_1542, %dma_wait3A_1543, %dma_wait3A_1544] : memref<50x8x128x8x128xf32, #tpu.memory_space<hbm>> -> memref<1x1x128x8x128xf32, #tpu.memory_space<hbm>>
        %dma_wait3A_1546 = tpu.memref_squeeze %dma_wait3A_1545 : memref<1x1x128x8x128xf32, #tpu.memory_space<hbm>> -> memref<128x8x128xf32, #tpu.memory_space<hbm>>
        %dma_wait3A_1547 = arith.constant 0 : i32
        %dma_wait3A_1548 = arith.constant 0 : i32
        %dma_wait3A_1549 = tpu.memref_slice %dma_wait3A_1546[%mul3A_2, %dma_wait3A_1547, %dma_wait3A_1548] : memref<128x8x128xf32, #tpu.memory_space<hbm>> -> memref<2x8x128xf32, #tpu.memory_space<hbm>>
        %dma_wait3A_1550 = arith.constant 0 : i32
        %dma_wait3A_1551 = arith.constant 0 : i32
        %dma_wait3A_1552 = arith.constant 0 : i32
        %dma_wait3A_1553 = tpu.memref_slice %arg4[%dma_wait3A_1531, %dma_wait3A_1532, %dma_wait3A_1550, %dma_wait3A_1551, %dma_wait3A_1552] : memref<50x8x128x8x128xf32, #tpu.memory_space<hbm>> -> memref<1x1x128x8x128xf32, #tpu.memory_space<hbm>>
        %dma_wait3A_1554 = tpu.memref_squeeze %dma_wait3A_1553 : memref<1x1x128x8x128xf32, #tpu.memory_space<hbm>> -> memref<128x8x128xf32, #tpu.memory_space<hbm>>
        %dma_wait3A_1555 = arith.constant 0 : i32
        %dma_wait3A_1556 = arith.constant 0 : i32
        %dma_wait3A_1557 = tpu.memref_slice %dma_wait3A_1554[%mul3A_2, %dma_wait3A_1555, %dma_wait3A_1556] : memref<128x8x128xf32, #tpu.memory_space<hbm>> -> memref<2x8x128xf32, #tpu.memory_space<hbm>>
        %dma_wait3A_1558 = arith.constant 0 : i32
        %dma_wait3A_1559 = arith.constant 0 : i32
        %dma_wait3A_1560 = arith.constant 0 : i32
        %dma_wait3A_1561 = tpu.memref_slice %arg7[%dma_wait3A_1530, %dma_wait3A_1558, %dma_wait3A_1559, %dma_wait3A_1560] : memref<2x2x64x129xf32, #tpu.memory_space<vmem>> -> memref<1x2x64x129xf32, #tpu.memory_space<vmem>>
        %dma_wait3A_1562 = tpu.memref_squeeze %dma_wait3A_1561 : memref<1x2x64x129xf32, #tpu.memory_space<vmem>> -> memref<2x64x129xf32, #tpu.memory_space<vmem>>
        %dma_wait3A_1563 = arith.constant 0 : i32
        %dma_wait3A_1564 = arith.constant 24 : i32
        %dma_wait3A_1565 = arith.constant 0 : i32
        %dma_wait3A_1566 = tpu.memref_slice %dma_wait3A_1562[%dma_wait3A_1563, %dma_wait3A_1564, %dma_wait3A_1565] : memref<2x64x129xf32, #tpu.memory_space<vmem>> -> memref<2x8x128xf32, #tpu.memory_space<vmem>>
        tpu.wait_dma2 semaphore(%arg11 : memref<!tpu.dma_semaphore, #tpu.memory_space<semaphore_mem>>) src(%dma_wait3A_1566 : memref<2x8x128xf32, #tpu.memory_space<vmem>>) dst(%dma_wait3A_1557 : memref<2x8x128xf32, #tpu.memory_space<hbm>>)
        %dma_wait3A_1567 = arith.constant 1 : i32
        %dma_wait3A_1568 = arith.constant 0 : i32
        %dma_wait3A_1569 = arith.constant 4 : i32
        %dma_wait3A_1570 = arith.constant 0 : i32
        %dma_wait3A_1571 = arith.constant 0 : i32
        %dma_wait3A_1572 = arith.constant 0 : i32
        %dma_wait3A_1573 = tpu.memref_slice %arg7[%dma_wait3A_1567, %dma_wait3A_1570, %dma_wait3A_1571, %dma_wait3A_1572] : memref<2x2x64x129xf32, #tpu.memory_space<vmem>> -> memref<1x2x64x129xf32, #tpu.memory_space<vmem>>
        %dma_wait3A_1574 = tpu.memref_squeeze %dma_wait3A_1573 : memref<1x2x64x129xf32, #tpu.memory_space<vmem>> -> memref<2x64x129xf32, #tpu.memory_space<vmem>>
        %dma_wait3A_1575 = arith.constant 0 : i32
        %dma_wait3A_1576 = arith.constant 32 : i32
        %dma_wait3A_1577 = arith.constant 0 : i32
        %dma_wait3A_1578 = tpu.memref_slice %dma_wait3A_1574[%dma_wait3A_1575, %dma_wait3A_1576, %dma_wait3A_1577] : memref<2x64x129xf32, #tpu.memory_space<vmem>> -> memref<2x8x128xf32, #tpu.memory_space<vmem>>
        %dma_wait3A_1579 = arith.constant 0 : i32
        %dma_wait3A_1580 = arith.constant 0 : i32
        %dma_wait3A_1581 = arith.constant 0 : i32
        %dma_wait3A_1582 = tpu.memref_slice %arg4[%dma_wait3A_1568, %dma_wait3A_1569, %dma_wait3A_1579, %dma_wait3A_1580, %dma_wait3A_1581] : memref<50x8x128x8x128xf32, #tpu.memory_space<hbm>> -> memref<1x1x128x8x128xf32, #tpu.memory_space<hbm>>
        %dma_wait3A_1583 = tpu.memref_squeeze %dma_wait3A_1582 : memref<1x1x128x8x128xf32, #tpu.memory_space<hbm>> -> memref<128x8x128xf32, #tpu.memory_space<hbm>>
        %dma_wait3A_1584 = arith.constant 0 : i32
        %dma_wait3A_1585 = arith.constant 0 : i32
        %dma_wait3A_1586 = tpu.memref_slice %dma_wait3A_1583[%mul3A_2, %dma_wait3A_1584, %dma_wait3A_1585] : memref<128x8x128xf32, #tpu.memory_space<hbm>> -> memref<2x8x128xf32, #tpu.memory_space<hbm>>
        %dma_wait3A_1587 = arith.constant 0 : i32
        %dma_wait3A_1588 = arith.constant 0 : i32
        %dma_wait3A_1589 = arith.constant 0 : i32
        %dma_wait3A_1590 = tpu.memref_slice %arg4[%dma_wait3A_1568, %dma_wait3A_1569, %dma_wait3A_1587, %dma_wait3A_1588, %dma_wait3A_1589] : memref<50x8x128x8x128xf32, #tpu.memory_space<hbm>> -> memref<1x1x128x8x128xf32, #tpu.memory_space<hbm>>
        %dma_wait3A_1591 = tpu.memref_squeeze %dma_wait3A_1590 : memref<1x1x128x8x128xf32, #tpu.memory_space<hbm>> -> memref<128x8x128xf32, #tpu.memory_space<hbm>>
        %dma_wait3A_1592 = arith.constant 0 : i32
        %dma_wait3A_1593 = arith.constant 0 : i32
        %dma_wait3A_1594 = tpu.memref_slice %dma_wait3A_1591[%mul3A_2, %dma_wait3A_1592, %dma_wait3A_1593] : memref<128x8x128xf32, #tpu.memory_space<hbm>> -> memref<2x8x128xf32, #tpu.memory_space<hbm>>
        %dma_wait3A_1595 = arith.constant 0 : i32
        %dma_wait3A_1596 = arith.constant 0 : i32
        %dma_wait3A_1597 = arith.constant 0 : i32
        %dma_wait3A_1598 = tpu.memref_slice %arg7[%dma_wait3A_1567, %dma_wait3A_1595, %dma_wait3A_1596, %dma_wait3A_1597] : memref<2x2x64x129xf32, #tpu.memory_space<vmem>> -> memref<1x2x64x129xf32, #tpu.memory_space<vmem>>
        %dma_wait3A_1599 = tpu.memref_squeeze %dma_wait3A_1598 : memref<1x2x64x129xf32, #tpu.memory_space<vmem>> -> memref<2x64x129xf32, #tpu.memory_space<vmem>>
        %dma_wait3A_1600 = arith.constant 0 : i32
        %dma_wait3A_1601 = arith.constant 32 : i32
        %dma_wait3A_1602 = arith.constant 0 : i32
        %dma_wait3A_1603 = tpu.memref_slice %dma_wait3A_1599[%dma_wait3A_1600, %dma_wait3A_1601, %dma_wait3A_1602] : memref<2x64x129xf32, #tpu.memory_space<vmem>> -> memref<2x8x128xf32, #tpu.memory_space<vmem>>
        tpu.wait_dma2 semaphore(%arg11 : memref<!tpu.dma_semaphore, #tpu.memory_space<semaphore_mem>>) src(%dma_wait3A_1603 : memref<2x8x128xf32, #tpu.memory_space<vmem>>) dst(%dma_wait3A_1594 : memref<2x8x128xf32, #tpu.memory_space<hbm>>)
        %dma_wait3A_1604 = arith.constant 1 : i32
        %dma_wait3A_1605 = arith.constant 0 : i32
        %dma_wait3A_1606 = arith.constant 5 : i32
        %dma_wait3A_1607 = arith.constant 0 : i32
        %dma_wait3A_1608 = arith.constant 0 : i32
        %dma_wait3A_1609 = arith.constant 0 : i32
        %dma_wait3A_1610 = tpu.memref_slice %arg7[%dma_wait3A_1604, %dma_wait3A_1607, %dma_wait3A_1608, %dma_wait3A_1609] : memref<2x2x64x129xf32, #tpu.memory_space<vmem>> -> memref<1x2x64x129xf32, #tpu.memory_space<vmem>>
        %dma_wait3A_1611 = tpu.memref_squeeze %dma_wait3A_1610 : memref<1x2x64x129xf32, #tpu.memory_space<vmem>> -> memref<2x64x129xf32, #tpu.memory_space<vmem>>
        %dma_wait3A_1612 = arith.constant 0 : i32
        %dma_wait3A_1613 = arith.constant 40 : i32
        %dma_wait3A_1614 = arith.constant 0 : i32
        %dma_wait3A_1615 = tpu.memref_slice %dma_wait3A_1611[%dma_wait3A_1612, %dma_wait3A_1613, %dma_wait3A_1614] : memref<2x64x129xf32, #tpu.memory_space<vmem>> -> memref<2x8x128xf32, #tpu.memory_space<vmem>>
        %dma_wait3A_1616 = arith.constant 0 : i32
        %dma_wait3A_1617 = arith.constant 0 : i32
        %dma_wait3A_1618 = arith.constant 0 : i32
        %dma_wait3A_1619 = tpu.memref_slice %arg4[%dma_wait3A_1605, %dma_wait3A_1606, %dma_wait3A_1616, %dma_wait3A_1617, %dma_wait3A_1618] : memref<50x8x128x8x128xf32, #tpu.memory_space<hbm>> -> memref<1x1x128x8x128xf32, #tpu.memory_space<hbm>>
        %dma_wait3A_1620 = tpu.memref_squeeze %dma_wait3A_1619 : memref<1x1x128x8x128xf32, #tpu.memory_space<hbm>> -> memref<128x8x128xf32, #tpu.memory_space<hbm>>
        %dma_wait3A_1621 = arith.constant 0 : i32
        %dma_wait3A_1622 = arith.constant 0 : i32
        %dma_wait3A_1623 = tpu.memref_slice %dma_wait3A_1620[%mul3A_2, %dma_wait3A_1621, %dma_wait3A_1622] : memref<128x8x128xf32, #tpu.memory_space<hbm>> -> memref<2x8x128xf32, #tpu.memory_space<hbm>>
        %dma_wait3A_1624 = arith.constant 0 : i32
        %dma_wait3A_1625 = arith.constant 0 : i32
        %dma_wait3A_1626 = arith.constant 0 : i32
        %dma_wait3A_1627 = tpu.memref_slice %arg4[%dma_wait3A_1605, %dma_wait3A_1606, %dma_wait3A_1624, %dma_wait3A_1625, %dma_wait3A_1626] : memref<50x8x128x8x128xf32, #tpu.memory_space<hbm>> -> memref<1x1x128x8x128xf32, #tpu.memory_space<hbm>>
        %dma_wait3A_1628 = tpu.memref_squeeze %dma_wait3A_1627 : memref<1x1x128x8x128xf32, #tpu.memory_space<hbm>> -> memref<128x8x128xf32, #tpu.memory_space<hbm>>
        %dma_wait3A_1629 = arith.constant 0 : i32
        %dma_wait3A_1630 = arith.constant 0 : i32
        %dma_wait3A_1631 = tpu.memref_slice %dma_wait3A_1628[%mul3A_2, %dma_wait3A_1629, %dma_wait3A_1630] : memref<128x8x128xf32, #tpu.memory_space<hbm>> -> memref<2x8x128xf32, #tpu.memory_space<hbm>>
        %dma_wait3A_1632 = arith.constant 0 : i32
        %dma_wait3A_1633 = arith.constant 0 : i32
        %dma_wait3A_1634 = arith.constant 0 : i32
        %dma_wait3A_1635 = tpu.memref_slice %arg7[%dma_wait3A_1604, %dma_wait3A_1632, %dma_wait3A_1633, %dma_wait3A_1634] : memref<2x2x64x129xf32, #tpu.memory_space<vmem>> -> memref<1x2x64x129xf32, #tpu.memory_space<vmem>>
        %dma_wait3A_1636 = tpu.memref_squeeze %dma_wait3A_1635 : memref<1x2x64x129xf32, #tpu.memory_space<vmem>> -> memref<2x64x129xf32, #tpu.memory_space<vmem>>
        %dma_wait3A_1637 = arith.constant 0 : i32
        %dma_wait3A_1638 = arith.constant 40 : i32
        %dma_wait3A_1639 = arith.constant 0 : i32
        %dma_wait3A_1640 = tpu.memref_slice %dma_wait3A_1636[%dma_wait3A_1637, %dma_wait3A_1638, %dma_wait3A_1639] : memref<2x64x129xf32, #tpu.memory_space<vmem>> -> memref<2x8x128xf32, #tpu.memory_space<vmem>>
        tpu.wait_dma2 semaphore(%arg11 : memref<!tpu.dma_semaphore, #tpu.memory_space<semaphore_mem>>) src(%dma_wait3A_1640 : memref<2x8x128xf32, #tpu.memory_space<vmem>>) dst(%dma_wait3A_1631 : memref<2x8x128xf32, #tpu.memory_space<hbm>>)
        %dma_wait3A_1641 = arith.constant 1 : i32
        %dma_wait3A_1642 = arith.constant 0 : i32
        %dma_wait3A_1643 = arith.constant 6 : i32
        %dma_wait3A_1644 = arith.constant 0 : i32
        %dma_wait3A_1645 = arith.constant 0 : i32
        %dma_wait3A_1646 = arith.constant 0 : i32
        %dma_wait3A_1647 = tpu.memref_slice %arg7[%dma_wait3A_1641, %dma_wait3A_1644, %dma_wait3A_1645, %dma_wait3A_1646] : memref<2x2x64x129xf32, #tpu.memory_space<vmem>> -> memref<1x2x64x129xf32, #tpu.memory_space<vmem>>
        %dma_wait3A_1648 = tpu.memref_squeeze %dma_wait3A_1647 : memref<1x2x64x129xf32, #tpu.memory_space<vmem>> -> memref<2x64x129xf32, #tpu.memory_space<vmem>>
        %dma_wait3A_1649 = arith.constant 0 : i32
        %dma_wait3A_1650 = arith.constant 48 : i32
        %dma_wait3A_1651 = arith.constant 0 : i32
        %dma_wait3A_1652 = tpu.memref_slice %dma_wait3A_1648[%dma_wait3A_1649, %dma_wait3A_1650, %dma_wait3A_1651] : memref<2x64x129xf32, #tpu.memory_space<vmem>> -> memref<2x8x128xf32, #tpu.memory_space<vmem>>
        %dma_wait3A_1653 = arith.constant 0 : i32
        %dma_wait3A_1654 = arith.constant 0 : i32
        %dma_wait3A_1655 = arith.constant 0 : i32
        %dma_wait3A_1656 = tpu.memref_slice %arg4[%dma_wait3A_1642, %dma_wait3A_1643, %dma_wait3A_1653, %dma_wait3A_1654, %dma_wait3A_1655] : memref<50x8x128x8x128xf32, #tpu.memory_space<hbm>> -> memref<1x1x128x8x128xf32, #tpu.memory_space<hbm>>
        %dma_wait3A_1657 = tpu.memref_squeeze %dma_wait3A_1656 : memref<1x1x128x8x128xf32, #tpu.memory_space<hbm>> -> memref<128x8x128xf32, #tpu.memory_space<hbm>>
        %dma_wait3A_1658 = arith.constant 0 : i32
        %dma_wait3A_1659 = arith.constant 0 : i32
        %dma_wait3A_1660 = tpu.memref_slice %dma_wait3A_1657[%mul3A_2, %dma_wait3A_1658, %dma_wait3A_1659] : memref<128x8x128xf32, #tpu.memory_space<hbm>> -> memref<2x8x128xf32, #tpu.memory_space<hbm>>
        %dma_wait3A_1661 = arith.constant 0 : i32
        %dma_wait3A_1662 = arith.constant 0 : i32
        %dma_wait3A_1663 = arith.constant 0 : i32
        %dma_wait3A_1664 = tpu.memref_slice %arg4[%dma_wait3A_1642, %dma_wait3A_1643, %dma_wait3A_1661, %dma_wait3A_1662, %dma_wait3A_1663] : memref<50x8x128x8x128xf32, #tpu.memory_space<hbm>> -> memref<1x1x128x8x128xf32, #tpu.memory_space<hbm>>
        %dma_wait3A_1665 = tpu.memref_squeeze %dma_wait3A_1664 : memref<1x1x128x8x128xf32, #tpu.memory_space<hbm>> -> memref<128x8x128xf32, #tpu.memory_space<hbm>>
        %dma_wait3A_1666 = arith.constant 0 : i32
        %dma_wait3A_1667 = arith.constant 0 : i32
        %dma_wait3A_1668 = tpu.memref_slice %dma_wait3A_1665[%mul3A_2, %dma_wait3A_1666, %dma_wait3A_1667] : memref<128x8x128xf32, #tpu.memory_space<hbm>> -> memref<2x8x128xf32, #tpu.memory_space<hbm>>
        %dma_wait3A_1669 = arith.constant 0 : i32
        %dma_wait3A_1670 = arith.constant 0 : i32
        %dma_wait3A_1671 = arith.constant 0 : i32
        %dma_wait3A_1672 = tpu.memref_slice %arg7[%dma_wait3A_1641, %dma_wait3A_1669, %dma_wait3A_1670, %dma_wait3A_1671] : memref<2x2x64x129xf32, #tpu.memory_space<vmem>> -> memref<1x2x64x129xf32, #tpu.memory_space<vmem>>
        %dma_wait3A_1673 = tpu.memref_squeeze %dma_wait3A_1672 : memref<1x2x64x129xf32, #tpu.memory_space<vmem>> -> memref<2x64x129xf32, #tpu.memory_space<vmem>>
        %dma_wait3A_1674 = arith.constant 0 : i32
        %dma_wait3A_1675 = arith.constant 48 : i32
        %dma_wait3A_1676 = arith.constant 0 : i32
        %dma_wait3A_1677 = tpu.memref_slice %dma_wait3A_1673[%dma_wait3A_1674, %dma_wait3A_1675, %dma_wait3A_1676] : memref<2x64x129xf32, #tpu.memory_space<vmem>> -> memref<2x8x128xf32, #tpu.memory_space<vmem>>
        tpu.wait_dma2 semaphore(%arg11 : memref<!tpu.dma_semaphore, #tpu.memory_space<semaphore_mem>>) src(%dma_wait3A_1677 : memref<2x8x128xf32, #tpu.memory_space<vmem>>) dst(%dma_wait3A_1668 : memref<2x8x128xf32, #tpu.memory_space<hbm>>)
        %dma_wait3A_1678 = arith.constant 1 : i32
        %dma_wait3A_1679 = arith.constant 0 : i32
        %dma_wait3A_1680 = arith.constant 7 : i32
        %dma_wait3A_1681 = arith.constant 0 : i32
        %dma_wait3A_1682 = arith.constant 0 : i32
        %dma_wait3A_1683 = arith.constant 0 : i32
        %dma_wait3A_1684 = tpu.memref_slice %arg7[%dma_wait3A_1678, %dma_wait3A_1681, %dma_wait3A_1682, %dma_wait3A_1683] : memref<2x2x64x129xf32, #tpu.memory_space<vmem>> -> memref<1x2x64x129xf32, #tpu.memory_space<vmem>>
        %dma_wait3A_1685 = tpu.memref_squeeze %dma_wait3A_1684 : memref<1x2x64x129xf32, #tpu.memory_space<vmem>> -> memref<2x64x129xf32, #tpu.memory_space<vmem>>
        %dma_wait3A_1686 = arith.constant 0 : i32
        %dma_wait3A_1687 = arith.constant 56 : i32
        %dma_wait3A_1688 = arith.constant 0 : i32
        %dma_wait3A_1689 = tpu.memref_slice %dma_wait3A_1685[%dma_wait3A_1686, %dma_wait3A_1687, %dma_wait3A_1688] : memref<2x64x129xf32, #tpu.memory_space<vmem>> -> memref<2x8x128xf32, #tpu.memory_space<vmem>>
        %dma_wait3A_1690 = arith.constant 0 : i32
        %dma_wait3A_1691 = arith.constant 0 : i32
        %dma_wait3A_1692 = arith.constant 0 : i32
        %dma_wait3A_1693 = tpu.memref_slice %arg4[%dma_wait3A_1679, %dma_wait3A_1680, %dma_wait3A_1690, %dma_wait3A_1691, %dma_wait3A_1692] : memref<50x8x128x8x128xf32, #tpu.memory_space<hbm>> -> memref<1x1x128x8x128xf32, #tpu.memory_space<hbm>>
        %dma_wait3A_1694 = tpu.memref_squeeze %dma_wait3A_1693 : memref<1x1x128x8x128xf32, #tpu.memory_space<hbm>> -> memref<128x8x128xf32, #tpu.memory_space<hbm>>
        %dma_wait3A_1695 = arith.constant 0 : i32
        %dma_wait3A_1696 = arith.constant 0 : i32
        %dma_wait3A_1697 = tpu.memref_slice %dma_wait3A_1694[%mul3A_2, %dma_wait3A_1695, %dma_wait3A_1696] : memref<128x8x128xf32, #tpu.memory_space<hbm>> -> memref<2x8x128xf32, #tpu.memory_space<hbm>>
        %dma_wait3A_1698 = arith.constant 0 : i32
        %dma_wait3A_1699 = arith.constant 0 : i32
        %dma_wait3A_1700 = arith.constant 0 : i32
        %dma_wait3A_1701 = tpu.memref_slice %arg4[%dma_wait3A_1679, %dma_wait3A_1680, %dma_wait3A_1698, %dma_wait3A_1699, %dma_wait3A_1700] : memref<50x8x128x8x128xf32, #tpu.memory_space<hbm>> -> memref<1x1x128x8x128xf32, #tpu.memory_space<hbm>>
        %dma_wait3A_1702 = tpu.memref_squeeze %dma_wait3A_1701 : memref<1x1x128x8x128xf32, #tpu.memory_space<hbm>> -> memref<128x8x128xf32, #tpu.memory_space<hbm>>
        %dma_wait3A_1703 = arith.constant 0 : i32
        %dma_wait3A_1704 = arith.constant 0 : i32
        %dma_wait3A_1705 = tpu.memref_slice %dma_wait3A_1702[%mul3A_2, %dma_wait3A_1703, %dma_wait3A_1704] : memref<128x8x128xf32, #tpu.memory_space<hbm>> -> memref<2x8x128xf32, #tpu.memory_space<hbm>>
        %dma_wait3A_1706 = arith.constant 0 : i32
        %dma_wait3A_1707 = arith.constant 0 : i32
        %dma_wait3A_1708 = arith.constant 0 : i32
        %dma_wait3A_1709 = tpu.memref_slice %arg7[%dma_wait3A_1678, %dma_wait3A_1706, %dma_wait3A_1707, %dma_wait3A_1708] : memref<2x2x64x129xf32, #tpu.memory_space<vmem>> -> memref<1x2x64x129xf32, #tpu.memory_space<vmem>>
        %dma_wait3A_1710 = tpu.memref_squeeze %dma_wait3A_1709 : memref<1x2x64x129xf32, #tpu.memory_space<vmem>> -> memref<2x64x129xf32, #tpu.memory_space<vmem>>
        %dma_wait3A_1711 = arith.constant 0 : i32
        %dma_wait3A_1712 = arith.constant 56 : i32
        %dma_wait3A_1713 = arith.constant 0 : i32
        %dma_wait3A_1714 = tpu.memref_slice %dma_wait3A_1710[%dma_wait3A_1711, %dma_wait3A_1712, %dma_wait3A_1713] : memref<2x64x129xf32, #tpu.memory_space<vmem>> -> memref<2x8x128xf32, #tpu.memory_space<vmem>>
        tpu.wait_dma2 semaphore(%arg11 : memref<!tpu.dma_semaphore, #tpu.memory_space<semaphore_mem>>) src(%dma_wait3A_1714 : memref<2x8x128xf32, #tpu.memory_space<vmem>>) dst(%dma_wait3A_1705 : memref<2x8x128xf32, #tpu.memory_space<hbm>>)
      } else {
      }
      %add3A_1069 = arith.constant 0 : i32
      %add3A_1070 = vector.broadcast %add3A_1069 : i32 to vector<16xi32>
      %add3A_1071 = arith.addi %mul3A_19, %add3A_1070 : vector<16xi32>
      %parallel_loop3A_1072 = arith.constant 0 : i32
      %parallel_loop3A_1073 = arith.constant 128 : i32
      %parallel_loop3A_1074 = arith.constant 1 : i32
      scf.for %parallel_loop3A_1419 = %parallel_loop3A_1072 to %parallel_loop3A_1073 step %parallel_loop3A_1074  : i32 {
        %parallel_loop3A_1420 = vector.broadcast %parallel_loop3A_1419 : i32 to vector<16xi32>
        %parallel_loop3A_1421 = arith.addi %mul3A_19, %parallel_loop3A_1420 : vector<16xi32>
        %parallel_loop3A_1422 = arith.constant 0 : i32
        %parallel_loop3A_1423 = arith.addi %parallel_loop3A_1422, %parallel_loop3A_1419 : i32
        %parallel_loop3A_1424 = arith.constant 1 : i32
        %parallel_loop3A_1425 = arith.index_cast %parallel_loop3A_1424 : i32 to index
        %parallel_loop3A_1426 = arith.index_cast %parallel_loop3A_1423 : i32 to index
        %parallel_loop3A_1427 = arith.constant 0 : index
        %parallel_loop3A_1428 = tpu.vector_load %arg6[%parallel_loop3A_1425, %parallel_loop3A_1426, %parallel_loop3A_1427] {strides = array<i32>} : memref<2x256x64xf32, #tpu.memory_space<vmem>>, vector<16xf32>,
        %parallel_loop3A_1429 = arith.constant 1 : i32
        %parallel_loop3A_1430 = arith.constant 0 : i32
        %parallel_loop3A_1431 = arith.constant 0 : i32
        %parallel_loop3A_1432 = arith.constant 0 : i32
        %parallel_loop3A_1433 = tpu.memref_slice %arg7[%parallel_loop3A_1429, %parallel_loop3A_1430, %parallel_loop3A_1431, %parallel_loop3A_1432] : memref<2x2x64x129xf32, #tpu.memory_space<vmem>> -> memref<1x2x64x129xf32, #tpu.memory_space<vmem>>
        %parallel_loop3A_1434 = tpu.memref_squeeze %parallel_loop3A_1433 : memref<1x2x64x129xf32, #tpu.memory_space<vmem>> -> memref<2x64x129xf32, #tpu.memory_space<vmem>>
        tpu.vector_store_idx %parallel_loop3A_1434[%add3A_1071, %add3A_7, %parallel_loop3A_1421], %parallel_loop3A_1428 : memref<2x64x129xf32, #tpu.memory_space<vmem>>[vector<16xi32>, vector<16xi32>, vector<16xi32>], vector<16xf32>,
        %parallel_loop3A_1435 = arith.constant 0 : i32
        %parallel_loop3A_1436 = arith.addi %parallel_loop3A_1435, %parallel_loop3A_1419 : i32
        %parallel_loop3A_1437 = arith.constant 1 : i32
        %parallel_loop3A_1438 = arith.index_cast %parallel_loop3A_1437 : i32 to index
        %parallel_loop3A_1439 = arith.index_cast %parallel_loop3A_1436 : i32 to index
        %parallel_loop3A_1440 = arith.constant 16 : index
        %parallel_loop3A_1441 = tpu.vector_load %arg6[%parallel_loop3A_1438, %parallel_loop3A_1439, %parallel_loop3A_1440] {strides = array<i32>} : memref<2x256x64xf32, #tpu.memory_space<vmem>>, vector<16xf32>,
        %parallel_loop3A_1442 = arith.constant 1 : i32
        %parallel_loop3A_1443 = arith.constant 0 : i32
        %parallel_loop3A_1444 = arith.constant 0 : i32
        %parallel_loop3A_1445 = arith.constant 0 : i32
        %parallel_loop3A_1446 = tpu.memref_slice %arg7[%parallel_loop3A_1442, %parallel_loop3A_1443, %parallel_loop3A_1444, %parallel_loop3A_1445] : memref<2x2x64x129xf32, #tpu.memory_space<vmem>> -> memref<1x2x64x129xf32, #tpu.memory_space<vmem>>
        %parallel_loop3A_1447 = tpu.memref_squeeze %parallel_loop3A_1446 : memref<1x2x64x129xf32, #tpu.memory_space<vmem>> -> memref<2x64x129xf32, #tpu.memory_space<vmem>>
        tpu.vector_store_idx %parallel_loop3A_1447[%add3A_1071, %add3A_10, %parallel_loop3A_1421], %parallel_loop3A_1441 : memref<2x64x129xf32, #tpu.memory_space<vmem>>[vector<16xi32>, vector<16xi32>, vector<16xi32>], vector<16xf32>,
        %parallel_loop3A_1448 = arith.constant 0 : i32
        %parallel_loop3A_1449 = arith.addi %parallel_loop3A_1448, %parallel_loop3A_1419 : i32
        %parallel_loop3A_1450 = arith.constant 1 : i32
        %parallel_loop3A_1451 = arith.index_cast %parallel_loop3A_1450 : i32 to index
        %parallel_loop3A_1452 = arith.index_cast %parallel_loop3A_1449 : i32 to index
        %parallel_loop3A_1453 = arith.constant 32 : index
        %parallel_loop3A_1454 = tpu.vector_load %arg6[%parallel_loop3A_1451, %parallel_loop3A_1452, %parallel_loop3A_1453] {strides = array<i32>} : memref<2x256x64xf32, #tpu.memory_space<vmem>>, vector<16xf32>,
        %parallel_loop3A_1455 = arith.constant 1 : i32
        %parallel_loop3A_1456 = arith.constant 0 : i32
        %parallel_loop3A_1457 = arith.constant 0 : i32
        %parallel_loop3A_1458 = arith.constant 0 : i32
        %parallel_loop3A_1459 = tpu.memref_slice %arg7[%parallel_loop3A_1455, %parallel_loop3A_1456, %parallel_loop3A_1457, %parallel_loop3A_1458] : memref<2x2x64x129xf32, #tpu.memory_space<vmem>> -> memref<1x2x64x129xf32, #tpu.memory_space<vmem>>
        %parallel_loop3A_1460 = tpu.memref_squeeze %parallel_loop3A_1459 : memref<1x2x64x129xf32, #tpu.memory_space<vmem>> -> memref<2x64x129xf32, #tpu.memory_space<vmem>>
        tpu.vector_store_idx %parallel_loop3A_1460[%add3A_1071, %add3A_13, %parallel_loop3A_1421], %parallel_loop3A_1454 : memref<2x64x129xf32, #tpu.memory_space<vmem>>[vector<16xi32>, vector<16xi32>, vector<16xi32>], vector<16xf32>,
        %parallel_loop3A_1461 = arith.constant 0 : i32
        %parallel_loop3A_1462 = arith.addi %parallel_loop3A_1461, %parallel_loop3A_1419 : i32
        %parallel_loop3A_1463 = arith.constant 1 : i32
        %parallel_loop3A_1464 = arith.index_cast %parallel_loop3A_1463 : i32 to index
        %parallel_loop3A_1465 = arith.index_cast %parallel_loop3A_1462 : i32 to index
        %parallel_loop3A_1466 = arith.constant 48 : index
        %parallel_loop3A_1467 = tpu.vector_load %arg6[%parallel_loop3A_1464, %parallel_loop3A_1465, %parallel_loop3A_1466] {strides = array<i32>} : memref<2x256x64xf32, #tpu.memory_space<vmem>>, vector<16xf32>,
        %parallel_loop3A_1468 = arith.constant 1 : i32
        %parallel_loop3A_1469 = arith.constant 0 : i32
        %parallel_loop3A_1470 = arith.constant 0 : i32
        %parallel_loop3A_1471 = arith.constant 0 : i32
        %parallel_loop3A_1472 = tpu.memref_slice %arg7[%parallel_loop3A_1468, %parallel_loop3A_1469, %parallel_loop3A_1470, %parallel_loop3A_1471] : memref<2x2x64x129xf32, #tpu.memory_space<vmem>> -> memref<1x2x64x129xf32, #tpu.memory_space<vmem>>
        %parallel_loop3A_1473 = tpu.memref_squeeze %parallel_loop3A_1472 : memref<1x2x64x129xf32, #tpu.memory_space<vmem>> -> memref<2x64x129xf32, #tpu.memory_space<vmem>>
        tpu.vector_store_idx %parallel_loop3A_1473[%add3A_1071, %add3A_16, %parallel_loop3A_1421], %parallel_loop3A_1467 : memref<2x64x129xf32, #tpu.memory_space<vmem>>[vector<16xi32>, vector<16xi32>, vector<16xi32>], vector<16xf32>,
      } {sc.loop_unroll_factor = 8 : i64, sc.parallel_access}
      %add3A_1075 = arith.constant 1 : i32
      %add3A_1076 = vector.broadcast %add3A_1075 : i32 to vector<16xi32>
      %add3A_1077 = arith.addi %mul3A_19, %add3A_1076 : vector<16xi32>
      %parallel_loop3A_1078 = arith.constant 0 : i32
      %parallel_loop3A_1079 = arith.constant 128 : i32
      %parallel_loop3A_1080 = arith.constant 1 : i32
      scf.for %parallel_loop3A_1419 = %parallel_loop3A_1078 to %parallel_loop3A_1079 step %parallel_loop3A_1080  : i32 {
        %parallel_loop3A_1420 = vector.broadcast %parallel_loop3A_1419 : i32 to vector<16xi32>
        %parallel_loop3A_1421 = arith.addi %mul3A_19, %parallel_loop3A_1420 : vector<16xi32>
        %parallel_loop3A_1422 = arith.constant 128 : i32
        %parallel_loop3A_1423 = arith.addi %parallel_loop3A_1422, %parallel_loop3A_1419 : i32
        %parallel_loop3A_1424 = arith.constant 1 : i32
        %parallel_loop3A_1425 = arith.index_cast %parallel_loop3A_1424 : i32 to index
        %parallel_loop3A_1426 = arith.index_cast %parallel_loop3A_1423 : i32 to index
        %parallel_loop3A_1427 = arith.constant 0 : index
        %parallel_loop3A_1428 = tpu.vector_load %arg6[%parallel_loop3A_1425, %parallel_loop3A_1426, %parallel_loop3A_1427] {strides = array<i32>} : memref<2x256x64xf32, #tpu.memory_space<vmem>>, vector<16xf32>,
        %parallel_loop3A_1429 = arith.constant 1 : i32
        %parallel_loop3A_1430 = arith.constant 0 : i32
        %parallel_loop3A_1431 = arith.constant 0 : i32
        %parallel_loop3A_1432 = arith.constant 0 : i32
        %parallel_loop3A_1433 = tpu.memref_slice %arg7[%parallel_loop3A_1429, %parallel_loop3A_1430, %parallel_loop3A_1431, %parallel_loop3A_1432] : memref<2x2x64x129xf32, #tpu.memory_space<vmem>> -> memref<1x2x64x129xf32, #tpu.memory_space<vmem>>
        %parallel_loop3A_1434 = tpu.memref_squeeze %parallel_loop3A_1433 : memref<1x2x64x129xf32, #tpu.memory_space<vmem>> -> memref<2x64x129xf32, #tpu.memory_space<vmem>>
        tpu.vector_store_idx %parallel_loop3A_1434[%add3A_1077, %add3A_7, %parallel_loop3A_1421], %parallel_loop3A_1428 : memref<2x64x129xf32, #tpu.memory_space<vmem>>[vector<16xi32>, vector<16xi32>, vector<16xi32>], vector<16xf32>,
        %parallel_loop3A_1435 = arith.constant 128 : i32
        %parallel_loop3A_1436 = arith.addi %parallel_loop3A_1435, %parallel_loop3A_1419 : i32
        %parallel_loop3A_1437 = arith.constant 1 : i32
        %parallel_loop3A_1438 = arith.index_cast %parallel_loop3A_1437 : i32 to index
        %parallel_loop3A_1439 = arith.index_cast %parallel_loop3A_1436 : i32 to index
        %parallel_loop3A_1440 = arith.constant 16 : index
        %parallel_loop3A_1441 = tpu.vector_load %arg6[%parallel_loop3A_1438, %parallel_loop3A_1439, %parallel_loop3A_1440] {strides = array<i32>} : memref<2x256x64xf32, #tpu.memory_space<vmem>>, vector<16xf32>,
        %parallel_loop3A_1442 = arith.constant 1 : i32
        %parallel_loop3A_1443 = arith.constant 0 : i32
        %parallel_loop3A_1444 = arith.constant 0 : i32
        %parallel_loop3A_1445 = arith.constant 0 : i32
        %parallel_loop3A_1446 = tpu.memref_slice %arg7[%parallel_loop3A_1442, %parallel_loop3A_1443, %parallel_loop3A_1444, %parallel_loop3A_1445] : memref<2x2x64x129xf32, #tpu.memory_space<vmem>> -> memref<1x2x64x129xf32, #tpu.memory_space<vmem>>
        %parallel_loop3A_1447 = tpu.memref_squeeze %parallel_loop3A_1446 : memref<1x2x64x129xf32, #tpu.memory_space<vmem>> -> memref<2x64x129xf32, #tpu.memory_space<vmem>>
        tpu.vector_store_idx %parallel_loop3A_1447[%add3A_1077, %add3A_10, %parallel_loop3A_1421], %parallel_loop3A_1441 : memref<2x64x129xf32, #tpu.memory_space<vmem>>[vector<16xi32>, vector<16xi32>, vector<16xi32>], vector<16xf32>,
        %parallel_loop3A_1448 = arith.constant 128 : i32
        %parallel_loop3A_1449 = arith.addi %parallel_loop3A_1448, %parallel_loop3A_1419 : i32
        %parallel_loop3A_1450 = arith.constant 1 : i32
        %parallel_loop3A_1451 = arith.index_cast %parallel_loop3A_1450 : i32 to index
        %parallel_loop3A_1452 = arith.index_cast %parallel_loop3A_1449 : i32 to index
        %parallel_loop3A_1453 = arith.constant 32 : index
        %parallel_loop3A_1454 = tpu.vector_load %arg6[%parallel_loop3A_1451, %parallel_loop3A_1452, %parallel_loop3A_1453] {strides = array<i32>} : memref<2x256x64xf32, #tpu.memory_space<vmem>>, vector<16xf32>,
        %parallel_loop3A_1455 = arith.constant 1 : i32
        %parallel_loop3A_1456 = arith.constant 0 : i32
        %parallel_loop3A_1457 = arith.constant 0 : i32
        %parallel_loop3A_1458 = arith.constant 0 : i32
        %parallel_loop3A_1459 = tpu.memref_slice %arg7[%parallel_loop3A_1455, %parallel_loop3A_1456, %parallel_loop3A_1457, %parallel_loop3A_1458] : memref<2x2x64x129xf32, #tpu.memory_space<vmem>> -> memref<1x2x64x129xf32, #tpu.memory_space<vmem>>
        %parallel_loop3A_1460 = tpu.memref_squeeze %parallel_loop3A_1459 : memref<1x2x64x129xf32, #tpu.memory_space<vmem>> -> memref<2x64x129xf32, #tpu.memory_space<vmem>>
        tpu.vector_store_idx %parallel_loop3A_1460[%add3A_1077, %add3A_13, %parallel_loop3A_1421], %parallel_loop3A_1454 : memref<2x64x129xf32, #tpu.memory_space<vmem>>[vector<16xi32>, vector<16xi32>, vector<16xi32>], vector<16xf32>,
        %parallel_loop3A_1461 = arith.constant 128 : i32
        %parallel_loop3A_1462 = arith.addi %parallel_loop3A_1461, %parallel_loop3A_1419 : i32
        %parallel_loop3A_1463 = arith.constant 1 : i32
        %parallel_loop3A_1464 = arith.index_cast %parallel_loop3A_1463 : i32 to index
        %parallel_loop3A_1465 = arith.index_cast %parallel_loop3A_1462 : i32 to index
        %parallel_loop3A_1466 = arith.constant 48 : index
        %parallel_loop3A_1467 = tpu.vector_load %arg6[%parallel_loop3A_1464, %parallel_loop3A_1465, %parallel_loop3A_1466] {strides = array<i32>} : memref<2x256x64xf32, #tpu.memory_space<vmem>>, vector<16xf32>,
        %parallel_loop3A_1468 = arith.constant 1 : i32
        %parallel_loop3A_1469 = arith.constant 0 : i32
        %parallel_loop3A_1470 = arith.constant 0 : i32
        %parallel_loop3A_1471 = arith.constant 0 : i32
        %parallel_loop3A_1472 = tpu.memref_slice %arg7[%parallel_loop3A_1468, %parallel_loop3A_1469, %parallel_loop3A_1470, %parallel_loop3A_1471] : memref<2x2x64x129xf32, #tpu.memory_space<vmem>> -> memref<1x2x64x129xf32, #tpu.memory_space<vmem>>
        %parallel_loop3A_1473 = tpu.memref_squeeze %parallel_loop3A_1472 : memref<1x2x64x129xf32, #tpu.memory_space<vmem>> -> memref<2x64x129xf32, #tpu.memory_space<vmem>>
        tpu.vector_store_idx %parallel_loop3A_1473[%add3A_1077, %add3A_16, %parallel_loop3A_1421], %parallel_loop3A_1467 : memref<2x64x129xf32, #tpu.memory_space<vmem>>[vector<16xi32>, vector<16xi32>, vector<16xi32>], vector<16xf32>,
      } {sc.loop_unroll_factor = 8 : i64, sc.parallel_access}
      %jit3A_1081 = arith.constant 50 : i32
      %eq3A_1082 = arith.constant 0 : i32
      %eq3A_1083 = arith.cmpi eq, %jit3A_1081, %eq3A_1082 : i32
      %jit3A_1084 = arith.constant 1 : i32
      %select_n3A_1085 = arith.select %eq3A_1083, %jit3A_1084, %jit3A_1081 : i32
      %rem3A_1086 = arith.remsi %add3A_633, %select_n3A_1085 : i32
      %ne3A_1087 = arith.constant 0 : i32
      %ne3A_1088 = arith.cmpi ne, %rem3A_1086, %ne3A_1087 : i32
      %lt3A_1089 = arith.constant 0 : i32
      %lt3A_1090 = arith.cmpi slt, %rem3A_1086, %lt3A_1089 : i32
      %lt3A_1091 = arith.constant 0 : i32
      %lt3A_1092 = arith.cmpi slt, %select_n3A_1085, %lt3A_1091 : i32
      %ne3A_1093 = arith.xori %lt3A_1090, %lt3A_1092 : i1
      %and3A_1094 = arith.andi %ne3A_1093, %ne3A_1088 : i1
      %add3A_1095 = arith.addi %rem3A_1086, %select_n3A_1085 : i32
      %select_n3A_1096 = arith.select %and3A_1094, %add3A_1095, %rem3A_1086 : i32
      %jit3A_1097 = arith.constant 50 : i32
      %div3A_1098 = arith.divsi %add3A_633, %jit3A_1097 : i32
      %sign3A_1099 = arith.constant 0 : i32
      %sign3A_1100 = arith.cmpi sgt, %add3A_633, %sign3A_1099 : i32
      %sign3A_1101 = arith.extui %sign3A_1100 : i1 to i32
      %sign3A_1102 = arith.constant 0 : i32
      %sign3A_1103 = arith.cmpi slt, %add3A_633, %sign3A_1102 : i32
      %sign3A_1104 = arith.extui %sign3A_1103 : i1 to i32
      %sign3A_1105 = arith.subi %sign3A_1101, %sign3A_1104 : i32
      %sign3A_1106 = arith.constant 0 : i32
      %sign3A_1107 = arith.cmpi sgt, %jit3A_1097, %sign3A_1106 : i32
      %sign3A_1108 = arith.extui %sign3A_1107 : i1 to i32
      %sign3A_1109 = arith.constant 0 : i32
      %sign3A_1110 = arith.cmpi slt, %jit3A_1097, %sign3A_1109 : i32
      %sign3A_1111 = arith.extui %sign3A_1110 : i1 to i32
      %sign3A_1112 = arith.subi %sign3A_1108, %sign3A_1111 : i32
      %ne3A_1113 = arith.cmpi ne, %sign3A_1105, %sign3A_1112 : i32
      %rem3A_1114 = arith.remsi %add3A_633, %jit3A_1097 : i32
      %ne3A_1115 = arith.constant 0 : i32
      %ne3A_1116 = arith.cmpi ne, %rem3A_1114, %ne3A_1115 : i32
      %and3A_1117 = arith.andi %ne3A_1113, %ne3A_1116 : i1
      %sub3A_1118 = arith.constant 1 : i32
      %sub3A_1119 = arith.subi %div3A_1098, %sub3A_1118 : i32
      %select_n3A_1120 = arith.select %and3A_1117, %sub3A_1119, %div3A_1098 : i32
      %mul3A_1121 = arith.constant 2 : i32
      %mul3A_1122 = arith.muli %select_n3A_1120, %mul3A_1121 : i32
      %add3A_1123 = arith.addi %mul3A_2, %mul3A_1122 : i32
      %dma_start3A_1124 = arith.constant 1 : i32
      %dma_start3A_1125 = arith.constant 0 : i32
      %dma_start3A_1126 = arith.constant 0 : i32
      %dma_start3A_1127 = arith.constant 0 : i32
      %dma_start3A_1128 = arith.constant 0 : i32
      %dma_start3A_1129 = tpu.memref_slice %arg7[%dma_start3A_1124, %dma_start3A_1126, %dma_start3A_1127, %dma_start3A_1128] : memref<2x2x64x129xf32, #tpu.memory_space<vmem>> -> memref<1x2x64x129xf32, #tpu.memory_space<vmem>>
      %dma_start3A_1130 = tpu.memref_squeeze %dma_start3A_1129 : memref<1x2x64x129xf32, #tpu.memory_space<vmem>> -> memref<2x64x129xf32, #tpu.memory_space<vmem>>
      %dma_start3A_1131 = arith.constant 0 : i32
      %dma_start3A_1132 = arith.constant 0 : i32
      %dma_start3A_1133 = arith.constant 0 : i32
      %dma_start3A_1134 = tpu.memref_slice %dma_start3A_1130[%dma_start3A_1131, %dma_start3A_1132, %dma_start3A_1133] : memref<2x64x129xf32, #tpu.memory_space<vmem>> -> memref<2x8x128xf32, #tpu.memory_space<vmem>>
      %dma_start3A_1135 = arith.constant 0 : i32
      %dma_start3A_1136 = arith.constant 0 : i32
      %dma_start3A_1137 = arith.constant 0 : i32
      %dma_start3A_1138 = tpu.memref_slice %arg4[%select_n3A_1096, %dma_start3A_1125, %dma_start3A_1135, %dma_start3A_1136, %dma_start3A_1137] : memref<50x8x128x8x128xf32, #tpu.memory_space<hbm>> -> memref<1x1x128x8x128xf32, #tpu.memory_space<hbm>>
      %dma_start3A_1139 = tpu.memref_squeeze %dma_start3A_1138 : memref<1x1x128x8x128xf32, #tpu.memory_space<hbm>> -> memref<128x8x128xf32, #tpu.memory_space<hbm>>
      %dma_start3A_1140 = arith.constant 0 : i32
      %dma_start3A_1141 = arith.constant 0 : i32
      %dma_start3A_1142 = tpu.memref_slice %dma_start3A_1139[%add3A_1123, %dma_start3A_1140, %dma_start3A_1141] : memref<128x8x128xf32, #tpu.memory_space<hbm>> -> memref<2x8x128xf32, #tpu.memory_space<hbm>>
      %dma_start3A_1143 = arith.constant 0 : i32
      %dma_start3A_1144 = arith.constant 0 : i32
      %dma_start3A_1145 = arith.constant 0 : i32
      %dma_start3A_1146 = tpu.memref_slice %arg4[%select_n3A_1096, %dma_start3A_1125, %dma_start3A_1143, %dma_start3A_1144, %dma_start3A_1145] : memref<50x8x128x8x128xf32, #tpu.memory_space<hbm>> -> memref<1x1x128x8x128xf32, #tpu.memory_space<hbm>>
      %dma_start3A_1147 = tpu.memref_squeeze %dma_start3A_1146 : memref<1x1x128x8x128xf32, #tpu.memory_space<hbm>> -> memref<128x8x128xf32, #tpu.memory_space<hbm>>
      %dma_start3A_1148 = arith.constant 0 : i32
      %dma_start3A_1149 = arith.constant 0 : i32
      %dma_start3A_1150 = tpu.memref_slice %dma_start3A_1147[%add3A_1123, %dma_start3A_1148, %dma_start3A_1149] : memref<128x8x128xf32, #tpu.memory_space<hbm>> -> memref<2x8x128xf32, #tpu.memory_space<hbm>>
      %dma_start3A_1151 = arith.constant 0 : i32
      %dma_start3A_1152 = arith.constant 0 : i32
      %dma_start3A_1153 = arith.constant 0 : i32
      %dma_start3A_1154 = tpu.memref_slice %arg7[%dma_start3A_1124, %dma_start3A_1151, %dma_start3A_1152, %dma_start3A_1153] : memref<2x2x64x129xf32, #tpu.memory_space<vmem>> -> memref<1x2x64x129xf32, #tpu.memory_space<vmem>>
      %dma_start3A_1155 = tpu.memref_squeeze %dma_start3A_1154 : memref<1x2x64x129xf32, #tpu.memory_space<vmem>> -> memref<2x64x129xf32, #tpu.memory_space<vmem>>
      %dma_start3A_1156 = arith.constant 0 : i32
      %dma_start3A_1157 = arith.constant 0 : i32
      %dma_start3A_1158 = arith.constant 0 : i32
      %dma_start3A_1159 = tpu.memref_slice %dma_start3A_1155[%dma_start3A_1156, %dma_start3A_1157, %dma_start3A_1158] : memref<2x64x129xf32, #tpu.memory_space<vmem>> -> memref<2x8x128xf32, #tpu.memory_space<vmem>>
      tpu.enqueue_dma source(%dma_start3A_1159 : memref<2x8x128xf32, #tpu.memory_space<vmem>>) target(%dma_start3A_1150 : memref<2x8x128xf32, #tpu.memory_space<hbm>>) target_semaphore(%arg11 : memref<!tpu.dma_semaphore, #tpu.memory_space<semaphore_mem>>)
      %add3A_1160 = arith.addi %mul3A_2, %mul3A_1122 : i32
      %dma_start3A_1161 = arith.constant 1 : i32
      %dma_start3A_1162 = arith.constant 1 : i32
      %dma_start3A_1163 = arith.constant 0 : i32
      %dma_start3A_1164 = arith.constant 0 : i32
      %dma_start3A_1165 = arith.constant 0 : i32
      %dma_start3A_1166 = tpu.memref_slice %arg7[%dma_start3A_1161, %dma_start3A_1163, %dma_start3A_1164, %dma_start3A_1165] : memref<2x2x64x129xf32, #tpu.memory_space<vmem>> -> memref<1x2x64x129xf32, #tpu.memory_space<vmem>>
      %dma_start3A_1167 = tpu.memref_squeeze %dma_start3A_1166 : memref<1x2x64x129xf32, #tpu.memory_space<vmem>> -> memref<2x64x129xf32, #tpu.memory_space<vmem>>
      %dma_start3A_1168 = arith.constant 0 : i32
      %dma_start3A_1169 = arith.constant 8 : i32
      %dma_start3A_1170 = arith.constant 0 : i32
      %dma_start3A_1171 = tpu.memref_slice %dma_start3A_1167[%dma_start3A_1168, %dma_start3A_1169, %dma_start3A_1170] : memref<2x64x129xf32, #tpu.memory_space<vmem>> -> memref<2x8x128xf32, #tpu.memory_space<vmem>>
      %dma_start3A_1172 = arith.constant 0 : i32
      %dma_start3A_1173 = arith.constant 0 : i32
      %dma_start3A_1174 = arith.constant 0 : i32
      %dma_start3A_1175 = tpu.memref_slice %arg4[%select_n3A_1096, %dma_start3A_1162, %dma_start3A_1172, %dma_start3A_1173, %dma_start3A_1174] : memref<50x8x128x8x128xf32, #tpu.memory_space<hbm>> -> memref<1x1x128x8x128xf32, #tpu.memory_space<hbm>>
      %dma_start3A_1176 = tpu.memref_squeeze %dma_start3A_1175 : memref<1x1x128x8x128xf32, #tpu.memory_space<hbm>> -> memref<128x8x128xf32, #tpu.memory_space<hbm>>
      %dma_start3A_1177 = arith.constant 0 : i32
      %dma_start3A_1178 = arith.constant 0 : i32
      %dma_start3A_1179 = tpu.memref_slice %dma_start3A_1176[%add3A_1160, %dma_start3A_1177, %dma_start3A_1178] : memref<128x8x128xf32, #tpu.memory_space<hbm>> -> memref<2x8x128xf32, #tpu.memory_space<hbm>>
      %dma_start3A_1180 = arith.constant 0 : i32
      %dma_start3A_1181 = arith.constant 0 : i32
      %dma_start3A_1182 = arith.constant 0 : i32
      %dma_start3A_1183 = tpu.memref_slice %arg4[%select_n3A_1096, %dma_start3A_1162, %dma_start3A_1180, %dma_start3A_1181, %dma_start3A_1182] : memref<50x8x128x8x128xf32, #tpu.memory_space<hbm>> -> memref<1x1x128x8x128xf32, #tpu.memory_space<hbm>>
      %dma_start3A_1184 = tpu.memref_squeeze %dma_start3A_1183 : memref<1x1x128x8x128xf32, #tpu.memory_space<hbm>> -> memref<128x8x128xf32, #tpu.memory_space<hbm>>
      %dma_start3A_1185 = arith.constant 0 : i32
      %dma_start3A_1186 = arith.constant 0 : i32
      %dma_start3A_1187 = tpu.memref_slice %dma_start3A_1184[%add3A_1160, %dma_start3A_1185, %dma_start3A_1186] : memref<128x8x128xf32, #tpu.memory_space<hbm>> -> memref<2x8x128xf32, #tpu.memory_space<hbm>>
      %dma_start3A_1188 = arith.constant 0 : i32
      %dma_start3A_1189 = arith.constant 0 : i32
      %dma_start3A_1190 = arith.constant 0 : i32
      %dma_start3A_1191 = tpu.memref_slice %arg7[%dma_start3A_1161, %dma_start3A_1188, %dma_start3A_1189, %dma_start3A_1190] : memref<2x2x64x129xf32, #tpu.memory_space<vmem>> -> memref<1x2x64x129xf32, #tpu.memory_space<vmem>>
      %dma_start3A_1192 = tpu.memref_squeeze %dma_start3A_1191 : memref<1x2x64x129xf32, #tpu.memory_space<vmem>> -> memref<2x64x129xf32, #tpu.memory_space<vmem>>
      %dma_start3A_1193 = arith.constant 0 : i32
      %dma_start3A_1194 = arith.constant 8 : i32
      %dma_start3A_1195 = arith.constant 0 : i32
      %dma_start3A_1196 = tpu.memref_slice %dma_start3A_1192[%dma_start3A_1193, %dma_start3A_1194, %dma_start3A_1195] : memref<2x64x129xf32, #tpu.memory_space<vmem>> -> memref<2x8x128xf32, #tpu.memory_space<vmem>>
      tpu.enqueue_dma source(%dma_start3A_1196 : memref<2x8x128xf32, #tpu.memory_space<vmem>>) target(%dma_start3A_1187 : memref<2x8x128xf32, #tpu.memory_space<hbm>>) target_semaphore(%arg11 : memref<!tpu.dma_semaphore, #tpu.memory_space<semaphore_mem>>)
      %add3A_1197 = arith.addi %mul3A_2, %mul3A_1122 : i32
      %dma_start3A_1198 = arith.constant 1 : i32
      %dma_start3A_1199 = arith.constant 2 : i32
      %dma_start3A_1200 = arith.constant 0 : i32
      %dma_start3A_1201 = arith.constant 0 : i32
      %dma_start3A_1202 = arith.constant 0 : i32
      %dma_start3A_1203 = tpu.memref_slice %arg7[%dma_start3A_1198, %dma_start3A_1200, %dma_start3A_1201, %dma_start3A_1202] : memref<2x2x64x129xf32, #tpu.memory_space<vmem>> -> memref<1x2x64x129xf32, #tpu.memory_space<vmem>>
      %dma_start3A_1204 = tpu.memref_squeeze %dma_start3A_1203 : memref<1x2x64x129xf32, #tpu.memory_space<vmem>> -> memref<2x64x129xf32, #tpu.memory_space<vmem>>
      %dma_start3A_1205 = arith.constant 0 : i32
      %dma_start3A_1206 = arith.constant 16 : i32
      %dma_start3A_1207 = arith.constant 0 : i32
      %dma_start3A_1208 = tpu.memref_slice %dma_start3A_1204[%dma_start3A_1205, %dma_start3A_1206, %dma_start3A_1207] : memref<2x64x129xf32, #tpu.memory_space<vmem>> -> memref<2x8x128xf32, #tpu.memory_space<vmem>>
      %dma_start3A_1209 = arith.constant 0 : i32
      %dma_start3A_1210 = arith.constant 0 : i32
      %dma_start3A_1211 = arith.constant 0 : i32
      %dma_start3A_1212 = tpu.memref_slice %arg4[%select_n3A_1096, %dma_start3A_1199, %dma_start3A_1209, %dma_start3A_1210, %dma_start3A_1211] : memref<50x8x128x8x128xf32, #tpu.memory_space<hbm>> -> memref<1x1x128x8x128xf32, #tpu.memory_space<hbm>>
      %dma_start3A_1213 = tpu.memref_squeeze %dma_start3A_1212 : memref<1x1x128x8x128xf32, #tpu.memory_space<hbm>> -> memref<128x8x128xf32, #tpu.memory_space<hbm>>
      %dma_start3A_1214 = arith.constant 0 : i32
      %dma_start3A_1215 = arith.constant 0 : i32
      %dma_start3A_1216 = tpu.memref_slice %dma_start3A_1213[%add3A_1197, %dma_start3A_1214, %dma_start3A_1215] : memref<128x8x128xf32, #tpu.memory_space<hbm>> -> memref<2x8x128xf32, #tpu.memory_space<hbm>>
      %dma_start3A_1217 = arith.constant 0 : i32
      %dma_start3A_1218 = arith.constant 0 : i32
      %dma_start3A_1219 = arith.constant 0 : i32
      %dma_start3A_1220 = tpu.memref_slice %arg4[%select_n3A_1096, %dma_start3A_1199, %dma_start3A_1217, %dma_start3A_1218, %dma_start3A_1219] : memref<50x8x128x8x128xf32, #tpu.memory_space<hbm>> -> memref<1x1x128x8x128xf32, #tpu.memory_space<hbm>>
      %dma_start3A_1221 = tpu.memref_squeeze %dma_start3A_1220 : memref<1x1x128x8x128xf32, #tpu.memory_space<hbm>> -> memref<128x8x128xf32, #tpu.memory_space<hbm>>
      %dma_start3A_1222 = arith.constant 0 : i32
      %dma_start3A_1223 = arith.constant 0 : i32
      %dma_start3A_1224 = tpu.memref_slice %dma_start3A_1221[%add3A_1197, %dma_start3A_1222, %dma_start3A_1223] : memref<128x8x128xf32, #tpu.memory_space<hbm>> -> memref<2x8x128xf32, #tpu.memory_space<hbm>>
      %dma_start3A_1225 = arith.constant 0 : i32
      %dma_start3A_1226 = arith.constant 0 : i32
      %dma_start3A_1227 = arith.constant 0 : i32
      %dma_start3A_1228 = tpu.memref_slice %arg7[%dma_start3A_1198, %dma_start3A_1225, %dma_start3A_1226, %dma_start3A_1227] : memref<2x2x64x129xf32, #tpu.memory_space<vmem>> -> memref<1x2x64x129xf32, #tpu.memory_space<vmem>>
      %dma_start3A_1229 = tpu.memref_squeeze %dma_start3A_1228 : memref<1x2x64x129xf32, #tpu.memory_space<vmem>> -> memref<2x64x129xf32, #tpu.memory_space<vmem>>
      %dma_start3A_1230 = arith.constant 0 : i32
      %dma_start3A_1231 = arith.constant 16 : i32
      %dma_start3A_1232 = arith.constant 0 : i32
      %dma_start3A_1233 = tpu.memref_slice %dma_start3A_1229[%dma_start3A_1230, %dma_start3A_1231, %dma_start3A_1232] : memref<2x64x129xf32, #tpu.memory_space<vmem>> -> memref<2x8x128xf32, #tpu.memory_space<vmem>>
      tpu.enqueue_dma source(%dma_start3A_1233 : memref<2x8x128xf32, #tpu.memory_space<vmem>>) target(%dma_start3A_1224 : memref<2x8x128xf32, #tpu.memory_space<hbm>>) target_semaphore(%arg11 : memref<!tpu.dma_semaphore, #tpu.memory_space<semaphore_mem>>)
      %add3A_1234 = arith.addi %mul3A_2, %mul3A_1122 : i32
      %dma_start3A_1235 = arith.constant 1 : i32
      %dma_start3A_1236 = arith.constant 3 : i32
      %dma_start3A_1237 = arith.constant 0 : i32
      %dma_start3A_1238 = arith.constant 0 : i32
      %dma_start3A_1239 = arith.constant 0 : i32
      %dma_start3A_1240 = tpu.memref_slice %arg7[%dma_start3A_1235, %dma_start3A_1237, %dma_start3A_1238, %dma_start3A_1239] : memref<2x2x64x129xf32, #tpu.memory_space<vmem>> -> memref<1x2x64x129xf32, #tpu.memory_space<vmem>>
      %dma_start3A_1241 = tpu.memref_squeeze %dma_start3A_1240 : memref<1x2x64x129xf32, #tpu.memory_space<vmem>> -> memref<2x64x129xf32, #tpu.memory_space<vmem>>
      %dma_start3A_1242 = arith.constant 0 : i32
      %dma_start3A_1243 = arith.constant 24 : i32
      %dma_start3A_1244 = arith.constant 0 : i32
      %dma_start3A_1245 = tpu.memref_slice %dma_start3A_1241[%dma_start3A_1242, %dma_start3A_1243, %dma_start3A_1244] : memref<2x64x129xf32, #tpu.memory_space<vmem>> -> memref<2x8x128xf32, #tpu.memory_space<vmem>>
      %dma_start3A_1246 = arith.constant 0 : i32
      %dma_start3A_1247 = arith.constant 0 : i32
      %dma_start3A_1248 = arith.constant 0 : i32
      %dma_start3A_1249 = tpu.memref_slice %arg4[%select_n3A_1096, %dma_start3A_1236, %dma_start3A_1246, %dma_start3A_1247, %dma_start3A_1248] : memref<50x8x128x8x128xf32, #tpu.memory_space<hbm>> -> memref<1x1x128x8x128xf32, #tpu.memory_space<hbm>>
      %dma_start3A_1250 = tpu.memref_squeeze %dma_start3A_1249 : memref<1x1x128x8x128xf32, #tpu.memory_space<hbm>> -> memref<128x8x128xf32, #tpu.memory_space<hbm>>
      %dma_start3A_1251 = arith.constant 0 : i32
      %dma_start3A_1252 = arith.constant 0 : i32
      %dma_start3A_1253 = tpu.memref_slice %dma_start3A_1250[%add3A_1234, %dma_start3A_1251, %dma_start3A_1252] : memref<128x8x128xf32, #tpu.memory_space<hbm>> -> memref<2x8x128xf32, #tpu.memory_space<hbm>>
      %dma_start3A_1254 = arith.constant 0 : i32
      %dma_start3A_1255 = arith.constant 0 : i32
      %dma_start3A_1256 = arith.constant 0 : i32
      %dma_start3A_1257 = tpu.memref_slice %arg4[%select_n3A_1096, %dma_start3A_1236, %dma_start3A_1254, %dma_start3A_1255, %dma_start3A_1256] : memref<50x8x128x8x128xf32, #tpu.memory_space<hbm>> -> memref<1x1x128x8x128xf32, #tpu.memory_space<hbm>>
      %dma_start3A_1258 = tpu.memref_squeeze %dma_start3A_1257 : memref<1x1x128x8x128xf32, #tpu.memory_space<hbm>> -> memref<128x8x128xf32, #tpu.memory_space<hbm>>
      %dma_start3A_1259 = arith.constant 0 : i32
      %dma_start3A_1260 = arith.constant 0 : i32
      %dma_start3A_1261 = tpu.memref_slice %dma_start3A_1258[%add3A_1234, %dma_start3A_1259, %dma_start3A_1260] : memref<128x8x128xf32, #tpu.memory_space<hbm>> -> memref<2x8x128xf32, #tpu.memory_space<hbm>>
      %dma_start3A_1262 = arith.constant 0 : i32
      %dma_start3A_1263 = arith.constant 0 : i32
      %dma_start3A_1264 = arith.constant 0 : i32
      %dma_start3A_1265 = tpu.memref_slice %arg7[%dma_start3A_1235, %dma_start3A_1262, %dma_start3A_1263, %dma_start3A_1264] : memref<2x2x64x129xf32, #tpu.memory_space<vmem>> -> memref<1x2x64x129xf32, #tpu.memory_space<vmem>>
      %dma_start3A_1266 = tpu.memref_squeeze %dma_start3A_1265 : memref<1x2x64x129xf32, #tpu.memory_space<vmem>> -> memref<2x64x129xf32, #tpu.memory_space<vmem>>
      %dma_start3A_1267 = arith.constant 0 : i32
      %dma_start3A_1268 = arith.constant 24 : i32
      %dma_start3A_1269 = arith.constant 0 : i32
      %dma_start3A_1270 = tpu.memref_slice %dma_start3A_1266[%dma_start3A_1267, %dma_start3A_1268, %dma_start3A_1269] : memref<2x64x129xf32, #tpu.memory_space<vmem>> -> memref<2x8x128xf32, #tpu.memory_space<vmem>>
      tpu.enqueue_dma source(%dma_start3A_1270 : memref<2x8x128xf32, #tpu.memory_space<vmem>>) target(%dma_start3A_1261 : memref<2x8x128xf32, #tpu.memory_space<hbm>>) target_semaphore(%arg11 : memref<!tpu.dma_semaphore, #tpu.memory_space<semaphore_mem>>)
      %add3A_1271 = arith.addi %mul3A_2, %mul3A_1122 : i32
      %dma_start3A_1272 = arith.constant 1 : i32
      %dma_start3A_1273 = arith.constant 4 : i32
      %dma_start3A_1274 = arith.constant 0 : i32
      %dma_start3A_1275 = arith.constant 0 : i32
      %dma_start3A_1276 = arith.constant 0 : i32
      %dma_start3A_1277 = tpu.memref_slice %arg7[%dma_start3A_1272, %dma_start3A_1274, %dma_start3A_1275, %dma_start3A_1276] : memref<2x2x64x129xf32, #tpu.memory_space<vmem>> -> memref<1x2x64x129xf32, #tpu.memory_space<vmem>>
      %dma_start3A_1278 = tpu.memref_squeeze %dma_start3A_1277 : memref<1x2x64x129xf32, #tpu.memory_space<vmem>> -> memref<2x64x129xf32, #tpu.memory_space<vmem>>
      %dma_start3A_1279 = arith.constant 0 : i32
      %dma_start3A_1280 = arith.constant 32 : i32
      %dma_start3A_1281 = arith.constant 0 : i32
      %dma_start3A_1282 = tpu.memref_slice %dma_start3A_1278[%dma_start3A_1279, %dma_start3A_1280, %dma_start3A_1281] : memref<2x64x129xf32, #tpu.memory_space<vmem>> -> memref<2x8x128xf32, #tpu.memory_space<vmem>>
      %dma_start3A_1283 = arith.constant 0 : i32
      %dma_start3A_1284 = arith.constant 0 : i32
      %dma_start3A_1285 = arith.constant 0 : i32
      %dma_start3A_1286 = tpu.memref_slice %arg4[%select_n3A_1096, %dma_start3A_1273, %dma_start3A_1283, %dma_start3A_1284, %dma_start3A_1285] : memref<50x8x128x8x128xf32, #tpu.memory_space<hbm>> -> memref<1x1x128x8x128xf32, #tpu.memory_space<hbm>>
      %dma_start3A_1287 = tpu.memref_squeeze %dma_start3A_1286 : memref<1x1x128x8x128xf32, #tpu.memory_space<hbm>> -> memref<128x8x128xf32, #tpu.memory_space<hbm>>
      %dma_start3A_1288 = arith.constant 0 : i32
      %dma_start3A_1289 = arith.constant 0 : i32
      %dma_start3A_1290 = tpu.memref_slice %dma_start3A_1287[%add3A_1271, %dma_start3A_1288, %dma_start3A_1289] : memref<128x8x128xf32, #tpu.memory_space<hbm>> -> memref<2x8x128xf32, #tpu.memory_space<hbm>>
      %dma_start3A_1291 = arith.constant 0 : i32
      %dma_start3A_1292 = arith.constant 0 : i32
      %dma_start3A_1293 = arith.constant 0 : i32
      %dma_start3A_1294 = tpu.memref_slice %arg4[%select_n3A_1096, %dma_start3A_1273, %dma_start3A_1291, %dma_start3A_1292, %dma_start3A_1293] : memref<50x8x128x8x128xf32, #tpu.memory_space<hbm>> -> memref<1x1x128x8x128xf32, #tpu.memory_space<hbm>>
      %dma_start3A_1295 = tpu.memref_squeeze %dma_start3A_1294 : memref<1x1x128x8x128xf32, #tpu.memory_space<hbm>> -> memref<128x8x128xf32, #tpu.memory_space<hbm>>
      %dma_start3A_1296 = arith.constant 0 : i32
      %dma_start3A_1297 = arith.constant 0 : i32
      %dma_start3A_1298 = tpu.memref_slice %dma_start3A_1295[%add3A_1271, %dma_start3A_1296, %dma_start3A_1297] : memref<128x8x128xf32, #tpu.memory_space<hbm>> -> memref<2x8x128xf32, #tpu.memory_space<hbm>>
      %dma_start3A_1299 = arith.constant 0 : i32
      %dma_start3A_1300 = arith.constant 0 : i32
      %dma_start3A_1301 = arith.constant 0 : i32
      %dma_start3A_1302 = tpu.memref_slice %arg7[%dma_start3A_1272, %dma_start3A_1299, %dma_start3A_1300, %dma_start3A_1301] : memref<2x2x64x129xf32, #tpu.memory_space<vmem>> -> memref<1x2x64x129xf32, #tpu.memory_space<vmem>>
      %dma_start3A_1303 = tpu.memref_squeeze %dma_start3A_1302 : memref<1x2x64x129xf32, #tpu.memory_space<vmem>> -> memref<2x64x129xf32, #tpu.memory_space<vmem>>
      %dma_start3A_1304 = arith.constant 0 : i32
      %dma_start3A_1305 = arith.constant 32 : i32
      %dma_start3A_1306 = arith.constant 0 : i32
      %dma_start3A_1307 = tpu.memref_slice %dma_start3A_1303[%dma_start3A_1304, %dma_start3A_1305, %dma_start3A_1306] : memref<2x64x129xf32, #tpu.memory_space<vmem>> -> memref<2x8x128xf32, #tpu.memory_space<vmem>>
      tpu.enqueue_dma source(%dma_start3A_1307 : memref<2x8x128xf32, #tpu.memory_space<vmem>>) target(%dma_start3A_1298 : memref<2x8x128xf32, #tpu.memory_space<hbm>>) target_semaphore(%arg11 : memref<!tpu.dma_semaphore, #tpu.memory_space<semaphore_mem>>)
      %add3A_1308 = arith.addi %mul3A_2, %mul3A_1122 : i32
      %dma_start3A_1309 = arith.constant 1 : i32
      %dma_start3A_1310 = arith.constant 5 : i32
      %dma_start3A_1311 = arith.constant 0 : i32
      %dma_start3A_1312 = arith.constant 0 : i32
      %dma_start3A_1313 = arith.constant 0 : i32
      %dma_start3A_1314 = tpu.memref_slice %arg7[%dma_start3A_1309, %dma_start3A_1311, %dma_start3A_1312, %dma_start3A_1313] : memref<2x2x64x129xf32, #tpu.memory_space<vmem>> -> memref<1x2x64x129xf32, #tpu.memory_space<vmem>>
      %dma_start3A_1315 = tpu.memref_squeeze %dma_start3A_1314 : memref<1x2x64x129xf32, #tpu.memory_space<vmem>> -> memref<2x64x129xf32, #tpu.memory_space<vmem>>
      %dma_start3A_1316 = arith.constant 0 : i32
      %dma_start3A_1317 = arith.constant 40 : i32
      %dma_start3A_1318 = arith.constant 0 : i32
      %dma_start3A_1319 = tpu.memref_slice %dma_start3A_1315[%dma_start3A_1316, %dma_start3A_1317, %dma_start3A_1318] : memref<2x64x129xf32, #tpu.memory_space<vmem>> -> memref<2x8x128xf32, #tpu.memory_space<vmem>>
      %dma_start3A_1320 = arith.constant 0 : i32
      %dma_start3A_1321 = arith.constant 0 : i32
      %dma_start3A_1322 = arith.constant 0 : i32
      %dma_start3A_1323 = tpu.memref_slice %arg4[%select_n3A_1096, %dma_start3A_1310, %dma_start3A_1320, %dma_start3A_1321, %dma_start3A_1322] : memref<50x8x128x8x128xf32, #tpu.memory_space<hbm>> -> memref<1x1x128x8x128xf32, #tpu.memory_space<hbm>>
      %dma_start3A_1324 = tpu.memref_squeeze %dma_start3A_1323 : memref<1x1x128x8x128xf32, #tpu.memory_space<hbm>> -> memref<128x8x128xf32, #tpu.memory_space<hbm>>
      %dma_start3A_1325 = arith.constant 0 : i32
      %dma_start3A_1326 = arith.constant 0 : i32
      %dma_start3A_1327 = tpu.memref_slice %dma_start3A_1324[%add3A_1308, %dma_start3A_1325, %dma_start3A_1326] : memref<128x8x128xf32, #tpu.memory_space<hbm>> -> memref<2x8x128xf32, #tpu.memory_space<hbm>>
      %dma_start3A_1328 = arith.constant 0 : i32
      %dma_start3A_1329 = arith.constant 0 : i32
      %dma_start3A_1330 = arith.constant 0 : i32
      %dma_start3A_1331 = tpu.memref_slice %arg4[%select_n3A_1096, %dma_start3A_1310, %dma_start3A_1328, %dma_start3A_1329, %dma_start3A_1330] : memref<50x8x128x8x128xf32, #tpu.memory_space<hbm>> -> memref<1x1x128x8x128xf32, #tpu.memory_space<hbm>>
      %dma_start3A_1332 = tpu.memref_squeeze %dma_start3A_1331 : memref<1x1x128x8x128xf32, #tpu.memory_space<hbm>> -> memref<128x8x128xf32, #tpu.memory_space<hbm>>
      %dma_start3A_1333 = arith.constant 0 : i32
      %dma_start3A_1334 = arith.constant 0 : i32
      %dma_start3A_1335 = tpu.memref_slice %dma_start3A_1332[%add3A_1308, %dma_start3A_1333, %dma_start3A_1334] : memref<128x8x128xf32, #tpu.memory_space<hbm>> -> memref<2x8x128xf32, #tpu.memory_space<hbm>>
      %dma_start3A_1336 = arith.constant 0 : i32
      %dma_start3A_1337 = arith.constant 0 : i32
      %dma_start3A_1338 = arith.constant 0 : i32
      %dma_start3A_1339 = tpu.memref_slice %arg7[%dma_start3A_1309, %dma_start3A_1336, %dma_start3A_1337, %dma_start3A_1338] : memref<2x2x64x129xf32, #tpu.memory_space<vmem>> -> memref<1x2x64x129xf32, #tpu.memory_space<vmem>>
      %dma_start3A_1340 = tpu.memref_squeeze %dma_start3A_1339 : memref<1x2x64x129xf32, #tpu.memory_space<vmem>> -> memref<2x64x129xf32, #tpu.memory_space<vmem>>
      %dma_start3A_1341 = arith.constant 0 : i32
      %dma_start3A_1342 = arith.constant 40 : i32
      %dma_start3A_1343 = arith.constant 0 : i32
      %dma_start3A_1344 = tpu.memref_slice %dma_start3A_1340[%dma_start3A_1341, %dma_start3A_1342, %dma_start3A_1343] : memref<2x64x129xf32, #tpu.memory_space<vmem>> -> memref<2x8x128xf32, #tpu.memory_space<vmem>>
      tpu.enqueue_dma source(%dma_start3A_1344 : memref<2x8x128xf32, #tpu.memory_space<vmem>>) target(%dma_start3A_1335 : memref<2x8x128xf32, #tpu.memory_space<hbm>>) target_semaphore(%arg11 : memref<!tpu.dma_semaphore, #tpu.memory_space<semaphore_mem>>)
      %add3A_1345 = arith.addi %mul3A_2, %mul3A_1122 : i32
      %dma_start3A_1346 = arith.constant 1 : i32
      %dma_start3A_1347 = arith.constant 6 : i32
      %dma_start3A_1348 = arith.constant 0 : i32
      %dma_start3A_1349 = arith.constant 0 : i32
      %dma_start3A_1350 = arith.constant 0 : i32
      %dma_start3A_1351 = tpu.memref_slice %arg7[%dma_start3A_1346, %dma_start3A_1348, %dma_start3A_1349, %dma_start3A_1350] : memref<2x2x64x129xf32, #tpu.memory_space<vmem>> -> memref<1x2x64x129xf32, #tpu.memory_space<vmem>>
      %dma_start3A_1352 = tpu.memref_squeeze %dma_start3A_1351 : memref<1x2x64x129xf32, #tpu.memory_space<vmem>> -> memref<2x64x129xf32, #tpu.memory_space<vmem>>
      %dma_start3A_1353 = arith.constant 0 : i32
      %dma_start3A_1354 = arith.constant 48 : i32
      %dma_start3A_1355 = arith.constant 0 : i32
      %dma_start3A_1356 = tpu.memref_slice %dma_start3A_1352[%dma_start3A_1353, %dma_start3A_1354, %dma_start3A_1355] : memref<2x64x129xf32, #tpu.memory_space<vmem>> -> memref<2x8x128xf32, #tpu.memory_space<vmem>>
      %dma_start3A_1357 = arith.constant 0 : i32
      %dma_start3A_1358 = arith.constant 0 : i32
      %dma_start3A_1359 = arith.constant 0 : i32
      %dma_start3A_1360 = tpu.memref_slice %arg4[%select_n3A_1096, %dma_start3A_1347, %dma_start3A_1357, %dma_start3A_1358, %dma_start3A_1359] : memref<50x8x128x8x128xf32, #tpu.memory_space<hbm>> -> memref<1x1x128x8x128xf32, #tpu.memory_space<hbm>>
      %dma_start3A_1361 = tpu.memref_squeeze %dma_start3A_1360 : memref<1x1x128x8x128xf32, #tpu.memory_space<hbm>> -> memref<128x8x128xf32, #tpu.memory_space<hbm>>
      %dma_start3A_1362 = arith.constant 0 : i32
      %dma_start3A_1363 = arith.constant 0 : i32
      %dma_start3A_1364 = tpu.memref_slice %dma_start3A_1361[%add3A_1345, %dma_start3A_1362, %dma_start3A_1363] : memref<128x8x128xf32, #tpu.memory_space<hbm>> -> memref<2x8x128xf32, #tpu.memory_space<hbm>>
      %dma_start3A_1365 = arith.constant 0 : i32
      %dma_start3A_1366 = arith.constant 0 : i32
      %dma_start3A_1367 = arith.constant 0 : i32
      %dma_start3A_1368 = tpu.memref_slice %arg4[%select_n3A_1096, %dma_start3A_1347, %dma_start3A_1365, %dma_start3A_1366, %dma_start3A_1367] : memref<50x8x128x8x128xf32, #tpu.memory_space<hbm>> -> memref<1x1x128x8x128xf32, #tpu.memory_space<hbm>>
      %dma_start3A_1369 = tpu.memref_squeeze %dma_start3A_1368 : memref<1x1x128x8x128xf32, #tpu.memory_space<hbm>> -> memref<128x8x128xf32, #tpu.memory_space<hbm>>
      %dma_start3A_1370 = arith.constant 0 : i32
      %dma_start3A_1371 = arith.constant 0 : i32
      %dma_start3A_1372 = tpu.memref_slice %dma_start3A_1369[%add3A_1345, %dma_start3A_1370, %dma_start3A_1371] : memref<128x8x128xf32, #tpu.memory_space<hbm>> -> memref<2x8x128xf32, #tpu.memory_space<hbm>>
      %dma_start3A_1373 = arith.constant 0 : i32
      %dma_start3A_1374 = arith.constant 0 : i32
      %dma_start3A_1375 = arith.constant 0 : i32
      %dma_start3A_1376 = tpu.memref_slice %arg7[%dma_start3A_1346, %dma_start3A_1373, %dma_start3A_1374, %dma_start3A_1375] : memref<2x2x64x129xf32, #tpu.memory_space<vmem>> -> memref<1x2x64x129xf32, #tpu.memory_space<vmem>>
      %dma_start3A_1377 = tpu.memref_squeeze %dma_start3A_1376 : memref<1x2x64x129xf32, #tpu.memory_space<vmem>> -> memref<2x64x129xf32, #tpu.memory_space<vmem>>
      %dma_start3A_1378 = arith.constant 0 : i32
      %dma_start3A_1379 = arith.constant 48 : i32
      %dma_start3A_1380 = arith.constant 0 : i32
      %dma_start3A_1381 = tpu.memref_slice %dma_start3A_1377[%dma_start3A_1378, %dma_start3A_1379, %dma_start3A_1380] : memref<2x64x129xf32, #tpu.memory_space<vmem>> -> memref<2x8x128xf32, #tpu.memory_space<vmem>>
      tpu.enqueue_dma source(%dma_start3A_1381 : memref<2x8x128xf32, #tpu.memory_space<vmem>>) target(%dma_start3A_1372 : memref<2x8x128xf32, #tpu.memory_space<hbm>>) target_semaphore(%arg11 : memref<!tpu.dma_semaphore, #tpu.memory_space<semaphore_mem>>)
      %add3A_1382 = arith.addi %mul3A_2, %mul3A_1122 : i32
      %dma_start3A_1383 = arith.constant 1 : i32
      %dma_start3A_1384 = arith.constant 7 : i32
      %dma_start3A_1385 = arith.constant 0 : i32
      %dma_start3A_1386 = arith.constant 0 : i32
      %dma_start3A_1387 = arith.constant 0 : i32
      %dma_start3A_1388 = tpu.memref_slice %arg7[%dma_start3A_1383, %dma_start3A_1385, %dma_start3A_1386, %dma_start3A_1387] : memref<2x2x64x129xf32, #tpu.memory_space<vmem>> -> memref<1x2x64x129xf32, #tpu.memory_space<vmem>>
      %dma_start3A_1389 = tpu.memref_squeeze %dma_start3A_1388 : memref<1x2x64x129xf32, #tpu.memory_space<vmem>> -> memref<2x64x129xf32, #tpu.memory_space<vmem>>
      %dma_start3A_1390 = arith.constant 0 : i32
      %dma_start3A_1391 = arith.constant 56 : i32
      %dma_start3A_1392 = arith.constant 0 : i32
      %dma_start3A_1393 = tpu.memref_slice %dma_start3A_1389[%dma_start3A_1390, %dma_start3A_1391, %dma_start3A_1392] : memref<2x64x129xf32, #tpu.memory_space<vmem>> -> memref<2x8x128xf32, #tpu.memory_space<vmem>>
      %dma_start3A_1394 = arith.constant 0 : i32
      %dma_start3A_1395 = arith.constant 0 : i32
      %dma_start3A_1396 = arith.constant 0 : i32
      %dma_start3A_1397 = tpu.memref_slice %arg4[%select_n3A_1096, %dma_start3A_1384, %dma_start3A_1394, %dma_start3A_1395, %dma_start3A_1396] : memref<50x8x128x8x128xf32, #tpu.memory_space<hbm>> -> memref<1x1x128x8x128xf32, #tpu.memory_space<hbm>>
      %dma_start3A_1398 = tpu.memref_squeeze %dma_start3A_1397 : memref<1x1x128x8x128xf32, #tpu.memory_space<hbm>> -> memref<128x8x128xf32, #tpu.memory_space<hbm>>
      %dma_start3A_1399 = arith.constant 0 : i32
      %dma_start3A_1400 = arith.constant 0 : i32
      %dma_start3A_1401 = tpu.memref_slice %dma_start3A_1398[%add3A_1382, %dma_start3A_1399, %dma_start3A_1400] : memref<128x8x128xf32, #tpu.memory_space<hbm>> -> memref<2x8x128xf32, #tpu.memory_space<hbm>>
      %dma_start3A_1402 = arith.constant 0 : i32
      %dma_start3A_1403 = arith.constant 0 : i32
      %dma_start3A_1404 = arith.constant 0 : i32
      %dma_start3A_1405 = tpu.memref_slice %arg4[%select_n3A_1096, %dma_start3A_1384, %dma_start3A_1402, %dma_start3A_1403, %dma_start3A_1404] : memref<50x8x128x8x128xf32, #tpu.memory_space<hbm>> -> memref<1x1x128x8x128xf32, #tpu.memory_space<hbm>>
      %dma_start3A_1406 = tpu.memref_squeeze %dma_start3A_1405 : memref<1x1x128x8x128xf32, #tpu.memory_space<hbm>> -> memref<128x8x128xf32, #tpu.memory_space<hbm>>
      %dma_start3A_1407 = arith.constant 0 : i32
      %dma_start3A_1408 = arith.constant 0 : i32
      %dma_start3A_1409 = tpu.memref_slice %dma_start3A_1406[%add3A_1382, %dma_start3A_1407, %dma_start3A_1408] : memref<128x8x128xf32, #tpu.memory_space<hbm>> -> memref<2x8x128xf32, #tpu.memory_space<hbm>>
      %dma_start3A_1410 = arith.constant 0 : i32
      %dma_start3A_1411 = arith.constant 0 : i32
      %dma_start3A_1412 = arith.constant 0 : i32
      %dma_start3A_1413 = tpu.memref_slice %arg7[%dma_start3A_1383, %dma_start3A_1410, %dma_start3A_1411, %dma_start3A_1412] : memref<2x2x64x129xf32, #tpu.memory_space<vmem>> -> memref<1x2x64x129xf32, #tpu.memory_space<vmem>>
      %dma_start3A_1414 = tpu.memref_squeeze %dma_start3A_1413 : memref<1x2x64x129xf32, #tpu.memory_space<vmem>> -> memref<2x64x129xf32, #tpu.memory_space<vmem>>
      %dma_start3A_1415 = arith.constant 0 : i32
      %dma_start3A_1416 = arith.constant 56 : i32
      %dma_start3A_1417 = arith.constant 0 : i32
      %dma_start3A_1418 = tpu.memref_slice %dma_start3A_1414[%dma_start3A_1415, %dma_start3A_1416, %dma_start3A_1417] : memref<2x64x129xf32, #tpu.memory_space<vmem>> -> memref<2x8x128xf32, #tpu.memory_space<vmem>>
      tpu.enqueue_dma source(%dma_start3A_1418 : memref<2x8x128xf32, #tpu.memory_space<vmem>>) target(%dma_start3A_1409 : memref<2x8x128xf32, #tpu.memory_space<hbm>>) target_semaphore(%arg11 : memref<!tpu.dma_semaphore, #tpu.memory_space<semaphore_mem>>)
    }
    %scan3A_37 = arith.constant 50 : i32
    %dma_wait3A = arith.constant 0 : i32
    %dma_wait3A_38 = arith.constant 0 : i32
    %dma_wait3A_39 = arith.constant 0 : i32
    %dma_wait3A_40 = arith.constant 0 : i32
    %dma_wait3A_41 = arith.constant 0 : i32
    %dma_wait3A_42 = arith.constant 0 : i32
    %dma_wait3A_43 = tpu.memref_slice %arg7[%dma_wait3A, %dma_wait3A_40, %dma_wait3A_41, %dma_wait3A_42] : memref<2x2x64x129xf32, #tpu.memory_space<vmem>> -> memref<1x2x64x129xf32, #tpu.memory_space<vmem>>
    %dma_wait3A_44 = tpu.memref_squeeze %dma_wait3A_43 : memref<1x2x64x129xf32, #tpu.memory_space<vmem>> -> memref<2x64x129xf32, #tpu.memory_space<vmem>>
    %dma_wait3A_45 = arith.constant 0 : i32
    %dma_wait3A_46 = arith.constant 0 : i32
    %dma_wait3A_47 = arith.constant 0 : i32
    %dma_wait3A_48 = tpu.memref_slice %dma_wait3A_44[%dma_wait3A_45, %dma_wait3A_46, %dma_wait3A_47] : memref<2x64x129xf32, #tpu.memory_space<vmem>> -> memref<2x8x128xf32, #tpu.memory_space<vmem>>
    %dma_wait3A_49 = arith.constant 0 : i32
    %dma_wait3A_50 = arith.constant 0 : i32
    %dma_wait3A_51 = arith.constant 0 : i32
    %dma_wait3A_52 = tpu.memref_slice %arg4[%dma_wait3A_38, %dma_wait3A_39, %dma_wait3A_49, %dma_wait3A_50, %dma_wait3A_51] : memref<50x8x128x8x128xf32, #tpu.memory_space<hbm>> -> memref<1x1x128x8x128xf32, #tpu.memory_space<hbm>>
    %dma_wait3A_53 = tpu.memref_squeeze %dma_wait3A_52 : memref<1x1x128x8x128xf32, #tpu.memory_space<hbm>> -> memref<128x8x128xf32, #tpu.memory_space<hbm>>
    %dma_wait3A_54 = arith.constant 0 : i32
    %dma_wait3A_55 = arith.constant 0 : i32
    %dma_wait3A_56 = tpu.memref_slice %dma_wait3A_53[%mul3A_2, %dma_wait3A_54, %dma_wait3A_55] : memref<128x8x128xf32, #tpu.memory_space<hbm>> -> memref<2x8x128xf32, #tpu.memory_space<hbm>>
    %dma_wait3A_57 = arith.constant 0 : i32
    %dma_wait3A_58 = arith.constant 0 : i32
    %dma_wait3A_59 = arith.constant 0 : i32
    %dma_wait3A_60 = tpu.memref_slice %arg4[%dma_wait3A_38, %dma_wait3A_39, %dma_wait3A_57, %dma_wait3A_58, %dma_wait3A_59] : memref<50x8x128x8x128xf32, #tpu.memory_space<hbm>> -> memref<1x1x128x8x128xf32, #tpu.memory_space<hbm>>
    %dma_wait3A_61 = tpu.memref_squeeze %dma_wait3A_60 : memref<1x1x128x8x128xf32, #tpu.memory_space<hbm>> -> memref<128x8x128xf32, #tpu.memory_space<hbm>>
    %dma_wait3A_62 = arith.constant 0 : i32
    %dma_wait3A_63 = arith.constant 0 : i32
    %dma_wait3A_64 = tpu.memref_slice %dma_wait3A_61[%mul3A_2, %dma_wait3A_62, %dma_wait3A_63] : memref<128x8x128xf32, #tpu.memory_space<hbm>> -> memref<2x8x128xf32, #tpu.memory_space<hbm>>
    %dma_wait3A_65 = arith.constant 0 : i32
    %dma_wait3A_66 = arith.constant 0 : i32
    %dma_wait3A_67 = arith.constant 0 : i32
    %dma_wait3A_68 = tpu.memref_slice %arg7[%dma_wait3A, %dma_wait3A_65, %dma_wait3A_66, %dma_wait3A_67] : memref<2x2x64x129xf32, #tpu.memory_space<vmem>> -> memref<1x2x64x129xf32, #tpu.memory_space<vmem>>
    %dma_wait3A_69 = tpu.memref_squeeze %dma_wait3A_68 : memref<1x2x64x129xf32, #tpu.memory_space<vmem>> -> memref<2x64x129xf32, #tpu.memory_space<vmem>>
    %dma_wait3A_70 = arith.constant 0 : i32
    %dma_wait3A_71 = arith.constant 0 : i32
    %dma_wait3A_72 = arith.constant 0 : i32
    %dma_wait3A_73 = tpu.memref_slice %dma_wait3A_69[%dma_wait3A_70, %dma_wait3A_71, %dma_wait3A_72] : memref<2x64x129xf32, #tpu.memory_space<vmem>> -> memref<2x8x128xf32, #tpu.memory_space<vmem>>
    tpu.wait_dma2 semaphore(%arg10 : memref<!tpu.dma_semaphore, #tpu.memory_space<semaphore_mem>>) src(%dma_wait3A_73 : memref<2x8x128xf32, #tpu.memory_space<vmem>>) dst(%dma_wait3A_64 : memref<2x8x128xf32, #tpu.memory_space<hbm>>)
    %dma_wait3A_74 = arith.constant 0 : i32
    %dma_wait3A_75 = arith.constant 0 : i32
    %dma_wait3A_76 = arith.constant 1 : i32
    %dma_wait3A_77 = arith.constant 0 : i32
    %dma_wait3A_78 = arith.constant 0 : i32
    %dma_wait3A_79 = arith.constant 0 : i32
    %dma_wait3A_80 = tpu.memref_slice %arg7[%dma_wait3A_74, %dma_wait3A_77, %dma_wait3A_78, %dma_wait3A_79] : memref<2x2x64x129xf32, #tpu.memory_space<vmem>> -> memref<1x2x64x129xf32, #tpu.memory_space<vmem>>
    %dma_wait3A_81 = tpu.memref_squeeze %dma_wait3A_80 : memref<1x2x64x129xf32, #tpu.memory_space<vmem>> -> memref<2x64x129xf32, #tpu.memory_space<vmem>>
    %dma_wait3A_82 = arith.constant 0 : i32
    %dma_wait3A_83 = arith.constant 8 : i32
    %dma_wait3A_84 = arith.constant 0 : i32
    %dma_wait3A_85 = tpu.memref_slice %dma_wait3A_81[%dma_wait3A_82, %dma_wait3A_83, %dma_wait3A_84] : memref<2x64x129xf32, #tpu.memory_space<vmem>> -> memref<2x8x128xf32, #tpu.memory_space<vmem>>
    %dma_wait3A_86 = arith.constant 0 : i32
    %dma_wait3A_87 = arith.constant 0 : i32
    %dma_wait3A_88 = arith.constant 0 : i32
    %dma_wait3A_89 = tpu.memref_slice %arg4[%dma_wait3A_75, %dma_wait3A_76, %dma_wait3A_86, %dma_wait3A_87, %dma_wait3A_88] : memref<50x8x128x8x128xf32, #tpu.memory_space<hbm>> -> memref<1x1x128x8x128xf32, #tpu.memory_space<hbm>>
    %dma_wait3A_90 = tpu.memref_squeeze %dma_wait3A_89 : memref<1x1x128x8x128xf32, #tpu.memory_space<hbm>> -> memref<128x8x128xf32, #tpu.memory_space<hbm>>
    %dma_wait3A_91 = arith.constant 0 : i32
    %dma_wait3A_92 = arith.constant 0 : i32
    %dma_wait3A_93 = tpu.memref_slice %dma_wait3A_90[%mul3A_2, %dma_wait3A_91, %dma_wait3A_92] : memref<128x8x128xf32, #tpu.memory_space<hbm>> -> memref<2x8x128xf32, #tpu.memory_space<hbm>>
    %dma_wait3A_94 = arith.constant 0 : i32
    %dma_wait3A_95 = arith.constant 0 : i32
    %dma_wait3A_96 = arith.constant 0 : i32
    %dma_wait3A_97 = tpu.memref_slice %arg4[%dma_wait3A_75, %dma_wait3A_76, %dma_wait3A_94, %dma_wait3A_95, %dma_wait3A_96] : memref<50x8x128x8x128xf32, #tpu.memory_space<hbm>> -> memref<1x1x128x8x128xf32, #tpu.memory_space<hbm>>
    %dma_wait3A_98 = tpu.memref_squeeze %dma_wait3A_97 : memref<1x1x128x8x128xf32, #tpu.memory_space<hbm>> -> memref<128x8x128xf32, #tpu.memory_space<hbm>>
    %dma_wait3A_99 = arith.constant 0 : i32
    %dma_wait3A_100 = arith.constant 0 : i32
    %dma_wait3A_101 = tpu.memref_slice %dma_wait3A_98[%mul3A_2, %dma_wait3A_99, %dma_wait3A_100] : memref<128x8x128xf32, #tpu.memory_space<hbm>> -> memref<2x8x128xf32, #tpu.memory_space<hbm>>
    %dma_wait3A_102 = arith.constant 0 : i32
    %dma_wait3A_103 = arith.constant 0 : i32
    %dma_wait3A_104 = arith.constant 0 : i32
    %dma_wait3A_105 = tpu.memref_slice %arg7[%dma_wait3A_74, %dma_wait3A_102, %dma_wait3A_103, %dma_wait3A_104] : memref<2x2x64x129xf32, #tpu.memory_space<vmem>> -> memref<1x2x64x129xf32, #tpu.memory_space<vmem>>
    %dma_wait3A_106 = tpu.memref_squeeze %dma_wait3A_105 : memref<1x2x64x129xf32, #tpu.memory_space<vmem>> -> memref<2x64x129xf32, #tpu.memory_space<vmem>>
    %dma_wait3A_107 = arith.constant 0 : i32
    %dma_wait3A_108 = arith.constant 8 : i32
    %dma_wait3A_109 = arith.constant 0 : i32
    %dma_wait3A_110 = tpu.memref_slice %dma_wait3A_106[%dma_wait3A_107, %dma_wait3A_108, %dma_wait3A_109] : memref<2x64x129xf32, #tpu.memory_space<vmem>> -> memref<2x8x128xf32, #tpu.memory_space<vmem>>
    tpu.wait_dma2 semaphore(%arg10 : memref<!tpu.dma_semaphore, #tpu.memory_space<semaphore_mem>>) src(%dma_wait3A_110 : memref<2x8x128xf32, #tpu.memory_space<vmem>>) dst(%dma_wait3A_101 : memref<2x8x128xf32, #tpu.memory_space<hbm>>)
    %dma_wait3A_111 = arith.constant 0 : i32
    %dma_wait3A_112 = arith.constant 0 : i32
    %dma_wait3A_113 = arith.constant 2 : i32
    %dma_wait3A_114 = arith.constant 0 : i32
    %dma_wait3A_115 = arith.constant 0 : i32
    %dma_wait3A_116 = arith.constant 0 : i32
    %dma_wait3A_117 = tpu.memref_slice %arg7[%dma_wait3A_111, %dma_wait3A_114, %dma_wait3A_115, %dma_wait3A_116] : memref<2x2x64x129xf32, #tpu.memory_space<vmem>> -> memref<1x2x64x129xf32, #tpu.memory_space<vmem>>
    %dma_wait3A_118 = tpu.memref_squeeze %dma_wait3A_117 : memref<1x2x64x129xf32, #tpu.memory_space<vmem>> -> memref<2x64x129xf32, #tpu.memory_space<vmem>>
    %dma_wait3A_119 = arith.constant 0 : i32
    %dma_wait3A_120 = arith.constant 16 : i32
    %dma_wait3A_121 = arith.constant 0 : i32
    %dma_wait3A_122 = tpu.memref_slice %dma_wait3A_118[%dma_wait3A_119, %dma_wait3A_120, %dma_wait3A_121] : memref<2x64x129xf32, #tpu.memory_space<vmem>> -> memref<2x8x128xf32, #tpu.memory_space<vmem>>
    %dma_wait3A_123 = arith.constant 0 : i32
    %dma_wait3A_124 = arith.constant 0 : i32
    %dma_wait3A_125 = arith.constant 0 : i32
    %dma_wait3A_126 = tpu.memref_slice %arg4[%dma_wait3A_112, %dma_wait3A_113, %dma_wait3A_123, %dma_wait3A_124, %dma_wait3A_125] : memref<50x8x128x8x128xf32, #tpu.memory_space<hbm>> -> memref<1x1x128x8x128xf32, #tpu.memory_space<hbm>>
    %dma_wait3A_127 = tpu.memref_squeeze %dma_wait3A_126 : memref<1x1x128x8x128xf32, #tpu.memory_space<hbm>> -> memref<128x8x128xf32, #tpu.memory_space<hbm>>
    %dma_wait3A_128 = arith.constant 0 : i32
    %dma_wait3A_129 = arith.constant 0 : i32
    %dma_wait3A_130 = tpu.memref_slice %dma_wait3A_127[%mul3A_2, %dma_wait3A_128, %dma_wait3A_129] : memref<128x8x128xf32, #tpu.memory_space<hbm>> -> memref<2x8x128xf32, #tpu.memory_space<hbm>>
    %dma_wait3A_131 = arith.constant 0 : i32
    %dma_wait3A_132 = arith.constant 0 : i32
    %dma_wait3A_133 = arith.constant 0 : i32
    %dma_wait3A_134 = tpu.memref_slice %arg4[%dma_wait3A_112, %dma_wait3A_113, %dma_wait3A_131, %dma_wait3A_132, %dma_wait3A_133] : memref<50x8x128x8x128xf32, #tpu.memory_space<hbm>> -> memref<1x1x128x8x128xf32, #tpu.memory_space<hbm>>
    %dma_wait3A_135 = tpu.memref_squeeze %dma_wait3A_134 : memref<1x1x128x8x128xf32, #tpu.memory_space<hbm>> -> memref<128x8x128xf32, #tpu.memory_space<hbm>>
    %dma_wait3A_136 = arith.constant 0 : i32
    %dma_wait3A_137 = arith.constant 0 : i32
    %dma_wait3A_138 = tpu.memref_slice %dma_wait3A_135[%mul3A_2, %dma_wait3A_136, %dma_wait3A_137] : memref<128x8x128xf32, #tpu.memory_space<hbm>> -> memref<2x8x128xf32, #tpu.memory_space<hbm>>
    %dma_wait3A_139 = arith.constant 0 : i32
    %dma_wait3A_140 = arith.constant 0 : i32
    %dma_wait3A_141 = arith.constant 0 : i32
    %dma_wait3A_142 = tpu.memref_slice %arg7[%dma_wait3A_111, %dma_wait3A_139, %dma_wait3A_140, %dma_wait3A_141] : memref<2x2x64x129xf32, #tpu.memory_space<vmem>> -> memref<1x2x64x129xf32, #tpu.memory_space<vmem>>
    %dma_wait3A_143 = tpu.memref_squeeze %dma_wait3A_142 : memref<1x2x64x129xf32, #tpu.memory_space<vmem>> -> memref<2x64x129xf32, #tpu.memory_space<vmem>>
    %dma_wait3A_144 = arith.constant 0 : i32
    %dma_wait3A_145 = arith.constant 16 : i32
    %dma_wait3A_146 = arith.constant 0 : i32
    %dma_wait3A_147 = tpu.memref_slice %dma_wait3A_143[%dma_wait3A_144, %dma_wait3A_145, %dma_wait3A_146] : memref<2x64x129xf32, #tpu.memory_space<vmem>> -> memref<2x8x128xf32, #tpu.memory_space<vmem>>
    tpu.wait_dma2 semaphore(%arg10 : memref<!tpu.dma_semaphore, #tpu.memory_space<semaphore_mem>>) src(%dma_wait3A_147 : memref<2x8x128xf32, #tpu.memory_space<vmem>>) dst(%dma_wait3A_138 : memref<2x8x128xf32, #tpu.memory_space<hbm>>)
    %dma_wait3A_148 = arith.constant 0 : i32
    %dma_wait3A_149 = arith.constant 0 : i32
    %dma_wait3A_150 = arith.constant 3 : i32
    %dma_wait3A_151 = arith.constant 0 : i32
    %dma_wait3A_152 = arith.constant 0 : i32
    %dma_wait3A_153 = arith.constant 0 : i32
    %dma_wait3A_154 = tpu.memref_slice %arg7[%dma_wait3A_148, %dma_wait3A_151, %dma_wait3A_152, %dma_wait3A_153] : memref<2x2x64x129xf32, #tpu.memory_space<vmem>> -> memref<1x2x64x129xf32, #tpu.memory_space<vmem>>
    %dma_wait3A_155 = tpu.memref_squeeze %dma_wait3A_154 : memref<1x2x64x129xf32, #tpu.memory_space<vmem>> -> memref<2x64x129xf32, #tpu.memory_space<vmem>>
    %dma_wait3A_156 = arith.constant 0 : i32
    %dma_wait3A_157 = arith.constant 24 : i32
    %dma_wait3A_158 = arith.constant 0 : i32
    %dma_wait3A_159 = tpu.memref_slice %dma_wait3A_155[%dma_wait3A_156, %dma_wait3A_157, %dma_wait3A_158] : memref<2x64x129xf32, #tpu.memory_space<vmem>> -> memref<2x8x128xf32, #tpu.memory_space<vmem>>
    %dma_wait3A_160 = arith.constant 0 : i32
    %dma_wait3A_161 = arith.constant 0 : i32
    %dma_wait3A_162 = arith.constant 0 : i32
    %dma_wait3A_163 = tpu.memref_slice %arg4[%dma_wait3A_149, %dma_wait3A_150, %dma_wait3A_160, %dma_wait3A_161, %dma_wait3A_162] : memref<50x8x128x8x128xf32, #tpu.memory_space<hbm>> -> memref<1x1x128x8x128xf32, #tpu.memory_space<hbm>>
    %dma_wait3A_164 = tpu.memref_squeeze %dma_wait3A_163 : memref<1x1x128x8x128xf32, #tpu.memory_space<hbm>> -> memref<128x8x128xf32, #tpu.memory_space<hbm>>
    %dma_wait3A_165 = arith.constant 0 : i32
    %dma_wait3A_166 = arith.constant 0 : i32
    %dma_wait3A_167 = tpu.memref_slice %dma_wait3A_164[%mul3A_2, %dma_wait3A_165, %dma_wait3A_166] : memref<128x8x128xf32, #tpu.memory_space<hbm>> -> memref<2x8x128xf32, #tpu.memory_space<hbm>>
    %dma_wait3A_168 = arith.constant 0 : i32
    %dma_wait3A_169 = arith.constant 0 : i32
    %dma_wait3A_170 = arith.constant 0 : i32
    %dma_wait3A_171 = tpu.memref_slice %arg4[%dma_wait3A_149, %dma_wait3A_150, %dma_wait3A_168, %dma_wait3A_169, %dma_wait3A_170] : memref<50x8x128x8x128xf32, #tpu.memory_space<hbm>> -> memref<1x1x128x8x128xf32, #tpu.memory_space<hbm>>
    %dma_wait3A_172 = tpu.memref_squeeze %dma_wait3A_171 : memref<1x1x128x8x128xf32, #tpu.memory_space<hbm>> -> memref<128x8x128xf32, #tpu.memory_space<hbm>>
    %dma_wait3A_173 = arith.constant 0 : i32
    %dma_wait3A_174 = arith.constant 0 : i32
    %dma_wait3A_175 = tpu.memref_slice %dma_wait3A_172[%mul3A_2, %dma_wait3A_173, %dma_wait3A_174] : memref<128x8x128xf32, #tpu.memory_space<hbm>> -> memref<2x8x128xf32, #tpu.memory_space<hbm>>
    %dma_wait3A_176 = arith.constant 0 : i32
    %dma_wait3A_177 = arith.constant 0 : i32
    %dma_wait3A_178 = arith.constant 0 : i32
    %dma_wait3A_179 = tpu.memref_slice %arg7[%dma_wait3A_148, %dma_wait3A_176, %dma_wait3A_177, %dma_wait3A_178] : memref<2x2x64x129xf32, #tpu.memory_space<vmem>> -> memref<1x2x64x129xf32, #tpu.memory_space<vmem>>
    %dma_wait3A_180 = tpu.memref_squeeze %dma_wait3A_179 : memref<1x2x64x129xf32, #tpu.memory_space<vmem>> -> memref<2x64x129xf32, #tpu.memory_space<vmem>>
    %dma_wait3A_181 = arith.constant 0 : i32
    %dma_wait3A_182 = arith.constant 24 : i32
    %dma_wait3A_183 = arith.constant 0 : i32
    %dma_wait3A_184 = tpu.memref_slice %dma_wait3A_180[%dma_wait3A_181, %dma_wait3A_182, %dma_wait3A_183] : memref<2x64x129xf32, #tpu.memory_space<vmem>> -> memref<2x8x128xf32, #tpu.memory_space<vmem>>
    tpu.wait_dma2 semaphore(%arg10 : memref<!tpu.dma_semaphore, #tpu.memory_space<semaphore_mem>>) src(%dma_wait3A_184 : memref<2x8x128xf32, #tpu.memory_space<vmem>>) dst(%dma_wait3A_175 : memref<2x8x128xf32, #tpu.memory_space<hbm>>)
    %dma_wait3A_185 = arith.constant 0 : i32
    %dma_wait3A_186 = arith.constant 0 : i32
    %dma_wait3A_187 = arith.constant 4 : i32
    %dma_wait3A_188 = arith.constant 0 : i32
    %dma_wait3A_189 = arith.constant 0 : i32
    %dma_wait3A_190 = arith.constant 0 : i32
    %dma_wait3A_191 = tpu.memref_slice %arg7[%dma_wait3A_185, %dma_wait3A_188, %dma_wait3A_189, %dma_wait3A_190] : memref<2x2x64x129xf32, #tpu.memory_space<vmem>> -> memref<1x2x64x129xf32, #tpu.memory_space<vmem>>
    %dma_wait3A_192 = tpu.memref_squeeze %dma_wait3A_191 : memref<1x2x64x129xf32, #tpu.memory_space<vmem>> -> memref<2x64x129xf32, #tpu.memory_space<vmem>>
    %dma_wait3A_193 = arith.constant 0 : i32
    %dma_wait3A_194 = arith.constant 32 : i32
    %dma_wait3A_195 = arith.constant 0 : i32
    %dma_wait3A_196 = tpu.memref_slice %dma_wait3A_192[%dma_wait3A_193, %dma_wait3A_194, %dma_wait3A_195] : memref<2x64x129xf32, #tpu.memory_space<vmem>> -> memref<2x8x128xf32, #tpu.memory_space<vmem>>
    %dma_wait3A_197 = arith.constant 0 : i32
    %dma_wait3A_198 = arith.constant 0 : i32
    %dma_wait3A_199 = arith.constant 0 : i32
    %dma_wait3A_200 = tpu.memref_slice %arg4[%dma_wait3A_186, %dma_wait3A_187, %dma_wait3A_197, %dma_wait3A_198, %dma_wait3A_199] : memref<50x8x128x8x128xf32, #tpu.memory_space<hbm>> -> memref<1x1x128x8x128xf32, #tpu.memory_space<hbm>>
    %dma_wait3A_201 = tpu.memref_squeeze %dma_wait3A_200 : memref<1x1x128x8x128xf32, #tpu.memory_space<hbm>> -> memref<128x8x128xf32, #tpu.memory_space<hbm>>
    %dma_wait3A_202 = arith.constant 0 : i32
    %dma_wait3A_203 = arith.constant 0 : i32
    %dma_wait3A_204 = tpu.memref_slice %dma_wait3A_201[%mul3A_2, %dma_wait3A_202, %dma_wait3A_203] : memref<128x8x128xf32, #tpu.memory_space<hbm>> -> memref<2x8x128xf32, #tpu.memory_space<hbm>>
    %dma_wait3A_205 = arith.constant 0 : i32
    %dma_wait3A_206 = arith.constant 0 : i32
    %dma_wait3A_207 = arith.constant 0 : i32
    %dma_wait3A_208 = tpu.memref_slice %arg4[%dma_wait3A_186, %dma_wait3A_187, %dma_wait3A_205, %dma_wait3A_206, %dma_wait3A_207] : memref<50x8x128x8x128xf32, #tpu.memory_space<hbm>> -> memref<1x1x128x8x128xf32, #tpu.memory_space<hbm>>
    %dma_wait3A_209 = tpu.memref_squeeze %dma_wait3A_208 : memref<1x1x128x8x128xf32, #tpu.memory_space<hbm>> -> memref<128x8x128xf32, #tpu.memory_space<hbm>>
    %dma_wait3A_210 = arith.constant 0 : i32
    %dma_wait3A_211 = arith.constant 0 : i32
    %dma_wait3A_212 = tpu.memref_slice %dma_wait3A_209[%mul3A_2, %dma_wait3A_210, %dma_wait3A_211] : memref<128x8x128xf32, #tpu.memory_space<hbm>> -> memref<2x8x128xf32, #tpu.memory_space<hbm>>
    %dma_wait3A_213 = arith.constant 0 : i32
    %dma_wait3A_214 = arith.constant 0 : i32
    %dma_wait3A_215 = arith.constant 0 : i32
    %dma_wait3A_216 = tpu.memref_slice %arg7[%dma_wait3A_185, %dma_wait3A_213, %dma_wait3A_214, %dma_wait3A_215] : memref<2x2x64x129xf32, #tpu.memory_space<vmem>> -> memref<1x2x64x129xf32, #tpu.memory_space<vmem>>
    %dma_wait3A_217 = tpu.memref_squeeze %dma_wait3A_216 : memref<1x2x64x129xf32, #tpu.memory_space<vmem>> -> memref<2x64x129xf32, #tpu.memory_space<vmem>>
    %dma_wait3A_218 = arith.constant 0 : i32
    %dma_wait3A_219 = arith.constant 32 : i32
    %dma_wait3A_220 = arith.constant 0 : i32
    %dma_wait3A_221 = tpu.memref_slice %dma_wait3A_217[%dma_wait3A_218, %dma_wait3A_219, %dma_wait3A_220] : memref<2x64x129xf32, #tpu.memory_space<vmem>> -> memref<2x8x128xf32, #tpu.memory_space<vmem>>
    tpu.wait_dma2 semaphore(%arg10 : memref<!tpu.dma_semaphore, #tpu.memory_space<semaphore_mem>>) src(%dma_wait3A_221 : memref<2x8x128xf32, #tpu.memory_space<vmem>>) dst(%dma_wait3A_212 : memref<2x8x128xf32, #tpu.memory_space<hbm>>)
    %dma_wait3A_222 = arith.constant 0 : i32
    %dma_wait3A_223 = arith.constant 0 : i32
    %dma_wait3A_224 = arith.constant 5 : i32
    %dma_wait3A_225 = arith.constant 0 : i32
    %dma_wait3A_226 = arith.constant 0 : i32
    %dma_wait3A_227 = arith.constant 0 : i32
    %dma_wait3A_228 = tpu.memref_slice %arg7[%dma_wait3A_222, %dma_wait3A_225, %dma_wait3A_226, %dma_wait3A_227] : memref<2x2x64x129xf32, #tpu.memory_space<vmem>> -> memref<1x2x64x129xf32, #tpu.memory_space<vmem>>
    %dma_wait3A_229 = tpu.memref_squeeze %dma_wait3A_228 : memref<1x2x64x129xf32, #tpu.memory_space<vmem>> -> memref<2x64x129xf32, #tpu.memory_space<vmem>>
    %dma_wait3A_230 = arith.constant 0 : i32
    %dma_wait3A_231 = arith.constant 40 : i32
    %dma_wait3A_232 = arith.constant 0 : i32
    %dma_wait3A_233 = tpu.memref_slice %dma_wait3A_229[%dma_wait3A_230, %dma_wait3A_231, %dma_wait3A_232] : memref<2x64x129xf32, #tpu.memory_space<vmem>> -> memref<2x8x128xf32, #tpu.memory_space<vmem>>
    %dma_wait3A_234 = arith.constant 0 : i32
    %dma_wait3A_235 = arith.constant 0 : i32
    %dma_wait3A_236 = arith.constant 0 : i32
    %dma_wait3A_237 = tpu.memref_slice %arg4[%dma_wait3A_223, %dma_wait3A_224, %dma_wait3A_234, %dma_wait3A_235, %dma_wait3A_236] : memref<50x8x128x8x128xf32, #tpu.memory_space<hbm>> -> memref<1x1x128x8x128xf32, #tpu.memory_space<hbm>>
    %dma_wait3A_238 = tpu.memref_squeeze %dma_wait3A_237 : memref<1x1x128x8x128xf32, #tpu.memory_space<hbm>> -> memref<128x8x128xf32, #tpu.memory_space<hbm>>
    %dma_wait3A_239 = arith.constant 0 : i32
    %dma_wait3A_240 = arith.constant 0 : i32
    %dma_wait3A_241 = tpu.memref_slice %dma_wait3A_238[%mul3A_2, %dma_wait3A_239, %dma_wait3A_240] : memref<128x8x128xf32, #tpu.memory_space<hbm>> -> memref<2x8x128xf32, #tpu.memory_space<hbm>>
    %dma_wait3A_242 = arith.constant 0 : i32
    %dma_wait3A_243 = arith.constant 0 : i32
    %dma_wait3A_244 = arith.constant 0 : i32
    %dma_wait3A_245 = tpu.memref_slice %arg4[%dma_wait3A_223, %dma_wait3A_224, %dma_wait3A_242, %dma_wait3A_243, %dma_wait3A_244] : memref<50x8x128x8x128xf32, #tpu.memory_space<hbm>> -> memref<1x1x128x8x128xf32, #tpu.memory_space<hbm>>
    %dma_wait3A_246 = tpu.memref_squeeze %dma_wait3A_245 : memref<1x1x128x8x128xf32, #tpu.memory_space<hbm>> -> memref<128x8x128xf32, #tpu.memory_space<hbm>>
    %dma_wait3A_247 = arith.constant 0 : i32
    %dma_wait3A_248 = arith.constant 0 : i32
    %dma_wait3A_249 = tpu.memref_slice %dma_wait3A_246[%mul3A_2, %dma_wait3A_247, %dma_wait3A_248] : memref<128x8x128xf32, #tpu.memory_space<hbm>> -> memref<2x8x128xf32, #tpu.memory_space<hbm>>
    %dma_wait3A_250 = arith.constant 0 : i32
    %dma_wait3A_251 = arith.constant 0 : i32
    %dma_wait3A_252 = arith.constant 0 : i32
    %dma_wait3A_253 = tpu.memref_slice %arg7[%dma_wait3A_222, %dma_wait3A_250, %dma_wait3A_251, %dma_wait3A_252] : memref<2x2x64x129xf32, #tpu.memory_space<vmem>> -> memref<1x2x64x129xf32, #tpu.memory_space<vmem>>
    %dma_wait3A_254 = tpu.memref_squeeze %dma_wait3A_253 : memref<1x2x64x129xf32, #tpu.memory_space<vmem>> -> memref<2x64x129xf32, #tpu.memory_space<vmem>>
    %dma_wait3A_255 = arith.constant 0 : i32
    %dma_wait3A_256 = arith.constant 40 : i32
    %dma_wait3A_257 = arith.constant 0 : i32
    %dma_wait3A_258 = tpu.memref_slice %dma_wait3A_254[%dma_wait3A_255, %dma_wait3A_256, %dma_wait3A_257] : memref<2x64x129xf32, #tpu.memory_space<vmem>> -> memref<2x8x128xf32, #tpu.memory_space<vmem>>
    tpu.wait_dma2 semaphore(%arg10 : memref<!tpu.dma_semaphore, #tpu.memory_space<semaphore_mem>>) src(%dma_wait3A_258 : memref<2x8x128xf32, #tpu.memory_space<vmem>>) dst(%dma_wait3A_249 : memref<2x8x128xf32, #tpu.memory_space<hbm>>)
    %dma_wait3A_259 = arith.constant 0 : i32
    %dma_wait3A_260 = arith.constant 0 : i32
    %dma_wait3A_261 = arith.constant 6 : i32
    %dma_wait3A_262 = arith.constant 0 : i32
    %dma_wait3A_263 = arith.constant 0 : i32
    %dma_wait3A_264 = arith.constant 0 : i32
    %dma_wait3A_265 = tpu.memref_slice %arg7[%dma_wait3A_259, %dma_wait3A_262, %dma_wait3A_263, %dma_wait3A_264] : memref<2x2x64x129xf32, #tpu.memory_space<vmem>> -> memref<1x2x64x129xf32, #tpu.memory_space<vmem>>
    %dma_wait3A_266 = tpu.memref_squeeze %dma_wait3A_265 : memref<1x2x64x129xf32, #tpu.memory_space<vmem>> -> memref<2x64x129xf32, #tpu.memory_space<vmem>>
    %dma_wait3A_267 = arith.constant 0 : i32
    %dma_wait3A_268 = arith.constant 48 : i32
    %dma_wait3A_269 = arith.constant 0 : i32
    %dma_wait3A_270 = tpu.memref_slice %dma_wait3A_266[%dma_wait3A_267, %dma_wait3A_268, %dma_wait3A_269] : memref<2x64x129xf32, #tpu.memory_space<vmem>> -> memref<2x8x128xf32, #tpu.memory_space<vmem>>
    %dma_wait3A_271 = arith.constant 0 : i32
    %dma_wait3A_272 = arith.constant 0 : i32
    %dma_wait3A_273 = arith.constant 0 : i32
    %dma_wait3A_274 = tpu.memref_slice %arg4[%dma_wait3A_260, %dma_wait3A_261, %dma_wait3A_271, %dma_wait3A_272, %dma_wait3A_273] : memref<50x8x128x8x128xf32, #tpu.memory_space<hbm>> -> memref<1x1x128x8x128xf32, #tpu.memory_space<hbm>>
    %dma_wait3A_275 = tpu.memref_squeeze %dma_wait3A_274 : memref<1x1x128x8x128xf32, #tpu.memory_space<hbm>> -> memref<128x8x128xf32, #tpu.memory_space<hbm>>
    %dma_wait3A_276 = arith.constant 0 : i32
    %dma_wait3A_277 = arith.constant 0 : i32
    %dma_wait3A_278 = tpu.memref_slice %dma_wait3A_275[%mul3A_2, %dma_wait3A_276, %dma_wait3A_277] : memref<128x8x128xf32, #tpu.memory_space<hbm>> -> memref<2x8x128xf32, #tpu.memory_space<hbm>>
    %dma_wait3A_279 = arith.constant 0 : i32
    %dma_wait3A_280 = arith.constant 0 : i32
    %dma_wait3A_281 = arith.constant 0 : i32
    %dma_wait3A_282 = tpu.memref_slice %arg4[%dma_wait3A_260, %dma_wait3A_261, %dma_wait3A_279, %dma_wait3A_280, %dma_wait3A_281] : memref<50x8x128x8x128xf32, #tpu.memory_space<hbm>> -> memref<1x1x128x8x128xf32, #tpu.memory_space<hbm>>
    %dma_wait3A_283 = tpu.memref_squeeze %dma_wait3A_282 : memref<1x1x128x8x128xf32, #tpu.memory_space<hbm>> -> memref<128x8x128xf32, #tpu.memory_space<hbm>>
    %dma_wait3A_284 = arith.constant 0 : i32
    %dma_wait3A_285 = arith.constant 0 : i32
    %dma_wait3A_286 = tpu.memref_slice %dma_wait3A_283[%mul3A_2, %dma_wait3A_284, %dma_wait3A_285] : memref<128x8x128xf32, #tpu.memory_space<hbm>> -> memref<2x8x128xf32, #tpu.memory_space<hbm>>
    %dma_wait3A_287 = arith.constant 0 : i32
    %dma_wait3A_288 = arith.constant 0 : i32
    %dma_wait3A_289 = arith.constant 0 : i32
    %dma_wait3A_290 = tpu.memref_slice %arg7[%dma_wait3A_259, %dma_wait3A_287, %dma_wait3A_288, %dma_wait3A_289] : memref<2x2x64x129xf32, #tpu.memory_space<vmem>> -> memref<1x2x64x129xf32, #tpu.memory_space<vmem>>
    %dma_wait3A_291 = tpu.memref_squeeze %dma_wait3A_290 : memref<1x2x64x129xf32, #tpu.memory_space<vmem>> -> memref<2x64x129xf32, #tpu.memory_space<vmem>>
    %dma_wait3A_292 = arith.constant 0 : i32
    %dma_wait3A_293 = arith.constant 48 : i32
    %dma_wait3A_294 = arith.constant 0 : i32
    %dma_wait3A_295 = tpu.memref_slice %dma_wait3A_291[%dma_wait3A_292, %dma_wait3A_293, %dma_wait3A_294] : memref<2x64x129xf32, #tpu.memory_space<vmem>> -> memref<2x8x128xf32, #tpu.memory_space<vmem>>
    tpu.wait_dma2 semaphore(%arg10 : memref<!tpu.dma_semaphore, #tpu.memory_space<semaphore_mem>>) src(%dma_wait3A_295 : memref<2x8x128xf32, #tpu.memory_space<vmem>>) dst(%dma_wait3A_286 : memref<2x8x128xf32, #tpu.memory_space<hbm>>)
    %dma_wait3A_296 = arith.constant 0 : i32
    %dma_wait3A_297 = arith.constant 0 : i32
    %dma_wait3A_298 = arith.constant 7 : i32
    %dma_wait3A_299 = arith.constant 0 : i32
    %dma_wait3A_300 = arith.constant 0 : i32
    %dma_wait3A_301 = arith.constant 0 : i32
    %dma_wait3A_302 = tpu.memref_slice %arg7[%dma_wait3A_296, %dma_wait3A_299, %dma_wait3A_300, %dma_wait3A_301] : memref<2x2x64x129xf32, #tpu.memory_space<vmem>> -> memref<1x2x64x129xf32, #tpu.memory_space<vmem>>
    %dma_wait3A_303 = tpu.memref_squeeze %dma_wait3A_302 : memref<1x2x64x129xf32, #tpu.memory_space<vmem>> -> memref<2x64x129xf32, #tpu.memory_space<vmem>>
    %dma_wait3A_304 = arith.constant 0 : i32
    %dma_wait3A_305 = arith.constant 56 : i32
    %dma_wait3A_306 = arith.constant 0 : i32
    %dma_wait3A_307 = tpu.memref_slice %dma_wait3A_303[%dma_wait3A_304, %dma_wait3A_305, %dma_wait3A_306] : memref<2x64x129xf32, #tpu.memory_space<vmem>> -> memref<2x8x128xf32, #tpu.memory_space<vmem>>
    %dma_wait3A_308 = arith.constant 0 : i32
    %dma_wait3A_309 = arith.constant 0 : i32
    %dma_wait3A_310 = arith.constant 0 : i32
    %dma_wait3A_311 = tpu.memref_slice %arg4[%dma_wait3A_297, %dma_wait3A_298, %dma_wait3A_308, %dma_wait3A_309, %dma_wait3A_310] : memref<50x8x128x8x128xf32, #tpu.memory_space<hbm>> -> memref<1x1x128x8x128xf32, #tpu.memory_space<hbm>>
    %dma_wait3A_312 = tpu.memref_squeeze %dma_wait3A_311 : memref<1x1x128x8x128xf32, #tpu.memory_space<hbm>> -> memref<128x8x128xf32, #tpu.memory_space<hbm>>
    %dma_wait3A_313 = arith.constant 0 : i32
    %dma_wait3A_314 = arith.constant 0 : i32
    %dma_wait3A_315 = tpu.memref_slice %dma_wait3A_312[%mul3A_2, %dma_wait3A_313, %dma_wait3A_314] : memref<128x8x128xf32, #tpu.memory_space<hbm>> -> memref<2x8x128xf32, #tpu.memory_space<hbm>>
    %dma_wait3A_316 = arith.constant 0 : i32
    %dma_wait3A_317 = arith.constant 0 : i32
    %dma_wait3A_318 = arith.constant 0 : i32
    %dma_wait3A_319 = tpu.memref_slice %arg4[%dma_wait3A_297, %dma_wait3A_298, %dma_wait3A_316, %dma_wait3A_317, %dma_wait3A_318] : memref<50x8x128x8x128xf32, #tpu.memory_space<hbm>> -> memref<1x1x128x8x128xf32, #tpu.memory_space<hbm>>
    %dma_wait3A_320 = tpu.memref_squeeze %dma_wait3A_319 : memref<1x1x128x8x128xf32, #tpu.memory_space<hbm>> -> memref<128x8x128xf32, #tpu.memory_space<hbm>>
    %dma_wait3A_321 = arith.constant 0 : i32
    %dma_wait3A_322 = arith.constant 0 : i32
    %dma_wait3A_323 = tpu.memref_slice %dma_wait3A_320[%mul3A_2, %dma_wait3A_321, %dma_wait3A_322] : memref<128x8x128xf32, #tpu.memory_space<hbm>> -> memref<2x8x128xf32, #tpu.memory_space<hbm>>
    %dma_wait3A_324 = arith.constant 0 : i32
    %dma_wait3A_325 = arith.constant 0 : i32
    %dma_wait3A_326 = arith.constant 0 : i32
    %dma_wait3A_327 = tpu.memref_slice %arg7[%dma_wait3A_296, %dma_wait3A_324, %dma_wait3A_325, %dma_wait3A_326] : memref<2x2x64x129xf32, #tpu.memory_space<vmem>> -> memref<1x2x64x129xf32, #tpu.memory_space<vmem>>
    %dma_wait3A_328 = tpu.memref_squeeze %dma_wait3A_327 : memref<1x2x64x129xf32, #tpu.memory_space<vmem>> -> memref<2x64x129xf32, #tpu.memory_space<vmem>>
    %dma_wait3A_329 = arith.constant 0 : i32
    %dma_wait3A_330 = arith.constant 56 : i32
    %dma_wait3A_331 = arith.constant 0 : i32
    %dma_wait3A_332 = tpu.memref_slice %dma_wait3A_328[%dma_wait3A_329, %dma_wait3A_330, %dma_wait3A_331] : memref<2x64x129xf32, #tpu.memory_space<vmem>> -> memref<2x8x128xf32, #tpu.memory_space<vmem>>
    tpu.wait_dma2 semaphore(%arg10 : memref<!tpu.dma_semaphore, #tpu.memory_space<semaphore_mem>>) src(%dma_wait3A_332 : memref<2x8x128xf32, #tpu.memory_space<vmem>>) dst(%dma_wait3A_323 : memref<2x8x128xf32, #tpu.memory_space<hbm>>)
    %dma_wait3A_333 = arith.constant 1 : i32
    %dma_wait3A_334 = arith.constant 0 : i32
    %dma_wait3A_335 = arith.constant 0 : i32
    %dma_wait3A_336 = arith.constant 0 : i32
    %dma_wait3A_337 = arith.constant 0 : i32
    %dma_wait3A_338 = arith.constant 0 : i32
    %dma_wait3A_339 = tpu.memref_slice %arg7[%dma_wait3A_333, %dma_wait3A_336, %dma_wait3A_337, %dma_wait3A_338] : memref<2x2x64x129xf32, #tpu.memory_space<vmem>> -> memref<1x2x64x129xf32, #tpu.memory_space<vmem>>
    %dma_wait3A_340 = tpu.memref_squeeze %dma_wait3A_339 : memref<1x2x64x129xf32, #tpu.memory_space<vmem>> -> memref<2x64x129xf32, #tpu.memory_space<vmem>>
    %dma_wait3A_341 = arith.constant 0 : i32
    %dma_wait3A_342 = arith.constant 0 : i32
    %dma_wait3A_343 = arith.constant 0 : i32
    %dma_wait3A_344 = tpu.memref_slice %dma_wait3A_340[%dma_wait3A_341, %dma_wait3A_342, %dma_wait3A_343] : memref<2x64x129xf32, #tpu.memory_space<vmem>> -> memref<2x8x128xf32, #tpu.memory_space<vmem>>
    %dma_wait3A_345 = arith.constant 0 : i32
    %dma_wait3A_346 = arith.constant 0 : i32
    %dma_wait3A_347 = arith.constant 0 : i32
    %dma_wait3A_348 = tpu.memref_slice %arg4[%dma_wait3A_334, %dma_wait3A_335, %dma_wait3A_345, %dma_wait3A_346, %dma_wait3A_347] : memref<50x8x128x8x128xf32, #tpu.memory_space<hbm>> -> memref<1x1x128x8x128xf32, #tpu.memory_space<hbm>>
    %dma_wait3A_349 = tpu.memref_squeeze %dma_wait3A_348 : memref<1x1x128x8x128xf32, #tpu.memory_space<hbm>> -> memref<128x8x128xf32, #tpu.memory_space<hbm>>
    %dma_wait3A_350 = arith.constant 0 : i32
    %dma_wait3A_351 = arith.constant 0 : i32
    %dma_wait3A_352 = tpu.memref_slice %dma_wait3A_349[%mul3A_2, %dma_wait3A_350, %dma_wait3A_351] : memref<128x8x128xf32, #tpu.memory_space<hbm>> -> memref<2x8x128xf32, #tpu.memory_space<hbm>>
    %dma_wait3A_353 = arith.constant 0 : i32
    %dma_wait3A_354 = arith.constant 0 : i32
    %dma_wait3A_355 = arith.constant 0 : i32
    %dma_wait3A_356 = tpu.memref_slice %arg4[%dma_wait3A_334, %dma_wait3A_335, %dma_wait3A_353, %dma_wait3A_354, %dma_wait3A_355] : memref<50x8x128x8x128xf32, #tpu.memory_space<hbm>> -> memref<1x1x128x8x128xf32, #tpu.memory_space<hbm>>
    %dma_wait3A_357 = tpu.memref_squeeze %dma_wait3A_356 : memref<1x1x128x8x128xf32, #tpu.memory_space<hbm>> -> memref<128x8x128xf32, #tpu.memory_space<hbm>>
    %dma_wait3A_358 = arith.constant 0 : i32
    %dma_wait3A_359 = arith.constant 0 : i32
    %dma_wait3A_360 = tpu.memref_slice %dma_wait3A_357[%mul3A_2, %dma_wait3A_358, %dma_wait3A_359] : memref<128x8x128xf32, #tpu.memory_space<hbm>> -> memref<2x8x128xf32, #tpu.memory_space<hbm>>
    %dma_wait3A_361 = arith.constant 0 : i32
    %dma_wait3A_362 = arith.constant 0 : i32
    %dma_wait3A_363 = arith.constant 0 : i32
    %dma_wait3A_364 = tpu.memref_slice %arg7[%dma_wait3A_333, %dma_wait3A_361, %dma_wait3A_362, %dma_wait3A_363] : memref<2x2x64x129xf32, #tpu.memory_space<vmem>> -> memref<1x2x64x129xf32, #tpu.memory_space<vmem>>
    %dma_wait3A_365 = tpu.memref_squeeze %dma_wait3A_364 : memref<1x2x64x129xf32, #tpu.memory_space<vmem>> -> memref<2x64x129xf32, #tpu.memory_space<vmem>>
    %dma_wait3A_366 = arith.constant 0 : i32
    %dma_wait3A_367 = arith.constant 0 : i32
    %dma_wait3A_368 = arith.constant 0 : i32
    %dma_wait3A_369 = tpu.memref_slice %dma_wait3A_365[%dma_wait3A_366, %dma_wait3A_367, %dma_wait3A_368] : memref<2x64x129xf32, #tpu.memory_space<vmem>> -> memref<2x8x128xf32, #tpu.memory_space<vmem>>
    tpu.wait_dma2 semaphore(%arg11 : memref<!tpu.dma_semaphore, #tpu.memory_space<semaphore_mem>>) src(%dma_wait3A_369 : memref<2x8x128xf32, #tpu.memory_space<vmem>>) dst(%dma_wait3A_360 : memref<2x8x128xf32, #tpu.memory_space<hbm>>)
    %dma_wait3A_370 = arith.constant 1 : i32
    %dma_wait3A_371 = arith.constant 0 : i32
    %dma_wait3A_372 = arith.constant 1 : i32
    %dma_wait3A_373 = arith.constant 0 : i32
    %dma_wait3A_374 = arith.constant 0 : i32
    %dma_wait3A_375 = arith.constant 0 : i32
    %dma_wait3A_376 = tpu.memref_slice %arg7[%dma_wait3A_370, %dma_wait3A_373, %dma_wait3A_374, %dma_wait3A_375] : memref<2x2x64x129xf32, #tpu.memory_space<vmem>> -> memref<1x2x64x129xf32, #tpu.memory_space<vmem>>
    %dma_wait3A_377 = tpu.memref_squeeze %dma_wait3A_376 : memref<1x2x64x129xf32, #tpu.memory_space<vmem>> -> memref<2x64x129xf32, #tpu.memory_space<vmem>>
    %dma_wait3A_378 = arith.constant 0 : i32
    %dma_wait3A_379 = arith.constant 8 : i32
    %dma_wait3A_380 = arith.constant 0 : i32
    %dma_wait3A_381 = tpu.memref_slice %dma_wait3A_377[%dma_wait3A_378, %dma_wait3A_379, %dma_wait3A_380] : memref<2x64x129xf32, #tpu.memory_space<vmem>> -> memref<2x8x128xf32, #tpu.memory_space<vmem>>
    %dma_wait3A_382 = arith.constant 0 : i32
    %dma_wait3A_383 = arith.constant 0 : i32
    %dma_wait3A_384 = arith.constant 0 : i32
    %dma_wait3A_385 = tpu.memref_slice %arg4[%dma_wait3A_371, %dma_wait3A_372, %dma_wait3A_382, %dma_wait3A_383, %dma_wait3A_384] : memref<50x8x128x8x128xf32, #tpu.memory_space<hbm>> -> memref<1x1x128x8x128xf32, #tpu.memory_space<hbm>>
    %dma_wait3A_386 = tpu.memref_squeeze %dma_wait3A_385 : memref<1x1x128x8x128xf32, #tpu.memory_space<hbm>> -> memref<128x8x128xf32, #tpu.memory_space<hbm>>
    %dma_wait3A_387 = arith.constant 0 : i32
    %dma_wait3A_388 = arith.constant 0 : i32
    %dma_wait3A_389 = tpu.memref_slice %dma_wait3A_386[%mul3A_2, %dma_wait3A_387, %dma_wait3A_388] : memref<128x8x128xf32, #tpu.memory_space<hbm>> -> memref<2x8x128xf32, #tpu.memory_space<hbm>>
    %dma_wait3A_390 = arith.constant 0 : i32
    %dma_wait3A_391 = arith.constant 0 : i32
    %dma_wait3A_392 = arith.constant 0 : i32
    %dma_wait3A_393 = tpu.memref_slice %arg4[%dma_wait3A_371, %dma_wait3A_372, %dma_wait3A_390, %dma_wait3A_391, %dma_wait3A_392] : memref<50x8x128x8x128xf32, #tpu.memory_space<hbm>> -> memref<1x1x128x8x128xf32, #tpu.memory_space<hbm>>
    %dma_wait3A_394 = tpu.memref_squeeze %dma_wait3A_393 : memref<1x1x128x8x128xf32, #tpu.memory_space<hbm>> -> memref<128x8x128xf32, #tpu.memory_space<hbm>>
    %dma_wait3A_395 = arith.constant 0 : i32
    %dma_wait3A_396 = arith.constant 0 : i32
    %dma_wait3A_397 = tpu.memref_slice %dma_wait3A_394[%mul3A_2, %dma_wait3A_395, %dma_wait3A_396] : memref<128x8x128xf32, #tpu.memory_space<hbm>> -> memref<2x8x128xf32, #tpu.memory_space<hbm>>
    %dma_wait3A_398 = arith.constant 0 : i32
    %dma_wait3A_399 = arith.constant 0 : i32
    %dma_wait3A_400 = arith.constant 0 : i32
    %dma_wait3A_401 = tpu.memref_slice %arg7[%dma_wait3A_370, %dma_wait3A_398, %dma_wait3A_399, %dma_wait3A_400] : memref<2x2x64x129xf32, #tpu.memory_space<vmem>> -> memref<1x2x64x129xf32, #tpu.memory_space<vmem>>
    %dma_wait3A_402 = tpu.memref_squeeze %dma_wait3A_401 : memref<1x2x64x129xf32, #tpu.memory_space<vmem>> -> memref<2x64x129xf32, #tpu.memory_space<vmem>>
    %dma_wait3A_403 = arith.constant 0 : i32
    %dma_wait3A_404 = arith.constant 8 : i32
    %dma_wait3A_405 = arith.constant 0 : i32
    %dma_wait3A_406 = tpu.memref_slice %dma_wait3A_402[%dma_wait3A_403, %dma_wait3A_404, %dma_wait3A_405] : memref<2x64x129xf32, #tpu.memory_space<vmem>> -> memref<2x8x128xf32, #tpu.memory_space<vmem>>
    tpu.wait_dma2 semaphore(%arg11 : memref<!tpu.dma_semaphore, #tpu.memory_space<semaphore_mem>>) src(%dma_wait3A_406 : memref<2x8x128xf32, #tpu.memory_space<vmem>>) dst(%dma_wait3A_397 : memref<2x8x128xf32, #tpu.memory_space<hbm>>)
    %dma_wait3A_407 = arith.constant 1 : i32
    %dma_wait3A_408 = arith.constant 0 : i32
    %dma_wait3A_409 = arith.constant 2 : i32
    %dma_wait3A_410 = arith.constant 0 : i32
    %dma_wait3A_411 = arith.constant 0 : i32
    %dma_wait3A_412 = arith.constant 0 : i32
    %dma_wait3A_413 = tpu.memref_slice %arg7[%dma_wait3A_407, %dma_wait3A_410, %dma_wait3A_411, %dma_wait3A_412] : memref<2x2x64x129xf32, #tpu.memory_space<vmem>> -> memref<1x2x64x129xf32, #tpu.memory_space<vmem>>
    %dma_wait3A_414 = tpu.memref_squeeze %dma_wait3A_413 : memref<1x2x64x129xf32, #tpu.memory_space<vmem>> -> memref<2x64x129xf32, #tpu.memory_space<vmem>>
    %dma_wait3A_415 = arith.constant 0 : i32
    %dma_wait3A_416 = arith.constant 16 : i32
    %dma_wait3A_417 = arith.constant 0 : i32
    %dma_wait3A_418 = tpu.memref_slice %dma_wait3A_414[%dma_wait3A_415, %dma_wait3A_416, %dma_wait3A_417] : memref<2x64x129xf32, #tpu.memory_space<vmem>> -> memref<2x8x128xf32, #tpu.memory_space<vmem>>
    %dma_wait3A_419 = arith.constant 0 : i32
    %dma_wait3A_420 = arith.constant 0 : i32
    %dma_wait3A_421 = arith.constant 0 : i32
    %dma_wait3A_422 = tpu.memref_slice %arg4[%dma_wait3A_408, %dma_wait3A_409, %dma_wait3A_419, %dma_wait3A_420, %dma_wait3A_421] : memref<50x8x128x8x128xf32, #tpu.memory_space<hbm>> -> memref<1x1x128x8x128xf32, #tpu.memory_space<hbm>>
    %dma_wait3A_423 = tpu.memref_squeeze %dma_wait3A_422 : memref<1x1x128x8x128xf32, #tpu.memory_space<hbm>> -> memref<128x8x128xf32, #tpu.memory_space<hbm>>
    %dma_wait3A_424 = arith.constant 0 : i32
    %dma_wait3A_425 = arith.constant 0 : i32
    %dma_wait3A_426 = tpu.memref_slice %dma_wait3A_423[%mul3A_2, %dma_wait3A_424, %dma_wait3A_425] : memref<128x8x128xf32, #tpu.memory_space<hbm>> -> memref<2x8x128xf32, #tpu.memory_space<hbm>>
    %dma_wait3A_427 = arith.constant 0 : i32
    %dma_wait3A_428 = arith.constant 0 : i32
    %dma_wait3A_429 = arith.constant 0 : i32
    %dma_wait3A_430 = tpu.memref_slice %arg4[%dma_wait3A_408, %dma_wait3A_409, %dma_wait3A_427, %dma_wait3A_428, %dma_wait3A_429] : memref<50x8x128x8x128xf32, #tpu.memory_space<hbm>> -> memref<1x1x128x8x128xf32, #tpu.memory_space<hbm>>
    %dma_wait3A_431 = tpu.memref_squeeze %dma_wait3A_430 : memref<1x1x128x8x128xf32, #tpu.memory_space<hbm>> -> memref<128x8x128xf32, #tpu.memory_space<hbm>>
    %dma_wait3A_432 = arith.constant 0 : i32
    %dma_wait3A_433 = arith.constant 0 : i32
    %dma_wait3A_434 = tpu.memref_slice %dma_wait3A_431[%mul3A_2, %dma_wait3A_432, %dma_wait3A_433] : memref<128x8x128xf32, #tpu.memory_space<hbm>> -> memref<2x8x128xf32, #tpu.memory_space<hbm>>
    %dma_wait3A_435 = arith.constant 0 : i32
    %dma_wait3A_436 = arith.constant 0 : i32
    %dma_wait3A_437 = arith.constant 0 : i32
    %dma_wait3A_438 = tpu.memref_slice %arg7[%dma_wait3A_407, %dma_wait3A_435, %dma_wait3A_436, %dma_wait3A_437] : memref<2x2x64x129xf32, #tpu.memory_space<vmem>> -> memref<1x2x64x129xf32, #tpu.memory_space<vmem>>
    %dma_wait3A_439 = tpu.memref_squeeze %dma_wait3A_438 : memref<1x2x64x129xf32, #tpu.memory_space<vmem>> -> memref<2x64x129xf32, #tpu.memory_space<vmem>>
    %dma_wait3A_440 = arith.constant 0 : i32
    %dma_wait3A_441 = arith.constant 16 : i32
    %dma_wait3A_442 = arith.constant 0 : i32
    %dma_wait3A_443 = tpu.memref_slice %dma_wait3A_439[%dma_wait3A_440, %dma_wait3A_441, %dma_wait3A_442] : memref<2x64x129xf32, #tpu.memory_space<vmem>> -> memref<2x8x128xf32, #tpu.memory_space<vmem>>
    tpu.wait_dma2 semaphore(%arg11 : memref<!tpu.dma_semaphore, #tpu.memory_space<semaphore_mem>>) src(%dma_wait3A_443 : memref<2x8x128xf32, #tpu.memory_space<vmem>>) dst(%dma_wait3A_434 : memref<2x8x128xf32, #tpu.memory_space<hbm>>)
    %dma_wait3A_444 = arith.constant 1 : i32
    %dma_wait3A_445 = arith.constant 0 : i32
    %dma_wait3A_446 = arith.constant 3 : i32
    %dma_wait3A_447 = arith.constant 0 : i32
    %dma_wait3A_448 = arith.constant 0 : i32
    %dma_wait3A_449 = arith.constant 0 : i32
    %dma_wait3A_450 = tpu.memref_slice %arg7[%dma_wait3A_444, %dma_wait3A_447, %dma_wait3A_448, %dma_wait3A_449] : memref<2x2x64x129xf32, #tpu.memory_space<vmem>> -> memref<1x2x64x129xf32, #tpu.memory_space<vmem>>
    %dma_wait3A_451 = tpu.memref_squeeze %dma_wait3A_450 : memref<1x2x64x129xf32, #tpu.memory_space<vmem>> -> memref<2x64x129xf32, #tpu.memory_space<vmem>>
    %dma_wait3A_452 = arith.constant 0 : i32
    %dma_wait3A_453 = arith.constant 24 : i32
    %dma_wait3A_454 = arith.constant 0 : i32
    %dma_wait3A_455 = tpu.memref_slice %dma_wait3A_451[%dma_wait3A_452, %dma_wait3A_453, %dma_wait3A_454] : memref<2x64x129xf32, #tpu.memory_space<vmem>> -> memref<2x8x128xf32, #tpu.memory_space<vmem>>
    %dma_wait3A_456 = arith.constant 0 : i32
    %dma_wait3A_457 = arith.constant 0 : i32
    %dma_wait3A_458 = arith.constant 0 : i32
    %dma_wait3A_459 = tpu.memref_slice %arg4[%dma_wait3A_445, %dma_wait3A_446, %dma_wait3A_456, %dma_wait3A_457, %dma_wait3A_458] : memref<50x8x128x8x128xf32, #tpu.memory_space<hbm>> -> memref<1x1x128x8x128xf32, #tpu.memory_space<hbm>>
    %dma_wait3A_460 = tpu.memref_squeeze %dma_wait3A_459 : memref<1x1x128x8x128xf32, #tpu.memory_space<hbm>> -> memref<128x8x128xf32, #tpu.memory_space<hbm>>
    %dma_wait3A_461 = arith.constant 0 : i32
    %dma_wait3A_462 = arith.constant 0 : i32
    %dma_wait3A_463 = tpu.memref_slice %dma_wait3A_460[%mul3A_2, %dma_wait3A_461, %dma_wait3A_462] : memref<128x8x128xf32, #tpu.memory_space<hbm>> -> memref<2x8x128xf32, #tpu.memory_space<hbm>>
    %dma_wait3A_464 = arith.constant 0 : i32
    %dma_wait3A_465 = arith.constant 0 : i32
    %dma_wait3A_466 = arith.constant 0 : i32
    %dma_wait3A_467 = tpu.memref_slice %arg4[%dma_wait3A_445, %dma_wait3A_446, %dma_wait3A_464, %dma_wait3A_465, %dma_wait3A_466] : memref<50x8x128x8x128xf32, #tpu.memory_space<hbm>> -> memref<1x1x128x8x128xf32, #tpu.memory_space<hbm>>
    %dma_wait3A_468 = tpu.memref_squeeze %dma_wait3A_467 : memref<1x1x128x8x128xf32, #tpu.memory_space<hbm>> -> memref<128x8x128xf32, #tpu.memory_space<hbm>>
    %dma_wait3A_469 = arith.constant 0 : i32
    %dma_wait3A_470 = arith.constant 0 : i32
    %dma_wait3A_471 = tpu.memref_slice %dma_wait3A_468[%mul3A_2, %dma_wait3A_469, %dma_wait3A_470] : memref<128x8x128xf32, #tpu.memory_space<hbm>> -> memref<2x8x128xf32, #tpu.memory_space<hbm>>
    %dma_wait3A_472 = arith.constant 0 : i32
    %dma_wait3A_473 = arith.constant 0 : i32
    %dma_wait3A_474 = arith.constant 0 : i32
    %dma_wait3A_475 = tpu.memref_slice %arg7[%dma_wait3A_444, %dma_wait3A_472, %dma_wait3A_473, %dma_wait3A_474] : memref<2x2x64x129xf32, #tpu.memory_space<vmem>> -> memref<1x2x64x129xf32, #tpu.memory_space<vmem>>
    %dma_wait3A_476 = tpu.memref_squeeze %dma_wait3A_475 : memref<1x2x64x129xf32, #tpu.memory_space<vmem>> -> memref<2x64x129xf32, #tpu.memory_space<vmem>>
    %dma_wait3A_477 = arith.constant 0 : i32
    %dma_wait3A_478 = arith.constant 24 : i32
    %dma_wait3A_479 = arith.constant 0 : i32
    %dma_wait3A_480 = tpu.memref_slice %dma_wait3A_476[%dma_wait3A_477, %dma_wait3A_478, %dma_wait3A_479] : memref<2x64x129xf32, #tpu.memory_space<vmem>> -> memref<2x8x128xf32, #tpu.memory_space<vmem>>
    tpu.wait_dma2 semaphore(%arg11 : memref<!tpu.dma_semaphore, #tpu.memory_space<semaphore_mem>>) src(%dma_wait3A_480 : memref<2x8x128xf32, #tpu.memory_space<vmem>>) dst(%dma_wait3A_471 : memref<2x8x128xf32, #tpu.memory_space<hbm>>)
    %dma_wait3A_481 = arith.constant 1 : i32
    %dma_wait3A_482 = arith.constant 0 : i32
    %dma_wait3A_483 = arith.constant 4 : i32
    %dma_wait3A_484 = arith.constant 0 : i32
    %dma_wait3A_485 = arith.constant 0 : i32
    %dma_wait3A_486 = arith.constant 0 : i32
    %dma_wait3A_487 = tpu.memref_slice %arg7[%dma_wait3A_481, %dma_wait3A_484, %dma_wait3A_485, %dma_wait3A_486] : memref<2x2x64x129xf32, #tpu.memory_space<vmem>> -> memref<1x2x64x129xf32, #tpu.memory_space<vmem>>
    %dma_wait3A_488 = tpu.memref_squeeze %dma_wait3A_487 : memref<1x2x64x129xf32, #tpu.memory_space<vmem>> -> memref<2x64x129xf32, #tpu.memory_space<vmem>>
    %dma_wait3A_489 = arith.constant 0 : i32
    %dma_wait3A_490 = arith.constant 32 : i32
    %dma_wait3A_491 = arith.constant 0 : i32
    %dma_wait3A_492 = tpu.memref_slice %dma_wait3A_488[%dma_wait3A_489, %dma_wait3A_490, %dma_wait3A_491] : memref<2x64x129xf32, #tpu.memory_space<vmem>> -> memref<2x8x128xf32, #tpu.memory_space<vmem>>
    %dma_wait3A_493 = arith.constant 0 : i32
    %dma_wait3A_494 = arith.constant 0 : i32
    %dma_wait3A_495 = arith.constant 0 : i32
    %dma_wait3A_496 = tpu.memref_slice %arg4[%dma_wait3A_482, %dma_wait3A_483, %dma_wait3A_493, %dma_wait3A_494, %dma_wait3A_495] : memref<50x8x128x8x128xf32, #tpu.memory_space<hbm>> -> memref<1x1x128x8x128xf32, #tpu.memory_space<hbm>>
    %dma_wait3A_497 = tpu.memref_squeeze %dma_wait3A_496 : memref<1x1x128x8x128xf32, #tpu.memory_space<hbm>> -> memref<128x8x128xf32, #tpu.memory_space<hbm>>
    %dma_wait3A_498 = arith.constant 0 : i32
    %dma_wait3A_499 = arith.constant 0 : i32
    %dma_wait3A_500 = tpu.memref_slice %dma_wait3A_497[%mul3A_2, %dma_wait3A_498, %dma_wait3A_499] : memref<128x8x128xf32, #tpu.memory_space<hbm>> -> memref<2x8x128xf32, #tpu.memory_space<hbm>>
    %dma_wait3A_501 = arith.constant 0 : i32
    %dma_wait3A_502 = arith.constant 0 : i32
    %dma_wait3A_503 = arith.constant 0 : i32
    %dma_wait3A_504 = tpu.memref_slice %arg4[%dma_wait3A_482, %dma_wait3A_483, %dma_wait3A_501, %dma_wait3A_502, %dma_wait3A_503] : memref<50x8x128x8x128xf32, #tpu.memory_space<hbm>> -> memref<1x1x128x8x128xf32, #tpu.memory_space<hbm>>
    %dma_wait3A_505 = tpu.memref_squeeze %dma_wait3A_504 : memref<1x1x128x8x128xf32, #tpu.memory_space<hbm>> -> memref<128x8x128xf32, #tpu.memory_space<hbm>>
    %dma_wait3A_506 = arith.constant 0 : i32
    %dma_wait3A_507 = arith.constant 0 : i32
    %dma_wait3A_508 = tpu.memref_slice %dma_wait3A_505[%mul3A_2, %dma_wait3A_506, %dma_wait3A_507] : memref<128x8x128xf32, #tpu.memory_space<hbm>> -> memref<2x8x128xf32, #tpu.memory_space<hbm>>
    %dma_wait3A_509 = arith.constant 0 : i32
    %dma_wait3A_510 = arith.constant 0 : i32
    %dma_wait3A_511 = arith.constant 0 : i32
    %dma_wait3A_512 = tpu.memref_slice %arg7[%dma_wait3A_481, %dma_wait3A_509, %dma_wait3A_510, %dma_wait3A_511] : memref<2x2x64x129xf32, #tpu.memory_space<vmem>> -> memref<1x2x64x129xf32, #tpu.memory_space<vmem>>
    %dma_wait3A_513 = tpu.memref_squeeze %dma_wait3A_512 : memref<1x2x64x129xf32, #tpu.memory_space<vmem>> -> memref<2x64x129xf32, #tpu.memory_space<vmem>>
    %dma_wait3A_514 = arith.constant 0 : i32
    %dma_wait3A_515 = arith.constant 32 : i32
    %dma_wait3A_516 = arith.constant 0 : i32
    %dma_wait3A_517 = tpu.memref_slice %dma_wait3A_513[%dma_wait3A_514, %dma_wait3A_515, %dma_wait3A_516] : memref<2x64x129xf32, #tpu.memory_space<vmem>> -> memref<2x8x128xf32, #tpu.memory_space<vmem>>
    tpu.wait_dma2 semaphore(%arg11 : memref<!tpu.dma_semaphore, #tpu.memory_space<semaphore_mem>>) src(%dma_wait3A_517 : memref<2x8x128xf32, #tpu.memory_space<vmem>>) dst(%dma_wait3A_508 : memref<2x8x128xf32, #tpu.memory_space<hbm>>)
    %dma_wait3A_518 = arith.constant 1 : i32
    %dma_wait3A_519 = arith.constant 0 : i32
    %dma_wait3A_520 = arith.constant 5 : i32
    %dma_wait3A_521 = arith.constant 0 : i32
    %dma_wait3A_522 = arith.constant 0 : i32
    %dma_wait3A_523 = arith.constant 0 : i32
    %dma_wait3A_524 = tpu.memref_slice %arg7[%dma_wait3A_518, %dma_wait3A_521, %dma_wait3A_522, %dma_wait3A_523] : memref<2x2x64x129xf32, #tpu.memory_space<vmem>> -> memref<1x2x64x129xf32, #tpu.memory_space<vmem>>
    %dma_wait3A_525 = tpu.memref_squeeze %dma_wait3A_524 : memref<1x2x64x129xf32, #tpu.memory_space<vmem>> -> memref<2x64x129xf32, #tpu.memory_space<vmem>>
    %dma_wait3A_526 = arith.constant 0 : i32
    %dma_wait3A_527 = arith.constant 40 : i32
    %dma_wait3A_528 = arith.constant 0 : i32
    %dma_wait3A_529 = tpu.memref_slice %dma_wait3A_525[%dma_wait3A_526, %dma_wait3A_527, %dma_wait3A_528] : memref<2x64x129xf32, #tpu.memory_space<vmem>> -> memref<2x8x128xf32, #tpu.memory_space<vmem>>
    %dma_wait3A_530 = arith.constant 0 : i32
    %dma_wait3A_531 = arith.constant 0 : i32
    %dma_wait3A_532 = arith.constant 0 : i32
    %dma_wait3A_533 = tpu.memref_slice %arg4[%dma_wait3A_519, %dma_wait3A_520, %dma_wait3A_530, %dma_wait3A_531, %dma_wait3A_532] : memref<50x8x128x8x128xf32, #tpu.memory_space<hbm>> -> memref<1x1x128x8x128xf32, #tpu.memory_space<hbm>>
    %dma_wait3A_534 = tpu.memref_squeeze %dma_wait3A_533 : memref<1x1x128x8x128xf32, #tpu.memory_space<hbm>> -> memref<128x8x128xf32, #tpu.memory_space<hbm>>
    %dma_wait3A_535 = arith.constant 0 : i32
    %dma_wait3A_536 = arith.constant 0 : i32
    %dma_wait3A_537 = tpu.memref_slice %dma_wait3A_534[%mul3A_2, %dma_wait3A_535, %dma_wait3A_536] : memref<128x8x128xf32, #tpu.memory_space<hbm>> -> memref<2x8x128xf32, #tpu.memory_space<hbm>>
    %dma_wait3A_538 = arith.constant 0 : i32
    %dma_wait3A_539 = arith.constant 0 : i32
    %dma_wait3A_540 = arith.constant 0 : i32
    %dma_wait3A_541 = tpu.memref_slice %arg4[%dma_wait3A_519, %dma_wait3A_520, %dma_wait3A_538, %dma_wait3A_539, %dma_wait3A_540] : memref<50x8x128x8x128xf32, #tpu.memory_space<hbm>> -> memref<1x1x128x8x128xf32, #tpu.memory_space<hbm>>
    %dma_wait3A_542 = tpu.memref_squeeze %dma_wait3A_541 : memref<1x1x128x8x128xf32, #tpu.memory_space<hbm>> -> memref<128x8x128xf32, #tpu.memory_space<hbm>>
    %dma_wait3A_543 = arith.constant 0 : i32
    %dma_wait3A_544 = arith.constant 0 : i32
    %dma_wait3A_545 = tpu.memref_slice %dma_wait3A_542[%mul3A_2, %dma_wait3A_543, %dma_wait3A_544] : memref<128x8x128xf32, #tpu.memory_space<hbm>> -> memref<2x8x128xf32, #tpu.memory_space<hbm>>
    %dma_wait3A_546 = arith.constant 0 : i32
    %dma_wait3A_547 = arith.constant 0 : i32
    %dma_wait3A_548 = arith.constant 0 : i32
    %dma_wait3A_549 = tpu.memref_slice %arg7[%dma_wait3A_518, %dma_wait3A_546, %dma_wait3A_547, %dma_wait3A_548] : memref<2x2x64x129xf32, #tpu.memory_space<vmem>> -> memref<1x2x64x129xf32, #tpu.memory_space<vmem>>
    %dma_wait3A_550 = tpu.memref_squeeze %dma_wait3A_549 : memref<1x2x64x129xf32, #tpu.memory_space<vmem>> -> memref<2x64x129xf32, #tpu.memory_space<vmem>>
    %dma_wait3A_551 = arith.constant 0 : i32
    %dma_wait3A_552 = arith.constant 40 : i32
    %dma_wait3A_553 = arith.constant 0 : i32
    %dma_wait3A_554 = tpu.memref_slice %dma_wait3A_550[%dma_wait3A_551, %dma_wait3A_552, %dma_wait3A_553] : memref<2x64x129xf32, #tpu.memory_space<vmem>> -> memref<2x8x128xf32, #tpu.memory_space<vmem>>
    tpu.wait_dma2 semaphore(%arg11 : memref<!tpu.dma_semaphore, #tpu.memory_space<semaphore_mem>>) src(%dma_wait3A_554 : memref<2x8x128xf32, #tpu.memory_space<vmem>>) dst(%dma_wait3A_545 : memref<2x8x128xf32, #tpu.memory_space<hbm>>)
    %dma_wait3A_555 = arith.constant 1 : i32
    %dma_wait3A_556 = arith.constant 0 : i32
    %dma_wait3A_557 = arith.constant 6 : i32
    %dma_wait3A_558 = arith.constant 0 : i32
    %dma_wait3A_559 = arith.constant 0 : i32
    %dma_wait3A_560 = arith.constant 0 : i32
    %dma_wait3A_561 = tpu.memref_slice %arg7[%dma_wait3A_555, %dma_wait3A_558, %dma_wait3A_559, %dma_wait3A_560] : memref<2x2x64x129xf32, #tpu.memory_space<vmem>> -> memref<1x2x64x129xf32, #tpu.memory_space<vmem>>
    %dma_wait3A_562 = tpu.memref_squeeze %dma_wait3A_561 : memref<1x2x64x129xf32, #tpu.memory_space<vmem>> -> memref<2x64x129xf32, #tpu.memory_space<vmem>>
    %dma_wait3A_563 = arith.constant 0 : i32
    %dma_wait3A_564 = arith.constant 48 : i32
    %dma_wait3A_565 = arith.constant 0 : i32
    %dma_wait3A_566 = tpu.memref_slice %dma_wait3A_562[%dma_wait3A_563, %dma_wait3A_564, %dma_wait3A_565] : memref<2x64x129xf32, #tpu.memory_space<vmem>> -> memref<2x8x128xf32, #tpu.memory_space<vmem>>
    %dma_wait3A_567 = arith.constant 0 : i32
    %dma_wait3A_568 = arith.constant 0 : i32
    %dma_wait3A_569 = arith.constant 0 : i32
    %dma_wait3A_570 = tpu.memref_slice %arg4[%dma_wait3A_556, %dma_wait3A_557, %dma_wait3A_567, %dma_wait3A_568, %dma_wait3A_569] : memref<50x8x128x8x128xf32, #tpu.memory_space<hbm>> -> memref<1x1x128x8x128xf32, #tpu.memory_space<hbm>>
    %dma_wait3A_571 = tpu.memref_squeeze %dma_wait3A_570 : memref<1x1x128x8x128xf32, #tpu.memory_space<hbm>> -> memref<128x8x128xf32, #tpu.memory_space<hbm>>
    %dma_wait3A_572 = arith.constant 0 : i32
    %dma_wait3A_573 = arith.constant 0 : i32
    %dma_wait3A_574 = tpu.memref_slice %dma_wait3A_571[%mul3A_2, %dma_wait3A_572, %dma_wait3A_573] : memref<128x8x128xf32, #tpu.memory_space<hbm>> -> memref<2x8x128xf32, #tpu.memory_space<hbm>>
    %dma_wait3A_575 = arith.constant 0 : i32
    %dma_wait3A_576 = arith.constant 0 : i32
    %dma_wait3A_577 = arith.constant 0 : i32
    %dma_wait3A_578 = tpu.memref_slice %arg4[%dma_wait3A_556, %dma_wait3A_557, %dma_wait3A_575, %dma_wait3A_576, %dma_wait3A_577] : memref<50x8x128x8x128xf32, #tpu.memory_space<hbm>> -> memref<1x1x128x8x128xf32, #tpu.memory_space<hbm>>
    %dma_wait3A_579 = tpu.memref_squeeze %dma_wait3A_578 : memref<1x1x128x8x128xf32, #tpu.memory_space<hbm>> -> memref<128x8x128xf32, #tpu.memory_space<hbm>>
    %dma_wait3A_580 = arith.constant 0 : i32
    %dma_wait3A_581 = arith.constant 0 : i32
    %dma_wait3A_582 = tpu.memref_slice %dma_wait3A_579[%mul3A_2, %dma_wait3A_580, %dma_wait3A_581] : memref<128x8x128xf32, #tpu.memory_space<hbm>> -> memref<2x8x128xf32, #tpu.memory_space<hbm>>
    %dma_wait3A_583 = arith.constant 0 : i32
    %dma_wait3A_584 = arith.constant 0 : i32
    %dma_wait3A_585 = arith.constant 0 : i32
    %dma_wait3A_586 = tpu.memref_slice %arg7[%dma_wait3A_555, %dma_wait3A_583, %dma_wait3A_584, %dma_wait3A_585] : memref<2x2x64x129xf32, #tpu.memory_space<vmem>> -> memref<1x2x64x129xf32, #tpu.memory_space<vmem>>
    %dma_wait3A_587 = tpu.memref_squeeze %dma_wait3A_586 : memref<1x2x64x129xf32, #tpu.memory_space<vmem>> -> memref<2x64x129xf32, #tpu.memory_space<vmem>>
    %dma_wait3A_588 = arith.constant 0 : i32
    %dma_wait3A_589 = arith.constant 48 : i32
    %dma_wait3A_590 = arith.constant 0 : i32
    %dma_wait3A_591 = tpu.memref_slice %dma_wait3A_587[%dma_wait3A_588, %dma_wait3A_589, %dma_wait3A_590] : memref<2x64x129xf32, #tpu.memory_space<vmem>> -> memref<2x8x128xf32, #tpu.memory_space<vmem>>
    tpu.wait_dma2 semaphore(%arg11 : memref<!tpu.dma_semaphore, #tpu.memory_space<semaphore_mem>>) src(%dma_wait3A_591 : memref<2x8x128xf32, #tpu.memory_space<vmem>>) dst(%dma_wait3A_582 : memref<2x8x128xf32, #tpu.memory_space<hbm>>)
    %dma_wait3A_592 = arith.constant 1 : i32
    %dma_wait3A_593 = arith.constant 0 : i32
    %dma_wait3A_594 = arith.constant 7 : i32
    %dma_wait3A_595 = arith.constant 0 : i32
    %dma_wait3A_596 = arith.constant 0 : i32
    %dma_wait3A_597 = arith.constant 0 : i32
    %dma_wait3A_598 = tpu.memref_slice %arg7[%dma_wait3A_592, %dma_wait3A_595, %dma_wait3A_596, %dma_wait3A_597] : memref<2x2x64x129xf32, #tpu.memory_space<vmem>> -> memref<1x2x64x129xf32, #tpu.memory_space<vmem>>
    %dma_wait3A_599 = tpu.memref_squeeze %dma_wait3A_598 : memref<1x2x64x129xf32, #tpu.memory_space<vmem>> -> memref<2x64x129xf32, #tpu.memory_space<vmem>>
    %dma_wait3A_600 = arith.constant 0 : i32
    %dma_wait3A_601 = arith.constant 56 : i32
    %dma_wait3A_602 = arith.constant 0 : i32
    %dma_wait3A_603 = tpu.memref_slice %dma_wait3A_599[%dma_wait3A_600, %dma_wait3A_601, %dma_wait3A_602] : memref<2x64x129xf32, #tpu.memory_space<vmem>> -> memref<2x8x128xf32, #tpu.memory_space<vmem>>
    %dma_wait3A_604 = arith.constant 0 : i32
    %dma_wait3A_605 = arith.constant 0 : i32
    %dma_wait3A_606 = arith.constant 0 : i32
    %dma_wait3A_607 = tpu.memref_slice %arg4[%dma_wait3A_593, %dma_wait3A_594, %dma_wait3A_604, %dma_wait3A_605, %dma_wait3A_606] : memref<50x8x128x8x128xf32, #tpu.memory_space<hbm>> -> memref<1x1x128x8x128xf32, #tpu.memory_space<hbm>>
    %dma_wait3A_608 = tpu.memref_squeeze %dma_wait3A_607 : memref<1x1x128x8x128xf32, #tpu.memory_space<hbm>> -> memref<128x8x128xf32, #tpu.memory_space<hbm>>
    %dma_wait3A_609 = arith.constant 0 : i32
    %dma_wait3A_610 = arith.constant 0 : i32
    %dma_wait3A_611 = tpu.memref_slice %dma_wait3A_608[%mul3A_2, %dma_wait3A_609, %dma_wait3A_610] : memref<128x8x128xf32, #tpu.memory_space<hbm>> -> memref<2x8x128xf32, #tpu.memory_space<hbm>>
    %dma_wait3A_612 = arith.constant 0 : i32
    %dma_wait3A_613 = arith.constant 0 : i32
    %dma_wait3A_614 = arith.constant 0 : i32
    %dma_wait3A_615 = tpu.memref_slice %arg4[%dma_wait3A_593, %dma_wait3A_594, %dma_wait3A_612, %dma_wait3A_613, %dma_wait3A_614] : memref<50x8x128x8x128xf32, #tpu.memory_space<hbm>> -> memref<1x1x128x8x128xf32, #tpu.memory_space<hbm>>
    %dma_wait3A_616 = tpu.memref_squeeze %dma_wait3A_615 : memref<1x1x128x8x128xf32, #tpu.memory_space<hbm>> -> memref<128x8x128xf32, #tpu.memory_space<hbm>>
    %dma_wait3A_617 = arith.constant 0 : i32
    %dma_wait3A_618 = arith.constant 0 : i32
    %dma_wait3A_619 = tpu.memref_slice %dma_wait3A_616[%mul3A_2, %dma_wait3A_617, %dma_wait3A_618] : memref<128x8x128xf32, #tpu.memory_space<hbm>> -> memref<2x8x128xf32, #tpu.memory_space<hbm>>
    %dma_wait3A_620 = arith.constant 0 : i32
    %dma_wait3A_621 = arith.constant 0 : i32
    %dma_wait3A_622 = arith.constant 0 : i32
    %dma_wait3A_623 = tpu.memref_slice %arg7[%dma_wait3A_592, %dma_wait3A_620, %dma_wait3A_621, %dma_wait3A_622] : memref<2x2x64x129xf32, #tpu.memory_space<vmem>> -> memref<1x2x64x129xf32, #tpu.memory_space<vmem>>
    %dma_wait3A_624 = tpu.memref_squeeze %dma_wait3A_623 : memref<1x2x64x129xf32, #tpu.memory_space<vmem>> -> memref<2x64x129xf32, #tpu.memory_space<vmem>>
    %dma_wait3A_625 = arith.constant 0 : i32
    %dma_wait3A_626 = arith.constant 56 : i32
    %dma_wait3A_627 = arith.constant 0 : i32
    %dma_wait3A_628 = tpu.memref_slice %dma_wait3A_624[%dma_wait3A_625, %dma_wait3A_626, %dma_wait3A_627] : memref<2x64x129xf32, #tpu.memory_space<vmem>> -> memref<2x8x128xf32, #tpu.memory_space<vmem>>
    tpu.wait_dma2 semaphore(%arg11 : memref<!tpu.dma_semaphore, #tpu.memory_space<semaphore_mem>>) src(%dma_wait3A_628 : memref<2x8x128xf32, #tpu.memory_space<vmem>>) dst(%dma_wait3A_619 : memref<2x8x128xf32, #tpu.memory_space<hbm>>)
    return
  }
}

</mosaic_0001>

<sc_bundles>
// kernel: kernel.3.cloned.1.call-start
scs
__scs_entry_jumppad:
0x0: {  	(pc) =	sbr.rel $0x88, $3  }
0x1: {  	(tag) =	ssettag $0x0;
	lr =	simm.s32 $0x1  }
0x2: {  	[smem:$0x3F9E] =	sst lr;
	_ =	strace $0xD0000000  }
0x3: {  	_ = 	snop  }
0x4: {  	_ = 	snop  }
0x5: {  	_ = 	snop  }
0x6: {  	_ = 	snop  }
0x7: {  	_ = 	snop  }
__scs_overlays_trampoline_lowered:
0x8: {  	[smem:$0x3FAD] =	sst s0  }
0x9: {  	[smem:$0x3FAE] =	sst s1  }
0xa: {  	[smem:$0x3FAF] =	sst s2  }
0xb: {  	[smem:$0x3FB0] =	sst s3  }
0xc: {  	[smem:$0x3FB1] =	sst s4  }
0xd: {  	[smem:$0x3FB2] =	sst s5  }
0xe: {  	[smem:$0x3FB3] =	sst s6  }
0xf: {  	[smem:$0x3FB4] =	sst s7  }
0x10: {  	[smem:$0x3FB5] =	sst s8  }
0x11: {  	[smem:$0x3FB6] =	sst s9;
	s0 =	simm.s32 @!p0 $0x0  }
0x12: {  	s1 =	sld [smem:$0x3F9C];
	s0 =	simm.s32 @p0 $0x1  }
0x13: {  	[smem:$0x3FB7] =	sst s0;
	s0 =	simm.s32 @!p1 $0x0  }
0x14: {  	s2 =	sld [smem:$0x3F9B];
	s0 =	simm.s32 @p1 $0x1  }
0x15: {  	[smem:$0x3FB8] =	sst s0;
	s0 =	simm.s32 @!p2 $0x0  }
0x16: {  	s3 =	sld [smem:$0x3FDB];
	s0 =	simm.s32 @p2 $0x1  }
0x17: {  	s4 =	simm.s32 $0x1BF5;
	[smem:$0x3FBA] =	sst s0  }
0x18: {  	s0 =	sld [smem:$0x3F9D];
	_ =	swait.ge [sflag:s4], $0x0  }
0x19: {  	s7 =	sld [smem:$0x3F9E]  }
0x1a: {  	s8 =	sadd.s32 $0xFFFFE003, lr  }
0x1b: {  	s9 =	sadd.s32 $0xFFFFFEF7, lr;
	s5 =	simm.s32 $0xFFFFFFFF;
	p2 =	slt.u32 s8, $0xFFFFF086  }
0x1c: {  	p1 =	slt.u32 s9, $0xF7A;
	s5 =	simm.s32 @!p2 $0x0  }
0x1d: {  	s5 =	simm.s32 @p1 $0x1;
	p0 =	seq.s32 s7, s2  }
0x1e: {  	s7 =	smul.u32 @!p0 $0xF7A, s2;
	p2 =	seq.s32 @!p0 s5, $0x0  }
0x1f: {  	s9 =	smul.u32 $0xF7A, s1;
	s8 =	simm.s32 @!p0 $0x1BF5;
	p2 =	por !p2, p0  }
0x20: {  	[sflag:s8] =	ssyncset.s32 @!p0 $0xFFFFF086;
	s6 =	sadd.s32 @!p0 s3, s7;
	s7 =	simm.s32 @!p0 $0x108  }
0x21: {  	s3 =	sadd.s32 s3, s9;
	s6 =	sadd.s32 @!p0 $0x88, s6;
	s7 =	simm.s32 @p2 $0x1082  }
0x22: {  	[simem:s7], [sflag:s8] =	dma.local @!p0 [hbm:s6], $0xF7A  }
0x23: {  	s9 =	sor.u32 $0xD0000000, s2;
	s6 =	simm.s32 $0x108;
	_ =	swait.ge @!p0 [sflag:s8], $0x0  }
0x24: {  	s3 =	sadd.s32 $0x88, s3;
	s6 =	simm.s32 @!p1 $0x1082;
	[sflag:s4] =	ssyncset.s32 $0xFFFFF086  }
0x25: {  	[simem:s6], [sflag:s4] =	dma.local [hbm:s3], $0xF7A  }
0x26: {  	[smem:$0x3F9E] =	sst s1;
	(tag) =	ssettag s2;
	_ =	strace s9  }
0x27: {  	s1 =	sld [smem:$0x3FAE]  }
0x28: {  	s2 =	sld [smem:$0x3FAF]  }
0x29: {  	s4 =	sld [smem:$0x3FB1]  }
0x2a: {  	p0 =	seq.s32 s5, $0x0;
	s5 =	sld [smem:$0x3FB2]  }
0x2b: {  	s6 =	sld [smem:$0x3FB3]  }
0x2c: {  	s7 =	sld [smem:$0x3FB4]  }
0x2d: {  	s3 =	simm.s32 $0x108;
	s8 =	sld [smem:$0x3FB5]  }
0x2e: {  	s3 =	simm.s32 @!p0 $0x1082;
	s9 =	sld [smem:$0x3FB6]  }
0x2f: {  	lr =	sadd.s32 s0, s3;
	s0 =	sld [smem:$0x3FAD]  }
0x30: {  	s3 =	sld [smem:$0x3FB0]  }
0x31: {  	[smem:$0x3FB9] =	sst s10  }
0x32: {  	s10 =	sld [smem:$0x3FB7];
	_ =	sdelay $0x3  }
0x33: {  	p0 =	seq.s32 s10, $0x1;
	s10 =	sld [smem:$0x3FB9];
	_ =	sdelay $0x3  }
0x34: {  	[smem:$0x3FB9] =	sst s10  }
0x35: {  	s10 =	sld [smem:$0x3FB8];
	_ =	sdelay $0x3  }
0x36: {  	p1 =	seq.s32 s10, $0x1;
	s10 =	sld [smem:$0x3FB9];
	_ =	sdelay $0x3  }
0x37: {  	[smem:$0x3FB9] =	sst s10  }
0x38: {  	s10 =	sld [smem:$0x3FBA]  }
0x39: {  	_ = 	snop;
	(pc) =	sbr.ind lr, $3  }
0x3a: {  	_ = 	snop  }
0x3b: {  	_ = 	snop  }
0x3c: {  	p2 =	seq.s32 s10, $0x1;
	s10 =	sld [smem:$0x3FB9]  }
0x3d: {  	_ =	shalt  }
0x3e: {  	_ =	shalt  }
0x3f: {  	_ =	shalt  }
0x40: {  	_ =	shalt  }
0x41: {  	_ =	shalt  }
0x42: {  	_ =	shalt  }
0x43: {  	_ =	shalt  }
0x44: {  	_ =	shalt  }
0x45: {  	_ =	shalt  }
0x46: {  	_ =	shalt  }
0x47: {  	_ =	shalt  }
0x48: {  	_ =	shalt  }
0x49: {  	_ =	shalt  }
0x4a: {  	_ =	shalt  }
0x4b: {  	_ =	shalt  }
0x4c: {  	_ =	shalt  }
0x4d: {  	_ =	shalt  }
0x4e: {  	_ =	shalt  }
0x4f: {  	_ =	shalt  }
0x50: {  	_ =	shalt  }
0x51: {  	_ =	shalt  }
0x52: {  	_ =	shalt  }
0x53: {  	_ =	shalt  }
0x54: {  	_ =	shalt  }
0x55: {  	_ =	shalt  }
0x56: {  	_ =	shalt  }
0x57: {  	_ =	shalt  }
0x58: {  	_ =	shalt  }
0x59: {  	_ =	shalt  }
0x5a: {  	_ =	shalt  }
0x5b: {  	_ =	shalt  }
0x5c: {  	_ =	shalt  }
0x5d: {  	_ =	shalt  }
0x5e: {  	_ =	shalt  }
0x5f: {  	_ =	shalt  }
0x60: {  	_ =	shalt  }
0x61: {  	_ =	shalt  }
0x62: {  	_ =	shalt  }
0x63: {  	_ =	shalt  }
0x64: {  	_ =	shalt  }
0x65: {  	_ =	shalt  }
0x66: {  	_ =	shalt  }
0x67: {  	_ =	shalt  }
0x68: {  	_ =	shalt  }
0x69: {  	_ =	shalt  }
0x6a: {  	_ =	shalt  }
0x6b: {  	_ =	shalt  }
0x6c: {  	_ =	shalt  }
0x6d: {  	_ =	shalt  }
0x6e: {  	_ =	shalt  }
0x6f: {  	_ =	shalt  }
0x70: {  	_ =	shalt  }
0x71: {  	_ =	shalt  }
0x72: {  	_ =	shalt  }
0x73: {  	_ =	shalt  }
0x74: {  	_ =	shalt  }
0x75: {  	_ =	shalt  }
0x76: {  	_ =	shalt  }
0x77: {  	_ =	shalt  }
0x78: {  	_ =	shalt  }
0x79: {  	_ =	shalt  }
0x7a: {  	_ =	shalt  }
0x7b: {  	_ =	shalt  }
0x7c: {  	_ =	shalt  }
0x7d: {  	_ =	shalt  }
0x7e: {  	_ =	shalt  }
0x7f: {  	_ =	shalt  }
0x80: {  	_ =	shalt  }
0x81: {  	_ =	shalt  }
0x82: {  	_ =	shalt  }
0x83: {  	_ =	shalt  }
0x84: {  	_ =	shalt  }
0x85: {  	_ =	shalt  }
0x86: {  	_ =	shalt  }
0x87: {  	_ =	shalt  }
.Lfunc_end0:
.L_simem_size_0:
called_computation_lowered:
.L_overlay_start_0:
0x88: {  	s2 =	sld [smem:$0x3FD9]  }
0x89: {  	s3 =	sld [smem:$0x3FFE];
	_ =	sdelay $0x1  }
0x8a: {  	s1 =	srdreg.scid  }
0x8b: {  	s0 =	sand.u32 $0x1, s1  }
0x8c: {  	s17 =	sshll.u32 s0, $0xA;
	s2 =	sadd.s32 s3, s2  }
0x8d: {  	s2 =	sadd.s32 s2, s17  }
0x8e: {  	[smem:$0x3FC5] =	sst s2  }
0x8f: {  	_ = 	snop  }
0x90: {  	s2 =	sld [smem:$0x3FD0];
	(tm) =	ssettm $0x1  }
0x91: {  	s18 =	sld [smem:$0x3FFB];
	_ =	sdelay $0x3  }
0x92: {  	_ =	strace s18  }
0x93: {  	s3 =	sld [smem:$0x3FFC];
	_ =	sdelay $0x3  }
0x94: {  	_ =	strace s3  }
0x95: {  	s3 =	sld [smem:$0x3FFD];
	_ =	sdelay $0x3  }
0x96: {  	_ =	strace s3  }
0x97: {  	_ =	strace $0x8FFFFFFF  }
0x98: {  	s19 =	sld [smem:$0x3FDB];
	_ =	sdelay $0x1  }
0x99: {  	s4 =	simm.s32 $_scs_section_size  }
0x9a: {  	s5 =	simm.s32 $_size__tile_overlayer_lowered;
	s6 =	simm.s32 $_tile_overlayer_lowered  }
0x9b: {  	s22 =	simm.s32 $0x1BFF;
	s21 =	sshll.u32 s6, $0x1;
	s3 =	sadd.s32 s4, s19  }
0x9c: {  	s7 =	simm.s32 $0x0;
	s20 =	sshll.u32 s5, $0x1;
	s5 =	sadd.s32 s21, s3  }
0x9d: {  	[timem:s7], [sflag:s22] =	dma.local [hbm:s5], s20  }
0x9e: {  	_ =	swait.ge [sflag:s22], s20  }
0x9f: {  	s4 =	ssub.s32 $0x0, s20;
	[sflag:s22] =	ssyncset.done $0x0  }
0xa0: {  	[sflag:s22] =	ssyncadd.s32 s4;
	_ =	sdelay $0x1  }
0xa1: {  	s23 =	simm.s32 $0x1B8B  }
0xa2: {  	_ =	swait.ge [sflag:s23], $0x1  }
0xa3: {  	[sflag:s23] =	ssyncset.done $0x0  }
0xa4: {  	s25 =	simm.s32 $0x1B8E;
	s24 =	sld [smem:$0x3FFE];
	[sflag:s23] =	ssyncadd.s32 $0xFFFFFFFF  }
0xa5: {  	s26 =	simm.s32 $execute0_lowered;
	[smem:$0x3FD2] =	sst s25  }
0xa6: {  	s5 =	sshll.u32 s26, $0x1;
	_ =	strace $0x80000046;
	[dreg:$0x1] =	wrdreg $0xFFFFFFFF  }
0xa7: {  	s28 =	simm.s32 $_size_execute0_lowered;
	s3 =	sadd.s32 s3, s5;
	[dreg:$0x0] =	wrdreg $0x0  }
0xa8: {  	s5 =	sshll.u32 s28, $0x1;
	[dreg:$0x2] =	wrdreg s3  }
0xa9: {  	[dreg:$0x3] =	wrdreg s5  }
0xaa: {  	[dreg:$0x4] =	wrdreg $0xC0  }
0xab: {  	_ =	task [dreg:s7], $0x5FFFF  }
0xac: {  	[dreg:$0x1] =	wrdreg $0xFFFFFFFF  }
0xad: {  	[dreg:$0x0] =	wrdreg $0x60  }
0xae: {  	[dreg:$0x2] =	wrdreg s24  }
0xaf: {  	[dreg:$0x3] =	wrdreg s2  }
0xb0: {  	[dreg:$0x4] =	wrdreg $0x9  }
0xb1: {  	_ =	task.clear_ibuf [dreg:s7], $0x5FFFF;
	_ =	strace $0x90000046  }
0xb2: {  	s29 =	simm.s32 $0x9;
	_ =	strace $0x80000048  }
0xb3: {  	_ =	swait.ge [sflag:s29], $0x1  }
0xb4: {  	[sflag:s29] =	ssyncadd.s32 $0xFFFFFFFF  }
0xb5: {  	_ =	strace $0x90000048  }
0xb6: {  	_ =	sfence  }
0xb7: {  	s30 =	sld [smem:$0x0];
	_ =	sdelay $0x2  }
0xb8: {  	s31 =	sshll.u32 s1, $0xD;
	s1 =	sshrl.u32 s1, $0x2  }
0xb9: {  	s3 =	sand.u32 $0x4000, s31;
	s1 =	sadd.s32 s1, s30  }
0xba: {  	s0 =	sor.u32 s3, s0;
	s1 =	sshll.u32 s1, $0x11  }
0xbb: {  	s0 =	sor.u32 s1, s0  }
0xbc: {  	s0 =	sadd.s32 $0x8F2B, s0  }
0xbd: {  	[sflag:s0] =	ssyncadd.remote.s32 $0x1  }
0xbe: {  	_ =	sfence.sel $0xFFFF  }
0xbf: {  	[dreg:$0x0] =	wrdreg $0xFFFFFFFF;
	(pc) =	sbr.abs _section_cstart, $3  }
0xc0: {  	[dreg:$0x1] =	wrdreg $0xFFFFFFFF  }
0xc1: {  	_ =	task.clear_ibuf [dreg:s7], $0x2FFFF;
	_ =	strace $0x9FFFFFFF  }
0xc2: {  	(tm) =	ssettm $0x7FFFFFFF  }
0xc3: {  	_ =	shalt  }
tec
execute0_lowered:
.L_overlay_start_1:
0x0: {  	(tag) =	ssettag $0x1  }
0x1: {  	v0 =	vlaneseq.u32  }
0x2: {  	s3 =	stileid.u32;
	v0 =	vmul.u32 $0x88, v0  }
0x3: {  	s0 =	rddreg [dreg:$0x0];
	s4 =	sshll.u32 s3, $0x1;
	s3 =	simm.s32 $0x0  }
0x4: {  	[smem:$0x7FF] =	sst s3;
	v2 =	vadd.s32 $0x2A80, v0  }
0x5: {  	s2 =	rddreg [dreg:$0x1];
	_ =	strace $0x80000047;
	v33 =	vadd.s32 $0x1980, v0;
	[tilespmem:$0x1FC60] =	vst v2  }
0x6: {  	v43 =	vadd.s32 $0x1983, v0;
	[tilespmem:$0x1FDD0] =	vst v33  }
0x7: {  	v47 =	vadd.s32 $0x1984, v0;
	[tilespmem:$0x1FDE0] =	vst v43  }
0x8: {  	v51 =	vadd.s32 $0x1985, v0;
	[tilespmem:$0x1FDF0] =	vst v47  }
0x9: {  	v55 =	vadd.s32 $0x1986, v0;
	[tilespmem:$0x1FE00] =	vst v51  }
0xa: {  	v60 =	vadd.s32 $0x2200, v0;
	[tilespmem:$0x1FE10] =	vst v55  }
0xb: {  	v35 =	vor.u32 $0x1, v0;
	[tilespmem:$0x1FE20] =	vst v60  }
0xc: {  	v42 =	vor.u32 $0x2, v0;
	[tilespmem:$0x1FE30] =	vst v35  }
0xd: {  	v45 =	vadd.s32 $0x882, v0;
	[tilespmem:$0x1FE40] =	vst v42  }
0xe: {  	v50 =	vor.u32 $0x3, v0;
	[tilespmem:$0x1FE50] =	vst v45  }
0xf: {  	v36 =	vadd.s32 $0x883, v0;
	[tilespmem:$0x1FE60] =	vst v50  }
0x10: {  	v40 =	vor.u32 $0x4, v0;
	[tilespmem:$0x1FE70] =	vst v36  }
0x11: {  	v44 =	vadd.s32 $0x884, v0;
	[tilespmem:$0x1FE80] =	vst v40  }
0x12: {  	v28 =	vor.u32 $0x5, v0;
	[tilespmem:$0x1FE90] =	vst v44  }
0x13: {  	v30 =	vadd.s32 $0x885, v0;
	[tilespmem:$0x1FEA0] =	vst v28  }
0x14: {  	v52 =	vor.u32 $0x6, v0;
	[tilespmem:$0x1FEB0] =	vst v30  }
0x15: {  	v53 =	vadd.s32 $0x886, v0;
	[tilespmem:$0x1FEC0] =	vst v52  }
0x16: {  	v56 =	vor.u32 $0x7, v0;
	[tilespmem:$0x1FED0] =	vst v53  }
0x17: {  	v57 =	vadd.s32 $0x887, v0;
	[tilespmem:$0x1FEE0] =	vst v56  }
0x18: {  	v58 =	vadd.s32 $0x1107, v0;
	[tilespmem:$0x1FEF0] =	vst v57  }
0x19: {  	v59 =	vadd.s32 $0x1987, v0;
	[tilespmem:$0x1FF00] =	vst v58  }
0x1a: {  	v61 =	vadd.s32 $0x2A86, v0;
	[tilespmem:$0x1FF10] =	vst v59  }
0x1b: {  	v6 =	vadd.s32 $0x3306, v0;
	[tilespmem:$0x1FF20] =	vst v61  }
0x1c: {  	v38 =	vadd.s32 $0x881, v0;
	[tilespmem:$0x1FF30] =	vst v6  }
0x1d: {  	v39 =	vadd.s32 $0x1101, v0;
	[tilespmem:$0x1FF40] =	vst v38  }
0x1e: {  	v31 =	vadd.s32 $0x2207, v0;
	[tilespmem:$0x1FF60] =	vst v39  }
0x1f: {  	v46 =	vadd.s32 $0x1102, v0;
	[tilespmem:$0x1FF70] =	vst v31  }
0x20: {  	v3 =	vadd.s32 $0x2A87, v0;
	[tilespmem:$0x1FF80] =	vst v46  }
0x21: {  	v37 =	vadd.s32 $0x1103, v0;
	[tilespmem:$0x1FF90] =	vst v3  }
0x22: {  	v48 =	vadd.s32 $0x1100, v0;
	[tilespmem:$0x1FFA0] =	vst v37  }
0x23: {  	v25 =	vadd.s32 $0x1104, v0;
	[tilespmem:$0x1FFB0] =	vst v48  }
0x24: {  	v41 =	vadd.s32 $0x1981, v0;
	[tilespmem:$0x1FFC0] =	vst v25  }
0x25: {  	v49 =	vadd.s32 $0x1982, v0;
	[tilespmem:$0x1FFD0] =	vst v41  }
0x26: {  	v27 =	vadd.s32 $0x1105, v0;
	[tilespmem:$0x1FFE0] =	vst v49  }
0x27: {  	v2 =	vadd.s32 $0x3300, v0;
	[tilespmem:$0x1FFF0] =	vst v27  }
0x28: {  	[tilespmem:$0x1FC70] =	vst v2;
	v2 =	vadd.s32 $0x3B80, v0  }
0x29: {  	[tilespmem:$0x1FC80] =	vst v2;
	v2 =	vadd.s32 $0x2201, v0  }
0x2a: {  	[tilespmem:$0x1FC90] =	vst v2;
	v2 =	vadd.s32 $0x2A81, v0  }
0x2b: {  	[tilespmem:$0x1FCA0] =	vst v2;
	v2 =	vadd.s32 $0x3301, v0  }
0x2c: {  	[tilespmem:$0x1FCB0] =	vst v2;
	v2 =	vadd.s32 $0x3B81, v0  }
0x2d: {  	[tilespmem:$0x1FCC0] =	vst v2;
	v2 =	vadd.s32 $0x2202, v0  }
0x2e: {  	[tilespmem:$0x1FCD0] =	vst v2;
	v2 =	vadd.s32 $0x2A82, v0  }
0x2f: {  	[tilespmem:$0x1FCE0] =	vst v2;
	v2 =	vadd.s32 $0x3302, v0  }
0x30: {  	[tilespmem:$0x1FCF0] =	vst v2;
	v2 =	vadd.s32 $0x3B82, v0  }
0x31: {  	[tilespmem:$0x1FD00] =	vst v2;
	v2 =	vadd.s32 $0x2203, v0  }
0x32: {  	[tilespmem:$0x1FD10] =	vst v2;
	v2 =	vadd.s32 $0x2A83, v0  }
0x33: {  	s1 =	srdreg.scid;
	[tilespmem:$0x1FD20] =	vst v2;
	v2 =	vadd.s32 $0x3303, v0  }
0x34: {  	s18 =	simm.s32 $0x100;
	s21 =	simm.s32 $0x1;
	s22 =	simm.s32 $0xE400;
	[tilespmem:$0x1FD30] =	vst v2;
	v2 =	vadd.s32 $0x3B83, v0  }
0x35: {  	s15 =	simm.s32 $0x12800;
	s28 =	simm.s32 $0x159F0;
	s29 =	simm.s32 $0x15A78;
	[tilespmem:$0x1FD40] =	vst v2;
	v2 =	vadd.s32 $0x2204, v0  }
0x36: {  	s30 =	simm.s32 $0x13900;
	s31 =	simm.s32 $0x13988;
	s16 =	simm.s32 $0x16B78;
	[tilespmem:$0x1FD50] =	vst v2;
	v2 =	vadd.s32 $0x2A84, v0  }
0x37: {  	s14 =	simm.s32 $0x0;
	s1 =	sand.u32 $0x1, s1;
	s8 =	sadd.s32 $0x8000, s2;
	[tilespmem:$0x1FD60] =	vst v2;
	v2 =	vadd.s32 $0x3304, v0  }
0x38: {  	s9 =	sadd.s32 $0xC000, s2;
	s10 =	sadd.s32 $0x10000, s2;
	s11 =	sadd.s32 $0x14000, s2;
	[tilespmem:$0x1FD70] =	vst v2;
	v2 =	vadd.s32 $0x3B84, v0  }
0x39: {  	s12 =	sadd.s32 $0x18000, s2;
	s5 =	sor.u32 s1, s4;
	s1 =	ssub.s32 $0x2, s1;
	[tilespmem:$0x1FD80] =	vst v2;
	v2 =	vadd.s32 $0x2205, v0  }
0x3a: {  	s13 =	sadd.s32 $0x1C000, s2;
	s4 =	sshll.u32 s5, $0x6;
	s7 =	sshrl.u32 s1, $0x1;
	[tilespmem:$0x1FD90] =	vst v2;
	v2 =	vadd.s32 $0x2A85, v0  }
0x3b: {  	s5 =	sshll.u32 s5, $0x9;
	s6 =	sadd.s32 s4, s0;
	s4 =	sadd.s32 $0x19400, s0;
	[tilespmem:$0x1FDA0] =	vst v2;
	v2 =	vadd.s32 $0x3305, v0  }
0x3c: {  	v1 =	vimm.s32 $0x0;
	vm0 =	vcmask $0x300;
	s25 =	ssub.s32 s1, s7;
	s7 =	sadd.s32 $0x4000, s2;
	s26 =	sadd.s32 $0x400, s6;
	[tilespmem:$0x1FDB0] =	vst v2;
	v2 =	vadd.s32 $0x3B85, v0  }
0x3d: {  	v1 =	vsel vm0, $0x3, v1;
	v29 =	vadd.s32 $0x880, v0;
	s1 =	simm.s32 $0x2;
	s0 =	smax.u32 s25, $0x1;
	[dreg:$0x3] =	wrdreg s26;
	[tilespmem:$0x1FDC0] =	vst v2;
	v2 =	vadd.s32 $0x3B86, v0  }
0x3e: {  	v54 =	vadd.s32 $0x1106, v0;
	v22 =	vadd.s32 $0x2206, v0;
	v63 =	vadd.s32 $0x3307, v0;
	[dreg:$0x4] =	wrdreg s0;
	s0 =	simm.s32 $0x4;
	s26 =	simm.s32 $0x15968;
	[tilespmem:$0x1FF50] =	vst v2  }
.LBB2_1:
0x3f: {  	[dreg:$0x5] =	wrdreg s14  }
0x40: {  	s6 =	rddreg [dreg:$0x3]  }
0x41: {  	s23 =	simm.s32 $0x200;
	s17 =	simm.s32 $0x4000;
	s24 =	simm.s32 $0x5  }
0x42: {  	[tilespmem:s3], [sflag:$0x5] =	stream.strided.gather [hbm4b:s6+s23], $0x6400, s17, s23, $0x38;
	[tilespmem:$0x16C00] =	vst v63  }
0x43: {  	_ =	swait.ge [sflag:s24], $0x6400  }
0x44: {  	[sflag:s24] =	ssyncset.done $0x0  }
0x45: {  	s25 =	simm.s32 $0x6400;
	s6 =	simm.s32 $0x0;
	[sflag:s24] =	ssyncadd.s32 $0xFFFF9C00  }
0x46: {  	[tilespmem:s25], [sflag:$0x1] =	stream.indirect.gather [hbm4b:s4+s18], $0x40, s3, s18, $0xb8;
	[tilespmem:$0x16C00] =	vst v63  }
.LBB2_2:
0x47: {  	s19 =	sshll.u32 s6, $0x1  }
0x48: {  	s17 =	sshllo.u32 s6, $0x1;
	p0 =	slt.u32 s6, $0x19;
	s14 =	sadd.s32 $0xFFFFFFCF, s19  }
0x49: {  	s14 =	smov.u32 @p0 s17  }
0x4a: {  	p0 =	sgt.u32 s6, $0x18;
	s17 =	simm.s32 $0x100;
	s20 =	sshll.u32 s14, $0x9  }
0x4b: {  	s17 =	simm.s32 @!p0 $0x0;
	s20 =	sand.u32 $0x3FFFFE00, s20  }
0x4c: {  	s23 =	simm.s32 $0xA400;
	s20 =	sor.u32 s17, s20  }
0x4d: {  	[tilespmem:s23], [sflag:$0x2] =	stream.indirect.gather [hbm4b:s4+s18], $0x40, s20, s18, $0xb8;
	[tilespmem:$0x16C00] =	vst v63  }
0x4e: {  	_ =	swait.ge [sflag:s21], $0x4000  }
0x4f: {  	p0 =	seq.s32 s6, $0x0;
	[sflag:s21] =	ssyncset.done $0x0  }
0x50: {  	s20 =	simm.s32 @!p0 $0x3;
	[sflag:s21] =	ssyncadd.s32 $0xFFFFC000  }
0x51: {  	_ =	swait.ge @!p0 [sflag:s20], $0x800  }
0x52: {  	[sflag:s20] =	ssyncset.done @!p0 $0x0  }
0x53: {  	[sflag:s20] =	ssyncadd.s32 @!p0 $0xFFFFF800  }
0x54: {  	_ =	swait.ge @!p0 [sflag:s20], $0x800  }
0x55: {  	[sflag:s20] =	ssyncset.done @!p0 $0x0  }
0x56: {  	[sflag:s20] =	ssyncadd.s32 @!p0 $0xFFFFF800  }
0x57: {  	_ =	swait.ge @!p0 [sflag:s20], $0x800  }
0x58: {  	[sflag:s20] =	ssyncset.done @!p0 $0x0  }
0x59: {  	[sflag:s20] =	ssyncadd.s32 @!p0 $0xFFFFF800  }
0x5a: {  	_ =	swait.ge @!p0 [sflag:s20], $0x800  }
0x5b: {  	[sflag:s20] =	ssyncset.done @!p0 $0x0  }
0x5c: {  	[sflag:s20] =	ssyncadd.s32 @!p0 $0xFFFFF800  }
0x5d: {  	_ =	swait.ge @!p0 [sflag:s20], $0x800  }
0x5e: {  	[sflag:s20] =	ssyncset.done @!p0 $0x0  }
0x5f: {  	[sflag:s20] =	ssyncadd.s32 @!p0 $0xFFFFF800  }
0x60: {  	_ =	swait.ge @!p0 [sflag:s20], $0x800  }
0x61: {  	s24 =	simm.s32 $0x0;
	s25 =	simm.s32 $0x3;
	[sflag:s20] =	ssyncset.done @!p0 $0x0  }
0x62: {  	v2 =	vmov s24;
	s24 =	simm.s32 $0x2;
	v5 =	vmov s25;
	s25 =	simm.s32 $0x4;
	[sflag:s20] =	ssyncadd.s32 @!p0 $0xFFFFF800  }
0x63: {  	v4 =	vmov s24;
	s24 =	simm.s32 $0x7;
	v2 =	vshrl.u32 v2, $0x3;
	v6 =	vmov s25;
	s25 =	simm.s32 $0x5;
	_ =	swait.ge @!p0 [sflag:s20], $0x800  }
0x64: {  	v5 =	vshrl.u32 v5, $0x3;
	v7 =	vmov s24;
	v8 =	vmov s25;
	[sflag:s20] =	ssyncset.done @!p0 $0x0  }
0x65: {  	v2 =	vshll.u32 v2, v1;
	v4 =	vshrl.u32 v4, $0x3;
	v7 =	vshrl.u32 v7, $0x3;
	s23 =	simm.s32 $0x1;
	[sflag:s20] =	ssyncadd.s32 @!p0 $0xFFFFF800  }
0x66: {  	v2 =	vbroadcast v2, $0x0;
	v7 =	vshll.u32 v7, v1;
	v3 =	vmov s23;
	_ =	swait.ge @!p0 [sflag:s20], $0x800  }
0x67: {  	s25 =	simm.s32 $0x6;
	v6 =	vshrl.u32 v6, $0x3;
	v7 =	vbroadcast v7, $0x0;
	v3 =	vshrl.u32 v3, $0x3;
	[sflag:s20] =	ssyncset.done @!p0 $0x0  }
0x68: {  	v9 =	vmov s25;
	v13 =	vadd.s32 v0, v2;
	v3 =	vshll.u32 v3, v1;
	[sflag:s20] =	ssyncadd.s32 @!p0 $0xFFFFF800;
	s20 =	simm.s32 $0x6500  }
0x69: {  	v11 =	vadd.s32 v56, v7;
	v14 =	vbroadcast v3, $0x0;
	v3 =	vshll.u32 v4, v1;
	v10 =	vld [tilespmem:s20+$0xC0]  }
0x6a: {  	v23 =	vbroadcast v3, $0x0;
	v3 =	vshll.u32 v5, v1;
	v5 =	vshrl.u32 v8, $0x3;
	v12 =	vld [tilespmem:s20+$0xFFFFFF00]  }
0x6b: {  	v16 =	vadd.s32 v35, v14;
	v4 =	vbroadcast v3, $0x0;
	v3 =	vshll.u32 v6, v1;
	v15 =	vld [tilespmem:s20+$0xFFFFFF40]  }
0x6c: {  	v5 =	vshll.u32 v5, v1;
	v18 =	vadd.s32 v42, v23;
	v3 =	vbroadcast v3, $0x0;
	v17 =	vld [tilespmem:s20+$0xFFFFFF80]  }
0x6d: {  	v9 =	vshrl.u32 v9, $0x3;
	v6 =	vbroadcast v5, $0x0;
	v19 =	vadd.s32 v50, v4;
	v8 =	vld [tilespmem:s20+$0xFFFFFFC0]  }
0x6e: {  	v5 =	vshll.u32 v9, v1;
	v21 =	vadd.s32 v40, v3;
	v20 =	vld [tilespmem:s20+$0x0];
	[tilespmem:v11+s22+$0x0] =	vst.idx.msk $0xffff, v10  }
0x6f: {  	v5 =	vbroadcast v5, $0x0;
	[tilespmem:v13+s22+$0x0] =	vst.idx.msk $0xffff, v12;
	v11 =	vld [tilespmem:s20+$0x40];
	v12 =	vadd.s32 v28, v6  }
0x70: {  	v10 =	vadd.s32 v57, v7;
	[tilespmem:v16+s22+$0x0] =	vst.idx.msk $0xffff, v15;
	v9 =	vld [tilespmem:s20+$0xD0]  }
0x71: {  	[tilespmem:v18+s22+$0x0] =	vst.idx.msk $0xffff, v17;
	v13 =	vld [tilespmem:s20+$0x80];
	v15 =	vadd.s32 v52, v5  }
0x72: {  	v17 =	vadd.s32 v38, v14;
	[tilespmem:v19+s22+$0x0] =	vst.idx.msk $0xffff, v8;
	v16 =	vld [tilespmem:s20+$0xFFFFFF50]  }
0x73: {  	v18 =	vadd.s32 v45, v23;
	[tilespmem:v21+s22+$0x0] =	vst.idx.msk $0xffff, v20;
	v8 =	vld [tilespmem:s20+$0xFFFFFF90]  }
0x74: {  	v20 =	vadd.s32 v36, v4;
	v19 =	vld [tilespmem:s20+$0xFFFFFFD0];
	[tilespmem:v12+s22+$0x0] =	vst.idx.msk $0xffff, v11  }
0x75: {  	v11 =	vld [tilespmem:s20+$0x10];
	v12 =	vadd.s32 v44, v3;
	[tilespmem:v10+s22+$0x0] =	vst.idx.msk $0xffff, v9  }
0x76: {  	[tilespmem:v15+s22+$0x0] =	vst.idx.msk $0xffff, v13;
	v10 =	vadd.s32 v58, v7;
	v9 =	vld [tilespmem:s20+$0xE0]  }
0x77: {  	v15 =	vadd.s32 v30, v6;
	[tilespmem:v17+s22+$0x0] =	vst.idx.msk $0xffff, v16;
	v13 =	vld [tilespmem:s20+$0x50]  }
0x78: {  	[tilespmem:v18+s22+$0x0] =	vst.idx.msk $0xffff, v8;
	v8 =	vld [tilespmem:s20+$0x90];
	v16 =	vadd.s32 v53, v5  }
0x79: {  	v17 =	vld [tilespmem:s20+$0xFFFFFF10];
	v18 =	vadd.s32 v29, v2;
	[tilespmem:v20+s22+$0x0] =	vst.idx.msk $0xffff, v19  }
0x7a: {  	v20 =	vadd.s32 v39, v14;
	v19 =	vld [tilespmem:s20+$0xFFFFFF60];
	[tilespmem:v12+s22+$0x0] =	vst.idx.msk $0xffff, v11  }
0x7b: {  	v62 =	vmov v22;
	v22 =	vadd.s32 v46, v23;
	v21 =	vld [tilespmem:s20+$0xFFFFFFA0];
	[tilespmem:v10+s22+$0x0] =	vst.idx.msk $0xffff, v9  }
0x7c: {  	v7 =	vadd.s32 v59, v7;
	[tilespmem:v15+s22+$0x0] =	vst.idx.msk $0xffff, v13;
	v12 =	vld [tilespmem:s20+$0xF0]  }
0x7d: {  	v24 =	vadd.s32 v37, v4;
	v34 =	vld [tilespmem:s20+$0xFFFFFFE0];
	[tilespmem:v16+s22+$0x0] =	vst.idx.msk $0xffff, v8  }
0x7e: {  	v32 =	vadd.s32 v25, v3;
	[tilespmem:v18+s22+$0x0] =	vst.idx.msk $0xffff, v17;
	v26 =	vld [tilespmem:s20+$0x20]  }
0x7f: {  	s24 =	simm.s32 $0x8;
	s25 =	simm.s32 $0x9;
	v23 =	vadd.s32 v49, v23;
	[tilespmem:v20+s22+$0x0] =	vst.idx.msk $0xffff, v19;
	v9 =	vld [tilespmem:s20+$0x60];
	v10 =	vadd.s32 v27, v6  }
0x80: {  	v8 =	vmov s24;
	v13 =	vadd.s32 v54, v5;
	v19 =	vmov s25;
	s25 =	simm.s32 $0xB;
	v11 =	vld [tilespmem:s20+$0xA0];
	[tilespmem:v22+s22+$0x0] =	vst.idx.msk $0xffff, v21  }
0x81: {  	s24 =	simm.s32 $0xA;
	v17 =	vadd.s32 v48, v2;
	v8 =	vshrl.u32 v8, $0x3;
	v16 =	vld [tilespmem:s20+$0xFFFFFF20];
	[tilespmem:v7+s22+$0x0] =	vst.idx.msk $0xffff, v12;
	v12 =	vmov s25;
	s25 =	simm.s32 $0xD  }
0x82: {  	v61 =	vmovc v25;
	v20 =	vmov s24;
	s24 =	simm.s32 $0xC;
	v21 =	vadd.s32 v41, v14;
	[tilespmem:v24+s22+$0x0] =	vst.idx.msk $0xffff, v34;
	v18 =	vld [tilespmem:s20+$0xFFFFFF70];
	v7 =	vmov s25;
	s25 =	simm.s32 $0xE  }
0x83: {  	s23 =	simm.s32 $0x10;
	v34 =	vmovc v27;
	v15 =	vmov s24;
	v14 =	vshll.u32 v8, v1;
	s24 =	simm.s32 $0xF;
	v22 =	vld [tilespmem:s20+$0xFFFFFFB0];
	[tilespmem:v32+s22+$0x0] =	vst.idx.msk $0xffff, v26;
	v32 =	vmovc v52;
	v8 =	vmov s25  }
.LBB2_3:
0x84: {  	p1 =	slt.u32 s23, $0x78;
	v19 =	vshrl.u32 v19, $0x3;
	v24 =	vmov s24;
	v25 =	vld [tilespmem:s20+$0xFFFFFFF0];
	v4 =	vadd.s32 v43, v4;
	[tilespmem:v10+s22+$0x0] =	vst.idx.msk $0xffff, v9  }
0x85: {  	v9 =	vshrl.u32 v20, $0x3;
	v3 =	vadd.s32 v47, v3;
	v10 =	vshrl.u32 v24, $0x3;
	v20 =	vld [tilespmem:s20+$0x30];
	[tilespmem:v13+s22+$0x0] =	vst.idx.msk $0xffff, v11  }
0x86: {  	v6 =	vadd.s32 v51, v6;
	v11 =	vshrl.u32 v12, $0x3;
	v10 =	vshll.u32 v10, v1;
	[tilespmem:v17+s22+$0x0] =	vst.idx.msk $0xffff, v16;
	v12 =	vld [tilespmem:s20+$0x70]  }
0x87: {  	v5 =	vadd.s32 v55, v5;
	v13 =	vshrl.u32 v15, $0x3;
	v10 =	vbroadcast v10, $0x0;
	[tilespmem:v21+s22+$0x0] =	vst.idx.msk $0xffff, v18;
	v15 =	vld [tilespmem:s20+$0xB0]  }
0x88: {  	v16 =	vshll.u32 v19, v1;
	v18 =	vadd.s32 v33, v2;
	v2 =	vbroadcast v14, $0x0;
	v17 =	vld [tilespmem:s20+$0xFFFFFF30];
	[tilespmem:v23+s22+$0x0] =	vst.idx.msk $0xffff, v22;
	s20 =	sadd.s32 $0x200, s20  }
0x89: {  	v9 =	vshll.u32 v9, v1;
	v14 =	vbroadcast v16, $0x0;
	v16 =	vld [tilespmem:s20+$0xC0];
	v19 =	vadd.s32 v56, v10;
	[tilespmem:v4+s22+$0x0] =	vst.idx.msk $0xffff, v25  }
0x8a: {  	v23 =	vbroadcast v9, $0x0;
	v22 =	vadd.s32 v0, v2;
	v4 =	vshll.u32 v11, v1;
	v21 =	vld [tilespmem:s20+$0xFFFFFF00];
	[tilespmem:v3+s22+$0x0] =	vst.idx.msk $0xffff, v20  }
0x8b: {  	v11 =	vadd.s32 v35, v14;
	v4 =	vbroadcast v4, $0x0;
	v3 =	vshll.u32 v13, v1;
	v9 =	vld [tilespmem:s20+$0xFFFFFF40];
	[tilespmem:v6+s22+$0x0] =	vst.idx.msk $0xffff, v12  }
0x8c: {  	v13 =	vadd.s32 v42, v23;
	v3 =	vbroadcast v3, $0x0;
	v6 =	vshrl.u32 v7, $0x3;
	v12 =	vld [tilespmem:s20+$0xFFFFFF80];
	[tilespmem:v5+s22+$0x0] =	vst.idx.msk $0xffff, v15  }
0x8d: {  	v8 =	vshrl.u32 v8, $0x3;
	v15 =	vadd.s32 v50, v4;
	v5 =	vshll.u32 v6, v1;
	v7 =	vld [tilespmem:s20+$0xFFFFFFC0];
	[tilespmem:v18+s22+$0x0] =	vst.idx.msk $0xffff, v17  }
0x8e: {  	v18 =	vadd.s32 v40, v3;
	v6 =	vbroadcast v5, $0x0;
	v5 =	vshll.u32 v8, v1;
	v17 =	vld [tilespmem:s20+$0x0];
	[tilespmem:v19+s22+$0x0] =	vst.idx.msk $0xffff, v16  }
0x8f: {  	v5 =	vbroadcast v5, $0x0;
	v16 =	vadd.s32 v57, v10;
	[tilespmem:v22+s22+$0x0] =	vst.idx.msk $0xffff, v21;
	v8 =	vld [tilespmem:s20+$0xD0]  }
0x90: {  	[tilespmem:v11+s22+$0x0] =	vst.idx.msk $0xffff, v9;
	v9 =	vld [tilespmem:s20+$0x40];
	v11 =	vadd.s32 v28, v6  }
0x91: {  	[tilespmem:v13+s22+$0x0] =	vst.idx.msk $0xffff, v12;
	v12 =	vld [tilespmem:s20+$0x80];
	v13 =	vadd.s32 v32, v5  }
0x92: {  	v20 =	vadd.s32 v38, v14;
	v19 =	vld [tilespmem:s20+$0xFFFFFF50];
	[tilespmem:v15+s22+$0x0] =	vst.idx.msk $0xffff, v7  }
0x93: {  	v15 =	vadd.s32 v45, v23;
	v7 =	vld [tilespmem:s20+$0xFFFFFF90];
	[tilespmem:v18+s22+$0x0] =	vst.idx.msk $0xffff, v17  }
0x94: {  	v18 =	vadd.s32 v36, v4;
	v17 =	vld [tilespmem:s20+$0xFFFFFFD0];
	[tilespmem:v16+s22+$0x0] =	vst.idx.msk $0xffff, v8  }
0x95: {  	[tilespmem:v11+s22+$0x0] =	vst.idx.msk $0xffff, v9;
	v8 =	vld [tilespmem:s20+$0xE0];
	v9 =	vadd.s32 v58, v10  }
0x96: {  	v16 =	vadd.s32 v44, v3;
	v11 =	vld [tilespmem:s20+$0x10];
	[tilespmem:v13+s22+$0x0] =	vst.idx.msk $0xffff, v12  }
0x97: {  	v13 =	vadd.s32 v30, v6;
	[tilespmem:v20+s22+$0x0] =	vst.idx.msk $0xffff, v19;
	v12 =	vld [tilespmem:s20+$0x50]  }
0x98: {  	[tilespmem:v15+s22+$0x0] =	vst.idx.msk $0xffff, v7;
	v7 =	vld [tilespmem:s20+$0x90];
	v15 =	vadd.s32 v53, v5  }
0x99: {  	v20 =	vadd.s32 v29, v2;
	v19 =	vld [tilespmem:s20+$0xFFFFFF10];
	[tilespmem:v18+s22+$0x0] =	vst.idx.msk $0xffff, v17  }
0x9a: {  	v18 =	vadd.s32 v39, v14;
	v17 =	vld [tilespmem:s20+$0xFFFFFF60];
	[tilespmem:v9+s22+$0x0] =	vst.idx.msk $0xffff, v8  }
0x9b: {  	[tilespmem:v16+s22+$0x0] =	vst.idx.msk $0xffff, v11;
	v8 =	vld [tilespmem:s20+$0xF0];
	v16 =	vadd.s32 v59, v10  }
0x9c: {  	v22 =	vadd.s32 v46, v23;
	v21 =	vld [tilespmem:s20+$0xFFFFFFA0];
	[tilespmem:v13+s22+$0x0] =	vst.idx.msk $0xffff, v12  }
0x9d: {  	v25 =	vadd.s32 v37, v4;
	v24 =	vld [tilespmem:s20+$0xFFFFFFE0];
	[tilespmem:v15+s22+$0x0] =	vst.idx.msk $0xffff, v7  }
0x9e: {  	v27 =	vadd.s32 v61, v3;
	[tilespmem:v20+s22+$0x0] =	vst.idx.msk $0xffff, v19;
	v26 =	vld [tilespmem:s20+$0x20]  }
.Ltmp0:
0x9f: {  	s24 =	sadd.s32 $0x1, s23;
	v10 =	vadd.s32 v34, v6;
	v7 =	vmov s23;
	[tilespmem:v18+s22+$0x0] =	vst.idx.msk $0xffff, v17;
	v9 =	vld [tilespmem:s20+$0x60];
	(pc) =	sbr.rel @p1 .LBB2_3-.Ltmp0, $4  }
0xa0: {  	v52 =	vmovc v28;
	s25 =	sadd.s32 $0x3, s23;
	v13 =	vadd.s32 v54, v5;
	v28 =	vshrl.u32 v7, $0x3;
	v19 =	vmov s24;
	s24 =	sadd.s32 $0x2, s23;
	v11 =	vld [tilespmem:s20+$0xA0];
	[tilespmem:v16+s22+$0x0] =	vst.idx.msk $0xffff, v8  }
0xa1: {  	v12 =	vmov s25;
	s25 =	sadd.s32 $0x5, s23;
	v20 =	vmov s24;
	s24 =	sadd.s32 $0x4, s23;
	v17 =	vadd.s32 v48, v2;
	v16 =	vld [tilespmem:s20+$0xFFFFFF20];
	[tilespmem:v22+s22+$0x0] =	vst.idx.msk $0xffff, v21  }
0xa2: {  	v7 =	vmov s25;
	v15 =	vmov s24;
	s24 =	sadd.s32 $0x6, s23;
	v21 =	vadd.s32 v41, v14;
	v18 =	vld [tilespmem:s20+$0xFFFFFF70];
	[tilespmem:v25+s22+$0x0] =	vst.idx.msk $0xffff, v24  }
0xa3: {  	v23 =	vadd.s32 v49, v23;
	v14 =	vshll.u32 v28, v1;
	v28 =	vmovc v52;
	v8 =	vmov s24;
	s24 =	sadd.s32 $0x7, s23;
	s23 =	sadd.s32 $0x8, s23;
	v22 =	vld [tilespmem:s20+$0xFFFFFFB0];
	[tilespmem:v27+s22+$0x0] =	vst.idx.msk $0xffff, v26  }
0xa4: {  	_ =	sdelay $0x3  }
0xa5: {  	v19 =	vshrl.u32 v19, $0x3;
	[tilespmem:v10+s22+$0x0] =	vst.idx.msk $0xffff, v9;
	v9 =	vmov s24;
	v10 =	vld [tilespmem:s20+$0xFFFFFFF0];
	v4 =	vadd.s32 v43, v4  }
0xa6: {  	v3 =	vadd.s32 v47, v3;
	v12 =	vshrl.u32 v12, $0x3;
	[tilespmem:v13+s22+$0x0] =	vst.idx.msk $0xffff, v11;
	v9 =	vshrl.u32 v9, $0x3;
	v13 =	vld [tilespmem:s20+$0x30]  }
0xa7: {  	v6 =	vadd.s32 v51, v6;
	v15 =	vshrl.u32 v15, $0x3;
	[tilespmem:v17+s22+$0x0] =	vst.idx.msk $0xffff, v16;
	v9 =	vshll.u32 v9, v1;
	v16 =	vld [tilespmem:s20+$0x70]  }
0xa8: {  	v5 =	vadd.s32 v55, v5;
	v14 =	vbroadcast v14, $0x0;
	v17 =	vld [tilespmem:s20+$0xB0];
	[tilespmem:v21+s22+$0x0] =	vst.idx.msk $0xffff, v18;
	v9 =	vbroadcast v9, $0x0  }
0xa9: {  	v2 =	vadd.s32 v33, v2;
	s25 =	sadd.s32 $0x200, s20;
	v11 =	vshrl.u32 v20, $0x3;
	v18 =	vshll.u32 v19, v1;
	v19 =	vld [tilespmem:s20+$0xFFFFFF30];
	[tilespmem:v23+s22+$0x0] =	vst.idx.msk $0xffff, v22  }
0xaa: {  	v11 =	vshll.u32 v11, v1;
	v18 =	vbroadcast v18, $0x0;
	[tilespmem:v4+s22+$0x0] =	vst.idx.msk $0xffff, v10;
	v4 =	vld [tilespmem:s25+$0xC0];
	v10 =	vadd.s32 v56, v9  }
0xab: {  	v12 =	vshll.u32 v12, v1;
	v11 =	vbroadcast v11, $0x0;
	[tilespmem:v3+s22+$0x0] =	vst.idx.msk $0xffff, v13;
	v3 =	vld [tilespmem:s25+$0xFFFFFF00];
	v13 =	vadd.s32 v0, v14  }
0xac: {  	v15 =	vshll.u32 v15, v1;
	v12 =	vbroadcast v12, $0x0;
	[tilespmem:v6+s22+$0x0] =	vst.idx.msk $0xffff, v16;
	v6 =	vld [tilespmem:s25+$0xFFFFFF40];
	v16 =	vadd.s32 v35, v18  }
0xad: {  	v7 =	vshrl.u32 v7, $0x3;
	v15 =	vbroadcast v15, $0x0;
	[tilespmem:v5+s22+$0x0] =	vst.idx.msk $0xffff, v17;
	v5 =	vld [tilespmem:s25+$0xFFFFFF80];
	v17 =	vadd.s32 v42, v11  }
0xae: {  	v8 =	vshrl.u32 v8, $0x3;
	v7 =	vshll.u32 v7, v1;
	[tilespmem:v2+s22+$0x0] =	vst.idx.msk $0xffff, v19;
	v2 =	vld [tilespmem:s25+$0xFFFFFFC0];
	v19 =	vadd.s32 v50, v12  }
0xaf: {  	v8 =	vshll.u32 v8, v1;
	v7 =	vbroadcast v7, $0x0;
	[tilespmem:v10+s22+$0x0] =	vst.idx.msk $0xffff, v4;
	v4 =	vld [tilespmem:s25+$0x0];
	v10 =	vadd.s32 v40, v15  }
0xb0: {  	[tilespmem:v13+s22+$0x0] =	vst.idx.msk $0xffff, v3;
	v3 =	vbroadcast v8, $0x0;
	v8 =	vld [tilespmem:s25+$0xD0];
	v13 =	vadd.s32 v57, v9  }
0xb1: {  	[tilespmem:v16+s22+$0x0] =	vst.idx.msk $0xffff, v6;
	v6 =	vld [tilespmem:s25+$0x40];
	v16 =	vadd.s32 v28, v7  }
0xb2: {  	[tilespmem:v17+s22+$0x0] =	vst.idx.msk $0xffff, v5;
	v5 =	vld [tilespmem:s25+$0x80];
	v17 =	vadd.s32 v32, v3  }
0xb3: {  	[tilespmem:v19+s22+$0x0] =	vst.idx.msk $0xffff, v2;
	v2 =	vld [tilespmem:s25+$0xFFFFFF50];
	v19 =	vadd.s32 v38, v18  }
0xb4: {  	[tilespmem:v10+s22+$0x0] =	vst.idx.msk $0xffff, v4;
	v4 =	vld [tilespmem:s25+$0xFFFFFF90];
	v10 =	vadd.s32 v45, v11  }
0xb5: {  	[tilespmem:v13+s22+$0x0] =	vst.idx.msk $0xffff, v8;
	v8 =	vld [tilespmem:s25+$0xFFFFFFD0];
	v13 =	vadd.s32 v36, v12  }
0xb6: {  	[tilespmem:v16+s22+$0x0] =	vst.idx.msk $0xffff, v6;
	v6 =	vld [tilespmem:s25+$0xE0];
	v16 =	vadd.s32 v58, v9  }
0xb7: {  	[tilespmem:v17+s22+$0x0] =	vst.idx.msk $0xffff, v5;
	v5 =	vld [tilespmem:s25+$0x10];
	v17 =	vadd.s32 v44, v15  }
0xb8: {  	[tilespmem:v19+s22+$0x0] =	vst.idx.msk $0xffff, v2;
	v2 =	vld [tilespmem:s25+$0x50];
	v19 =	vadd.s32 v30, v7  }
0xb9: {  	[tilespmem:v10+s22+$0x0] =	vst.idx.msk $0xffff, v4;
	v4 =	vld [tilespmem:s25+$0x90];
	v10 =	vadd.s32 v53, v3  }
0xba: {  	[tilespmem:v13+s22+$0x0] =	vst.idx.msk $0xffff, v8;
	v8 =	vld [tilespmem:s25+$0xFFFFFF10];
	v13 =	vadd.s32 v29, v14  }
0xbb: {  	[tilespmem:v16+s22+$0x0] =	vst.idx.msk $0xffff, v6;
	v6 =	vld [tilespmem:s25+$0xFFFFFF60];
	v16 =	vadd.s32 v39, v18  }
0xbc: {  	v9 =	vadd.s32 v59, v9;
	[tilespmem:v17+s22+$0x0] =	vst.idx.msk $0xffff, v5;
	v5 =	vld [tilespmem:s25+$0xF0]  }
0xbd: {  	[tilespmem:v19+s22+$0x0] =	vst.idx.msk $0xffff, v2;
	v2 =	vld [tilespmem:s25+$0xFFFFFFA0];
	v17 =	vadd.s32 v46, v11  }
0xbe: {  	[tilespmem:v10+s22+$0x0] =	vst.idx.msk $0xffff, v4;
	v4 =	vld [tilespmem:s25+$0xFFFFFFE0];
	v10 =	vadd.s32 v37, v12  }
0xbf: {  	[tilespmem:v13+s22+$0x0] =	vst.idx.msk $0xffff, v8;
	v8 =	vld [tilespmem:s25+$0x20];
	v13 =	vadd.s32 v61, v15  }
0xc0: {  	[tilespmem:v16+s22+$0x0] =	vst.idx.msk $0xffff, v6;
	v6 =	vld [tilespmem:s25+$0x60];
	v16 =	vadd.s32 v34, v7  }
0xc1: {  	[tilespmem:v9+s22+$0x0] =	vst.idx.msk $0xffff, v5;
	v5 =	vld [tilespmem:s25+$0xA0];
	v9 =	vadd.s32 v54, v3  }
0xc2: {  	[tilespmem:v17+s22+$0x0] =	vst.idx.msk $0xffff, v2;
	v2 =	vld [tilespmem:s25+$0xFFFFFF20];
	v17 =	vadd.s32 v48, v14  }
0xc3: {  	[tilespmem:v10+s22+$0x0] =	vst.idx.msk $0xffff, v4;
	v4 =	vld [tilespmem:s25+$0xFFFFFF70];
	v10 =	vadd.s32 v41, v18  }
0xc4: {  	v11 =	vadd.s32 v49, v11;
	[tilespmem:v13+s22+$0x0] =	vst.idx.msk $0xffff, v8;
	v8 =	vld [tilespmem:s25+$0xFFFFFFB0]  }
0xc5: {  	v12 =	vadd.s32 v43, v12;
	[tilespmem:v16+s22+$0x0] =	vst.idx.msk $0xffff, v6;
	v6 =	vld [tilespmem:s25+$0xFFFFFFF0]  }
0xc6: {  	v15 =	vadd.s32 v47, v15;
	v13 =	vld [tilespmem:s25+$0x30];
	[tilespmem:v9+s22+$0x0] =	vst.idx.msk $0xffff, v5  }
0xc7: {  	[tilespmem:v17+s22+$0x0] =	vst.idx.msk $0xffff, v2;
	v2 =	vld [tilespmem:s25+$0x70];
	v5 =	vadd.s32 v51, v7  }
0xc8: {  	v9 =	vadd.s32 v33, v14;
	v7 =	vld [tilespmem:s25+$0xFFFFFF30];
	[tilespmem:v10+s22+$0x0] =	vst.idx.msk $0xffff, v4  }
0xc9: {  	v3 =	vadd.s32 v55, v3;
	v4 =	vld [tilespmem:s25+$0xB0];
	[tilespmem:v11+s22+$0x0] =	vst.idx.msk $0xffff, v8  }
0xca: {  	[tilespmem:v12+s22+$0x0] =	vst.idx.msk $0xffff, v6  }
0xcb: {  	[tilespmem:v15+s22+$0x0] =	vst.idx.msk $0xffff, v13  }
0xcc: {  	[tilespmem:v5+s22+$0x0] =	vst.idx.msk $0xffff, v2  }
0xcd: {  	s23 =	simm.s32 $0x0;
	[tilespmem:v9+s22+$0x0] =	vst.idx.msk $0xffff, v7  }
0xce: {  	s20 =	simm.s32 $0x85F0;
	v2 =	vmov s23;
	[tilespmem:v3+s22+$0x0] =	vst.idx.msk $0xffff, v4  }
0xcf: {  	v2 =	vshrl.u32 v2, $0x3;
	v4 =	vld [tilespmem:s20+$0xFFFFFED0]  }
0xd0: {  	v2 =	vshll.u32 v2, $0x3;
	v5 =	vld [tilespmem:s20+$0xFFFFFFD0]  }
0xd1: {  	v3 =	vbroadcast v2, $0x0;
	v2 =	vld [tilespmem:s20+$0xFFFFFF90]  }
0xd2: {  	v40 =	vld [tilespmem:$0x1FD90]  }
0xd3: {  	v8 =	vld [tilespmem:s20+$0xFFFFFE10]  }
0xd4: {  	v10 =	vld [tilespmem:s20+$0xFFFFFF50]  }
0xd5: {  	v47 =	vld [tilespmem:$0x1FCD0];
	v6 =	vadd.s32 v62, v3  }
0xd6: {  	v36 =	vld [tilespmem:$0x1FD50];
	v7 =	vadd.s32 v60, v3  }
0xd7: {  	v12 =	vld [tilespmem:s20+$0xFFFFFE90];
	v9 =	vadd.s32 v40, v3  }
0xd8: {  	v27 =	vld [tilespmem:$0x1FC90]  }
0xd9: {  	v14 =	vld [tilespmem:s20+$0xFFFFFF10]  }
0xda: {  	v16 =	vld [tilespmem:s20+$0xFFFFFE50];
	v11 =	vadd.s32 v47, v3;
	[tilespmem:v6+s22+$0x0] =	vst.idx.msk $0xffff, v2  }
0xdb: {  	v13 =	vadd.s32 v36, v3;
	[tilespmem:v7+s22+$0x0] =	vst.idx.msk $0xffff, v8;
	v6 =	vld [tilespmem:s20+$0xFFFFFFA0]  }
0xdc: {  	v49 =	vmov v31;
	v7 =	vadd.s32 v31, v3;
	v31 =	vld [tilespmem:$0x1FD10];
	[tilespmem:v9+s22+$0x0] =	vst.idx.msk $0xffff, v10  }
0xdd: {  	v15 =	vadd.s32 v27, v3;
	v24 =	vld [tilespmem:$0x1FC60]  }
0xde: {  	v17 =	vld [tilespmem:s20+$0xFFFFFE20]  }
0xdf: {  	[tilespmem:v11+s22+$0x0] =	vst.idx.msk $0xffff, v12;
	v10 =	vld [tilespmem:s20+$0xFFFFFF60]  }
0xe0: {  	[tilespmem:v13+s22+$0x0] =	vst.idx.msk $0xffff, v14;
	v11 =	vld [tilespmem:s20+$0xFFFFFEA0]  }
0xe1: {  	v45 =	vld [tilespmem:$0x1FF20];
	v8 =	vadd.s32 v31, v3  }
0xe2: {  	[tilespmem:v15+s22+$0x0] =	vst.idx.msk $0xffff, v16;
	v2 =	vld [tilespmem:s20+$0xFFFFFF20];
	v9 =	vadd.s32 v24, v3  }
0xe3: {  	v41 =	vld [tilespmem:$0x1FDA0]  }
0xe4: {  	v51 =	vld [tilespmem:$0x1FCE0]  }
0xe5: {  	v14 =	vld [tilespmem:s20+$0xFFFFFE60];
	[tilespmem:v7+s22+$0x0] =	vst.idx.msk $0xffff, v5  }
0xe6: {  	v12 =	vadd.s32 v45, v3;
	[tilespmem:v8+s22+$0x0] =	vst.idx.msk $0xffff, v4;
	v4 =	vld [tilespmem:s20+$0xFFFFFFE0]  }
0xe7: {  	v50 =	vld [tilespmem:$0x1FF90];
	[tilespmem:v9+s22+$0x0] =	vst.idx.msk $0xffff, v17  }
0xe8: {  	v13 =	vadd.s32 v41, v3;
	v28 =	vld [tilespmem:$0x1FCA0]  }
0xe9: {  	v15 =	vadd.s32 v51, v3;
	v9 =	vld [tilespmem:s20+$0xFFFFFEE0]  }
0xea: {  	v25 =	vld [tilespmem:$0x1FC70]  }
0xeb: {  	v16 =	vld [tilespmem:s20+$0xFFFFFE30];
	[tilespmem:v12+s22+$0x0] =	vst.idx.msk $0xffff, v6  }
0xec: {  	v32 =	vld [tilespmem:$0x1FD20];
	v5 =	vadd.s32 v50, v3  }
0xed: {  	[tilespmem:v13+s22+$0x0] =	vst.idx.msk $0xffff, v10;
	v10 =	vld [tilespmem:s20+$0xFFFFFFB0];
	v7 =	vadd.s32 v28, v3  }
0xee: {  	[tilespmem:v15+s22+$0x0] =	vst.idx.msk $0xffff, v11;
	v13 =	vld [tilespmem:s20+$0xFFFFFF70]  }
0xef: {  	v42 =	vld [tilespmem:$0x1FDB0];
	v17 =	vadd.s32 v25, v3  }
0xf0: {  	v18 =	vld [tilespmem:s20+$0xFFFFFEB0]  }
0xf1: {  	v30 =	vld [tilespmem:$0x1FF30];
	v12 =	vadd.s32 v32, v3;
	[tilespmem:v5+s22+$0x0] =	vst.idx.msk $0xffff, v4  }
0xf2: {  	v8 =	vld [tilespmem:s20+$0xFFFFFFF0];
	[tilespmem:v7+s22+$0x0] =	vst.idx.msk $0xffff, v14  }
0xf3: {  	v55 =	vld [tilespmem:$0x1FCF0]  }
0xf4: {  	v15 =	vadd.s32 v42, v3;
	[tilespmem:v17+s22+$0x0] =	vst.idx.msk $0xffff, v16;
	v7 =	vld [tilespmem:s20+$0xFFFFFE70]  }
0xf5: {  	v38 =	vld [tilespmem:$0x1FD70]  }
0xf6: {  	v19 =	vadd.s32 v30, v3;
	v6 =	vld [tilespmem:s20+$0xFFFFFE40];
	[tilespmem:v12+s22+$0x0] =	vst.idx.msk $0xffff, v9  }
0xf7: {  	v48 =	vld [tilespmem:$0x1FF50]  }
0xf8: {  	v37 =	vld [tilespmem:$0x1FD60];
	v20 =	vadd.s32 v55, v3  }
0xf9: {  	v11 =	vld [tilespmem:s20+$0xFFFFFEF0];
	[tilespmem:v15+s22+$0x0] =	vst.idx.msk $0xffff, v13  }
0xfa: {  	v34 =	vld [tilespmem:$0x1FD30]  }
0xfb: {  	[tilespmem:v19+s22+$0x0] =	vst.idx.msk $0xffff, v10;
	v10 =	vld [tilespmem:s20+$0xFFFFFF80]  }
0xfc: {  	v44 =	vld [tilespmem:$0x1FDC0]  }
0xfd: {  	v9 =	vld [tilespmem:s20+$0xFFFFFFC0];
	[tilespmem:v20+s22+$0x0] =	vst.idx.msk $0xffff, v18  }
0xfe: {  	p1 =	por $0x1, $0x1;
	v33 =	vld [tilespmem:$0x1FCB0]  }
.Ltmp1:
0xff: {  	v14 =	vadd.s32 v37, v3;
	v26 =	vld [tilespmem:$0x1FC80];
	(pc) =	sbr.rel @!p1 .LBB2_6-.Ltmp1, $4  }
0x100: {  	v16 =	vadd.s32 v63, v3;
	v43 =	vld [tilespmem:$0x1FCC0]  }
0x101: {  	v15 =	vadd.s32 v34, v3;
	v46 =	vld [tilespmem:$0x1FD00]  }
0x102: {  	v12 =	vadd.s32 v44, v3;
	v35 =	vld [tilespmem:$0x1FD40]  }
0x103: {  	s24 =	simm.s32 $0x87F0;
	v61 =	vmovc v62;
	v4 =	vadd.s32 v38, v3;
	v5 =	vadd.s32 v48, v3;
	v39 =	vld [tilespmem:$0x1FD80];
	v13 =	vadd.s32 v33, v3  }
.LBB2_5:
0x104: {  	s23 =	sadd.s32 $0x8, s23;
	v17 =	vld [tilespmem:s24+$0xFFFFFED0];
	[tilespmem:v14+s22+$0x0] =	vst.idx.msk $0xffff, v2  }
0x105: {  	v2 =	vmov s23;
	p1 =	slt.u32 s23, $0x78;
	v14 =	vld [tilespmem:s20+$0xFFFFFF30];
	[tilespmem:v16+s22+$0x0] =	vst.idx.msk $0xffff, v8;
	v8 =	vadd.s32 $0x3B87, v0  }
0x106: {  	v2 =	vshrl.u32 v2, $0x3;
	[tilespmem:v15+s22+$0x0] =	vst.idx.msk $0xffff, v11;
	v11 =	vld [tilespmem:s20+$0x0];
	v8 =	vadd.s32 v8, v3  }
0x107: {  	v16 =	vadd.s32 v35, v3;
	v2 =	vshll.u32 v2, $0x3;
	v15 =	vld [tilespmem:s20+$0xFFFFFF00];
	[tilespmem:v12+s22+$0x0] =	vst.idx.msk $0xffff, v10  }
0x108: {  	v10 =	vadd.s32 v46, v3;
	v12 =	vadd.s32 v39, v3;
	v2 =	vbroadcast v2, $0x0;
	[tilespmem:v13+s22+$0x0] =	vst.idx.msk $0xffff, v7;
	v7 =	vld [tilespmem:s20+$0xFFFFFEC0]  }
0x109: {  	v19 =	vadd.s32 v43, v3;
	v13 =	vadd.s32 v26, v3;
	v18 =	vld [tilespmem:s20+$0xFFFFFE80];
	[tilespmem:v5+s22+$0x0] =	vst.idx.msk $0xffff, v9  }
0x10a: {  	v9 =	vadd.s32 v60, v2;
	v20 =	vadd.s32 v36, v2;
	v21 =	vld [tilespmem:s24+$0xFFFFFFD0];
	[tilespmem:v4+s22+$0x0] =	vst.idx.msk $0xffff, v14;
	v3 =	vmov v2  }
0x10b: {  	v2 =	vadd.s32 v27, v3;
	v14 =	vadd.s32 v47, v3;
	v22 =	vld [tilespmem:s20+$0xFFFFFF40];
	[tilespmem:v8+s22+$0x0] =	vst.idx.msk $0xffff, v11;
	s20 =	smov.u32 s24  }
0x10c: {  	v8 =	vadd.s32 v40, v3;
	v23 =	vadd.s32 v61, v3;
	v11 =	vld [tilespmem:s24+$0xFFFFFF90];
	[tilespmem:v16+s22+$0x0] =	vst.idx.msk $0xffff, v15  }
0x10d: {  	v4 =	vadd.s32 v38, v3;
	v16 =	vadd.s32 v31, v3;
	v15 =	vld [tilespmem:s24+$0xFFFFFE10];
	[tilespmem:v10+s22+$0x0] =	vst.idx.msk $0xffff, v7  }
0x10e: {  	v5 =	vadd.s32 v48, v3;
	v7 =	vld [tilespmem:s24+$0xFFFFFF50];
	[tilespmem:v19+s22+$0x0] =	vst.idx.msk $0xffff, v18  }
0x10f: {  	v10 =	vld [tilespmem:s24+$0xFFFFFE90];
	[tilespmem:v13+s22+$0x0] =	vst.idx.msk $0xffff, v6  }
0x110: {  	v6 =	vld [tilespmem:s24+$0xFFFFFF10];
	[tilespmem:v12+s22+$0x0] =	vst.idx.msk $0xffff, v22  }
0x111: {  	v12 =	vld [tilespmem:s24+$0xFFFFFE50];
	[tilespmem:v23+s22+$0x0] =	vst.idx.msk $0xffff, v11  }
0x112: {  	v11 =	vadd.s32 v49, v3;
	[tilespmem:v9+s22+$0x0] =	vst.idx.msk $0xffff, v15;
	v9 =	vld [tilespmem:s24+$0xFFFFFFA0]  }
0x113: {  	v13 =	vld [tilespmem:s24+$0xFFFFFE20];
	[tilespmem:v8+s22+$0x0] =	vst.idx.msk $0xffff, v7  }
0x114: {  	v7 =	vadd.s32 v24, v3;
	[tilespmem:v14+s22+$0x0] =	vst.idx.msk $0xffff, v10;
	v8 =	vld [tilespmem:s24+$0xFFFFFF60]  }
0x115: {  	v10 =	vld [tilespmem:s24+$0xFFFFFEA0];
	[tilespmem:v20+s22+$0x0] =	vst.idx.msk $0xffff, v6;
	v6 =	vadd.s32 v45, v3  }
0x116: {  	[tilespmem:v2+s22+$0x0] =	vst.idx.msk $0xffff, v12;
	v2 =	vld [tilespmem:s24+$0xFFFFFF20];
	v12 =	vadd.s32 v41, v3  }
0x117: {  	v15 =	vadd.s32 v51, v3;
	v14 =	vld [tilespmem:s24+$0xFFFFFE60];
	[tilespmem:v11+s22+$0x0] =	vst.idx.msk $0xffff, v21  }
0x118: {  	[tilespmem:v16+s22+$0x0] =	vst.idx.msk $0xffff, v17;
	v11 =	vld [tilespmem:s24+$0xFFFFFFE0];
	v16 =	vadd.s32 v50, v3  }
0x119: {  	[tilespmem:v7+s22+$0x0] =	vst.idx.msk $0xffff, v13;
	v7 =	vadd.s32 v28, v3;
	v13 =	vld [tilespmem:s24+$0xFFFFFEE0]  }
0x11a: {  	v18 =	vadd.s32 v25, v3;
	v17 =	vld [tilespmem:s24+$0xFFFFFE30];
	[tilespmem:v6+s22+$0x0] =	vst.idx.msk $0xffff, v9  }
0x11b: {  	v9 =	vadd.s32 v32, v3;
	[tilespmem:v12+s22+$0x0] =	vst.idx.msk $0xffff, v8;
	v19 =	vld [tilespmem:s24+$0xFFFFFFB0]  }
0x11c: {  	v12 =	vadd.s32 v42, v3;
	[tilespmem:v15+s22+$0x0] =	vst.idx.msk $0xffff, v10;
	v10 =	vld [tilespmem:s24+$0xFFFFFF70]  }
0x11d: {  	v21 =	vadd.s32 v30, v3;
	v20 =	vld [tilespmem:s24+$0xFFFFFEB0];
	[tilespmem:v16+s22+$0x0] =	vst.idx.msk $0xffff, v11  }
0x11e: {  	v22 =	vadd.s32 v55, v3;
	[tilespmem:v7+s22+$0x0] =	vst.idx.msk $0xffff, v14;
	v14 =	vadd.s32 v37, v3;
	v8 =	vld [tilespmem:s24+$0xFFFFFFF0]  }
.Ltmp2:
0x11f: {  	[tilespmem:v18+s22+$0x0] =	vst.idx.msk $0xffff, v17;
	v7 =	vld [tilespmem:s24+$0xFFFFFE70];
	(pc) =	sbr.rel @p1 .LBB2_5-.Ltmp2, $4  }
0x120: {  	v16 =	vadd.s32 v63, v3;
	v6 =	vld [tilespmem:s24+$0xFFFFFE40];
	[tilespmem:v9+s22+$0x0] =	vst.idx.msk $0xffff, v13  }
0x121: {  	v15 =	vadd.s32 v34, v3;
	v11 =	vld [tilespmem:s24+$0xFFFFFEF0];
	[tilespmem:v12+s22+$0x0] =	vst.idx.msk $0xffff, v10  }
0x122: {  	v12 =	vadd.s32 v44, v3;
	v10 =	vld [tilespmem:s24+$0xFFFFFF80];
	[tilespmem:v21+s22+$0x0] =	vst.idx.msk $0xffff, v19  }
0x123: {  	v13 =	vadd.s32 v33, v3;
	s24 =	sadd.s32 $0x200, s24;
	[tilespmem:v22+s22+$0x0] =	vst.idx.msk $0xffff, v20;
	v9 =	vld [tilespmem:s20+$0xFFFFFFC0]  }
.LBB2_6:
0x124: {  	_ =	sdelay $0x3  }
0x125: {  	[tilespmem:v14+s22+$0x0] =	vst.idx.msk $0xffff, v2  }
0x126: {  	[tilespmem:v16+s22+$0x0] =	vst.idx.msk $0xffff, v8;
	v14 =	vld [tilespmem:s20+$0xFFFFFF30]  }
0x127: {  	v2 =	vadd.s32 $0x3B87, v0;
	[tilespmem:v13+s22+$0x0] =	vst.idx.msk $0xffff, v7;
	v61 =	vadd.s32 v26, v3  }
0x128: {  	v8 =	vld [tilespmem:s20+$0x0];
	v48 =	vadd.s32 v2, v3;
	[tilespmem:v15+s22+$0x0] =	vst.idx.msk $0xffff, v11  }
0x129: {  	s23 =	smulhi.u32 $0x51EB851F, s19;
	v55 =	vld [tilespmem:s20+$0xFFFFFE80];
	v60 =	vadd.s32 v43, v3;
	[tilespmem:v12+s22+$0x0] =	vst.idx.msk $0xffff, v10  }
0x12a: {  	v50 =	vld [tilespmem:s20+$0xFFFFFEC0];
	v51 =	vadd.s32 v46, v3;
	[tilespmem:v5+s22+$0x0] =	vst.idx.msk $0xffff, v9  }
0x12b: {  	s23 =	sshrl.u32 s23, $0x4;
	v15 =	vld [tilespmem:s20+$0xFFFFFF00];
	v49 =	vadd.s32 v35, v3;
	[tilespmem:v4+s22+$0x0] =	vst.idx.msk $0xffff, v14  }
0x12c: {  	s23 =	smul.u32 $0x32, s23;
	v3 =	vadd.s32 v39, v3;
	[tilespmem:v61+s22+$0x0] =	vst.idx.msk $0xffff, v6;
	v4 =	vld [tilespmem:s20+$0xFFFFFF40]  }
0x12d: {  	[tilespmem:v48+s22+$0x0] =	vst.idx.msk $0xffff, v8  }
0x12e: {  	[tilespmem:v60+s22+$0x0] =	vst.idx.msk $0xffff, v55;
	s20 =	ssub.s32 s19, s23  }
0x12f: {  	[tilespmem:v51+s22+$0x0] =	vst.idx.msk $0xffff, v50;
	s20 =	sshll.u32 s20, $0x11  }
0x130: {  	s17 =	sor.u32 s5, s17;
	[tilespmem:v49+s22+$0x0] =	vst.idx.msk $0xffff, v15;
	s24 =	sadd.s32 s2, s20  }
0x131: {  	s23 =	sadd.s32 s17, s24;
	[tilespmem:v3+s22+$0x0] =	vst.idx.msk $0xffff, v4  }
0x132: {  	[hbm4b:s23+s3] =	stream.linear.scatter [tilespmem:s22], [sflag:$0x3], $0x80, $0x38;
	[tilespmem:$0x16C00] =	vst v63  }
0x133: {  	s25 =	simm.s32 $0xE488;
	s24 =	sadd.s32 $0x10, s23  }
0x134: {  	[hbm4b:s24+s3] =	stream.linear.scatter [tilespmem:s25], [sflag:$0x3], $0x80, $0x38;
	[tilespmem:$0x16C00] =	vst v63  }
0x135: {  	s24 =	sadd.s32 $0x20, s23;
	s25 =	simm.s32 $0xE510  }
0x136: {  	[hbm4b:s24+s3] =	stream.linear.scatter [tilespmem:s25], [sflag:$0x3], $0x80, $0x38;
	[tilespmem:$0x16C00] =	vst v63  }
0x137: {  	s24 =	sadd.s32 $0x30, s23;
	s25 =	simm.s32 $0xE598  }
0x138: {  	[hbm4b:s24+s3] =	stream.linear.scatter [tilespmem:s25], [sflag:$0x3], $0x80, $0x38;
	[tilespmem:$0x16C00] =	vst v63  }
0x139: {  	s24 =	sadd.s32 $0x40, s23;
	s25 =	simm.s32 $0xE620  }
0x13a: {  	[hbm4b:s24+s3] =	stream.linear.scatter [tilespmem:s25], [sflag:$0x3], $0x80, $0x38;
	[tilespmem:$0x16C00] =	vst v63  }
0x13b: {  	s24 =	sadd.s32 $0x50, s23;
	s25 =	simm.s32 $0xE6A8  }
0x13c: {  	[hbm4b:s24+s3] =	stream.linear.scatter [tilespmem:s25], [sflag:$0x3], $0x80, $0x38;
	[tilespmem:$0x16C00] =	vst v63  }
0x13d: {  	s24 =	sadd.s32 $0x60, s23;
	s25 =	simm.s32 $0xE730  }
0x13e: {  	[hbm4b:s24+s3] =	stream.linear.scatter [tilespmem:s25], [sflag:$0x3], $0x80, $0x38;
	[tilespmem:$0x16C00] =	vst v63  }
0x13f: {  	s24 =	sadd.s32 $0x70, s23;
	s25 =	simm.s32 $0xE7B8  }
0x140: {  	[hbm4b:s24+s3] =	stream.linear.scatter [tilespmem:s25], [sflag:$0x3], $0x80, $0x38;
	[tilespmem:$0x16C00] =	vst v63  }
0x141: {  	s24 =	sadd.s32 $0x80, s23;
	s25 =	simm.s32 $0x10600  }
0x142: {  	[hbm4b:s24+s3] =	stream.linear.scatter [tilespmem:s25], [sflag:$0x3], $0x80, $0x38;
	[tilespmem:$0x16C00] =	vst v63  }
0x143: {  	s24 =	sadd.s32 $0x90, s23;
	s25 =	simm.s32 $0x10688  }
0x144: {  	[hbm4b:s24+s3] =	stream.linear.scatter [tilespmem:s25], [sflag:$0x3], $0x80, $0x38;
	[tilespmem:$0x16C00] =	vst v63  }
0x145: {  	s24 =	sadd.s32 $0xA0, s23;
	s25 =	simm.s32 $0x10710  }
0x146: {  	[hbm4b:s24+s3] =	stream.linear.scatter [tilespmem:s25], [sflag:$0x3], $0x80, $0x38;
	[tilespmem:$0x16C00] =	vst v63  }
0x147: {  	s24 =	sadd.s32 $0xB0, s23;
	s25 =	simm.s32 $0x10798  }
0x148: {  	[hbm4b:s24+s3] =	stream.linear.scatter [tilespmem:s25], [sflag:$0x3], $0x80, $0x38;
	[tilespmem:$0x16C00] =	vst v63  }
0x149: {  	s24 =	sadd.s32 $0xC0, s23;
	s25 =	simm.s32 $0x10820  }
0x14a: {  	[hbm4b:s24+s3] =	stream.linear.scatter [tilespmem:s25], [sflag:$0x3], $0x80, $0x38;
	[tilespmem:$0x16C00] =	vst v63  }
0x14b: {  	s24 =	sadd.s32 $0xD0, s23;
	s25 =	simm.s32 $0x108A8  }
0x14c: {  	[hbm4b:s24+s3] =	stream.linear.scatter [tilespmem:s25], [sflag:$0x3], $0x80, $0x38;
	[tilespmem:$0x16C00] =	vst v63  }
0x14d: {  	s24 =	sadd.s32 $0xE0, s23;
	s25 =	simm.s32 $0x10930  }
0x14e: {  	[hbm4b:s24+s3] =	stream.linear.scatter [tilespmem:s25], [sflag:$0x3], $0x80, $0x38;
	[tilespmem:$0x16C00] =	vst v63  }
0x14f: {  	s23 =	sadd.s32 $0xF0, s23;
	s25 =	simm.s32 $0x109B8;
	s24 =	sadd.s32 s20, s7  }
0x150: {  	[hbm4b:s23+s3] =	stream.linear.scatter [tilespmem:s25], [sflag:$0x3], $0x80, $0x38;
	[tilespmem:$0x16C00] =	vst v63  }
0x151: {  	s23 =	sadd.s32 s17, s24;
	s25 =	simm.s32 $0xE840  }
0x152: {  	[hbm4b:s23+s3] =	stream.linear.scatter [tilespmem:s25], [sflag:$0x3], $0x80, $0x38;
	[tilespmem:$0x16C00] =	vst v63  }
0x153: {  	s24 =	sadd.s32 $0x10, s23;
	s25 =	simm.s32 $0xE8C8  }
0x154: {  	[hbm4b:s24+s3] =	stream.linear.scatter [tilespmem:s25], [sflag:$0x3], $0x80, $0x38;
	[tilespmem:$0x16C00] =	vst v63  }
0x155: {  	s24 =	sadd.s32 $0x20, s23;
	s25 =	simm.s32 $0xE950  }
0x156: {  	[hbm4b:s24+s3] =	stream.linear.scatter [tilespmem:s25], [sflag:$0x3], $0x80, $0x38;
	[tilespmem:$0x16C00] =	vst v63  }
0x157: {  	s24 =	sadd.s32 $0x30, s23;
	s25 =	simm.s32 $0xE9D8  }
0x158: {  	[hbm4b:s24+s3] =	stream.linear.scatter [tilespmem:s25], [sflag:$0x3], $0x80, $0x38;
	[tilespmem:$0x16C00] =	vst v63  }
0x159: {  	s24 =	sadd.s32 $0x40, s23;
	s25 =	simm.s32 $0xEA60  }
0x15a: {  	[hbm4b:s24+s3] =	stream.linear.scatter [tilespmem:s25], [sflag:$0x3], $0x80, $0x38;
	[tilespmem:$0x16C00] =	vst v63  }
0x15b: {  	s24 =	sadd.s32 $0x50, s23;
	s25 =	simm.s32 $0xEAE8  }
0x15c: {  	[hbm4b:s24+s3] =	stream.linear.scatter [tilespmem:s25], [sflag:$0x3], $0x80, $0x38;
	[tilespmem:$0x16C00] =	vst v63  }
0x15d: {  	s24 =	sadd.s32 $0x60, s23;
	s25 =	simm.s32 $0xEB70  }
0x15e: {  	[hbm4b:s24+s3] =	stream.linear.scatter [tilespmem:s25], [sflag:$0x3], $0x80, $0x38;
	[tilespmem:$0x16C00] =	vst v63  }
0x15f: {  	s24 =	sadd.s32 $0x70, s23;
	s25 =	simm.s32 $0xEBF8  }
0x160: {  	[hbm4b:s24+s3] =	stream.linear.scatter [tilespmem:s25], [sflag:$0x3], $0x80, $0x38;
	[tilespmem:$0x16C00] =	vst v63  }
0x161: {  	s24 =	sadd.s32 $0x80, s23;
	s25 =	simm.s32 $0x10A40  }
0x162: {  	[hbm4b:s24+s3] =	stream.linear.scatter [tilespmem:s25], [sflag:$0x3], $0x80, $0x38;
	[tilespmem:$0x16C00] =	vst v63  }
0x163: {  	s24 =	sadd.s32 $0x90, s23;
	s25 =	simm.s32 $0x10AC8  }
0x164: {  	[hbm4b:s24+s3] =	stream.linear.scatter [tilespmem:s25], [sflag:$0x3], $0x80, $0x38;
	[tilespmem:$0x16C00] =	vst v63  }
0x165: {  	s24 =	sadd.s32 $0xA0, s23;
	s25 =	simm.s32 $0x10B50  }
0x166: {  	[hbm4b:s24+s3] =	stream.linear.scatter [tilespmem:s25], [sflag:$0x3], $0x80, $0x38;
	[tilespmem:$0x16C00] =	vst v63  }
0x167: {  	s24 =	sadd.s32 $0xB0, s23;
	s25 =	simm.s32 $0x10BD8  }
0x168: {  	[hbm4b:s24+s3] =	stream.linear.scatter [tilespmem:s25], [sflag:$0x3], $0x80, $0x38;
	[tilespmem:$0x16C00] =	vst v63  }
0x169: {  	s24 =	sadd.s32 $0xC0, s23;
	s25 =	simm.s32 $0x10C60  }
0x16a: {  	[hbm4b:s24+s3] =	stream.linear.scatter [tilespmem:s25], [sflag:$0x3], $0x80, $0x38;
	[tilespmem:$0x16C00] =	vst v63  }
0x16b: {  	s24 =	sadd.s32 $0xD0, s23;
	s25 =	simm.s32 $0x10CE8  }
0x16c: {  	[hbm4b:s24+s3] =	stream.linear.scatter [tilespmem:s25], [sflag:$0x3], $0x80, $0x38;
	[tilespmem:$0x16C00] =	vst v63  }
0x16d: {  	s24 =	sadd.s32 $0xE0, s23;
	s25 =	simm.s32 $0x10D70  }
0x16e: {  	[hbm4b:s24+s3] =	stream.linear.scatter [tilespmem:s25], [sflag:$0x3], $0x80, $0x38;
	[tilespmem:$0x16C00] =	vst v63  }
0x16f: {  	s23 =	sadd.s32 $0xF0, s23;
	s25 =	simm.s32 $0x10DF8;
	s24 =	sadd.s32 s20, s8  }
0x170: {  	[hbm4b:s23+s3] =	stream.linear.scatter [tilespmem:s25], [sflag:$0x3], $0x80, $0x38;
	[tilespmem:$0x16C00] =	vst v63  }
0x171: {  	s23 =	sadd.s32 s17, s24;
	s25 =	simm.s32 $0xEC80  }
0x172: {  	[hbm4b:s23+s3] =	stream.linear.scatter [tilespmem:s25], [sflag:$0x3], $0x80, $0x38;
	[tilespmem:$0x16C00] =	vst v63  }
0x173: {  	s24 =	sadd.s32 $0x10, s23;
	s25 =	simm.s32 $0xED08  }
0x174: {  	[hbm4b:s24+s3] =	stream.linear.scatter [tilespmem:s25], [sflag:$0x3], $0x80, $0x38;
	[tilespmem:$0x16C00] =	vst v63  }
0x175: {  	s24 =	sadd.s32 $0x20, s23;
	s25 =	simm.s32 $0xED90  }
0x176: {  	[hbm4b:s24+s3] =	stream.linear.scatter [tilespmem:s25], [sflag:$0x3], $0x80, $0x38;
	[tilespmem:$0x16C00] =	vst v63  }
0x177: {  	s24 =	sadd.s32 $0x30, s23;
	s25 =	simm.s32 $0xEE18  }
0x178: {  	[hbm4b:s24+s3] =	stream.linear.scatter [tilespmem:s25], [sflag:$0x3], $0x80, $0x38;
	[tilespmem:$0x16C00] =	vst v63  }
0x179: {  	s24 =	sadd.s32 $0x40, s23;
	s25 =	simm.s32 $0xEEA0  }
0x17a: {  	[hbm4b:s24+s3] =	stream.linear.scatter [tilespmem:s25], [sflag:$0x3], $0x80, $0x38;
	[tilespmem:$0x16C00] =	vst v63  }
0x17b: {  	s24 =	sadd.s32 $0x50, s23;
	s25 =	simm.s32 $0xEF28  }
0x17c: {  	[hbm4b:s24+s3] =	stream.linear.scatter [tilespmem:s25], [sflag:$0x3], $0x80, $0x38;
	[tilespmem:$0x16C00] =	vst v63  }
0x17d: {  	s24 =	sadd.s32 $0x60, s23;
	s25 =	simm.s32 $0xEFB0  }
0x17e: {  	[hbm4b:s24+s3] =	stream.linear.scatter [tilespmem:s25], [sflag:$0x3], $0x80, $0x38;
	[tilespmem:$0x16C00] =	vst v63  }
0x17f: {  	s24 =	sadd.s32 $0x70, s23;
	s25 =	simm.s32 $0xF038  }
0x180: {  	[hbm4b:s24+s3] =	stream.linear.scatter [tilespmem:s25], [sflag:$0x3], $0x80, $0x38;
	[tilespmem:$0x16C00] =	vst v63  }
0x181: {  	s24 =	sadd.s32 $0x80, s23;
	s25 =	simm.s32 $0x10E80  }
0x182: {  	[hbm4b:s24+s3] =	stream.linear.scatter [tilespmem:s25], [sflag:$0x3], $0x80, $0x38;
	[tilespmem:$0x16C00] =	vst v63  }
0x183: {  	s24 =	sadd.s32 $0x90, s23;
	s25 =	simm.s32 $0x10F08  }
0x184: {  	[hbm4b:s24+s3] =	stream.linear.scatter [tilespmem:s25], [sflag:$0x3], $0x80, $0x38;
	[tilespmem:$0x16C00] =	vst v63  }
0x185: {  	s24 =	sadd.s32 $0xA0, s23;
	s25 =	simm.s32 $0x10F90  }
0x186: {  	[hbm4b:s24+s3] =	stream.linear.scatter [tilespmem:s25], [sflag:$0x3], $0x80, $0x38;
	[tilespmem:$0x16C00] =	vst v63  }
0x187: {  	s24 =	sadd.s32 $0xB0, s23;
	s25 =	simm.s32 $0x11018  }
0x188: {  	[hbm4b:s24+s3] =	stream.linear.scatter [tilespmem:s25], [sflag:$0x3], $0x80, $0x38;
	[tilespmem:$0x16C00] =	vst v63  }
0x189: {  	s24 =	sadd.s32 $0xC0, s23;
	s25 =	simm.s32 $0x110A0  }
0x18a: {  	[hbm4b:s24+s3] =	stream.linear.scatter [tilespmem:s25], [sflag:$0x3], $0x80, $0x38;
	[tilespmem:$0x16C00] =	vst v63  }
0x18b: {  	s24 =	sadd.s32 $0xD0, s23;
	s25 =	simm.s32 $0x11128  }
0x18c: {  	[hbm4b:s24+s3] =	stream.linear.scatter [tilespmem:s25], [sflag:$0x3], $0x80, $0x38;
	[tilespmem:$0x16C00] =	vst v63  }
0x18d: {  	s24 =	sadd.s32 $0xE0, s23;
	s25 =	simm.s32 $0x111B0  }
0x18e: {  	[hbm4b:s24+s3] =	stream.linear.scatter [tilespmem:s25], [sflag:$0x3], $0x80, $0x38;
	[tilespmem:$0x16C00] =	vst v63  }
0x18f: {  	s23 =	sadd.s32 $0xF0, s23;
	s25 =	simm.s32 $0x11238;
	s24 =	sadd.s32 s20, s9  }
0x190: {  	[hbm4b:s23+s3] =	stream.linear.scatter [tilespmem:s25], [sflag:$0x3], $0x80, $0x38;
	[tilespmem:$0x16C00] =	vst v63  }
0x191: {  	s23 =	sadd.s32 s17, s24;
	s25 =	simm.s32 $0xF0C0  }
0x192: {  	[hbm4b:s23+s3] =	stream.linear.scatter [tilespmem:s25], [sflag:$0x3], $0x80, $0x38;
	[tilespmem:$0x16C00] =	vst v63  }
0x193: {  	s24 =	sadd.s32 $0x10, s23;
	s25 =	simm.s32 $0xF148  }
0x194: {  	[hbm4b:s24+s3] =	stream.linear.scatter [tilespmem:s25], [sflag:$0x3], $0x80, $0x38;
	[tilespmem:$0x16C00] =	vst v63  }
0x195: {  	s24 =	sadd.s32 $0x20, s23;
	s25 =	simm.s32 $0xF1D0  }
0x196: {  	[hbm4b:s24+s3] =	stream.linear.scatter [tilespmem:s25], [sflag:$0x3], $0x80, $0x38;
	[tilespmem:$0x16C00] =	vst v63  }
0x197: {  	s24 =	sadd.s32 $0x30, s23;
	s25 =	simm.s32 $0xF258  }
0x198: {  	[hbm4b:s24+s3] =	stream.linear.scatter [tilespmem:s25], [sflag:$0x3], $0x80, $0x38;
	[tilespmem:$0x16C00] =	vst v63  }
0x199: {  	s24 =	sadd.s32 $0x40, s23;
	s25 =	simm.s32 $0xF2E0  }
0x19a: {  	[hbm4b:s24+s3] =	stream.linear.scatter [tilespmem:s25], [sflag:$0x3], $0x80, $0x38;
	[tilespmem:$0x16C00] =	vst v63  }
0x19b: {  	s24 =	sadd.s32 $0x50, s23;
	s25 =	simm.s32 $0xF368  }
0x19c: {  	[hbm4b:s24+s3] =	stream.linear.scatter [tilespmem:s25], [sflag:$0x3], $0x80, $0x38;
	[tilespmem:$0x16C00] =	vst v63  }
0x19d: {  	s24 =	sadd.s32 $0x60, s23;
	s25 =	simm.s32 $0xF3F0  }
0x19e: {  	[hbm4b:s24+s3] =	stream.linear.scatter [tilespmem:s25], [sflag:$0x3], $0x80, $0x38;
	[tilespmem:$0x16C00] =	vst v63  }
0x19f: {  	s24 =	sadd.s32 $0x70, s23;
	s25 =	simm.s32 $0xF478  }
0x1a0: {  	[hbm4b:s24+s3] =	stream.linear.scatter [tilespmem:s25], [sflag:$0x3], $0x80, $0x38;
	[tilespmem:$0x16C00] =	vst v63  }
0x1a1: {  	s24 =	sadd.s32 $0x80, s23;
	s25 =	simm.s32 $0x112C0  }
0x1a2: {  	[hbm4b:s24+s3] =	stream.linear.scatter [tilespmem:s25], [sflag:$0x3], $0x80, $0x38;
	[tilespmem:$0x16C00] =	vst v63  }
0x1a3: {  	s24 =	sadd.s32 $0x90, s23;
	s25 =	simm.s32 $0x11348  }
0x1a4: {  	[hbm4b:s24+s3] =	stream.linear.scatter [tilespmem:s25], [sflag:$0x3], $0x80, $0x38;
	[tilespmem:$0x16C00] =	vst v63  }
0x1a5: {  	s24 =	sadd.s32 $0xA0, s23;
	s25 =	simm.s32 $0x113D0  }
0x1a6: {  	[hbm4b:s24+s3] =	stream.linear.scatter [tilespmem:s25], [sflag:$0x3], $0x80, $0x38;
	[tilespmem:$0x16C00] =	vst v63  }
0x1a7: {  	s24 =	sadd.s32 $0xB0, s23;
	s25 =	simm.s32 $0x11458  }
0x1a8: {  	[hbm4b:s24+s3] =	stream.linear.scatter [tilespmem:s25], [sflag:$0x3], $0x80, $0x38;
	[tilespmem:$0x16C00] =	vst v63  }
0x1a9: {  	s24 =	sadd.s32 $0xC0, s23;
	s25 =	simm.s32 $0x114E0  }
0x1aa: {  	[hbm4b:s24+s3] =	stream.linear.scatter [tilespmem:s25], [sflag:$0x3], $0x80, $0x38;
	[tilespmem:$0x16C00] =	vst v63  }
0x1ab: {  	s24 =	sadd.s32 $0xD0, s23;
	s25 =	simm.s32 $0x11568  }
0x1ac: {  	[hbm4b:s24+s3] =	stream.linear.scatter [tilespmem:s25], [sflag:$0x3], $0x80, $0x38;
	[tilespmem:$0x16C00] =	vst v63  }
0x1ad: {  	s24 =	sadd.s32 $0xE0, s23;
	s25 =	simm.s32 $0x115F0  }
0x1ae: {  	[hbm4b:s24+s3] =	stream.linear.scatter [tilespmem:s25], [sflag:$0x3], $0x80, $0x38;
	[tilespmem:$0x16C00] =	vst v63  }
0x1af: {  	s23 =	sadd.s32 $0xF0, s23;
	s25 =	simm.s32 $0x11678;
	s24 =	sadd.s32 s20, s10  }
0x1b0: {  	[hbm4b:s23+s3] =	stream.linear.scatter [tilespmem:s25], [sflag:$0x3], $0x80, $0x38;
	[tilespmem:$0x16C00] =	vst v63  }
0x1b1: {  	s23 =	sadd.s32 s17, s24;
	s25 =	simm.s32 $0xF500  }
0x1b2: {  	[hbm4b:s23+s3] =	stream.linear.scatter [tilespmem:s25], [sflag:$0x3], $0x80, $0x38;
	[tilespmem:$0x16C00] =	vst v63  }
0x1b3: {  	s24 =	sadd.s32 $0x10, s23;
	s25 =	simm.s32 $0xF588  }
0x1b4: {  	[hbm4b:s24+s3] =	stream.linear.scatter [tilespmem:s25], [sflag:$0x3], $0x80, $0x38;
	[tilespmem:$0x16C00] =	vst v63  }
0x1b5: {  	s24 =	sadd.s32 $0x20, s23;
	s25 =	simm.s32 $0xF610  }
0x1b6: {  	[hbm4b:s24+s3] =	stream.linear.scatter [tilespmem:s25], [sflag:$0x3], $0x80, $0x38;
	[tilespmem:$0x16C00] =	vst v63  }
0x1b7: {  	s24 =	sadd.s32 $0x30, s23;
	s25 =	simm.s32 $0xF698  }
0x1b8: {  	[hbm4b:s24+s3] =	stream.linear.scatter [tilespmem:s25], [sflag:$0x3], $0x80, $0x38;
	[tilespmem:$0x16C00] =	vst v63  }
0x1b9: {  	s24 =	sadd.s32 $0x40, s23;
	s25 =	simm.s32 $0xF720  }
0x1ba: {  	[hbm4b:s24+s3] =	stream.linear.scatter [tilespmem:s25], [sflag:$0x3], $0x80, $0x38;
	[tilespmem:$0x16C00] =	vst v63  }
0x1bb: {  	s24 =	sadd.s32 $0x50, s23;
	s25 =	simm.s32 $0xF7A8  }
0x1bc: {  	[hbm4b:s24+s3] =	stream.linear.scatter [tilespmem:s25], [sflag:$0x3], $0x80, $0x38;
	[tilespmem:$0x16C00] =	vst v63  }
0x1bd: {  	s24 =	sadd.s32 $0x60, s23;
	s25 =	simm.s32 $0xF830  }
0x1be: {  	[hbm4b:s24+s3] =	stream.linear.scatter [tilespmem:s25], [sflag:$0x3], $0x80, $0x38;
	[tilespmem:$0x16C00] =	vst v63  }
0x1bf: {  	s24 =	sadd.s32 $0x70, s23;
	s25 =	simm.s32 $0xF8B8  }
0x1c0: {  	[hbm4b:s24+s3] =	stream.linear.scatter [tilespmem:s25], [sflag:$0x3], $0x80, $0x38;
	[tilespmem:$0x16C00] =	vst v63  }
0x1c1: {  	s24 =	sadd.s32 $0x80, s23;
	s25 =	simm.s32 $0x11700  }
0x1c2: {  	[hbm4b:s24+s3] =	stream.linear.scatter [tilespmem:s25], [sflag:$0x3], $0x80, $0x38;
	[tilespmem:$0x16C00] =	vst v63  }
0x1c3: {  	s24 =	sadd.s32 $0x90, s23;
	s25 =	simm.s32 $0x11788  }
0x1c4: {  	[hbm4b:s24+s3] =	stream.linear.scatter [tilespmem:s25], [sflag:$0x3], $0x80, $0x38;
	[tilespmem:$0x16C00] =	vst v63  }
0x1c5: {  	s24 =	sadd.s32 $0xA0, s23;
	s25 =	simm.s32 $0x11810  }
0x1c6: {  	[hbm4b:s24+s3] =	stream.linear.scatter [tilespmem:s25], [sflag:$0x3], $0x80, $0x38;
	[tilespmem:$0x16C00] =	vst v63  }
0x1c7: {  	s24 =	sadd.s32 $0xB0, s23;
	s25 =	simm.s32 $0x11898  }
0x1c8: {  	[hbm4b:s24+s3] =	stream.linear.scatter [tilespmem:s25], [sflag:$0x3], $0x80, $0x38;
	[tilespmem:$0x16C00] =	vst v63  }
0x1c9: {  	s24 =	sadd.s32 $0xC0, s23;
	s25 =	simm.s32 $0x11920  }
0x1ca: {  	[hbm4b:s24+s3] =	stream.linear.scatter [tilespmem:s25], [sflag:$0x3], $0x80, $0x38;
	[tilespmem:$0x16C00] =	vst v63  }
0x1cb: {  	s24 =	sadd.s32 $0xD0, s23;
	s25 =	simm.s32 $0x119A8  }
0x1cc: {  	[hbm4b:s24+s3] =	stream.linear.scatter [tilespmem:s25], [sflag:$0x3], $0x80, $0x38;
	[tilespmem:$0x16C00] =	vst v63  }
0x1cd: {  	s24 =	sadd.s32 $0xE0, s23;
	s25 =	simm.s32 $0x11A30  }
0x1ce: {  	[hbm4b:s24+s3] =	stream.linear.scatter [tilespmem:s25], [sflag:$0x3], $0x80, $0x38;
	[tilespmem:$0x16C00] =	vst v63  }
0x1cf: {  	s23 =	sadd.s32 $0xF0, s23;
	s25 =	simm.s32 $0x11AB8;
	s24 =	sadd.s32 s20, s11  }
0x1d0: {  	[hbm4b:s23+s3] =	stream.linear.scatter [tilespmem:s25], [sflag:$0x3], $0x80, $0x38;
	[tilespmem:$0x16C00] =	vst v63  }
0x1d1: {  	s23 =	sadd.s32 s17, s24;
	s25 =	simm.s32 $0xF940  }
0x1d2: {  	[hbm4b:s23+s3] =	stream.linear.scatter [tilespmem:s25], [sflag:$0x3], $0x80, $0x38;
	[tilespmem:$0x16C00] =	vst v63  }
0x1d3: {  	s24 =	sadd.s32 $0x10, s23;
	s25 =	simm.s32 $0xF9C8  }
0x1d4: {  	[hbm4b:s24+s3] =	stream.linear.scatter [tilespmem:s25], [sflag:$0x3], $0x80, $0x38;
	[tilespmem:$0x16C00] =	vst v63  }
0x1d5: {  	s24 =	sadd.s32 $0x20, s23;
	s25 =	simm.s32 $0xFA50  }
0x1d6: {  	[hbm4b:s24+s3] =	stream.linear.scatter [tilespmem:s25], [sflag:$0x3], $0x80, $0x38;
	[tilespmem:$0x16C00] =	vst v63  }
0x1d7: {  	s24 =	sadd.s32 $0x30, s23;
	s25 =	simm.s32 $0xFAD8  }
0x1d8: {  	[hbm4b:s24+s3] =	stream.linear.scatter [tilespmem:s25], [sflag:$0x3], $0x80, $0x38;
	[tilespmem:$0x16C00] =	vst v63  }
0x1d9: {  	s24 =	sadd.s32 $0x40, s23;
	s25 =	simm.s32 $0xFB60  }
0x1da: {  	[hbm4b:s24+s3] =	stream.linear.scatter [tilespmem:s25], [sflag:$0x3], $0x80, $0x38;
	[tilespmem:$0x16C00] =	vst v63  }
0x1db: {  	s24 =	sadd.s32 $0x50, s23;
	s25 =	simm.s32 $0xFBE8  }
0x1dc: {  	[hbm4b:s24+s3] =	stream.linear.scatter [tilespmem:s25], [sflag:$0x3], $0x80, $0x38;
	[tilespmem:$0x16C00] =	vst v63  }
0x1dd: {  	s24 =	sadd.s32 $0x60, s23;
	s25 =	simm.s32 $0xFC70  }
0x1de: {  	[hbm4b:s24+s3] =	stream.linear.scatter [tilespmem:s25], [sflag:$0x3], $0x80, $0x38;
	[tilespmem:$0x16C00] =	vst v63  }
0x1df: {  	s24 =	sadd.s32 $0x70, s23;
	s25 =	simm.s32 $0xFCF8  }
0x1e0: {  	[hbm4b:s24+s3] =	stream.linear.scatter [tilespmem:s25], [sflag:$0x3], $0x80, $0x38;
	[tilespmem:$0x16C00] =	vst v63  }
0x1e1: {  	s24 =	sadd.s32 $0x80, s23;
	s25 =	simm.s32 $0x11B40  }
0x1e2: {  	[hbm4b:s24+s3] =	stream.linear.scatter [tilespmem:s25], [sflag:$0x3], $0x80, $0x38;
	[tilespmem:$0x16C00] =	vst v63  }
0x1e3: {  	s24 =	sadd.s32 $0x90, s23;
	s25 =	simm.s32 $0x11BC8  }
0x1e4: {  	[hbm4b:s24+s3] =	stream.linear.scatter [tilespmem:s25], [sflag:$0x3], $0x80, $0x38;
	[tilespmem:$0x16C00] =	vst v63  }
0x1e5: {  	s24 =	sadd.s32 $0xA0, s23;
	s25 =	simm.s32 $0x11C50  }
0x1e6: {  	[hbm4b:s24+s3] =	stream.linear.scatter [tilespmem:s25], [sflag:$0x3], $0x80, $0x38;
	[tilespmem:$0x16C00] =	vst v63  }
0x1e7: {  	s24 =	sadd.s32 $0xB0, s23;
	s25 =	simm.s32 $0x11CD8  }
0x1e8: {  	[hbm4b:s24+s3] =	stream.linear.scatter [tilespmem:s25], [sflag:$0x3], $0x80, $0x38;
	[tilespmem:$0x16C00] =	vst v63  }
0x1e9: {  	s24 =	sadd.s32 $0xC0, s23;
	s25 =	simm.s32 $0x11D60  }
0x1ea: {  	[hbm4b:s24+s3] =	stream.linear.scatter [tilespmem:s25], [sflag:$0x3], $0x80, $0x38;
	[tilespmem:$0x16C00] =	vst v63  }
0x1eb: {  	s24 =	sadd.s32 $0xD0, s23;
	s25 =	simm.s32 $0x11DE8  }
0x1ec: {  	[hbm4b:s24+s3] =	stream.linear.scatter [tilespmem:s25], [sflag:$0x3], $0x80, $0x38;
	[tilespmem:$0x16C00] =	vst v63  }
0x1ed: {  	s24 =	sadd.s32 $0xE0, s23;
	s25 =	simm.s32 $0x11E70  }
0x1ee: {  	[hbm4b:s24+s3] =	stream.linear.scatter [tilespmem:s25], [sflag:$0x3], $0x80, $0x38;
	[tilespmem:$0x16C00] =	vst v63  }
0x1ef: {  	s23 =	sadd.s32 $0xF0, s23;
	s25 =	simm.s32 $0x11EF8;
	s24 =	sadd.s32 s20, s12  }
0x1f0: {  	[hbm4b:s23+s3] =	stream.linear.scatter [tilespmem:s25], [sflag:$0x3], $0x80, $0x38;
	[tilespmem:$0x16C00] =	vst v63  }
0x1f1: {  	s23 =	sadd.s32 s17, s24;
	s25 =	simm.s32 $0xFD80  }
0x1f2: {  	[hbm4b:s23+s3] =	stream.linear.scatter [tilespmem:s25], [sflag:$0x3], $0x80, $0x38;
	[tilespmem:$0x16C00] =	vst v63  }
0x1f3: {  	s24 =	sadd.s32 $0x10, s23;
	s25 =	simm.s32 $0xFE08  }
0x1f4: {  	[hbm4b:s24+s3] =	stream.linear.scatter [tilespmem:s25], [sflag:$0x3], $0x80, $0x38;
	[tilespmem:$0x16C00] =	vst v63  }
0x1f5: {  	s24 =	sadd.s32 $0x20, s23;
	s25 =	simm.s32 $0xFE90  }
0x1f6: {  	[hbm4b:s24+s3] =	stream.linear.scatter [tilespmem:s25], [sflag:$0x3], $0x80, $0x38;
	[tilespmem:$0x16C00] =	vst v63  }
0x1f7: {  	s24 =	sadd.s32 $0x30, s23;
	s25 =	simm.s32 $0xFF18  }
0x1f8: {  	[hbm4b:s24+s3] =	stream.linear.scatter [tilespmem:s25], [sflag:$0x3], $0x80, $0x38;
	[tilespmem:$0x16C00] =	vst v63  }
0x1f9: {  	s24 =	sadd.s32 $0x40, s23;
	s25 =	simm.s32 $0xFFA0  }
0x1fa: {  	[hbm4b:s24+s3] =	stream.linear.scatter [tilespmem:s25], [sflag:$0x3], $0x80, $0x38;
	[tilespmem:$0x16C00] =	vst v63  }
0x1fb: {  	s24 =	sadd.s32 $0x50, s23;
	s25 =	simm.s32 $0x10028  }
0x1fc: {  	[hbm4b:s24+s3] =	stream.linear.scatter [tilespmem:s25], [sflag:$0x3], $0x80, $0x38;
	[tilespmem:$0x16C00] =	vst v63  }
0x1fd: {  	s24 =	sadd.s32 $0x60, s23;
	s25 =	simm.s32 $0x100B0  }
0x1fe: {  	[hbm4b:s24+s3] =	stream.linear.scatter [tilespmem:s25], [sflag:$0x3], $0x80, $0x38;
	[tilespmem:$0x16C00] =	vst v63  }
0x1ff: {  	s24 =	sadd.s32 $0x70, s23;
	s25 =	simm.s32 $0x10138  }
0x200: {  	[hbm4b:s24+s3] =	stream.linear.scatter [tilespmem:s25], [sflag:$0x3], $0x80, $0x38;
	[tilespmem:$0x16C00] =	vst v63  }
0x201: {  	s24 =	sadd.s32 $0x80, s23;
	s25 =	simm.s32 $0x11F80  }
0x202: {  	[hbm4b:s24+s3] =	stream.linear.scatter [tilespmem:s25], [sflag:$0x3], $0x80, $0x38;
	[tilespmem:$0x16C00] =	vst v63  }
0x203: {  	s24 =	sadd.s32 $0x90, s23;
	s25 =	simm.s32 $0x12008  }
0x204: {  	[hbm4b:s24+s3] =	stream.linear.scatter [tilespmem:s25], [sflag:$0x3], $0x80, $0x38;
	[tilespmem:$0x16C00] =	vst v63  }
0x205: {  	s24 =	sadd.s32 $0xA0, s23;
	s25 =	simm.s32 $0x12090  }
0x206: {  	[hbm4b:s24+s3] =	stream.linear.scatter [tilespmem:s25], [sflag:$0x3], $0x80, $0x38;
	[tilespmem:$0x16C00] =	vst v63  }
0x207: {  	s24 =	sadd.s32 $0xB0, s23;
	s25 =	simm.s32 $0x12118  }
0x208: {  	[hbm4b:s24+s3] =	stream.linear.scatter [tilespmem:s25], [sflag:$0x3], $0x80, $0x38;
	[tilespmem:$0x16C00] =	vst v63  }
0x209: {  	s24 =	sadd.s32 $0xC0, s23;
	s25 =	simm.s32 $0x121A0  }
0x20a: {  	[hbm4b:s24+s3] =	stream.linear.scatter [tilespmem:s25], [sflag:$0x3], $0x80, $0x38;
	[tilespmem:$0x16C00] =	vst v63  }
0x20b: {  	s24 =	sadd.s32 $0xD0, s23;
	s25 =	simm.s32 $0x12228  }
0x20c: {  	[hbm4b:s24+s3] =	stream.linear.scatter [tilespmem:s25], [sflag:$0x3], $0x80, $0x38;
	[tilespmem:$0x16C00] =	vst v63  }
0x20d: {  	s24 =	sadd.s32 $0xE0, s23;
	s25 =	simm.s32 $0x122B0  }
0x20e: {  	[hbm4b:s24+s3] =	stream.linear.scatter [tilespmem:s25], [sflag:$0x3], $0x80, $0x38;
	[tilespmem:$0x16C00] =	vst v63  }
0x20f: {  	s20 =	sadd.s32 s20, s13;
	s23 =	sadd.s32 $0xF0, s23;
	s25 =	simm.s32 $0x12338  }
0x210: {  	[hbm4b:s23+s3] =	stream.linear.scatter [tilespmem:s25], [sflag:$0x3], $0x80, $0x38;
	[tilespmem:$0x16C00] =	vst v63  }
0x211: {  	s20 =	sadd.s32 s17, s20;
	s25 =	simm.s32 $0x101C0  }
0x212: {  	[hbm4b:s20+s3] =	stream.linear.scatter [tilespmem:s25], [sflag:$0x3], $0x80, $0x38;
	[tilespmem:$0x16C00] =	vst v63  }
0x213: {  	s24 =	sadd.s32 $0x10, s20;
	s25 =	simm.s32 $0x10248  }
0x214: {  	[hbm4b:s24+s3] =	stream.linear.scatter [tilespmem:s25], [sflag:$0x3], $0x80, $0x38;
	[tilespmem:$0x16C00] =	vst v63  }
0x215: {  	s24 =	sadd.s32 $0x20, s20;
	s25 =	simm.s32 $0x102D0  }
0x216: {  	[hbm4b:s24+s3] =	stream.linear.scatter [tilespmem:s25], [sflag:$0x3], $0x80, $0x38;
	[tilespmem:$0x16C00] =	vst v63  }
0x217: {  	s24 =	sadd.s32 $0x30, s20;
	s25 =	simm.s32 $0x10358  }
0x218: {  	[hbm4b:s24+s3] =	stream.linear.scatter [tilespmem:s25], [sflag:$0x3], $0x80, $0x38;
	[tilespmem:$0x16C00] =	vst v63  }
0x219: {  	s24 =	sadd.s32 $0x40, s20;
	s25 =	simm.s32 $0x103E0  }
0x21a: {  	[hbm4b:s24+s3] =	stream.linear.scatter [tilespmem:s25], [sflag:$0x3], $0x80, $0x38;
	[tilespmem:$0x16C00] =	vst v63  }
0x21b: {  	s24 =	sadd.s32 $0x50, s20;
	s25 =	simm.s32 $0x10468  }
0x21c: {  	[hbm4b:s24+s3] =	stream.linear.scatter [tilespmem:s25], [sflag:$0x3], $0x80, $0x38;
	[tilespmem:$0x16C00] =	vst v63  }
0x21d: {  	s24 =	sadd.s32 $0x60, s20;
	s25 =	simm.s32 $0x104F0  }
0x21e: {  	[hbm4b:s24+s3] =	stream.linear.scatter [tilespmem:s25], [sflag:$0x3], $0x80, $0x38;
	[tilespmem:$0x16C00] =	vst v63  }
0x21f: {  	s24 =	sadd.s32 $0x70, s20;
	s25 =	simm.s32 $0x10578  }
0x220: {  	[hbm4b:s24+s3] =	stream.linear.scatter [tilespmem:s25], [sflag:$0x3], $0x80, $0x38;
	[tilespmem:$0x16C00] =	vst v63  }
0x221: {  	s24 =	sadd.s32 $0x80, s20;
	s25 =	simm.s32 $0x123C0  }
0x222: {  	[hbm4b:s24+s3] =	stream.linear.scatter [tilespmem:s25], [sflag:$0x3], $0x80, $0x38;
	[tilespmem:$0x16C00] =	vst v63  }
0x223: {  	s24 =	sadd.s32 $0x90, s20;
	s25 =	simm.s32 $0x12448  }
0x224: {  	[hbm4b:s24+s3] =	stream.linear.scatter [tilespmem:s25], [sflag:$0x3], $0x80, $0x38;
	[tilespmem:$0x16C00] =	vst v63  }
0x225: {  	s24 =	sadd.s32 $0xA0, s20;
	s25 =	simm.s32 $0x124D0  }
0x226: {  	[hbm4b:s24+s3] =	stream.linear.scatter [tilespmem:s25], [sflag:$0x3], $0x80, $0x38;
	[tilespmem:$0x16C00] =	vst v63  }
0x227: {  	s24 =	sadd.s32 $0xB0, s20;
	s25 =	simm.s32 $0x12558  }
0x228: {  	[hbm4b:s24+s3] =	stream.linear.scatter [tilespmem:s25], [sflag:$0x3], $0x80, $0x38;
	[tilespmem:$0x16C00] =	vst v63  }
0x229: {  	s24 =	sadd.s32 $0xC0, s20;
	s25 =	simm.s32 $0x125E0  }
0x22a: {  	[hbm4b:s24+s3] =	stream.linear.scatter [tilespmem:s25], [sflag:$0x3], $0x80, $0x38;
	[tilespmem:$0x16C00] =	vst v63  }
0x22b: {  	p1 =	sne.s32 s6, $0x31;
	s24 =	sadd.s32 $0xD0, s20;
	s25 =	simm.s32 $0x12668  }
0x22c: {  	[hbm4b:s24+s3] =	stream.linear.scatter [tilespmem:s25], [sflag:$0x3], $0x80, $0x38;
	[tilespmem:$0x16C00] =	vst v63  }
.Ltmp3:
0x22d: {  	_ = 	snop;
	(pc) =	sbr.rel @p1 .LBB2_8-.Ltmp3, $4  }
0x22e: {  	s24 =	sadd.s32 $0xE0, s20;
	s25 =	simm.s32 $0x126F0  }
0x22f: {  	[hbm4b:s24+s3] =	stream.linear.scatter [tilespmem:s25], [sflag:$0x3], $0x80, $0x38;
	[tilespmem:$0x16C00] =	vst v63  }
0x230: {  	s20 =	sadd.s32 $0xF0, s20;
	s25 =	simm.s32 $0x12778  }
0x231: {  	[hbm4b:s20+s3] =	stream.linear.scatter [tilespmem:s25], [sflag:$0x3], $0x80, $0x38;
	[tilespmem:$0x16C00] =	vst v63  }
0x232: {  	_ =	swait.ge [sflag:s1], $0x4000  }
0x233: {  	v61 =	vld [tilespmem:$0x1FF20]  }
0x234: {  	v33 =	vld [tilespmem:$0x1FFB0]  }
0x235: {  	v31 =	vld [tilespmem:$0x1FE30]  }
0x236: {  	v32 =	vld [tilespmem:$0x1FF40]  }
0x237: {  	v34 =	vld [tilespmem:$0x1FF60]  }
0x238: {  	v35 =	vld [tilespmem:$0x1FFD0]  }
0x239: {  	v36 =	vld [tilespmem:$0x1FE40]  }
.Ltmp4:
0x23a: {  	v37 =	vld [tilespmem:$0x1FE50];
	(pc) =	sbr.rel .LBB2_9-.Ltmp4, $4  }
0x23b: {  	v38 =	vld [tilespmem:$0x1FF80]  }
0x23c: {  	v39 =	vld [tilespmem:$0x1FFE0]  }
0x23d: {  	[sflag:s1] =	ssyncset.done $0x0;
	v40 =	vld [tilespmem:$0x1FE60]  }
0x23e: {  	v48 =	vmov v52;
	v44 =	vld [tilespmem:$0x1FE80];
	[sflag:s1] =	ssyncadd.s32 $0xFFFFC000  }
.LBB2_8:
0x23f: {  	s19 =	sadd.s32 $0x2, s19  }
0x240: {  	s20 =	smulhi.u32 $0x51EB851F, s19;
	_ =	sdelay $0x1  }
0x241: {  	s23 =	sshrl.u32 s20, $0x4  }
0x242: {  	s23 =	smul.u32 $0x32, s23;
	_ =	sdelay $0x1  }
0x243: {  	s20 =	sshll.u32 s20, $0x4;
	s19 =	ssub.s32 s19, s23  }
0x244: {  	s20 =	sand.u32 $0x3FFFFF00, s20;
	s19 =	sshll.u32 s19, $0x9  }
0x245: {  	s25 =	simm.s32 $0x6400;
	s19 =	sadd.s32 s20, s19  }
0x246: {  	[tilespmem:s25], [sflag:$0x1] =	stream.indirect.gather [hbm4b:s4+s18], $0x40, s19, s18, $0xb8;
	[tilespmem:$0x16C00] =	vst v63  }
0x247: {  	_ =	swait.ge [sflag:s1], $0x4000  }
0x248: {  	v61 =	vld [tilespmem:$0x1FF20]  }
0x249: {  	v33 =	vld [tilespmem:$0x1FFB0]  }
0x24a: {  	v31 =	vld [tilespmem:$0x1FE30]  }
0x24b: {  	v32 =	vld [tilespmem:$0x1FF40]  }
0x24c: {  	v34 =	vld [tilespmem:$0x1FF60]  }
0x24d: {  	v35 =	vld [tilespmem:$0x1FFD0]  }
0x24e: {  	v36 =	vld [tilespmem:$0x1FE40]  }
.Ltmp5:
0x24f: {  	v37 =	vld [tilespmem:$0x1FE50];
	(pc) =	sbr.rel @p0 .LBB2_10-.Ltmp5, $4  }
0x250: {  	v38 =	vld [tilespmem:$0x1FF80]  }
0x251: {  	v39 =	vld [tilespmem:$0x1FFE0]  }
0x252: {  	[sflag:s1] =	ssyncset.done $0x0;
	v40 =	vld [tilespmem:$0x1FE60]  }
0x253: {  	v48 =	vmov v52;
	v44 =	vld [tilespmem:$0x1FE80];
	[sflag:s1] =	ssyncadd.s32 $0xFFFFC000  }
.LBB2_9:
0x254: {  	_ =	swait.ge [sflag:s0], $0x800  }
0x255: {  	[sflag:s0] =	ssyncset.done $0x0  }
0x256: {  	[sflag:s0] =	ssyncadd.s32 $0xFFFFF800  }
0x257: {  	_ =	swait.ge [sflag:s0], $0x800  }
0x258: {  	[sflag:s0] =	ssyncset.done $0x0  }
0x259: {  	[sflag:s0] =	ssyncadd.s32 $0xFFFFF800  }
0x25a: {  	_ =	swait.ge [sflag:s0], $0x800  }
0x25b: {  	[sflag:s0] =	ssyncset.done $0x0  }
0x25c: {  	[sflag:s0] =	ssyncadd.s32 $0xFFFFF800  }
0x25d: {  	_ =	swait.ge [sflag:s0], $0x800  }
0x25e: {  	[sflag:s0] =	ssyncset.done $0x0  }
0x25f: {  	[sflag:s0] =	ssyncadd.s32 $0xFFFFF800  }
0x260: {  	_ =	swait.ge [sflag:s0], $0x800  }
0x261: {  	[sflag:s0] =	ssyncset.done $0x0  }
0x262: {  	[sflag:s0] =	ssyncadd.s32 $0xFFFFF800  }
0x263: {  	_ =	swait.ge [sflag:s0], $0x800  }
0x264: {  	[sflag:s0] =	ssyncset.done $0x0  }
0x265: {  	[sflag:s0] =	ssyncadd.s32 $0xFFFFF800  }
0x266: {  	_ =	swait.ge [sflag:s0], $0x800  }
0x267: {  	[sflag:s0] =	ssyncset.done $0x0  }
0x268: {  	[sflag:s0] =	ssyncadd.s32 $0xFFFFF800  }
0x269: {  	_ =	swait.ge [sflag:s0], $0x800  }
0x26a: {  	[sflag:s0] =	ssyncset.done $0x0  }
0x26b: {  	[sflag:s0] =	ssyncadd.s32 $0xFFFFF800  }
.LBB2_10:
0x26c: {  	s23 =	simm.s32 $0x7  }
0x26d: {  	s19 =	simm.s32 $0x0;
	s24 =	simm.s32 $0x1;
	v8 =	vmov s23  }
0x26e: {  	s20 =	simm.s32 $0x2;
	v3 =	vmov s19;
	v4 =	vmov s24;
	v8 =	vshrl.u32 v8, $0x3  }
0x26f: {  	v5 =	vmov s20;
	v3 =	vshrl.u32 v3, $0x3;
	v8 =	vshll.u32 v8, v1  }
0x270: {  	v4 =	vshrl.u32 v4, $0x3;
	v3 =	vshll.u32 v3, v1;
	v8 =	vbroadcast v8, $0x0  }
0x271: {  	s19 =	simm.s32 $0xA5F0;
	v5 =	vshrl.u32 v5, $0x3;
	v4 =	vshll.u32 v4, v1;
	v3 =	vbroadcast v3, $0x0  }
0x272: {  	v11 =	vld [tilespmem:s19+$0xFFFFFFD0];
	v15 =	vbroadcast v4, $0x0;
	v4 =	vshll.u32 v5, v1;
	v12 =	vadd.s32 v56, v8  }
0x273: {  	v13 =	vld [tilespmem:s19+$0xFFFFFE10];
	v24 =	vbroadcast v4, $0x0;
	v14 =	vadd.s32 v0, v3  }
0x274: {  	v16 =	vld [tilespmem:s19+$0xFFFFFE50];
	v17 =	vadd.s32 v31, v15  }
0x275: {  	s25 =	simm.s32 $0x3;
	v18 =	vld [tilespmem:s19+$0xFFFFFE90];
	v19 =	vadd.s32 v36, v24  }
0x276: {  	s24 =	simm.s32 $0x4;
	v6 =	vmov s25  }
0x277: {  	s25 =	simm.s32 $0x5;
	v7 =	vmov s24;
	v6 =	vshrl.u32 v6, $0x3;
	[tilespmem:v12+s15+$0x0] =	vst.idx.msk $0xffff, v11  }
0x278: {  	v9 =	vmov s25;
	v7 =	vshrl.u32 v7, $0x3;
	v4 =	vshll.u32 v6, v1;
	[tilespmem:v14+s15+$0x0] =	vst.idx.msk $0xffff, v13  }
0x279: {  	v6 =	vshrl.u32 v9, $0x3;
	v5 =	vbroadcast v4, $0x0;
	v4 =	vshll.u32 v7, v1;
	[tilespmem:v17+s15+$0x0] =	vst.idx.msk $0xffff, v16  }
0x27a: {  	s24 =	simm.s32 $0x6;
	v9 =	vld [tilespmem:s19+$0xFFFFFED0];
	v6 =	vshll.u32 v6, v1;
	v4 =	vbroadcast v4, $0x0;
	[tilespmem:v19+s15+$0x0] =	vst.idx.msk $0xffff, v18  }
0x27b: {  	v10 =	vmov s24;
	v7 =	vbroadcast v6, $0x0;
	v20 =	vadd.s32 v40, v5;
	v52 =	vld [tilespmem:$0x1FEC0]  }
0x27c: {  	v21 =	vld [tilespmem:s19+$0xFFFFFF10];
	v10 =	vshrl.u32 v10, $0x3;
	v22 =	vadd.s32 v44, v4  }
0x27d: {  	v6 =	vshll.u32 v10, v1;
	v12 =	vld [tilespmem:s19+$0xFFFFFF50];
	v13 =	vadd.s32 v48, v7  }
0x27e: {  	v6 =	vbroadcast v6, $0x0;
	v11 =	vadd.s32 v57, v8;
	v10 =	vld [tilespmem:s19+$0xFFFFFFE0]  }
0x27f: {  	v17 =	vld [tilespmem:s19+$0xFFFFFE60];
	v18 =	vadd.s32 v32, v15  }
0x280: {  	v14 =	vld [tilespmem:s19+$0xFFFFFF90];
	[tilespmem:v20+s15+$0x0] =	vst.idx.msk $0xffff, v9;
	v16 =	vadd.s32 v52, v6  }
0x281: {  	[tilespmem:v22+s15+$0x0] =	vst.idx.msk $0xffff, v21  }
0x282: {  	v41 =	vld [tilespmem:$0x1FE70];
	[tilespmem:v13+s15+$0x0] =	vst.idx.msk $0xffff, v12  }
0x283: {  	[tilespmem:v11+s15+$0x0] =	vst.idx.msk $0xffff, v10  }
0x284: {  	v45 =	vld [tilespmem:$0x1FE90];
	[tilespmem:v18+s15+$0x0] =	vst.idx.msk $0xffff, v17  }
0x285: {  	[tilespmem:v16+s15+$0x0] =	vst.idx.msk $0xffff, v14  }
0x286: {  	v49 =	vld [tilespmem:$0x1FEB0]  }
0x287: {  	v19 =	vadd.s32 v37, v24;
	v9 =	vld [tilespmem:s19+$0xFFFFFEA0]  }
0x288: {  	v11 =	vadd.s32 v58, v8;
	v10 =	vld [tilespmem:s19+$0xFFFFFFF0]  }
0x289: {  	v20 =	vld [tilespmem:s19+$0xFFFFFEE0];
	v21 =	vadd.s32 v41, v5  }
0x28a: {  	v12 =	vld [tilespmem:s19+$0xFFFFFF20];
	v13 =	vadd.s32 v45, v4  }
0x28b: {  	v14 =	vld [tilespmem:s19+$0xFFFFFF60];
	v16 =	vadd.s32 v49, v7  }
0x28c: {  	v17 =	vadd.s32 v53, v6;
	[tilespmem:v19+s15+$0x0] =	vst.idx.msk $0xffff, v9;
	v9 =	vld [tilespmem:s19+$0xFFFFFFA0]  }
0x28d: {  	v18 =	vld [tilespmem:s19+$0xFFFFFE20];
	v19 =	vadd.s32 v29, v3;
	[tilespmem:v11+s15+$0x0] =	vst.idx.msk $0xffff, v10  }
0x28e: {  	[tilespmem:v21+s15+$0x0] =	vst.idx.msk $0xffff, v20  }
0x28f: {  	[tilespmem:v13+s15+$0x0] =	vst.idx.msk $0xffff, v12  }
0x290: {  	[tilespmem:v16+s15+$0x0] =	vst.idx.msk $0xffff, v14  }
0x291: {  	v42 =	vld [tilespmem:$0x1FFA0];
	[tilespmem:v17+s15+$0x0] =	vst.idx.msk $0xffff, v9  }
0x292: {  	v20 =	vld [tilespmem:s19+$0xFFFFFE70];
	[tilespmem:v19+s15+$0x0] =	vst.idx.msk $0xffff, v18  }
0x293: {  	v21 =	vadd.s32 v34, v15;
	v46 =	vld [tilespmem:$0x1FFC0]  }
0x294: {  	v22 =	vld [tilespmem:s19+$0xFFFFFEB0]  }
0x295: {  	v8 =	vadd.s32 v59, v8;
	v13 =	vld [tilespmem:s19+$0x0]  }
0x296: {  	v23 =	vadd.s32 v38, v24;
	v25 =	vld [tilespmem:s19+$0xFFFFFEF0]  }
0x297: {  	v27 =	vld [tilespmem:s19+$0xFFFFFF30];
	v26 =	vadd.s32 v42, v5  }
0x298: {  	v10 =	vld [tilespmem:s19+$0xFFFFFF70];
	[tilespmem:v21+s15+$0x0] =	vst.idx.msk $0xffff, v20;
	v28 =	vadd.s32 v46, v4  }
0x299: {  	v50 =	vld [tilespmem:$0x1FFF0]  }
0x29a: {  	v12 =	vld [tilespmem:s19+$0xFFFFFFB0];
	[tilespmem:v8+s15+$0x0] =	vst.idx.msk $0xffff, v13  }
0x29b: {  	v17 =	vld [tilespmem:s19+$0xFFFFFE30];
	[tilespmem:v23+s15+$0x0] =	vst.idx.msk $0xffff, v22  }
0x29c: {  	v19 =	vld [tilespmem:s19+$0xFFFFFE80];
	[tilespmem:v26+s15+$0x0] =	vst.idx.msk $0xffff, v25  }
0x29d: {  	v23 =	vld [tilespmem:s19+$0xFFFFFEC0];
	[tilespmem:v28+s15+$0x0] =	vst.idx.msk $0xffff, v27  }
0x29e: {  	s25 =	simm.s32 $0x8;
	v24 =	vadd.s32 v39, v24;
	v11 =	vadd.s32 v50, v7;
	v47 =	vld [tilespmem:$0x1FDE0]  }
0x29f: {  	s23 =	simm.s32 $0x9;
	s24 =	simm.s32 $0xA;
	v14 =	vadd.s32 v54, v6;
	v9 =	vmov s25;
	v18 =	vadd.s32 v33, v3;
	v51 =	vld [tilespmem:$0x1FDF0]  }
0x2a0: {  	s25 =	simm.s32 $0xB;
	v9 =	vshrl.u32 v9, $0x3;
	v20 =	vmov s23;
	v21 =	vmov s24;
	s23 =	simm.s32 $0xC;
	v55 =	vld [tilespmem:$0x1FE00]  }
0x2a1: {  	s24 =	simm.s32 $0xD;
	v13 =	vmov s25;
	v16 =	vmov s23;
	s25 =	simm.s32 $0xE;
	v22 =	vadd.s32 v35, v15;
	v60 =	vld [tilespmem:$0x1FE10]  }
0x2a2: {  	s20 =	simm.s32 $0x10;
	v8 =	vmov s24;
	v15 =	vshll.u32 v9, v1;
	s23 =	simm.s32 $0xF;
	v9 =	vmov s25;
	v43 =	vld [tilespmem:$0x1FDD0]  }
.LBB2_11:
0x2a3: {  	p0 =	slt.u32 s20, $0x78;
	v20 =	vshrl.u32 v20, $0x3;
	v25 =	vmov s23;
	v26 =	vld [tilespmem:s19+$0xFFFFFF00];
	v5 =	vadd.s32 v47, v5;
	[tilespmem:v11+s15+$0x0] =	vst.idx.msk $0xffff, v10  }
0x2a4: {  	v10 =	vshrl.u32 v21, $0x3;
	v4 =	vadd.s32 v51, v4;
	v11 =	vshrl.u32 v25, $0x3;
	v21 =	vld [tilespmem:s19+$0xFFFFFF40];
	[tilespmem:v14+s15+$0x0] =	vst.idx.msk $0xffff, v12  }
0x2a5: {  	v7 =	vadd.s32 v55, v7;
	v12 =	vshrl.u32 v13, $0x3;
	v11 =	vshll.u32 v11, v1;
	[tilespmem:v18+s15+$0x0] =	vst.idx.msk $0xffff, v17;
	v13 =	vld [tilespmem:s19+$0xFFFFFF80]  }
0x2a6: {  	v6 =	vadd.s32 v60, v6;
	v14 =	vshrl.u32 v16, $0x3;
	v11 =	vbroadcast v11, $0x0;
	[tilespmem:v22+s15+$0x0] =	vst.idx.msk $0xffff, v19;
	v16 =	vld [tilespmem:s19+$0xFFFFFFC0]  }
0x2a7: {  	v17 =	vshll.u32 v20, v1;
	v19 =	vadd.s32 v43, v3;
	v3 =	vbroadcast v15, $0x0;
	v18 =	vld [tilespmem:s19+$0xFFFFFE40];
	[tilespmem:v24+s15+$0x0] =	vst.idx.msk $0xffff, v23;
	s19 =	sadd.s32 $0x200, s19  }
0x2a8: {  	v10 =	vshll.u32 v10, v1;
	v15 =	vbroadcast v17, $0x0;
	v17 =	vld [tilespmem:s19+$0xFFFFFFD0];
	v20 =	vadd.s32 v56, v11;
	[tilespmem:v5+s15+$0x0] =	vst.idx.msk $0xffff, v26  }
0x2a9: {  	v24 =	vbroadcast v10, $0x0;
	v23 =	vadd.s32 v0, v3;
	v5 =	vshll.u32 v12, v1;
	v22 =	vld [tilespmem:s19+$0xFFFFFE10];
	[tilespmem:v4+s15+$0x0] =	vst.idx.msk $0xffff, v21  }
0x2aa: {  	v12 =	vadd.s32 v31, v15;
	v5 =	vbroadcast v5, $0x0;
	v4 =	vshll.u32 v14, v1;
	v10 =	vld [tilespmem:s19+$0xFFFFFE50];
	[tilespmem:v7+s15+$0x0] =	vst.idx.msk $0xffff, v13  }
0x2ab: {  	v14 =	vadd.s32 v36, v24;
	v4 =	vbroadcast v4, $0x0;
	v7 =	vshrl.u32 v8, $0x3;
	v13 =	vld [tilespmem:s19+$0xFFFFFE90];
	[tilespmem:v6+s15+$0x0] =	vst.idx.msk $0xffff, v16  }
0x2ac: {  	v9 =	vshrl.u32 v9, $0x3;
	v16 =	vadd.s32 v40, v5;
	v6 =	vshll.u32 v7, v1;
	v8 =	vld [tilespmem:s19+$0xFFFFFED0];
	[tilespmem:v19+s15+$0x0] =	vst.idx.msk $0xffff, v18  }
0x2ad: {  	v19 =	vadd.s32 v44, v4;
	v7 =	vbroadcast v6, $0x0;
	v6 =	vshll.u32 v9, v1;
	v18 =	vld [tilespmem:s19+$0xFFFFFF10];
	[tilespmem:v20+s15+$0x0] =	vst.idx.msk $0xffff, v17  }
0x2ae: {  	v6 =	vbroadcast v6, $0x0;
	v17 =	vadd.s32 v57, v11;
	[tilespmem:v23+s15+$0x0] =	vst.idx.msk $0xffff, v22;
	v9 =	vld [tilespmem:s19+$0xFFFFFFE0]  }
0x2af: {  	[tilespmem:v12+s15+$0x0] =	vst.idx.msk $0xffff, v10;
	v10 =	vld [tilespmem:s19+$0xFFFFFF50];
	v12 =	vadd.s32 v48, v7  }
0x2b0: {  	[tilespmem:v14+s15+$0x0] =	vst.idx.msk $0xffff, v13;
	v13 =	vld [tilespmem:s19+$0xFFFFFF90];
	v14 =	vadd.s32 v52, v6  }
0x2b1: {  	v21 =	vadd.s32 v32, v15;
	v20 =	vld [tilespmem:s19+$0xFFFFFE60];
	[tilespmem:v16+s15+$0x0] =	vst.idx.msk $0xffff, v8  }
0x2b2: {  	v16 =	vadd.s32 v37, v24;
	v8 =	vld [tilespmem:s19+$0xFFFFFEA0];
	[tilespmem:v19+s15+$0x0] =	vst.idx.msk $0xffff, v18  }
0x2b3: {  	v19 =	vadd.s32 v41, v5;
	v18 =	vld [tilespmem:s19+$0xFFFFFEE0];
	[tilespmem:v17+s15+$0x0] =	vst.idx.msk $0xffff, v9  }
0x2b4: {  	[tilespmem:v12+s15+$0x0] =	vst.idx.msk $0xffff, v10;
	v9 =	vld [tilespmem:s19+$0xFFFFFFF0];
	v10 =	vadd.s32 v58, v11  }
0x2b5: {  	v17 =	vadd.s32 v45, v4;
	v12 =	vld [tilespmem:s19+$0xFFFFFF20];
	[tilespmem:v14+s15+$0x0] =	vst.idx.msk $0xffff, v13  }
0x2b6: {  	v14 =	vadd.s32 v49, v7;
	[tilespmem:v21+s15+$0x0] =	vst.idx.msk $0xffff, v20;
	v13 =	vld [tilespmem:s19+$0xFFFFFF60]  }
0x2b7: {  	[tilespmem:v16+s15+$0x0] =	vst.idx.msk $0xffff, v8;
	v8 =	vld [tilespmem:s19+$0xFFFFFFA0];
	v16 =	vadd.s32 v53, v6  }
0x2b8: {  	v21 =	vadd.s32 v29, v3;
	v20 =	vld [tilespmem:s19+$0xFFFFFE20];
	[tilespmem:v19+s15+$0x0] =	vst.idx.msk $0xffff, v18  }
0x2b9: {  	v19 =	vadd.s32 v34, v15;
	v18 =	vld [tilespmem:s19+$0xFFFFFE70];
	[tilespmem:v10+s15+$0x0] =	vst.idx.msk $0xffff, v9  }
0x2ba: {  	[tilespmem:v17+s15+$0x0] =	vst.idx.msk $0xffff, v12;
	v9 =	vld [tilespmem:s19+$0x0];
	v17 =	vadd.s32 v59, v11  }
0x2bb: {  	v23 =	vadd.s32 v38, v24;
	v22 =	vld [tilespmem:s19+$0xFFFFFEB0];
	[tilespmem:v14+s15+$0x0] =	vst.idx.msk $0xffff, v13  }
0x2bc: {  	v26 =	vadd.s32 v42, v5;
	v25 =	vld [tilespmem:s19+$0xFFFFFEF0];
	[tilespmem:v16+s15+$0x0] =	vst.idx.msk $0xffff, v8  }
0x2bd: {  	v28 =	vadd.s32 v46, v4;
	[tilespmem:v21+s15+$0x0] =	vst.idx.msk $0xffff, v20;
	v27 =	vld [tilespmem:s19+$0xFFFFFF30]  }
.Ltmp6:
0x2be: {  	s23 =	sadd.s32 $0x1, s20;
	v11 =	vadd.s32 v50, v7;
	v8 =	vmov s20;
	[tilespmem:v19+s15+$0x0] =	vst.idx.msk $0xffff, v18;
	v10 =	vld [tilespmem:s19+$0xFFFFFF70];
	(pc) =	sbr.rel @p0 .LBB2_11-.Ltmp6, $4  }
0x2bf: {  	v30 =	vmovc v29;
	s24 =	sadd.s32 $0x3, s20;
	v14 =	vadd.s32 v54, v6;
	v29 =	vshrl.u32 v8, $0x3;
	v20 =	vmov s23;
	s23 =	sadd.s32 $0x2, s20;
	v12 =	vld [tilespmem:s19+$0xFFFFFFB0];
	[tilespmem:v17+s15+$0x0] =	vst.idx.msk $0xffff, v9  }
0x2c0: {  	v13 =	vmov s24;
	s24 =	sadd.s32 $0x5, s20;
	v21 =	vmov s23;
	s23 =	sadd.s32 $0x4, s20;
	v18 =	vadd.s32 v33, v3;
	v17 =	vld [tilespmem:s19+$0xFFFFFE30];
	[tilespmem:v23+s15+$0x0] =	vst.idx.msk $0xffff, v22  }
0x2c1: {  	v8 =	vmov s24;
	v16 =	vmov s23;
	s23 =	sadd.s32 $0x6, s20;
	v22 =	vadd.s32 v35, v15;
	v19 =	vld [tilespmem:s19+$0xFFFFFE80];
	[tilespmem:v26+s15+$0x0] =	vst.idx.msk $0xffff, v25  }
0x2c2: {  	v24 =	vadd.s32 v39, v24;
	v15 =	vshll.u32 v29, v1;
	v29 =	vmovc v30;
	v9 =	vmov s23;
	s23 =	sadd.s32 $0x7, s20;
	s20 =	sadd.s32 $0x8, s20;
	v23 =	vld [tilespmem:s19+$0xFFFFFEC0];
	[tilespmem:v28+s15+$0x0] =	vst.idx.msk $0xffff, v27  }
0x2c3: {  	_ =	sdelay $0x3  }
0x2c4: {  	v20 =	vshrl.u32 v20, $0x3;
	[tilespmem:v11+s15+$0x0] =	vst.idx.msk $0xffff, v10;
	v10 =	vmov s23;
	v11 =	vld [tilespmem:s19+$0xFFFFFF00];
	v5 =	vadd.s32 v47, v5  }
0x2c5: {  	v4 =	vadd.s32 v51, v4;
	v13 =	vshrl.u32 v13, $0x3;
	[tilespmem:v14+s15+$0x0] =	vst.idx.msk $0xffff, v12;
	v10 =	vshrl.u32 v10, $0x3;
	v14 =	vld [tilespmem:s19+$0xFFFFFF40]  }
0x2c6: {  	v7 =	vadd.s32 v55, v7;
	v16 =	vshrl.u32 v16, $0x3;
	[tilespmem:v18+s15+$0x0] =	vst.idx.msk $0xffff, v17;
	v10 =	vshll.u32 v10, v1;
	v17 =	vld [tilespmem:s19+$0xFFFFFF80]  }
0x2c7: {  	v6 =	vadd.s32 v60, v6;
	v15 =	vbroadcast v15, $0x0;
	v18 =	vld [tilespmem:s19+$0xFFFFFFC0];
	[tilespmem:v22+s15+$0x0] =	vst.idx.msk $0xffff, v19;
	v10 =	vbroadcast v10, $0x0  }
0x2c8: {  	v3 =	vadd.s32 v43, v3;
	s25 =	sadd.s32 $0x200, s19;
	v12 =	vshrl.u32 v21, $0x3;
	v19 =	vshll.u32 v20, v1;
	v20 =	vld [tilespmem:s19+$0xFFFFFE40];
	[tilespmem:v24+s15+$0x0] =	vst.idx.msk $0xffff, v23  }
0x2c9: {  	v12 =	vshll.u32 v12, v1;
	v19 =	vbroadcast v19, $0x0;
	[tilespmem:v5+s15+$0x0] =	vst.idx.msk $0xffff, v11;
	v5 =	vld [tilespmem:s25+$0xFFFFFFD0];
	v11 =	vadd.s32 v56, v10  }
0x2ca: {  	v13 =	vshll.u32 v13, v1;
	v12 =	vbroadcast v12, $0x0;
	[tilespmem:v4+s15+$0x0] =	vst.idx.msk $0xffff, v14;
	v4 =	vld [tilespmem:s25+$0xFFFFFE10];
	v14 =	vadd.s32 v0, v15  }
0x2cb: {  	v16 =	vshll.u32 v16, v1;
	v13 =	vbroadcast v13, $0x0;
	[tilespmem:v7+s15+$0x0] =	vst.idx.msk $0xffff, v17;
	v7 =	vld [tilespmem:s25+$0xFFFFFE50];
	v17 =	vadd.s32 v31, v19  }
0x2cc: {  	v8 =	vshrl.u32 v8, $0x3;
	v16 =	vbroadcast v16, $0x0;
	[tilespmem:v6+s15+$0x0] =	vst.idx.msk $0xffff, v18;
	v6 =	vld [tilespmem:s25+$0xFFFFFE90];
	v18 =	vadd.s32 v36, v12  }
0x2cd: {  	v9 =	vshrl.u32 v9, $0x3;
	v8 =	vshll.u32 v8, v1;
	[tilespmem:v3+s15+$0x0] =	vst.idx.msk $0xffff, v20;
	v3 =	vld [tilespmem:s25+$0xFFFFFED0];
	v20 =	vadd.s32 v40, v13  }
0x2ce: {  	v9 =	vshll.u32 v9, v1;
	v8 =	vbroadcast v8, $0x0;
	[tilespmem:v11+s15+$0x0] =	vst.idx.msk $0xffff, v5;
	v5 =	vld [tilespmem:s25+$0xFFFFFF10];
	v11 =	vadd.s32 v44, v16  }
0x2cf: {  	[tilespmem:v14+s15+$0x0] =	vst.idx.msk $0xffff, v4;
	v4 =	vbroadcast v9, $0x0;
	v9 =	vld [tilespmem:s25+$0xFFFFFFE0];
	v14 =	vadd.s32 v57, v10  }
0x2d0: {  	[tilespmem:v17+s15+$0x0] =	vst.idx.msk $0xffff, v7;
	v7 =	vld [tilespmem:s25+$0xFFFFFF50];
	v17 =	vadd.s32 v48, v8  }
0x2d1: {  	[tilespmem:v18+s15+$0x0] =	vst.idx.msk $0xffff, v6;
	v6 =	vld [tilespmem:s25+$0xFFFFFF90];
	v18 =	vadd.s32 v52, v4  }
0x2d2: {  	[tilespmem:v20+s15+$0x0] =	vst.idx.msk $0xffff, v3;
	v3 =	vld [tilespmem:s25+$0xFFFFFE60];
	v20 =	vadd.s32 v32, v19  }
0x2d3: {  	[tilespmem:v11+s15+$0x0] =	vst.idx.msk $0xffff, v5;
	v5 =	vld [tilespmem:s25+$0xFFFFFEA0];
	v11 =	vadd.s32 v37, v12  }
0x2d4: {  	[tilespmem:v14+s15+$0x0] =	vst.idx.msk $0xffff, v9;
	v9 =	vld [tilespmem:s25+$0xFFFFFEE0];
	v14 =	vadd.s32 v41, v13  }
0x2d5: {  	[tilespmem:v17+s15+$0x0] =	vst.idx.msk $0xffff, v7;
	v7 =	vld [tilespmem:s25+$0xFFFFFFF0];
	v17 =	vadd.s32 v58, v10  }
0x2d6: {  	[tilespmem:v18+s15+$0x0] =	vst.idx.msk $0xffff, v6;
	v6 =	vld [tilespmem:s25+$0xFFFFFF20];
	v18 =	vadd.s32 v45, v16  }
0x2d7: {  	[tilespmem:v20+s15+$0x0] =	vst.idx.msk $0xffff, v3;
	v3 =	vld [tilespmem:s25+$0xFFFFFF60];
	v20 =	vadd.s32 v49, v8  }
0x2d8: {  	[tilespmem:v11+s15+$0x0] =	vst.idx.msk $0xffff, v5;
	v5 =	vld [tilespmem:s25+$0xFFFFFFA0];
	v11 =	vadd.s32 v53, v4  }
0x2d9: {  	[tilespmem:v14+s15+$0x0] =	vst.idx.msk $0xffff, v9;
	v9 =	vld [tilespmem:s25+$0xFFFFFE20];
	v14 =	vadd.s32 v29, v15  }
0x2da: {  	[tilespmem:v17+s15+$0x0] =	vst.idx.msk $0xffff, v7;
	v7 =	vld [tilespmem:s25+$0xFFFFFE70];
	v17 =	vadd.s32 v34, v19  }
0x2db: {  	v10 =	vadd.s32 v59, v10;
	[tilespmem:v18+s15+$0x0] =	vst.idx.msk $0xffff, v6;
	v6 =	vld [tilespmem:s25+$0x0]  }
0x2dc: {  	[tilespmem:v20+s15+$0x0] =	vst.idx.msk $0xffff, v3;
	v3 =	vld [tilespmem:s25+$0xFFFFFEB0];
	v18 =	vadd.s32 v38, v12  }
0x2dd: {  	[tilespmem:v11+s15+$0x0] =	vst.idx.msk $0xffff, v5;
	v5 =	vld [tilespmem:s25+$0xFFFFFEF0];
	v11 =	vadd.s32 v42, v13  }
0x2de: {  	[tilespmem:v14+s15+$0x0] =	vst.idx.msk $0xffff, v9;
	v9 =	vld [tilespmem:s25+$0xFFFFFF30];
	v14 =	vadd.s32 v46, v16  }
0x2df: {  	[tilespmem:v17+s15+$0x0] =	vst.idx.msk $0xffff, v7;
	v7 =	vld [tilespmem:s25+$0xFFFFFF70];
	v17 =	vadd.s32 v50, v8  }
0x2e0: {  	[tilespmem:v10+s15+$0x0] =	vst.idx.msk $0xffff, v6;
	v6 =	vld [tilespmem:s25+$0xFFFFFFB0];
	v10 =	vadd.s32 v54, v4  }
0x2e1: {  	[tilespmem:v18+s15+$0x0] =	vst.idx.msk $0xffff, v3;
	v3 =	vld [tilespmem:s25+$0xFFFFFE30];
	v18 =	vadd.s32 v33, v15  }
0x2e2: {  	[tilespmem:v11+s15+$0x0] =	vst.idx.msk $0xffff, v5;
	v5 =	vld [tilespmem:s25+$0xFFFFFE80];
	v11 =	vadd.s32 v35, v19  }
0x2e3: {  	v12 =	vadd.s32 v39, v12;
	[tilespmem:v14+s15+$0x0] =	vst.idx.msk $0xffff, v9;
	v9 =	vld [tilespmem:s25+$0xFFFFFEC0]  }
0x2e4: {  	v13 =	vadd.s32 v47, v13;
	[tilespmem:v17+s15+$0x0] =	vst.idx.msk $0xffff, v7;
	v7 =	vld [tilespmem:s25+$0xFFFFFF00]  }
0x2e5: {  	v16 =	vadd.s32 v51, v16;
	v14 =	vld [tilespmem:s25+$0xFFFFFF40];
	[tilespmem:v10+s15+$0x0] =	vst.idx.msk $0xffff, v6  }
0x2e6: {  	[tilespmem:v18+s15+$0x0] =	vst.idx.msk $0xffff, v3;
	v3 =	vld [tilespmem:s25+$0xFFFFFF80];
	v6 =	vadd.s32 v55, v8  }
0x2e7: {  	v10 =	vadd.s32 v43, v15;
	v8 =	vld [tilespmem:s25+$0xFFFFFE40];
	[tilespmem:v11+s15+$0x0] =	vst.idx.msk $0xffff, v5  }
0x2e8: {  	v4 =	vadd.s32 v60, v4;
	v5 =	vld [tilespmem:s25+$0xFFFFFFC0];
	[tilespmem:v12+s15+$0x0] =	vst.idx.msk $0xffff, v9  }
0x2e9: {  	[tilespmem:v13+s15+$0x0] =	vst.idx.msk $0xffff, v7  }
0x2ea: {  	[tilespmem:v16+s15+$0x0] =	vst.idx.msk $0xffff, v14  }
0x2eb: {  	[tilespmem:v6+s15+$0x0] =	vst.idx.msk $0xffff, v3  }
0x2ec: {  	[tilespmem:v10+s15+$0x0] =	vst.idx.msk $0xffff, v8  }
0x2ed: {  	s19 =	simm.s32 $0xC400;
	[tilespmem:v4+s15+$0x0] =	vst.idx.msk $0xffff, v5  }
0x2ee: {  	s20 =	simm.s32 $0x0;
	v4 =	vld [tilespmem:s19+$0xC0]  }
0x2ef: {  	v3 =	vmov s20;
	v5 =	vld [tilespmem:s19+$0x1C0]  }
0x2f0: {  	v3 =	vshrl.u32 v3, $0x3;
	v21 =	vld [tilespmem:$0x1FE20]  }
0x2f1: {  	v3 =	vshll.u32 v3, $0x3;
	v6 =	vld [tilespmem:s19+$0x180]  }
0x2f2: {  	v3 =	vbroadcast v3, $0x0;
	v56 =	vld [tilespmem:$0x1FD90]  }
0x2f3: {  	v9 =	vld [tilespmem:s19+$0x0]  }
0x2f4: {  	v11 =	vld [tilespmem:s19+$0x140];
	v7 =	vadd.s32 v62, v3  }
0x2f5: {  	v41 =	vld [tilespmem:$0x1FCD0];
	v8 =	vadd.s32 v21, v3  }
0x2f6: {  	v13 =	vld [tilespmem:s19+$0x80]  }
0x2f7: {  	v52 =	vld [tilespmem:$0x1FD50];
	v10 =	vadd.s32 v56, v3  }
0x2f8: {  	v34 =	vld [tilespmem:$0x1FC90]  }
0x2f9: {  	v15 =	vld [tilespmem:s19+$0x100];
	[tilespmem:v7+s15+$0x0] =	vst.idx.msk $0xffff, v6  }
0x2fa: {  	v17 =	vld [tilespmem:s19+$0x40];
	[tilespmem:v8+s15+$0x0] =	vst.idx.msk $0xffff, v9  }
0x2fb: {  	v12 =	vadd.s32 v41, v3;
	v40 =	vld [tilespmem:$0x1FF70]  }
0x2fc: {  	v14 =	vadd.s32 v52, v3;
	v45 =	vld [tilespmem:$0x1FD10];
	[tilespmem:v10+s15+$0x0] =	vst.idx.msk $0xffff, v11  }
0x2fd: {  	v16 =	vadd.s32 v34, v3;
	v31 =	vld [tilespmem:$0x1FC60]  }
0x2fe: {  	v6 =	vld [tilespmem:s19+$0x190]  }
0x2ff: {  	v18 =	vld [tilespmem:s19+$0x10]  }
0x300: {  	[tilespmem:v12+s15+$0x0] =	vst.idx.msk $0xffff, v13;
	v11 =	vld [tilespmem:s19+$0x150];
	v8 =	vadd.s32 v40, v3  }
0x301: {  	[tilespmem:v14+s15+$0x0] =	vst.idx.msk $0xffff, v15;
	v12 =	vld [tilespmem:s19+$0x90];
	v9 =	vadd.s32 v45, v3  }
0x302: {  	[tilespmem:v16+s15+$0x0] =	vst.idx.msk $0xffff, v17;
	v7 =	vld [tilespmem:s19+$0x110];
	v10 =	vadd.s32 v31, v3  }
0x303: {  	v57 =	vld [tilespmem:$0x1FDA0]  }
0x304: {  	v42 =	vld [tilespmem:$0x1FCE0]  }
0x305: {  	v15 =	vld [tilespmem:s19+$0x50];
	[tilespmem:v8+s15+$0x0] =	vst.idx.msk $0xffff, v5  }
0x306: {  	v13 =	vadd.s32 v61, v3;
	[tilespmem:v9+s15+$0x0] =	vst.idx.msk $0xffff, v4;
	v4 =	vld [tilespmem:s19+$0x1D0]  }
0x307: {  	v44 =	vld [tilespmem:$0x1FF90];
	[tilespmem:v10+s15+$0x0] =	vst.idx.msk $0xffff, v18  }
0x308: {  	v28 =	vmov v35;
	v14 =	vadd.s32 v57, v3;
	v35 =	vld [tilespmem:$0x1FCA0]  }
0x309: {  	v16 =	vadd.s32 v42, v3;
	v10 =	vld [tilespmem:s19+$0xD0]  }
0x30a: {  	v32 =	vld [tilespmem:$0x1FC70]  }
0x30b: {  	v17 =	vld [tilespmem:s19+$0x20];
	[tilespmem:v13+s15+$0x0] =	vst.idx.msk $0xffff, v6  }
0x30c: {  	v46 =	vld [tilespmem:$0x1FD20];
	v5 =	vadd.s32 v44, v3  }
0x30d: {  	[tilespmem:v14+s15+$0x0] =	vst.idx.msk $0xffff, v11;
	v11 =	vld [tilespmem:s19+$0x1A0];
	v8 =	vadd.s32 v35, v3  }
0x30e: {  	[tilespmem:v16+s15+$0x0] =	vst.idx.msk $0xffff, v12;
	v14 =	vld [tilespmem:s19+$0x160]  }
0x30f: {  	v58 =	vld [tilespmem:$0x1FDB0];
	v18 =	vadd.s32 v32, v3  }
0x310: {  	v19 =	vld [tilespmem:s19+$0xA0]  }
0x311: {  	v36 =	vld [tilespmem:$0x1FF30];
	v13 =	vadd.s32 v46, v3;
	[tilespmem:v5+s15+$0x0] =	vst.idx.msk $0xffff, v4  }
0x312: {  	[tilespmem:v8+s15+$0x0] =	vst.idx.msk $0xffff, v15;
	v9 =	vld [tilespmem:s19+$0x1E0]  }
0x313: {  	v43 =	vld [tilespmem:$0x1FCF0]  }
0x314: {  	v16 =	vadd.s32 v58, v3;
	[tilespmem:v18+s15+$0x0] =	vst.idx.msk $0xffff, v17;
	v8 =	vld [tilespmem:s19+$0x60]  }
0x315: {  	v26 =	vmov v54;
	v54 =	vld [tilespmem:$0x1FD70]  }
0x316: {  	v20 =	vadd.s32 v36, v3;
	v6 =	vld [tilespmem:s19+$0x30];
	[tilespmem:v13+s15+$0x0] =	vst.idx.msk $0xffff, v10  }
0x317: {  	v37 =	vld [tilespmem:$0x1FF50]  }
0x318: {  	v53 =	vld [tilespmem:$0x1FD60];
	v15 =	vadd.s32 v43, v3  }
0x319: {  	v13 =	vld [tilespmem:s19+$0xE0];
	[tilespmem:v16+s15+$0x0] =	vst.idx.msk $0xffff, v14  }
0x31a: {  	v49 =	vld [tilespmem:$0x1FD30]  }
0x31b: {  	[tilespmem:v20+s15+$0x0] =	vst.idx.msk $0xffff, v11;
	v11 =	vld [tilespmem:s19+$0x170]  }
0x31c: {  	v59 =	vld [tilespmem:$0x1FDC0]  }
0x31d: {  	v10 =	vld [tilespmem:s19+$0x1B0];
	[tilespmem:v15+s15+$0x0] =	vst.idx.msk $0xffff, v19  }
0x31e: {  	p0 =	por $0x1, $0x1;
	v38 =	vld [tilespmem:$0x1FCB0]  }
.Ltmp7:
0x31f: {  	v48 =	vmov v33;
	v12 =	vadd.s32 v53, v3;
	v33 =	vld [tilespmem:$0x1FC80];
	(pc) =	sbr.rel @!p0 .LBB2_14-.Ltmp7, $4  }
0x320: {  	v25 =	vmov v39;
	v16 =	vadd.s32 v63, v3;
	v39 =	vld [tilespmem:$0x1FCC0]  }
0x321: {  	v17 =	vadd.s32 v49, v3;
	v30 =	vld [tilespmem:$0x1FD00]  }
0x322: {  	v27 =	vmovc v50;
	v22 =	vmovc v62;
	v47 =	vmov v51;
	v55 =	vmov v60;
	v14 =	vadd.s32 v59, v3;
	v50 =	vld [tilespmem:$0x1FD40]  }
0x323: {  	s23 =	simm.s32 $0xC600;
	v60 =	vmovc v21;
	v4 =	vadd.s32 v54, v3;
	v5 =	vadd.s32 v37, v3;
	v51 =	vld [tilespmem:$0x1FD80];
	v15 =	vadd.s32 v38, v3  }
.LBB2_13:
0x324: {  	s20 =	sadd.s32 $0x8, s20;
	v18 =	vld [tilespmem:s23+$0xC0];
	[tilespmem:v12+s15+$0x0] =	vst.idx.msk $0xffff, v7  }
0x325: {  	v7 =	vmov s20;
	p0 =	slt.u32 s20, $0x78;
	v12 =	vld [tilespmem:s19+$0x120];
	[tilespmem:v16+s15+$0x0] =	vst.idx.msk $0xffff, v9  }
0x326: {  	v7 =	vshrl.u32 v7, $0x3;
	[tilespmem:v17+s15+$0x0] =	vst.idx.msk $0xffff, v13;
	v9 =	vld [tilespmem:s19+$0x1F0];
	v13 =	vadd.s32 v2, v3  }
0x327: {  	v17 =	vadd.s32 v50, v3;
	v7 =	vshll.u32 v7, $0x3;
	v16 =	vld [tilespmem:s19+$0xF0];
	[tilespmem:v14+s15+$0x0] =	vst.idx.msk $0xffff, v11  }
0x328: {  	v11 =	vadd.s32 v30, v3;
	v14 =	vadd.s32 v51, v3;
	v7 =	vbroadcast v7, $0x0;
	[tilespmem:v15+s15+$0x0] =	vst.idx.msk $0xffff, v8;
	v8 =	vld [tilespmem:s19+$0xB0]  }
0x329: {  	v20 =	vadd.s32 v39, v3;
	v15 =	vadd.s32 v33, v3;
	v19 =	vld [tilespmem:s19+$0x70];
	[tilespmem:v5+s15+$0x0] =	vst.idx.msk $0xffff, v10  }
0x32a: {  	v10 =	vadd.s32 v60, v7;
	v21 =	vadd.s32 v52, v7;
	v22 =	vld [tilespmem:s23+$0x1C0];
	[tilespmem:v4+s15+$0x0] =	vst.idx.msk $0xffff, v12;
	v3 =	vmov v7  }
0x32b: {  	v7 =	vadd.s32 v34, v3;
	v12 =	vadd.s32 v41, v3;
	v23 =	vld [tilespmem:s19+$0x130];
	[tilespmem:v13+s15+$0x0] =	vst.idx.msk $0xffff, v9;
	s19 =	smov.u32 s23  }
0x32c: {  	v9 =	vadd.s32 v56, v3;
	v24 =	vadd.s32 v62, v3;
	v13 =	vld [tilespmem:s23+$0x180];
	[tilespmem:v17+s15+$0x0] =	vst.idx.msk $0xffff, v16  }
0x32d: {  	v4 =	vadd.s32 v54, v3;
	v17 =	vadd.s32 v45, v3;
	v16 =	vld [tilespmem:s23+$0x0];
	[tilespmem:v11+s15+$0x0] =	vst.idx.msk $0xffff, v8  }
0x32e: {  	v5 =	vadd.s32 v37, v3;
	v8 =	vld [tilespmem:s23+$0x140];
	[tilespmem:v20+s15+$0x0] =	vst.idx.msk $0xffff, v19  }
0x32f: {  	v11 =	vld [tilespmem:s23+$0x80];
	[tilespmem:v15+s15+$0x0] =	vst.idx.msk $0xffff, v6  }
0x330: {  	v6 =	vld [tilespmem:s23+$0x100];
	[tilespmem:v14+s15+$0x0] =	vst.idx.msk $0xffff, v23  }
0x331: {  	v14 =	vld [tilespmem:s23+$0x40];
	[tilespmem:v24+s15+$0x0] =	vst.idx.msk $0xffff, v13  }
0x332: {  	v13 =	vadd.s32 v40, v3;
	[tilespmem:v10+s15+$0x0] =	vst.idx.msk $0xffff, v16;
	v10 =	vld [tilespmem:s23+$0x190]  }
0x333: {  	v15 =	vld [tilespmem:s23+$0x10];
	[tilespmem:v9+s15+$0x0] =	vst.idx.msk $0xffff, v8  }
0x334: {  	v8 =	vadd.s32 v31, v3;
	[tilespmem:v12+s15+$0x0] =	vst.idx.msk $0xffff, v11;
	v9 =	vld [tilespmem:s23+$0x150]  }
0x335: {  	v11 =	vld [tilespmem:s23+$0x90];
	[tilespmem:v21+s15+$0x0] =	vst.idx.msk $0xffff, v6;
	v6 =	vadd.s32 v61, v3  }
0x336: {  	v12 =	vadd.s32 v57, v3;
	[tilespmem:v7+s15+$0x0] =	vst.idx.msk $0xffff, v14;
	v7 =	vld [tilespmem:s23+$0x110]  }
0x337: {  	v16 =	vadd.s32 v42, v3;
	v14 =	vld [tilespmem:s23+$0x50];
	[tilespmem:v13+s15+$0x0] =	vst.idx.msk $0xffff, v22  }
0x338: {  	[tilespmem:v17+s15+$0x0] =	vst.idx.msk $0xffff, v18;
	v13 =	vld [tilespmem:s23+$0x1D0];
	v17 =	vadd.s32 v44, v3  }
0x339: {  	[tilespmem:v8+s15+$0x0] =	vst.idx.msk $0xffff, v15;
	v8 =	vadd.s32 v35, v3;
	v15 =	vld [tilespmem:s23+$0xD0]  }
0x33a: {  	v19 =	vadd.s32 v32, v3;
	v18 =	vld [tilespmem:s23+$0x20];
	[tilespmem:v6+s15+$0x0] =	vst.idx.msk $0xffff, v10  }
0x33b: {  	v10 =	vadd.s32 v46, v3;
	[tilespmem:v12+s15+$0x0] =	vst.idx.msk $0xffff, v9;
	v20 =	vld [tilespmem:s23+$0x1A0]  }
0x33c: {  	v21 =	vadd.s32 v58, v3;
	[tilespmem:v16+s15+$0x0] =	vst.idx.msk $0xffff, v11;
	v11 =	vld [tilespmem:s23+$0x160]  }
0x33d: {  	v23 =	vadd.s32 v36, v3;
	v22 =	vld [tilespmem:s23+$0xA0];
	[tilespmem:v17+s15+$0x0] =	vst.idx.msk $0xffff, v13  }
0x33e: {  	v24 =	vadd.s32 v43, v3;
	v12 =	vadd.s32 v53, v3;
	[tilespmem:v8+s15+$0x0] =	vst.idx.msk $0xffff, v14;
	v9 =	vld [tilespmem:s23+$0x1E0]  }
.Ltmp8:
0x33f: {  	[tilespmem:v19+s15+$0x0] =	vst.idx.msk $0xffff, v18;
	v8 =	vld [tilespmem:s23+$0x60];
	(pc) =	sbr.rel @p0 .LBB2_13-.Ltmp8, $4  }
0x340: {  	v16 =	vadd.s32 v63, v3;
	v6 =	vld [tilespmem:s23+$0x30];
	[tilespmem:v10+s15+$0x0] =	vst.idx.msk $0xffff, v15  }
0x341: {  	v17 =	vadd.s32 v49, v3;
	v13 =	vld [tilespmem:s23+$0xE0];
	[tilespmem:v21+s15+$0x0] =	vst.idx.msk $0xffff, v11  }
0x342: {  	v14 =	vadd.s32 v59, v3;
	v11 =	vld [tilespmem:s23+$0x170];
	[tilespmem:v23+s15+$0x0] =	vst.idx.msk $0xffff, v20  }
0x343: {  	v15 =	vadd.s32 v38, v3;
	s23 =	sadd.s32 $0x200, s23;
	[tilespmem:v24+s15+$0x0] =	vst.idx.msk $0xffff, v22;
	v22 =	vmov v62;
	v10 =	vld [tilespmem:s19+$0x1B0]  }
.LBB2_14:
0x344: {  	_ =	sdelay $0x3  }
0x345: {  	[tilespmem:v12+s15+$0x0] =	vst.idx.msk $0xffff, v7  }
0x346: {  	[tilespmem:v16+s15+$0x0] =	vst.idx.msk $0xffff, v9;
	v7 =	vld [tilespmem:s19+$0x120]  }
0x347: {  	[tilespmem:v15+s15+$0x0] =	vst.idx.msk $0xffff, v8;
	v62 =	vadd.s32 v33, v3  }
0x348: {  	v2 =	vadd.s32 v2, v3;
	v9 =	vld [tilespmem:s19+$0x1F0];
	[tilespmem:v17+s15+$0x0] =	vst.idx.msk $0xffff, v13  }
0x349: {  	v59 =	vld [tilespmem:s19+$0x70];
	v61 =	vadd.s32 v39, v3;
	[tilespmem:v14+s15+$0x0] =	vst.idx.msk $0xffff, v11  }
0x34a: {  	v57 =	vld [tilespmem:s19+$0xB0];
	v58 =	vadd.s32 v30, v3;
	[tilespmem:v5+s15+$0x0] =	vst.idx.msk $0xffff, v10  }
0x34b: {  	v54 =	vld [tilespmem:s19+$0xF0];
	v56 =	vadd.s32 v50, v3;
	[tilespmem:v4+s15+$0x0] =	vst.idx.msk $0xffff, v7  }
0x34c: {  	v3 =	vadd.s32 v51, v3;
	[tilespmem:v62+s15+$0x0] =	vst.idx.msk $0xffff, v6;
	v4 =	vld [tilespmem:s19+$0x130]  }
0x34d: {  	[tilespmem:v2+s15+$0x0] =	vst.idx.msk $0xffff, v9  }
0x34e: {  	[tilespmem:v61+s15+$0x0] =	vst.idx.msk $0xffff, v59  }
0x34f: {  	s14 =	sshll.u32 s14, $0x11;
	[tilespmem:v58+s15+$0x0] =	vst.idx.msk $0xffff, v57  }
0x350: {  	s23 =	sadd.s32 s2, s14;
	[tilespmem:v56+s15+$0x0] =	vst.idx.msk $0xffff, v54  }
0x351: {  	s19 =	sadd.s32 s17, s23;
	[tilespmem:v3+s15+$0x0] =	vst.idx.msk $0xffff, v4  }
0x352: {  	[hbm4b:s19+s3] =	stream.linear.scatter [tilespmem:s15], [sflag:$0x4], $0x80, $0x38;
	[tilespmem:$0x16C00] =	vst v63  }
0x353: {  	s23 =	simm.s32 $0x12888;
	s20 =	sadd.s32 $0x10, s19  }
0x354: {  	[hbm4b:s20+s3] =	stream.linear.scatter [tilespmem:s23], [sflag:$0x4], $0x80, $0x38;
	[tilespmem:$0x16C00] =	vst v63  }
0x355: {  	s25 =	simm.s32 $0x12910;
	s24 =	sadd.s32 $0x20, s19  }
0x356: {  	[hbm4b:s24+s3] =	stream.linear.scatter [tilespmem:s25], [sflag:$0x4], $0x80, $0x38;
	[tilespmem:$0x16C00] =	vst v63  }
0x357: {  	s24 =	sadd.s32 $0x30, s19;
	s25 =	simm.s32 $0x12998  }
0x358: {  	[hbm4b:s24+s3] =	stream.linear.scatter [tilespmem:s25], [sflag:$0x4], $0x80, $0x38;
	[tilespmem:$0x16C00] =	vst v63  }
0x359: {  	s24 =	sadd.s32 $0x40, s19;
	s25 =	simm.s32 $0x12A20  }
0x35a: {  	[hbm4b:s24+s3] =	stream.linear.scatter [tilespmem:s25], [sflag:$0x4], $0x80, $0x38;
	[tilespmem:$0x16C00] =	vst v63  }
0x35b: {  	s24 =	sadd.s32 $0x50, s19;
	s25 =	simm.s32 $0x12AA8  }
0x35c: {  	[hbm4b:s24+s3] =	stream.linear.scatter [tilespmem:s25], [sflag:$0x4], $0x80, $0x38;
	[tilespmem:$0x16C00] =	vst v63  }
0x35d: {  	s24 =	sadd.s32 $0x60, s19;
	s25 =	simm.s32 $0x12B30  }
0x35e: {  	[hbm4b:s24+s3] =	stream.linear.scatter [tilespmem:s25], [sflag:$0x4], $0x80, $0x38;
	[tilespmem:$0x16C00] =	vst v63  }
0x35f: {  	s24 =	sadd.s32 $0x70, s19;
	s25 =	simm.s32 $0x12BB8  }
0x360: {  	[hbm4b:s24+s3] =	stream.linear.scatter [tilespmem:s25], [sflag:$0x4], $0x80, $0x38;
	[tilespmem:$0x16C00] =	vst v63  }
0x361: {  	s24 =	sadd.s32 $0x80, s19;
	s25 =	simm.s32 $0x14A00  }
0x362: {  	[hbm4b:s24+s3] =	stream.linear.scatter [tilespmem:s25], [sflag:$0x4], $0x80, $0x38;
	[tilespmem:$0x16C00] =	vst v63  }
0x363: {  	s24 =	sadd.s32 $0x90, s19;
	s25 =	simm.s32 $0x14A88  }
0x364: {  	[hbm4b:s24+s3] =	stream.linear.scatter [tilespmem:s25], [sflag:$0x4], $0x80, $0x38;
	[tilespmem:$0x16C00] =	vst v63  }
0x365: {  	s24 =	sadd.s32 $0xA0, s19;
	s25 =	simm.s32 $0x14B10  }
0x366: {  	[hbm4b:s24+s3] =	stream.linear.scatter [tilespmem:s25], [sflag:$0x4], $0x80, $0x38;
	[tilespmem:$0x16C00] =	vst v63  }
0x367: {  	s24 =	sadd.s32 $0xB0, s19;
	s25 =	simm.s32 $0x14B98  }
0x368: {  	[hbm4b:s24+s3] =	stream.linear.scatter [tilespmem:s25], [sflag:$0x4], $0x80, $0x38;
	[tilespmem:$0x16C00] =	vst v63  }
0x369: {  	s24 =	sadd.s32 $0xC0, s19;
	s25 =	simm.s32 $0x14C20  }
0x36a: {  	[hbm4b:s24+s3] =	stream.linear.scatter [tilespmem:s25], [sflag:$0x4], $0x80, $0x38;
	[tilespmem:$0x16C00] =	vst v63  }
0x36b: {  	s24 =	sadd.s32 $0xD0, s19;
	s25 =	simm.s32 $0x14CA8  }
0x36c: {  	[hbm4b:s24+s3] =	stream.linear.scatter [tilespmem:s25], [sflag:$0x4], $0x80, $0x38;
	[tilespmem:$0x16C00] =	vst v63  }
0x36d: {  	s23 =	sadd.s32 $0xE0, s19;
	s24 =	simm.s32 $0x14D30  }
0x36e: {  	[hbm4b:s23+s3] =	stream.linear.scatter [tilespmem:s24], [sflag:$0x4], $0x80, $0x38;
	[tilespmem:$0x16C00] =	vst v63  }
0x36f: {  	s20 =	sadd.s32 s14, s7;
	s19 =	sadd.s32 $0xF0, s19;
	s25 =	simm.s32 $0x14DB8  }
0x370: {  	[hbm4b:s19+s3] =	stream.linear.scatter [tilespmem:s25], [sflag:$0x4], $0x80, $0x38;
	[tilespmem:$0x16C00] =	vst v63  }
0x371: {  	s23 =	simm.s32 $0x12C40;
	s19 =	sadd.s32 s17, s20  }
0x372: {  	[hbm4b:s19+s3] =	stream.linear.scatter [tilespmem:s23], [sflag:$0x4], $0x80, $0x38;
	[tilespmem:$0x16C00] =	vst v63  }
0x373: {  	s25 =	simm.s32 $0x12CC8;
	s24 =	sadd.s32 $0x10, s19  }
0x374: {  	[hbm4b:s24+s3] =	stream.linear.scatter [tilespmem:s25], [sflag:$0x4], $0x80, $0x38;
	[tilespmem:$0x16C00] =	vst v63  }
0x375: {  	s24 =	sadd.s32 $0x20, s19;
	s25 =	simm.s32 $0x12D50  }
0x376: {  	[hbm4b:s24+s3] =	stream.linear.scatter [tilespmem:s25], [sflag:$0x4], $0x80, $0x38;
	[tilespmem:$0x16C00] =	vst v63  }
0x377: {  	s24 =	sadd.s32 $0x30, s19;
	s25 =	simm.s32 $0x12DD8  }
0x378: {  	[hbm4b:s24+s3] =	stream.linear.scatter [tilespmem:s25], [sflag:$0x4], $0x80, $0x38;
	[tilespmem:$0x16C00] =	vst v63  }
0x379: {  	s24 =	sadd.s32 $0x40, s19;
	s25 =	simm.s32 $0x12E60  }
0x37a: {  	[hbm4b:s24+s3] =	stream.linear.scatter [tilespmem:s25], [sflag:$0x4], $0x80, $0x38;
	[tilespmem:$0x16C00] =	vst v63  }
0x37b: {  	s24 =	sadd.s32 $0x50, s19;
	s25 =	simm.s32 $0x12EE8  }
0x37c: {  	[hbm4b:s24+s3] =	stream.linear.scatter [tilespmem:s25], [sflag:$0x4], $0x80, $0x38;
	[tilespmem:$0x16C00] =	vst v63  }
0x37d: {  	s24 =	sadd.s32 $0x60, s19;
	s25 =	simm.s32 $0x12F70  }
0x37e: {  	[hbm4b:s24+s3] =	stream.linear.scatter [tilespmem:s25], [sflag:$0x4], $0x80, $0x38;
	[tilespmem:$0x16C00] =	vst v63  }
0x37f: {  	s24 =	sadd.s32 $0x70, s19;
	s25 =	simm.s32 $0x12FF8  }
0x380: {  	[hbm4b:s24+s3] =	stream.linear.scatter [tilespmem:s25], [sflag:$0x4], $0x80, $0x38;
	[tilespmem:$0x16C00] =	vst v63  }
0x381: {  	s24 =	sadd.s32 $0x80, s19;
	s25 =	simm.s32 $0x14E40  }
0x382: {  	[hbm4b:s24+s3] =	stream.linear.scatter [tilespmem:s25], [sflag:$0x4], $0x80, $0x38;
	[tilespmem:$0x16C00] =	vst v63  }
0x383: {  	s24 =	sadd.s32 $0x90, s19;
	s25 =	simm.s32 $0x14EC8  }
0x384: {  	[hbm4b:s24+s3] =	stream.linear.scatter [tilespmem:s25], [sflag:$0x4], $0x80, $0x38;
	[tilespmem:$0x16C00] =	vst v63  }
0x385: {  	s24 =	sadd.s32 $0xA0, s19;
	s25 =	simm.s32 $0x14F50  }
0x386: {  	[hbm4b:s24+s3] =	stream.linear.scatter [tilespmem:s25], [sflag:$0x4], $0x80, $0x38;
	[tilespmem:$0x16C00] =	vst v63  }
0x387: {  	s24 =	sadd.s32 $0xB0, s19;
	s25 =	simm.s32 $0x14FD8  }
0x388: {  	[hbm4b:s24+s3] =	stream.linear.scatter [tilespmem:s25], [sflag:$0x4], $0x80, $0x38;
	[tilespmem:$0x16C00] =	vst v63  }
0x389: {  	s24 =	sadd.s32 $0xC0, s19;
	s25 =	simm.s32 $0x15060  }
0x38a: {  	[hbm4b:s24+s3] =	stream.linear.scatter [tilespmem:s25], [sflag:$0x4], $0x80, $0x38;
	[tilespmem:$0x16C00] =	vst v63  }
0x38b: {  	s24 =	sadd.s32 $0xD0, s19;
	s25 =	simm.s32 $0x150E8  }
0x38c: {  	[hbm4b:s24+s3] =	stream.linear.scatter [tilespmem:s25], [sflag:$0x4], $0x80, $0x38;
	[tilespmem:$0x16C00] =	vst v63  }
0x38d: {  	s23 =	sadd.s32 $0xE0, s19;
	s24 =	simm.s32 $0x15170  }
0x38e: {  	[hbm4b:s23+s3] =	stream.linear.scatter [tilespmem:s24], [sflag:$0x4], $0x80, $0x38;
	[tilespmem:$0x16C00] =	vst v63  }
0x38f: {  	s20 =	sadd.s32 s14, s8;
	s19 =	sadd.s32 $0xF0, s19;
	s25 =	simm.s32 $0x151F8  }
0x390: {  	[hbm4b:s19+s3] =	stream.linear.scatter [tilespmem:s25], [sflag:$0x4], $0x80, $0x38;
	[tilespmem:$0x16C00] =	vst v63  }
0x391: {  	s23 =	simm.s32 $0x13080;
	s19 =	sadd.s32 s17, s20  }
0x392: {  	[hbm4b:s19+s3] =	stream.linear.scatter [tilespmem:s23], [sflag:$0x4], $0x80, $0x38;
	[tilespmem:$0x16C00] =	vst v63  }
0x393: {  	s25 =	simm.s32 $0x13108;
	s24 =	sadd.s32 $0x10, s19  }
0x394: {  	[hbm4b:s24+s3] =	stream.linear.scatter [tilespmem:s25], [sflag:$0x4], $0x80, $0x38;
	[tilespmem:$0x16C00] =	vst v63  }
0x395: {  	s24 =	sadd.s32 $0x20, s19;
	s25 =	simm.s32 $0x13190  }
0x396: {  	[hbm4b:s24+s3] =	stream.linear.scatter [tilespmem:s25], [sflag:$0x4], $0x80, $0x38;
	[tilespmem:$0x16C00] =	vst v63  }
0x397: {  	s24 =	sadd.s32 $0x30, s19;
	s25 =	simm.s32 $0x13218  }
0x398: {  	[hbm4b:s24+s3] =	stream.linear.scatter [tilespmem:s25], [sflag:$0x4], $0x80, $0x38;
	[tilespmem:$0x16C00] =	vst v63  }
0x399: {  	s24 =	sadd.s32 $0x40, s19;
	s25 =	simm.s32 $0x132A0  }
0x39a: {  	[hbm4b:s24+s3] =	stream.linear.scatter [tilespmem:s25], [sflag:$0x4], $0x80, $0x38;
	[tilespmem:$0x16C00] =	vst v63  }
0x39b: {  	s24 =	sadd.s32 $0x50, s19;
	s25 =	simm.s32 $0x13328  }
0x39c: {  	[hbm4b:s24+s3] =	stream.linear.scatter [tilespmem:s25], [sflag:$0x4], $0x80, $0x38;
	[tilespmem:$0x16C00] =	vst v63  }
0x39d: {  	s24 =	sadd.s32 $0x60, s19;
	s25 =	simm.s32 $0x133B0  }
0x39e: {  	[hbm4b:s24+s3] =	stream.linear.scatter [tilespmem:s25], [sflag:$0x4], $0x80, $0x38;
	[tilespmem:$0x16C00] =	vst v63  }
0x39f: {  	s24 =	sadd.s32 $0x70, s19;
	s25 =	simm.s32 $0x13438  }
0x3a0: {  	[hbm4b:s24+s3] =	stream.linear.scatter [tilespmem:s25], [sflag:$0x4], $0x80, $0x38;
	[tilespmem:$0x16C00] =	vst v63  }
0x3a1: {  	s24 =	sadd.s32 $0x80, s19;
	s25 =	simm.s32 $0x15280  }
0x3a2: {  	[hbm4b:s24+s3] =	stream.linear.scatter [tilespmem:s25], [sflag:$0x4], $0x80, $0x38;
	[tilespmem:$0x16C00] =	vst v63  }
0x3a3: {  	s24 =	sadd.s32 $0x90, s19;
	s25 =	simm.s32 $0x15308  }
0x3a4: {  	[hbm4b:s24+s3] =	stream.linear.scatter [tilespmem:s25], [sflag:$0x4], $0x80, $0x38;
	[tilespmem:$0x16C00] =	vst v63  }
0x3a5: {  	s24 =	sadd.s32 $0xA0, s19;
	s25 =	simm.s32 $0x15390  }
0x3a6: {  	[hbm4b:s24+s3] =	stream.linear.scatter [tilespmem:s25], [sflag:$0x4], $0x80, $0x38;
	[tilespmem:$0x16C00] =	vst v63  }
0x3a7: {  	s24 =	sadd.s32 $0xB0, s19;
	s25 =	simm.s32 $0x15418  }
0x3a8: {  	[hbm4b:s24+s3] =	stream.linear.scatter [tilespmem:s25], [sflag:$0x4], $0x80, $0x38;
	[tilespmem:$0x16C00] =	vst v63  }
0x3a9: {  	s24 =	sadd.s32 $0xC0, s19;
	s25 =	simm.s32 $0x154A0  }
0x3aa: {  	[hbm4b:s24+s3] =	stream.linear.scatter [tilespmem:s25], [sflag:$0x4], $0x80, $0x38;
	[tilespmem:$0x16C00] =	vst v63  }
0x3ab: {  	s24 =	sadd.s32 $0xD0, s19;
	s25 =	simm.s32 $0x15528  }
0x3ac: {  	[hbm4b:s24+s3] =	stream.linear.scatter [tilespmem:s25], [sflag:$0x4], $0x80, $0x38;
	[tilespmem:$0x16C00] =	vst v63  }
0x3ad: {  	s23 =	sadd.s32 $0xE0, s19;
	s24 =	simm.s32 $0x155B0  }
0x3ae: {  	[hbm4b:s23+s3] =	stream.linear.scatter [tilespmem:s24], [sflag:$0x4], $0x80, $0x38;
	[tilespmem:$0x16C00] =	vst v63  }
0x3af: {  	s20 =	sadd.s32 s14, s9;
	s19 =	sadd.s32 $0xF0, s19;
	s25 =	simm.s32 $0x15638  }
0x3b0: {  	[hbm4b:s19+s3] =	stream.linear.scatter [tilespmem:s25], [sflag:$0x4], $0x80, $0x38;
	[tilespmem:$0x16C00] =	vst v63  }
0x3b1: {  	s23 =	simm.s32 $0x134C0;
	s19 =	sadd.s32 s17, s20  }
0x3b2: {  	[hbm4b:s19+s3] =	stream.linear.scatter [tilespmem:s23], [sflag:$0x4], $0x80, $0x38;
	[tilespmem:$0x16C00] =	vst v63  }
0x3b3: {  	s25 =	simm.s32 $0x13548;
	s24 =	sadd.s32 $0x10, s19  }
0x3b4: {  	[hbm4b:s24+s3] =	stream.linear.scatter [tilespmem:s25], [sflag:$0x4], $0x80, $0x38;
	[tilespmem:$0x16C00] =	vst v63  }
0x3b5: {  	s24 =	sadd.s32 $0x20, s19;
	s25 =	simm.s32 $0x135D0  }
0x3b6: {  	[hbm4b:s24+s3] =	stream.linear.scatter [tilespmem:s25], [sflag:$0x4], $0x80, $0x38;
	[tilespmem:$0x16C00] =	vst v63  }
0x3b7: {  	s24 =	sadd.s32 $0x30, s19;
	s25 =	simm.s32 $0x13658  }
0x3b8: {  	[hbm4b:s24+s3] =	stream.linear.scatter [tilespmem:s25], [sflag:$0x4], $0x80, $0x38;
	[tilespmem:$0x16C00] =	vst v63  }
0x3b9: {  	s24 =	sadd.s32 $0x40, s19;
	s25 =	simm.s32 $0x136E0  }
0x3ba: {  	[hbm4b:s24+s3] =	stream.linear.scatter [tilespmem:s25], [sflag:$0x4], $0x80, $0x38;
	[tilespmem:$0x16C00] =	vst v63  }
0x3bb: {  	s24 =	sadd.s32 $0x50, s19;
	s25 =	simm.s32 $0x13768  }
0x3bc: {  	[hbm4b:s24+s3] =	stream.linear.scatter [tilespmem:s25], [sflag:$0x4], $0x80, $0x38;
	[tilespmem:$0x16C00] =	vst v63  }
0x3bd: {  	s24 =	sadd.s32 $0x60, s19;
	s25 =	simm.s32 $0x137F0  }
0x3be: {  	[hbm4b:s24+s3] =	stream.linear.scatter [tilespmem:s25], [sflag:$0x4], $0x80, $0x38;
	[tilespmem:$0x16C00] =	vst v63  }
0x3bf: {  	s24 =	sadd.s32 $0x70, s19;
	s25 =	simm.s32 $0x13878  }
0x3c0: {  	[hbm4b:s24+s3] =	stream.linear.scatter [tilespmem:s25], [sflag:$0x4], $0x80, $0x38;
	[tilespmem:$0x16C00] =	vst v63  }
0x3c1: {  	s24 =	sadd.s32 $0x80, s19;
	s25 =	simm.s32 $0x156C0  }
0x3c2: {  	[hbm4b:s24+s3] =	stream.linear.scatter [tilespmem:s25], [sflag:$0x4], $0x80, $0x38;
	[tilespmem:$0x16C00] =	vst v63  }
0x3c3: {  	s24 =	sadd.s32 $0x90, s19;
	s25 =	simm.s32 $0x15748  }
0x3c4: {  	[hbm4b:s24+s3] =	stream.linear.scatter [tilespmem:s25], [sflag:$0x4], $0x80, $0x38;
	[tilespmem:$0x16C00] =	vst v63  }
0x3c5: {  	s24 =	sadd.s32 $0xA0, s19;
	s25 =	simm.s32 $0x157D0  }
0x3c6: {  	[hbm4b:s24+s3] =	stream.linear.scatter [tilespmem:s25], [sflag:$0x4], $0x80, $0x38;
	[tilespmem:$0x16C00] =	vst v63  }
0x3c7: {  	s24 =	sadd.s32 $0xB0, s19;
	s25 =	simm.s32 $0x15858  }
0x3c8: {  	[hbm4b:s24+s3] =	stream.linear.scatter [tilespmem:s25], [sflag:$0x4], $0x80, $0x38;
	[tilespmem:$0x16C00] =	vst v63  }
0x3c9: {  	s24 =	sadd.s32 $0xC0, s19;
	s25 =	simm.s32 $0x158E0  }
0x3ca: {  	[hbm4b:s24+s3] =	stream.linear.scatter [tilespmem:s25], [sflag:$0x4], $0x80, $0x38;
	[tilespmem:$0x16C00] =	vst v63  }
0x3cb: {  	s24 =	sadd.s32 $0xD0, s19  }
0x3cc: {  	[hbm4b:s24+s3] =	stream.linear.scatter [tilespmem:s26], [sflag:$0x4], $0x80, $0x38;
	[tilespmem:$0x16C00] =	vst v63  }
0x3cd: {  	s25 =	sadd.s32 $0xE0, s19  }
0x3ce: {  	[hbm4b:s25+s3] =	stream.linear.scatter [tilespmem:s28], [sflag:$0x4], $0x80, $0x38;
	[tilespmem:$0x16C00] =	vst v63  }
0x3cf: {  	s20 =	sadd.s32 s14, s10;
	s19 =	sadd.s32 $0xF0, s19  }
0x3d0: {  	[hbm4b:s19+s3] =	stream.linear.scatter [tilespmem:s29], [sflag:$0x4], $0x80, $0x38;
	[tilespmem:$0x16C00] =	vst v63  }
0x3d1: {  	s19 =	sadd.s32 s17, s20  }
0x3d2: {  	[hbm4b:s19+s3] =	stream.linear.scatter [tilespmem:s30], [sflag:$0x4], $0x80, $0x38;
	[tilespmem:$0x16C00] =	vst v63  }
0x3d3: {  	s23 =	sadd.s32 $0x10, s19  }
0x3d4: {  	[hbm4b:s23+s3] =	stream.linear.scatter [tilespmem:s31], [sflag:$0x4], $0x80, $0x38;
	[tilespmem:$0x16C00] =	vst v63  }
0x3d5: {  	s25 =	simm.s32 $0x13A10;
	s24 =	sadd.s32 $0x20, s19  }
0x3d6: {  	[hbm4b:s24+s3] =	stream.linear.scatter [tilespmem:s25], [sflag:$0x4], $0x80, $0x38;
	[tilespmem:$0x16C00] =	vst v63  }
0x3d7: {  	s24 =	sadd.s32 $0x30, s19;
	s25 =	simm.s32 $0x13A98  }
0x3d8: {  	[hbm4b:s24+s3] =	stream.linear.scatter [tilespmem:s25], [sflag:$0x4], $0x80, $0x38;
	[tilespmem:$0x16C00] =	vst v63  }
0x3d9: {  	s24 =	sadd.s32 $0x40, s19;
	s25 =	simm.s32 $0x13B20  }
0x3da: {  	[hbm4b:s24+s3] =	stream.linear.scatter [tilespmem:s25], [sflag:$0x4], $0x80, $0x38;
	[tilespmem:$0x16C00] =	vst v63  }
0x3db: {  	s24 =	sadd.s32 $0x50, s19;
	s25 =	simm.s32 $0x13BA8  }
0x3dc: {  	[hbm4b:s24+s3] =	stream.linear.scatter [tilespmem:s25], [sflag:$0x4], $0x80, $0x38;
	[tilespmem:$0x16C00] =	vst v63  }
0x3dd: {  	s24 =	sadd.s32 $0x60, s19;
	s25 =	simm.s32 $0x13C30  }
0x3de: {  	[hbm4b:s24+s3] =	stream.linear.scatter [tilespmem:s25], [sflag:$0x4], $0x80, $0x38;
	[tilespmem:$0x16C00] =	vst v63  }
0x3df: {  	s24 =	sadd.s32 $0x70, s19;
	s25 =	simm.s32 $0x13CB8  }
0x3e0: {  	[hbm4b:s24+s3] =	stream.linear.scatter [tilespmem:s25], [sflag:$0x4], $0x80, $0x38;
	[tilespmem:$0x16C00] =	vst v63  }
0x3e1: {  	s24 =	sadd.s32 $0x80, s19;
	s25 =	simm.s32 $0x15B00  }
0x3e2: {  	[hbm4b:s24+s3] =	stream.linear.scatter [tilespmem:s25], [sflag:$0x4], $0x80, $0x38;
	[tilespmem:$0x16C00] =	vst v63  }
0x3e3: {  	s24 =	sadd.s32 $0x90, s19;
	s25 =	simm.s32 $0x15B88  }
0x3e4: {  	[hbm4b:s24+s3] =	stream.linear.scatter [tilespmem:s25], [sflag:$0x4], $0x80, $0x38;
	[tilespmem:$0x16C00] =	vst v63  }
0x3e5: {  	s24 =	sadd.s32 $0xA0, s19;
	s25 =	simm.s32 $0x15C10  }
0x3e6: {  	[hbm4b:s24+s3] =	stream.linear.scatter [tilespmem:s25], [sflag:$0x4], $0x80, $0x38;
	[tilespmem:$0x16C00] =	vst v63  }
0x3e7: {  	s24 =	sadd.s32 $0xB0, s19;
	s25 =	simm.s32 $0x15C98  }
0x3e8: {  	[hbm4b:s24+s3] =	stream.linear.scatter [tilespmem:s25], [sflag:$0x4], $0x80, $0x38;
	[tilespmem:$0x16C00] =	vst v63  }
0x3e9: {  	s24 =	sadd.s32 $0xC0, s19;
	s25 =	simm.s32 $0x15D20  }
0x3ea: {  	[hbm4b:s24+s3] =	stream.linear.scatter [tilespmem:s25], [sflag:$0x4], $0x80, $0x38;
	[tilespmem:$0x16C00] =	vst v63  }
0x3eb: {  	s24 =	sadd.s32 $0xD0, s19;
	s25 =	simm.s32 $0x15DA8  }
0x3ec: {  	[hbm4b:s24+s3] =	stream.linear.scatter [tilespmem:s25], [sflag:$0x4], $0x80, $0x38;
	[tilespmem:$0x16C00] =	vst v63  }
0x3ed: {  	s23 =	sadd.s32 $0xE0, s19;
	s24 =	simm.s32 $0x15E30  }
0x3ee: {  	[hbm4b:s23+s3] =	stream.linear.scatter [tilespmem:s24], [sflag:$0x4], $0x80, $0x38;
	[tilespmem:$0x16C00] =	vst v63  }
0x3ef: {  	s20 =	sadd.s32 s14, s11;
	s19 =	sadd.s32 $0xF0, s19;
	s25 =	simm.s32 $0x15EB8  }
0x3f0: {  	[hbm4b:s19+s3] =	stream.linear.scatter [tilespmem:s25], [sflag:$0x4], $0x80, $0x38;
	[tilespmem:$0x16C00] =	vst v63  }
0x3f1: {  	s23 =	simm.s32 $0x13D40;
	s19 =	sadd.s32 s17, s20  }
0x3f2: {  	[hbm4b:s19+s3] =	stream.linear.scatter [tilespmem:s23], [sflag:$0x4], $0x80, $0x38;
	[tilespmem:$0x16C00] =	vst v63  }
0x3f3: {  	s25 =	simm.s32 $0x13DC8;
	s24 =	sadd.s32 $0x10, s19  }
0x3f4: {  	[hbm4b:s24+s3] =	stream.linear.scatter [tilespmem:s25], [sflag:$0x4], $0x80, $0x38;
	[tilespmem:$0x16C00] =	vst v63  }
0x3f5: {  	s24 =	sadd.s32 $0x20, s19;
	s25 =	simm.s32 $0x13E50  }
0x3f6: {  	[hbm4b:s24+s3] =	stream.linear.scatter [tilespmem:s25], [sflag:$0x4], $0x80, $0x38;
	[tilespmem:$0x16C00] =	vst v63  }
0x3f7: {  	s24 =	sadd.s32 $0x30, s19;
	s25 =	simm.s32 $0x13ED8  }
0x3f8: {  	[hbm4b:s24+s3] =	stream.linear.scatter [tilespmem:s25], [sflag:$0x4], $0x80, $0x38;
	[tilespmem:$0x16C00] =	vst v63  }
0x3f9: {  	s24 =	sadd.s32 $0x40, s19;
	s25 =	simm.s32 $0x13F60  }
0x3fa: {  	[hbm4b:s24+s3] =	stream.linear.scatter [tilespmem:s25], [sflag:$0x4], $0x80, $0x38;
	[tilespmem:$0x16C00] =	vst v63  }
0x3fb: {  	s24 =	sadd.s32 $0x50, s19;
	s25 =	simm.s32 $0x13FE8  }
0x3fc: {  	[hbm4b:s24+s3] =	stream.linear.scatter [tilespmem:s25], [sflag:$0x4], $0x80, $0x38;
	[tilespmem:$0x16C00] =	vst v63  }
0x3fd: {  	s24 =	sadd.s32 $0x60, s19;
	s25 =	simm.s32 $0x14070  }
0x3fe: {  	[hbm4b:s24+s3] =	stream.linear.scatter [tilespmem:s25], [sflag:$0x4], $0x80, $0x38;
	[tilespmem:$0x16C00] =	vst v63  }
0x3ff: {  	s24 =	sadd.s32 $0x70, s19;
	s25 =	simm.s32 $0x140F8  }
0x400: {  	[hbm4b:s24+s3] =	stream.linear.scatter [tilespmem:s25], [sflag:$0x4], $0x80, $0x38;
	[tilespmem:$0x16C00] =	vst v63  }
0x401: {  	s24 =	sadd.s32 $0x80, s19;
	s25 =	simm.s32 $0x15F40  }
0x402: {  	[hbm4b:s24+s3] =	stream.linear.scatter [tilespmem:s25], [sflag:$0x4], $0x80, $0x38;
	[tilespmem:$0x16C00] =	vst v63  }
0x403: {  	s24 =	sadd.s32 $0x90, s19;
	s25 =	simm.s32 $0x15FC8  }
0x404: {  	[hbm4b:s24+s3] =	stream.linear.scatter [tilespmem:s25], [sflag:$0x4], $0x80, $0x38;
	[tilespmem:$0x16C00] =	vst v63  }
0x405: {  	s24 =	sadd.s32 $0xA0, s19;
	s25 =	simm.s32 $0x16050  }
0x406: {  	[hbm4b:s24+s3] =	stream.linear.scatter [tilespmem:s25], [sflag:$0x4], $0x80, $0x38;
	[tilespmem:$0x16C00] =	vst v63  }
0x407: {  	s24 =	sadd.s32 $0xB0, s19;
	s25 =	simm.s32 $0x160D8  }
0x408: {  	[hbm4b:s24+s3] =	stream.linear.scatter [tilespmem:s25], [sflag:$0x4], $0x80, $0x38;
	[tilespmem:$0x16C00] =	vst v63  }
0x409: {  	s24 =	sadd.s32 $0xC0, s19;
	s25 =	simm.s32 $0x16160  }
0x40a: {  	[hbm4b:s24+s3] =	stream.linear.scatter [tilespmem:s25], [sflag:$0x4], $0x80, $0x38;
	[tilespmem:$0x16C00] =	vst v63  }
0x40b: {  	s24 =	sadd.s32 $0xD0, s19;
	s25 =	simm.s32 $0x161E8  }
0x40c: {  	[hbm4b:s24+s3] =	stream.linear.scatter [tilespmem:s25], [sflag:$0x4], $0x80, $0x38;
	[tilespmem:$0x16C00] =	vst v63  }
0x40d: {  	s23 =	sadd.s32 $0xE0, s19;
	s24 =	simm.s32 $0x16270  }
0x40e: {  	[hbm4b:s23+s3] =	stream.linear.scatter [tilespmem:s24], [sflag:$0x4], $0x80, $0x38;
	[tilespmem:$0x16C00] =	vst v63  }
0x40f: {  	s20 =	sadd.s32 s14, s12;
	s19 =	sadd.s32 $0xF0, s19;
	s25 =	simm.s32 $0x162F8  }
0x410: {  	[hbm4b:s19+s3] =	stream.linear.scatter [tilespmem:s25], [sflag:$0x4], $0x80, $0x38;
	[tilespmem:$0x16C00] =	vst v63  }
0x411: {  	s23 =	simm.s32 $0x14180;
	s19 =	sadd.s32 s17, s20  }
0x412: {  	[hbm4b:s19+s3] =	stream.linear.scatter [tilespmem:s23], [sflag:$0x4], $0x80, $0x38;
	[tilespmem:$0x16C00] =	vst v63  }
0x413: {  	s25 =	simm.s32 $0x14208;
	s24 =	sadd.s32 $0x10, s19  }
0x414: {  	[hbm4b:s24+s3] =	stream.linear.scatter [tilespmem:s25], [sflag:$0x4], $0x80, $0x38;
	[tilespmem:$0x16C00] =	vst v63  }
0x415: {  	s24 =	sadd.s32 $0x20, s19;
	s25 =	simm.s32 $0x14290  }
0x416: {  	[hbm4b:s24+s3] =	stream.linear.scatter [tilespmem:s25], [sflag:$0x4], $0x80, $0x38;
	[tilespmem:$0x16C00] =	vst v63  }
0x417: {  	s24 =	sadd.s32 $0x30, s19;
	s25 =	simm.s32 $0x14318  }
0x418: {  	[hbm4b:s24+s3] =	stream.linear.scatter [tilespmem:s25], [sflag:$0x4], $0x80, $0x38;
	[tilespmem:$0x16C00] =	vst v63  }
0x419: {  	s24 =	sadd.s32 $0x40, s19;
	s25 =	simm.s32 $0x143A0  }
0x41a: {  	[hbm4b:s24+s3] =	stream.linear.scatter [tilespmem:s25], [sflag:$0x4], $0x80, $0x38;
	[tilespmem:$0x16C00] =	vst v63  }
0x41b: {  	s24 =	sadd.s32 $0x50, s19;
	s25 =	simm.s32 $0x14428  }
0x41c: {  	[hbm4b:s24+s3] =	stream.linear.scatter [tilespmem:s25], [sflag:$0x4], $0x80, $0x38;
	[tilespmem:$0x16C00] =	vst v63  }
0x41d: {  	s24 =	sadd.s32 $0x60, s19;
	s25 =	simm.s32 $0x144B0  }
0x41e: {  	[hbm4b:s24+s3] =	stream.linear.scatter [tilespmem:s25], [sflag:$0x4], $0x80, $0x38;
	[tilespmem:$0x16C00] =	vst v63  }
0x41f: {  	s24 =	sadd.s32 $0x70, s19;
	s25 =	simm.s32 $0x14538  }
0x420: {  	[hbm4b:s24+s3] =	stream.linear.scatter [tilespmem:s25], [sflag:$0x4], $0x80, $0x38;
	[tilespmem:$0x16C00] =	vst v63  }
0x421: {  	s24 =	sadd.s32 $0x80, s19;
	s25 =	simm.s32 $0x16380  }
0x422: {  	[hbm4b:s24+s3] =	stream.linear.scatter [tilespmem:s25], [sflag:$0x4], $0x80, $0x38;
	[tilespmem:$0x16C00] =	vst v63  }
0x423: {  	s24 =	sadd.s32 $0x90, s19;
	s25 =	simm.s32 $0x16408  }
0x424: {  	[hbm4b:s24+s3] =	stream.linear.scatter [tilespmem:s25], [sflag:$0x4], $0x80, $0x38;
	[tilespmem:$0x16C00] =	vst v63  }
0x425: {  	s24 =	sadd.s32 $0xA0, s19;
	s25 =	simm.s32 $0x16490  }
0x426: {  	[hbm4b:s24+s3] =	stream.linear.scatter [tilespmem:s25], [sflag:$0x4], $0x80, $0x38;
	[tilespmem:$0x16C00] =	vst v63  }
0x427: {  	s24 =	sadd.s32 $0xB0, s19;
	s25 =	simm.s32 $0x16518  }
0x428: {  	[hbm4b:s24+s3] =	stream.linear.scatter [tilespmem:s25], [sflag:$0x4], $0x80, $0x38;
	[tilespmem:$0x16C00] =	vst v63  }
0x429: {  	s24 =	sadd.s32 $0xC0, s19;
	s25 =	simm.s32 $0x165A0  }
0x42a: {  	[hbm4b:s24+s3] =	stream.linear.scatter [tilespmem:s25], [sflag:$0x4], $0x80, $0x38;
	[tilespmem:$0x16C00] =	vst v63  }
0x42b: {  	s24 =	sadd.s32 $0xD0, s19;
	s25 =	simm.s32 $0x16628  }
0x42c: {  	[hbm4b:s24+s3] =	stream.linear.scatter [tilespmem:s25], [sflag:$0x4], $0x80, $0x38;
	[tilespmem:$0x16C00] =	vst v63  }
0x42d: {  	s23 =	sadd.s32 $0xE0, s19;
	s24 =	simm.s32 $0x166B0  }
0x42e: {  	[hbm4b:s23+s3] =	stream.linear.scatter [tilespmem:s24], [sflag:$0x4], $0x80, $0x38;
	[tilespmem:$0x16C00] =	vst v63  }
0x42f: {  	s14 =	sadd.s32 s14, s13;
	s19 =	sadd.s32 $0xF0, s19;
	s25 =	simm.s32 $0x16738  }
0x430: {  	[hbm4b:s19+s3] =	stream.linear.scatter [tilespmem:s25], [sflag:$0x4], $0x80, $0x38;
	[tilespmem:$0x16C00] =	vst v63  }
0x431: {  	s14 =	sadd.s32 s17, s14;
	s19 =	simm.s32 $0x145C0  }
0x432: {  	[hbm4b:s14+s3] =	stream.linear.scatter [tilespmem:s19], [sflag:$0x4], $0x80, $0x38;
	[tilespmem:$0x16C00] =	vst v63  }
0x433: {  	s20 =	sadd.s32 $0x10, s14;
	s23 =	simm.s32 $0x14648  }
0x434: {  	[hbm4b:s20+s3] =	stream.linear.scatter [tilespmem:s23], [sflag:$0x4], $0x80, $0x38;
	[tilespmem:$0x16C00] =	vst v63  }
0x435: {  	s24 =	sadd.s32 $0x20, s14;
	s25 =	simm.s32 $0x146D0  }
0x436: {  	[hbm4b:s24+s3] =	stream.linear.scatter [tilespmem:s25], [sflag:$0x4], $0x80, $0x38;
	[tilespmem:$0x16C00] =	vst v63  }
0x437: {  	s20 =	sadd.s32 $0x30, s14;
	s23 =	simm.s32 $0x14758  }
0x438: {  	[hbm4b:s20+s3] =	stream.linear.scatter [tilespmem:s23], [sflag:$0x4], $0x80, $0x38;
	[tilespmem:$0x16C00] =	vst v63  }
0x439: {  	s24 =	sadd.s32 $0x40, s14;
	s25 =	simm.s32 $0x147E0  }
0x43a: {  	[hbm4b:s24+s3] =	stream.linear.scatter [tilespmem:s25], [sflag:$0x4], $0x80, $0x38;
	[tilespmem:$0x16C00] =	vst v63  }
0x43b: {  	v33 =	vld [tilespmem:$0x1FDD0];
	s20 =	sadd.s32 $0x50, s14;
	s23 =	simm.s32 $0x14868  }
0x43c: {  	v35 =	vld [tilespmem:$0x1FE30];
	[hbm4b:s20+s3] =	stream.linear.scatter [tilespmem:s23], [sflag:$0x4], $0x80, $0x38  }
0x43d: {  	v38 =	vld [tilespmem:$0x1FF40];
	s24 =	sadd.s32 $0x60, s14;
	s25 =	simm.s32 $0x148F0  }
0x43e: {  	v39 =	vld [tilespmem:$0x1FF60];
	[hbm4b:s24+s3] =	stream.linear.scatter [tilespmem:s25], [sflag:$0x4], $0x80, $0x38  }
0x43f: {  	v42 =	vld [tilespmem:$0x1FE40];
	s20 =	sadd.s32 $0x70, s14;
	s23 =	simm.s32 $0x14978  }
0x440: {  	v45 =	vld [tilespmem:$0x1FE50];
	[hbm4b:s20+s3] =	stream.linear.scatter [tilespmem:s23], [sflag:$0x4], $0x80, $0x38  }
0x441: {  	v46 =	vld [tilespmem:$0x1FF80];
	s24 =	sadd.s32 $0x80, s14;
	s25 =	simm.s32 $0x167C0  }
0x442: {  	v50 =	vld [tilespmem:$0x1FE60];
	[hbm4b:s24+s3] =	stream.linear.scatter [tilespmem:s25], [sflag:$0x4], $0x80, $0x38  }
0x443: {  	v36 =	vld [tilespmem:$0x1FE70];
	s20 =	sadd.s32 $0x90, s14;
	s23 =	simm.s32 $0x16848  }
0x444: {  	v37 =	vld [tilespmem:$0x1FFA0];
	[hbm4b:s20+s3] =	stream.linear.scatter [tilespmem:s23], [sflag:$0x4], $0x80, $0x38  }
0x445: {  	v43 =	vld [tilespmem:$0x1FDE0];
	s24 =	sadd.s32 $0xA0, s14;
	s25 =	simm.s32 $0x168D0  }
0x446: {  	v4 =	vld [tilespmem:$0x1FE80];
	[hbm4b:s24+s3] =	stream.linear.scatter [tilespmem:s25], [sflag:$0x4], $0x80, $0x38  }
0x447: {  	v44 =	vld [tilespmem:$0x1FE90];
	s20 =	sadd.s32 $0xB0, s14;
	s23 =	simm.s32 $0x16958  }
0x448: {  	v49 =	vmov v25;
	v25 =	vld [tilespmem:$0x1FFC0];
	[hbm4b:s20+s3] =	stream.linear.scatter [tilespmem:s23], [sflag:$0x4], $0x80, $0x38  }
0x449: {  	s6 =	sadd.s32 $0x1, s6;
	v41 =	vmov v28;
	v28 =	vld [tilespmem:$0x1FEA0];
	s24 =	sadd.s32 $0xC0, s14;
	s25 =	simm.s32 $0x169E0  }
0x44a: {  	v30 =	vld [tilespmem:$0x1FEB0];
	[hbm4b:s24+s3] =	stream.linear.scatter [tilespmem:s25], [sflag:$0x4], $0x80, $0x38  }
0x44b: {  	p0 =	sne.s32 s6, $0x32;
	v51 =	vld [tilespmem:$0x1FE00];
	s20 =	sadd.s32 $0xD0, s14;
	s23 =	simm.s32 $0x16A68  }
0x44c: {  	v52 =	vld [tilespmem:$0x1FEC0];
	[hbm4b:s20+s3] =	stream.linear.scatter [tilespmem:s23], [sflag:$0x4], $0x80, $0x38  }
.Ltmp9:
0x44d: {  	v53 =	vld [tilespmem:$0x1FED0];
	(pc) =	sbr.rel @p0 .LBB2_2-.Ltmp9, $4  }
0x44e: {  	v56 =	vld [tilespmem:$0x1FEE0];
	s24 =	sadd.s32 $0xE0, s14;
	s25 =	simm.s32 $0x16AF0  }
0x44f: {  	v57 =	vld [tilespmem:$0x1FEF0];
	[hbm4b:s24+s3] =	stream.linear.scatter [tilespmem:s25], [sflag:$0x4], $0x80, $0x38  }
0x450: {  	v58 =	vld [tilespmem:$0x1FF00];
	s14 =	sadd.s32 $0xF0, s14  }
0x451: {  	v31 =	vmov v40;
	v54 =	vmov v26;
	v59 =	vld [tilespmem:$0x1FF10];
	v40 =	vmov v4;
	[hbm4b:s14+s3] =	stream.linear.scatter [tilespmem:s16], [sflag:$0x4], $0x80, $0x38  }
0x452: {  	s6 =	simm.s32 $0x3  }
0x453: {  	_ =	swait.ge [sflag:s6], $0x800  }
0x454: {  	[sflag:s6] =	ssyncset.done $0x0  }
0x455: {  	[sflag:s6] =	ssyncadd.s32 $0xFFFFF800  }
0x456: {  	_ =	swait.ge [sflag:s6], $0x800  }
0x457: {  	[sflag:s6] =	ssyncset.done $0x0  }
0x458: {  	[sflag:s6] =	ssyncadd.s32 $0xFFFFF800  }
0x459: {  	_ =	swait.ge [sflag:s6], $0x800  }
0x45a: {  	[sflag:s6] =	ssyncset.done $0x0  }
0x45b: {  	[sflag:s6] =	ssyncadd.s32 $0xFFFFF800  }
0x45c: {  	_ =	swait.ge [sflag:s6], $0x800  }
0x45d: {  	[sflag:s6] =	ssyncset.done $0x0  }
0x45e: {  	[sflag:s6] =	ssyncadd.s32 $0xFFFFF800  }
0x45f: {  	_ =	swait.ge [sflag:s6], $0x800  }
0x460: {  	[sflag:s6] =	ssyncset.done $0x0  }
0x461: {  	[sflag:s6] =	ssyncadd.s32 $0xFFFFF800  }
0x462: {  	_ =	swait.ge [sflag:s6], $0x800  }
0x463: {  	[sflag:s6] =	ssyncset.done $0x0  }
0x464: {  	[sflag:s6] =	ssyncadd.s32 $0xFFFFF800  }
0x465: {  	_ =	swait.ge [sflag:s6], $0x800  }
0x466: {  	[sflag:s6] =	ssyncset.done $0x0  }
0x467: {  	[sflag:s6] =	ssyncadd.s32 $0xFFFFF800  }
0x468: {  	_ =	swait.ge [sflag:s6], $0x800  }
0x469: {  	[sflag:s6] =	ssyncset.done $0x0  }
0x46a: {  	[sflag:s6] =	ssyncadd.s32 $0xFFFFF800  }
0x46b: {  	_ =	swait.ge [sflag:s0], $0x800  }
0x46c: {  	[sflag:s0] =	ssyncset.done $0x0  }
0x46d: {  	[sflag:s0] =	ssyncadd.s32 $0xFFFFF800  }
0x46e: {  	_ =	swait.ge [sflag:s0], $0x800  }
0x46f: {  	[sflag:s0] =	ssyncset.done $0x0  }
0x470: {  	[sflag:s0] =	ssyncadd.s32 $0xFFFFF800  }
0x471: {  	_ =	swait.ge [sflag:s0], $0x800  }
0x472: {  	[sflag:s0] =	ssyncset.done $0x0  }
0x473: {  	[sflag:s0] =	ssyncadd.s32 $0xFFFFF800  }
0x474: {  	_ =	swait.ge [sflag:s0], $0x800  }
0x475: {  	[sflag:s0] =	ssyncset.done $0x0  }
0x476: {  	[sflag:s0] =	ssyncadd.s32 $0xFFFFF800  }
0x477: {  	_ =	swait.ge [sflag:s0], $0x800  }
0x478: {  	[sflag:s0] =	ssyncset.done $0x0  }
0x479: {  	[sflag:s0] =	ssyncadd.s32 $0xFFFFF800  }
0x47a: {  	_ =	swait.ge [sflag:s0], $0x800  }
0x47b: {  	[sflag:s0] =	ssyncset.done $0x0  }
0x47c: {  	[sflag:s0] =	ssyncadd.s32 $0xFFFFF800  }
0x47d: {  	_ =	swait.ge [sflag:s0], $0x800  }
0x47e: {  	[sflag:s0] =	ssyncset.done $0x0  }
0x47f: {  	[sflag:s0] =	ssyncadd.s32 $0xFFFFF800  }
0x480: {  	_ =	swait.ge [sflag:s0], $0x800  }
0x481: {  	s14 =	rddreg [dreg:$0x5]  }
0x482: {  	s25 =	rddreg [dreg:$0x4];
	s14 =	sadd.s32 $0x1, s14  }
0x483: {  	p0 =	sne.s32 s14, s25  }
.Ltmp10:
0x484: {  	_ = 	snop;
	(pc) =	sbr.rel @p0 .LBB2_1-.Ltmp10, $3  }
0x485: {  	_ =	sdelay $0x1  }
0x486: {  	[sflag:s0] =	ssyncset.done $0x0  }
0x487: {  	[sflag:s0] =	ssyncadd.s32 $0xFFFFF800  }
0x488: {  	_ =	sfence.sel $0x180000  }
0x489: {  	[bflag:$0x0] =	sbarrier.arrive $0xFFFF  }
0x48a: {  	_ =	strace $0x90000047  }
0x48b: {  	s0 =	stileid.u32;
	[bflag:$0x2] =	sbarrier.arrive $0xFFFF  }
0x48c: {  	p0 =	sne.s32 s0, $0x0;
	s0 =	rddreg [dreg:$0x2]  }
0x48d: {  	s0 =	sadd.s32 @!p0 $0x100000, s0  }
0x48e: {  	[sflag:s0] =	ssyncadd.tile.s32 @!p0 $0x1;
	_ =	shalt  }
.Lfunc_end2:
_tile_overlayer_lowered:
.L_overlay_start_2:
0x48f: {  	(tag) =	ssettag $0x2  }
0x490: {  	s0 =	rddreg [dreg:$0x0];
	s2 =	stileid.u32  }
0x491: {  	s1 =	rddreg [dreg:$0x1];
	p0 =	sne.s32 s2, $0x0  }
0x492: {  	s3 =	rddreg [dreg:$0x2];
	[bflag:$0x3] =	sbarrier.arrive $0xFFFF;
	s2 =	simm.s32 @!p0 $0x1C05  }
0x493: {  	[timem:s3], [sflag:s2] =	dma.local @!p0 [hbm:s0], s1  }
0x494: {  	s0 =	simm.s32 @!p0 $0x5  }
0x495: {  	_ =	swait.ge @!p0 [sflag:s0], s1  }
0x496: {  	s1 =	ssub.s32 @!p0 $0x0, s1;
	[sflag:s0] =	ssyncset.done @!p0 $0x0  }
0x497: {  	[sflag:s0] =	ssyncadd.s32 @!p0 s1  }
0x498: {  	[bflag:$0x3] =	sbarrier.arrive $0xFFFF  }
0x499: {  	_ =	shalt  }

</sc_bundles>
